<compile_context>
chip_gen: v7x
topology: tpu7x:2x2x1
jax: 0.10.2.dev20260603
libtpu: 0.0.44.dev20260713+nightly
codegen_flags: <defaults>
</compile_context>

<pallas_src>
import jax
import jax.numpy as jnp
from jax import lax
from jax.experimental import pallas as pl
from jax.experimental.pallas import tpu as pltpu
from jax.experimental.pallas import tpu_sc as plsc

_TEMP = 0.07
_B, _C, _H, _W = 8, 256, 32, 32
_P = 32
_HW = _H * _W
_Q = 4
_QP = _HW // _Q
_LANES = 16


def _sc_route_body(lab_hbm, oh_hbm, idx_v, rows_v, oh_v, sem):
    wid = lax.axis_index("s") * 2 + lax.axis_index("c")
    b = wid // _Q
    q = wid % _Q
    lane = jnp.arange(_LANES, dtype=jnp.int32)

    idx_v[pl.ds(0, _LANES)] = b * 512 + lane * 16
    idx_v[pl.ds(_LANES, _LANES)] = b * 512 + (lane + _LANES) * 16
    cp_lab = pltpu.async_copy(lab_hbm.at[idx_v], rows_v, sem)

    zf = jnp.zeros((_LANES,), jnp.float32)

    def _zero(m, _):
        for j in range(_QP // _LANES):
            oh_v[m, pl.ds(j * _LANES, _LANES)] = zf
        return 0

    lax.fori_loop(0, _P, _zero, 0)
    cp_lab.wait()

    ones = jnp.ones((_LANES,), jnp.float32)
    mask0 = lane == 0
    for r in range(_H // _Q):
        row = q * (_H // _Q) + r
        for k in range(_W):
            cls = rows_v[row, pl.ds(k * _LANES, _LANES)]
            col = jnp.full((_LANES,), r * _W + k, jnp.int32)
            plsc.store_scatter(oh_v, [cls, col], ones, mask=mask0)

    pltpu.sync_copy(oh_v, oh_hbm.at[b, :, pl.ds(q * _QP, _QP)])


_sc_route = pl.kernel(
    _sc_route_body,
    mesh=plsc.VectorSubcoreMesh(core_axis_name="c", subcore_axis_name="s"),
    compiler_params=pltpu.CompilerParams(use_tc_tiling_on_sc=True,
                                         needs_layout_passes=False),
    out_type=[
        jax.ShapeDtypeStruct((_B, _P, _HW), jnp.float32),
    ],
    scratch_types=[
        pltpu.VMEM((2 * _LANES,), jnp.int32),
        pltpu.VMEM((_H, 512), jnp.int32),
        pltpu.VMEM((_P, _QP), jnp.float32),
        pltpu.SemaphoreType.DMA,
    ],
)


def _loss_body(nc_ref, oh_ref, feat_ref, proto_ref, out_ref):
    oh = oh_ref[...]
    feat = feat_ref[...]

    sums = lax.dot_general(oh, feat, (((2,), (2,)), ((0,), (0,))),
                           preferred_element_type=jnp.float32)
    cnt2 = jnp.sum(oh, axis=2)

    nc = nc_ref[0]
    cls1 = lax.broadcasted_iota(jnp.int32, (1, _P), 1)
    valid2 = (cls1 >= 1) & (cls1 <= nc)
    pres2 = (cnt2 > 0.5) & valid2
    presf2 = pres2.astype(jnp.float32)
    np_ = jnp.sum(presf2, axis=0)
    nrm = jnp.sqrt(jnp.sum(sums * sums, axis=2, keepdims=True))
    u = sums / jnp.maximum(nrm, 1e-12)
    pr = proto_ref[...]
    pnrm = jnp.sqrt(jnp.sum(pr * pr, axis=1, keepdims=True))
    pn = pr / jnp.maximum(pnrm, 1e-12)

    a_mat = u.reshape(_B * _P, _C)
    g1 = lax.dot_general(a_mat, a_mat, (((1,), (1,)), ((), ())),
                         preferred_element_type=jnp.float32)
    g2 = lax.dot_general(a_mat, pn, (((1,), (1,)), ((), ())),
                         preferred_element_type=jnp.float32)
    e1 = jnp.exp(g1 * (1.0 / _TEMP)).reshape(_B, _P, _B * _P)
    e2 = jnp.exp(g2 * (1.0 / _TEMP)).reshape(_B, _P, _P)

    inv_cnt = 1.0 / (np_ + 1.0)
    w12d = presf2 * inv_cnt[None, :]
    w1f = jnp.concatenate([w12d[i:i + 1, :] for i in range(_B)],
                          axis=1)
    w2 = valid2[0].astype(jnp.float32) * inv_cnt
    den = (jnp.sum(e1 * w1f[None, :, :], axis=2)
           + jnp.sum(e2 * w2[None, None, :], axis=2))

    q = jnp.sum(u, axis=0)
    nm1 = jnp.sum(u * q[None, :, :], axis=2)
    nm2 = jnp.sum(u * pn[None, :, :], axis=2)

    t = np_[None, :] * jnp.log(den) - (nm1 + nm2 - 1.0) * (1.0 / _TEMP)
    cls_sum = jnp.sum(t * presf2, axis=0)
    contrib = cls_sum / jnp.maximum(np_ * np_, 1.0)
    exist = (np_ >= 0.5).astype(jnp.float32)
    loss = 0.1 * jnp.sum(contrib * exist) / jnp.sum(exist)
    out_ref[0, 0] = loss


@jax.jit
def _run(labels, features, prototypes, num_class):
    lab2d = labels.astype(jnp.int32).reshape(_B * 512, 512)
    feat = features.reshape(_B, _C, _HW)
    proto_p = jnp.zeros((_P, _C), jnp.float32).at[:21].set(
        prototypes.astype(jnp.float32))
    nc_arr = jnp.asarray(num_class, jnp.int32).reshape(1)

    (oh,) = _sc_route(lab2d)

    out = pl.pallas_call(
        _loss_body,
        in_specs=[
            pl.BlockSpec(memory_space=pltpu.SMEM),
            pl.BlockSpec((_B, _P, _HW), lambda: (0, 0, 0)),
            pl.BlockSpec((_B, _C, _HW), lambda: (0, 0, 0)),
            pl.BlockSpec((_P, _C), lambda: (0, 0)),
        ],
        out_specs=pl.BlockSpec(memory_space=pltpu.SMEM),
        out_shape=jax.ShapeDtypeStruct((1, 1), jnp.float32),
    )(nc_arr, oh, feat, proto_p)
    return out[0, 0]


def kernel(labels, features_old, features, outputs_old, outputs, prototypes,
           num_class, num_old_class, num_new_class, epoch, train_step,
           len_epoch):
    return _run(labels, features, prototypes, num_class)

# --- scband reference (transcript-rebuilt; emitter-appended) ---
"""Pipeline reference for scband-prototype-balanced-contrastive-loss-base-new-old-new-33414845562975 (READ-ONLY COPY).

The authoritative reference and input builder live on the scoring server;
editing this copy changes nothing except your own understanding.
"""

import jax, jax.numpy as jnp
import numpy as np

TEMPERATURE = 0.07


def _normalize(v, eps=1e-12):
    n = jnp.sqrt(jnp.sum(v * v))
    return v / jnp.maximum(n, eps)


def _forward_base(labels, features, prototypes, num_class, temperature=TEMPERATURE):
    B, C, H, W = features.shape
    HL, WL = labels.shape[1], labels.shape[2]
    NC = prototypes.shape[0] - 1
    # nearest-neighbor downsample of labels to feature resolution (torch 'nearest')
    ih = (np.arange(H) * HL) // H
    iw = (np.arange(W) * WL) // W
    labels_down = labels[:, ih[:, None], iw[None, :]]
    cls_ids = jnp.arange(NC + 1)
    valid_cl = (cls_ids >= 1) & (cls_ids <= num_class)
    cp = jnp.zeros((NC + 1, B + 1, C), dtype=jnp.float32)
    cnt = jnp.zeros(NC + 1, dtype=jnp.int32)
    for bs in range(B):
        for cl in range(1, NC + 1):
            mask = (labels_down[bs] == cl).astype(jnp.float32)
            n_px = jnp.sum(mask)
            present = (n_px > 0) & valid_cl[cl]
            # mean of features over selected pixels == masked sum / count
            proto = jnp.sum(features[bs] * mask[None, :, :], axis=(1, 2)) / n_px
            idx = cnt[cl]
            cur = cp[cl, idx]
            cp = cp.at[cl, idx].set(jnp.where(present, _normalize(proto), cur))
            cnt = cnt.at[cl].add(present.astype(jnp.int32))
    for i in range(1, NC + 1):
        cp = cp.at[i, cnt[i]].set(_normalize(jax.lax.stop_gradient(prototypes[i])))
        cnt = cnt.at[i].add(1)
    # pairwise exp-similarities between all prototype slots
    S = jnp.exp(jnp.einsum('ijd,mnd->ijmn', cp, cp) / temperature)
    cnt_f = cnt.astype(jnp.float32)
    slots = jnp.arange(B + 1)
    w = jnp.where(slots[None, :] < cnt[:, None],
                  1.0 / jnp.maximum(cnt_f, 1.0)[:, None],
                  jnp.float32(0.0))
    # denominator per anchor (i, j): sum_m sum_{n<cnt[m]} exp(dot)/cnt[m]
    den = jnp.einsum('ijmn,mn->ij', S, w)
    loss = jnp.asarray(0.0, dtype=jnp.float32)
    cnt_exist = jnp.asarray(0.0, dtype=jnp.float32)
    jj = jnp.arange(B + 1)
    for i in range(1, NC + 1):
        ci = cnt[i]
        mjk = ((jj[:, None] < ci - 1) & (jj[None, :] < ci)
               & (jj[:, None] != jj[None, :])).astype(jnp.float32)
        term = -jnp.log(S[i, :, i, :] / den[i][:, None])
        denom = ((ci - 1) * (ci - 1)).astype(jnp.float32)
        contrib = jnp.sum(mjk * term) / jnp.maximum(denom, 1.0)
        exist = ci > 1
        loss = loss + jnp.where(exist, contrib, jnp.float32(0.0))
        cnt_exist = cnt_exist + exist.astype(jnp.float32)
    loss = 0.1 * loss / cnt_exist
    return loss


def setup_inputs(seed: int = 0):
    key = jax.random.key(seed)
    ks = jax.random.split(key, 6)
    B, C, H, W = 8, 256, 32, 32
    HL, WL = 512, 512
    num_class = 20
    labels = jax.random.randint(ks[0], (B, HL, WL), 0, num_class + 1)
    features_old = jax.random.normal(ks[1], (B, C, H, W), dtype=jnp.float32)
    features = jax.random.normal(ks[2], (B, C, H, W), dtype=jnp.float32)
    outputs_old = jax.random.normal(ks[3], (B, num_class + 1, H, W), dtype=jnp.float32)
    outputs = jax.random.normal(ks[4], (B, num_class + 1, H, W), dtype=jnp.float32)
    prototypes = jax.random.normal(ks[5], (num_class + 1, C), dtype=jnp.float32)
    return {"labels": labels, "features_old": features_old, "features": features,
            "outputs_old": outputs_old, "outputs": outputs, "prototypes": prototypes,
            "num_class": num_class, "num_old_class": 15, "num_new_class": 5,
            "epoch": 10, "train_step": 100, "len_epoch": 500}


def reference(labels, features_old, features, outputs_old, outputs, prototypes,
              num_class, num_old_class, num_new_class, epoch, train_step, len_epoch):
    return _forward_base(labels, features, prototypes, num_class)

if __name__ == "__main__":
    import jax
    _d = setup_inputs()
    print(jax.jit(kernel)(*tuple(_d.values())))

</pallas_src>

<mosaic_0001>
#map = affine_map<(d0, d1) -> (0, 0)>
#map1 = affine_map<(d0, d1) -> (0, 0, 0)>
module attributes {stable_mosaic.version = 14 : i64} {
  func.func @_sc_route_body(%arg0: i32, %arg1: i32, %arg2: memref<4096x512xi32, #tpu.memory_space<hbm>>, %arg3: memref<8x32x1024xf32, #tpu.memory_space<hbm>>, %arg4: memref<32xi32, #tpu.memory_space<vmem>>, %arg5: memref<32x512xi32, #tpu.memory_space<vmem>>, %arg6: memref<32x256xf32, #tpu.memory_space<vmem>>, %arg7: memref<!tpu.dma_semaphore, #tpu.memory_space<semaphore_mem>>) attributes {dimension_semantics = [#tpu.dimension_semantics<core_parallel>, #tpu.dimension_semantics<subcore_parallel>], iteration_bounds = array<i64: 2, 16>, scalar_prefetch = 0 : i64, scratch_operands = 4 : i64, tpu.core_type = #tpu.core_type<sc_vector_subcore>, window_params = [{transform_indices = #map}, {transform_indices = #map1}]} {
    %mul3A = arith.constant 2 : i32
    %mul3A_0 = arith.muli %arg1, %mul3A : i32
    %add3A = arith.addi %mul3A_0, %arg0 : i32
    %jit3A = arith.constant 4 : i32
    %div3A = arith.divsi %add3A, %jit3A : i32
    %sign3A = arith.constant 0 : i32
    %sign3A_1 = arith.cmpi sgt, %add3A, %sign3A : i32
    %sign3A_2 = arith.extui %sign3A_1 : i1 to i32
    %sign3A_3 = arith.constant 0 : i32
    %sign3A_4 = arith.cmpi slt, %add3A, %sign3A_3 : i32
    %sign3A_5 = arith.extui %sign3A_4 : i1 to i32
    %sign3A_6 = arith.subi %sign3A_2, %sign3A_5 : i32
    %sign3A_7 = arith.constant 0 : i32
    %sign3A_8 = arith.cmpi sgt, %jit3A, %sign3A_7 : i32
    %sign3A_9 = arith.extui %sign3A_8 : i1 to i32
    %sign3A_10 = arith.constant 0 : i32
    %sign3A_11 = arith.cmpi slt, %jit3A, %sign3A_10 : i32
    %sign3A_12 = arith.extui %sign3A_11 : i1 to i32
    %sign3A_13 = arith.subi %sign3A_9, %sign3A_12 : i32
    %ne3A = arith.cmpi ne, %sign3A_6, %sign3A_13 : i32
    %rem3A = arith.remsi %add3A, %jit3A : i32
    %ne3A_14 = arith.constant 0 : i32
    %ne3A_15 = arith.cmpi ne, %rem3A, %ne3A_14 : i32
    %and3A = arith.andi %ne3A, %ne3A_15 : i1
    %sub3A = arith.constant 1 : i32
    %sub3A_16 = arith.subi %div3A, %sub3A : i32
    %select_n3A = arith.select %and3A, %sub3A_16, %div3A : i32
    %jit3A_17 = arith.constant 4 : i32
    %eq3A = arith.constant 0 : i32
    %eq3A_18 = arith.cmpi eq, %jit3A_17, %eq3A : i32
    %jit3A_19 = arith.constant 1 : i32
    %select_n3A_20 = arith.select %eq3A_18, %jit3A_19, %jit3A_17 : i32
    %rem3A_21 = arith.remsi %add3A, %select_n3A_20 : i32
    %ne3A_22 = arith.constant 0 : i32
    %ne3A_23 = arith.cmpi ne, %rem3A_21, %ne3A_22 : i32
    %lt3A = arith.constant 0 : i32
    %lt3A_24 = arith.cmpi slt, %rem3A_21, %lt3A : i32
    %lt3A_25 = arith.constant 0 : i32
    %lt3A_26 = arith.cmpi slt, %select_n3A_20, %lt3A_25 : i32
    %ne3A_27 = arith.xori %lt3A_24, %lt3A_26 : i1
    %and3A_28 = arith.andi %ne3A_27, %ne3A_23 : i1
    %add3A_29 = arith.addi %rem3A_21, %select_n3A_20 : i32
    %select_n3A_30 = arith.select %and3A_28, %add3A_29, %rem3A_21 : i32
    %iota3A = tpu.iota {dimensions = array<i32: 0>} : vector<16xi32>
    %mul3A_31 = arith.constant 512 : i32
    %mul3A_32 = arith.muli %select_n3A, %mul3A_31 : i32
    %mul3A_33 = arith.constant 16 : i32
    %mul3A_34 = vector.broadcast %mul3A_33 : i32 to vector<16xi32>
    %mul3A_35 = arith.muli %iota3A, %mul3A_34 : vector<16xi32>
    %add3A_36 = vector.broadcast %mul3A_32 : i32 to vector<16xi32>
    %add3A_37 = arith.addi %add3A_36, %mul3A_35 : vector<16xi32>
    %swap3A = arith.constant 0 : index
    %swap3A_38 = tpu.vector_load %arg4[%swap3A] {strides = array<i32>} : memref<32xi32, #tpu.memory_space<vmem>>, vector<16xi32>,
    tpu.vector_store %arg4[%swap3A], %add3A_37 {strides = array<i32>} : memref<32xi32, #tpu.memory_space<vmem>>, vector<16xi32>,
    %mul3A_39 = arith.constant 512 : i32
    %mul3A_40 = arith.muli %select_n3A, %mul3A_39 : i32
    %add3A_41 = arith.constant 16 : i32
    %add3A_42 = vector.broadcast %add3A_41 : i32 to vector<16xi32>
    %add3A_43 = arith.addi %iota3A, %add3A_42 : vector<16xi32>
    %mul3A_44 = arith.constant 16 : i32
    %mul3A_45 = vector.broadcast %mul3A_44 : i32 to vector<16xi32>
    %mul3A_46 = arith.muli %add3A_43, %mul3A_45 : vector<16xi32>
    %add3A_47 = vector.broadcast %mul3A_40 : i32 to vector<16xi32>
    %add3A_48 = arith.addi %add3A_47, %mul3A_46 : vector<16xi32>
    %swap3A_49 = arith.constant 16 : index
    %swap3A_50 = tpu.vector_load %arg4[%swap3A_49] {strides = array<i32>} : memref<32xi32, #tpu.memory_space<vmem>>, vector<16xi32>,
    tpu.vector_store %arg4[%swap3A_49], %add3A_48 {strides = array<i32>} : memref<32xi32, #tpu.memory_space<vmem>>, vector<16xi32>,
    %dma_start3A = arith.constant 0 : i32
    %dma_start3A_51 = arith.constant 0 : i32
    %dma_start3A_52 = tpu.memref_slice %arg2[%dma_start3A, %dma_start3A_51] : memref<4096x512xi32, #tpu.memory_space<hbm>> -> memref<4096x512xi32, #tpu.memory_space<hbm>>
    tpu.enqueue_indirect_dma source(%dma_start3A_52 : memref<4096x512xi32, #tpu.memory_space<hbm>>) target(%arg5 : memref<32x512xi32, #tpu.memory_space<vmem>>) offsets(%arg4 : memref<32xi32, #tpu.memory_space<vmem>>) semaphore(%arg7 : memref<!tpu.dma_semaphore, #tpu.memory_space<semaphore_mem>>)
    %broadcast_in_dim3A = arith.constant 0.000000e+00 : f32
    %broadcast_in_dim3A_53 = vector.broadcast %broadcast_in_dim3A : f32 to vector<16xf32>
    %scan3A = arith.constant 0 : i32
    %scan3A_54 = arith.constant 0 : i32
    %scan3A_55 = arith.constant 32 : i32
    %scan3A_56 = arith.addi %scan3A_54, %scan3A_55 : i32
    %scan3A_57 = arith.constant 1 : i32
    %scan3A_58 = scf.for %scan3A_1380 = %scan3A_54 to %scan3A_56 step %scan3A_57 iter_args(%scan3A_1381 = %scan3A) -> (i32)  : i32 {
      %swap3A_1382 = arith.index_cast %scan3A_1380 : i32 to index
      %swap3A_1383 = arith.constant 0 : index
      %swap3A_1384 = tpu.vector_load %arg6[%swap3A_1382, %swap3A_1383] {strides = array<i32>} : memref<32x256xf32, #tpu.memory_space<vmem>>, vector<16xf32>,
      tpu.vector_store %arg6[%swap3A_1382, %swap3A_1383], %broadcast_in_dim3A_53 {strides = array<i32>} : memref<32x256xf32, #tpu.memory_space<vmem>>, vector<16xf32>,
      %swap3A_1385 = arith.index_cast %scan3A_1380 : i32 to index
      %swap3A_1386 = arith.constant 16 : index
      %swap3A_1387 = tpu.vector_load %arg6[%swap3A_1385, %swap3A_1386] {strides = array<i32>} : memref<32x256xf32, #tpu.memory_space<vmem>>, vector<16xf32>,
      tpu.vector_store %arg6[%swap3A_1385, %swap3A_1386], %broadcast_in_dim3A_53 {strides = array<i32>} : memref<32x256xf32, #tpu.memory_space<vmem>>, vector<16xf32>,
      %swap3A_1388 = arith.index_cast %scan3A_1380 : i32 to index
      %swap3A_1389 = arith.constant 32 : index
      %swap3A_1390 = tpu.vector_load %arg6[%swap3A_1388, %swap3A_1389] {strides = array<i32>} : memref<32x256xf32, #tpu.memory_space<vmem>>, vector<16xf32>,
      tpu.vector_store %arg6[%swap3A_1388, %swap3A_1389], %broadcast_in_dim3A_53 {strides = array<i32>} : memref<32x256xf32, #tpu.memory_space<vmem>>, vector<16xf32>,
      %swap3A_1391 = arith.index_cast %scan3A_1380 : i32 to index
      %swap3A_1392 = arith.constant 48 : index
      %swap3A_1393 = tpu.vector_load %arg6[%swap3A_1391, %swap3A_1392] {strides = array<i32>} : memref<32x256xf32, #tpu.memory_space<vmem>>, vector<16xf32>,
      tpu.vector_store %arg6[%swap3A_1391, %swap3A_1392], %broadcast_in_dim3A_53 {strides = array<i32>} : memref<32x256xf32, #tpu.memory_space<vmem>>, vector<16xf32>,
      %swap3A_1394 = arith.index_cast %scan3A_1380 : i32 to index
      %swap3A_1395 = arith.constant 64 : index
      %swap3A_1396 = tpu.vector_load %arg6[%swap3A_1394, %swap3A_1395] {strides = array<i32>} : memref<32x256xf32, #tpu.memory_space<vmem>>, vector<16xf32>,
      tpu.vector_store %arg6[%swap3A_1394, %swap3A_1395], %broadcast_in_dim3A_53 {strides = array<i32>} : memref<32x256xf32, #tpu.memory_space<vmem>>, vector<16xf32>,
      %swap3A_1397 = arith.index_cast %scan3A_1380 : i32 to index
      %swap3A_1398 = arith.constant 80 : index
      %swap3A_1399 = tpu.vector_load %arg6[%swap3A_1397, %swap3A_1398] {strides = array<i32>} : memref<32x256xf32, #tpu.memory_space<vmem>>, vector<16xf32>,
      tpu.vector_store %arg6[%swap3A_1397, %swap3A_1398], %broadcast_in_dim3A_53 {strides = array<i32>} : memref<32x256xf32, #tpu.memory_space<vmem>>, vector<16xf32>,
      %swap3A_1400 = arith.index_cast %scan3A_1380 : i32 to index
      %swap3A_1401 = arith.constant 96 : index
      %swap3A_1402 = tpu.vector_load %arg6[%swap3A_1400, %swap3A_1401] {strides = array<i32>} : memref<32x256xf32, #tpu.memory_space<vmem>>, vector<16xf32>,
      tpu.vector_store %arg6[%swap3A_1400, %swap3A_1401], %broadcast_in_dim3A_53 {strides = array<i32>} : memref<32x256xf32, #tpu.memory_space<vmem>>, vector<16xf32>,
      %swap3A_1403 = arith.index_cast %scan3A_1380 : i32 to index
      %swap3A_1404 = arith.constant 112 : index
      %swap3A_1405 = tpu.vector_load %arg6[%swap3A_1403, %swap3A_1404] {strides = array<i32>} : memref<32x256xf32, #tpu.memory_space<vmem>>, vector<16xf32>,
      tpu.vector_store %arg6[%swap3A_1403, %swap3A_1404], %broadcast_in_dim3A_53 {strides = array<i32>} : memref<32x256xf32, #tpu.memory_space<vmem>>, vector<16xf32>,
      %swap3A_1406 = arith.index_cast %scan3A_1380 : i32 to index
      %swap3A_1407 = arith.constant 128 : index
      %swap3A_1408 = tpu.vector_load %arg6[%swap3A_1406, %swap3A_1407] {strides = array<i32>} : memref<32x256xf32, #tpu.memory_space<vmem>>, vector<16xf32>,
      tpu.vector_store %arg6[%swap3A_1406, %swap3A_1407], %broadcast_in_dim3A_53 {strides = array<i32>} : memref<32x256xf32, #tpu.memory_space<vmem>>, vector<16xf32>,
      %swap3A_1409 = arith.index_cast %scan3A_1380 : i32 to index
      %swap3A_1410 = arith.constant 144 : index
      %swap3A_1411 = tpu.vector_load %arg6[%swap3A_1409, %swap3A_1410] {strides = array<i32>} : memref<32x256xf32, #tpu.memory_space<vmem>>, vector<16xf32>,
      tpu.vector_store %arg6[%swap3A_1409, %swap3A_1410], %broadcast_in_dim3A_53 {strides = array<i32>} : memref<32x256xf32, #tpu.memory_space<vmem>>, vector<16xf32>,
      %swap3A_1412 = arith.index_cast %scan3A_1380 : i32 to index
      %swap3A_1413 = arith.constant 160 : index
      %swap3A_1414 = tpu.vector_load %arg6[%swap3A_1412, %swap3A_1413] {strides = array<i32>} : memref<32x256xf32, #tpu.memory_space<vmem>>, vector<16xf32>,
      tpu.vector_store %arg6[%swap3A_1412, %swap3A_1413], %broadcast_in_dim3A_53 {strides = array<i32>} : memref<32x256xf32, #tpu.memory_space<vmem>>, vector<16xf32>,
      %swap3A_1415 = arith.index_cast %scan3A_1380 : i32 to index
      %swap3A_1416 = arith.constant 176 : index
      %swap3A_1417 = tpu.vector_load %arg6[%swap3A_1415, %swap3A_1416] {strides = array<i32>} : memref<32x256xf32, #tpu.memory_space<vmem>>, vector<16xf32>,
      tpu.vector_store %arg6[%swap3A_1415, %swap3A_1416], %broadcast_in_dim3A_53 {strides = array<i32>} : memref<32x256xf32, #tpu.memory_space<vmem>>, vector<16xf32>,
      %swap3A_1418 = arith.index_cast %scan3A_1380 : i32 to index
      %swap3A_1419 = arith.constant 192 : index
      %swap3A_1420 = tpu.vector_load %arg6[%swap3A_1418, %swap3A_1419] {strides = array<i32>} : memref<32x256xf32, #tpu.memory_space<vmem>>, vector<16xf32>,
      tpu.vector_store %arg6[%swap3A_1418, %swap3A_1419], %broadcast_in_dim3A_53 {strides = array<i32>} : memref<32x256xf32, #tpu.memory_space<vmem>>, vector<16xf32>,
      %swap3A_1421 = arith.index_cast %scan3A_1380 : i32 to index
      %swap3A_1422 = arith.constant 208 : index
      %swap3A_1423 = tpu.vector_load %arg6[%swap3A_1421, %swap3A_1422] {strides = array<i32>} : memref<32x256xf32, #tpu.memory_space<vmem>>, vector<16xf32>,
      tpu.vector_store %arg6[%swap3A_1421, %swap3A_1422], %broadcast_in_dim3A_53 {strides = array<i32>} : memref<32x256xf32, #tpu.memory_space<vmem>>, vector<16xf32>,
      %swap3A_1424 = arith.index_cast %scan3A_1380 : i32 to index
      %swap3A_1425 = arith.constant 224 : index
      %swap3A_1426 = tpu.vector_load %arg6[%swap3A_1424, %swap3A_1425] {strides = array<i32>} : memref<32x256xf32, #tpu.memory_space<vmem>>, vector<16xf32>,
      tpu.vector_store %arg6[%swap3A_1424, %swap3A_1425], %broadcast_in_dim3A_53 {strides = array<i32>} : memref<32x256xf32, #tpu.memory_space<vmem>>, vector<16xf32>,
      %swap3A_1427 = arith.index_cast %scan3A_1380 : i32 to index
      %swap3A_1428 = arith.constant 240 : index
      %swap3A_1429 = tpu.vector_load %arg6[%swap3A_1427, %swap3A_1428] {strides = array<i32>} : memref<32x256xf32, #tpu.memory_space<vmem>>, vector<16xf32>,
      tpu.vector_store %arg6[%swap3A_1427, %swap3A_1428], %broadcast_in_dim3A_53 {strides = array<i32>} : memref<32x256xf32, #tpu.memory_space<vmem>>, vector<16xf32>,
      %scan3A_1430 = arith.constant 0 : i32
      scf.yield %scan3A_1430 : i32
    }
    %scan3A_59 = arith.constant 32 : i32
    %dma_wait3A = arith.constant 0 : i32
    %dma_wait3A_60 = arith.constant 0 : i32
    %dma_wait3A_61 = tpu.memref_slice %arg2[%dma_wait3A, %dma_wait3A_60] : memref<4096x512xi32, #tpu.memory_space<hbm>> -> memref<4096x512xi32, #tpu.memory_space<hbm>>
    tpu.wait_indirect_dma semaphore(%arg7 : memref<!tpu.dma_semaphore, #tpu.memory_space<semaphore_mem>>) src(%dma_wait3A_61 : memref<4096x512xi32, #tpu.memory_space<hbm>>) dst(%arg5 : memref<32x512xi32, #tpu.memory_space<vmem>>)
    %broadcast_in_dim3A_62 = arith.constant 1.000000e+00 : f32
    %broadcast_in_dim3A_63 = vector.broadcast %broadcast_in_dim3A_62 : f32 to vector<16xf32>
    %eq3A_64 = arith.constant 0 : i32
    %eq3A_65 = vector.broadcast %eq3A_64 : i32 to vector<16xi32>
    %eq3A_66 = arith.cmpi eq, %iota3A, %eq3A_65 : vector<16xi32>
    %mul3A_67 = arith.constant 8 : i32
    %mul3A_68 = arith.muli %select_n3A_30, %mul3A_67 : i32
    %add3A_69 = arith.constant 0 : i32
    %add3A_70 = arith.addi %mul3A_68, %add3A_69 : i32
    %get3A = arith.index_cast %add3A_70 : i32 to index
    %get3A_71 = arith.constant 0 : index
    %get3A_72 = tpu.vector_load %arg5[%get3A, %get3A_71] {strides = array<i32>} : memref<32x512xi32, #tpu.memory_space<vmem>>, vector<16xi32>,
    %broadcast_in_dim3A_73 = arith.constant 0 : i32
    %broadcast_in_dim3A_74 = vector.broadcast %broadcast_in_dim3A_73 : i32 to vector<16xi32>
    tpu.vector_store_idx %arg6[%get3A_72, %broadcast_in_dim3A_74], %broadcast_in_dim3A_63 masked %eq3A_66 : memref<32x256xf32, #tpu.memory_space<vmem>>[vector<16xi32>, vector<16xi32>], vector<16xf32>, vector<16xi1>
    %get3A_75 = arith.index_cast %add3A_70 : i32 to index
    %get3A_76 = arith.constant 16 : index
    %get3A_77 = tpu.vector_load %arg5[%get3A_75, %get3A_76] {strides = array<i32>} : memref<32x512xi32, #tpu.memory_space<vmem>>, vector<16xi32>,
    %broadcast_in_dim3A_78 = arith.constant 1 : i32
    %broadcast_in_dim3A_79 = vector.broadcast %broadcast_in_dim3A_78 : i32 to vector<16xi32>
    tpu.vector_store_idx %arg6[%get3A_77, %broadcast_in_dim3A_79], %broadcast_in_dim3A_63 masked %eq3A_66 : memref<32x256xf32, #tpu.memory_space<vmem>>[vector<16xi32>, vector<16xi32>], vector<16xf32>, vector<16xi1>
    %get3A_80 = arith.index_cast %add3A_70 : i32 to index
    %get3A_81 = arith.constant 32 : index
    %get3A_82 = tpu.vector_load %arg5[%get3A_80, %get3A_81] {strides = array<i32>} : memref<32x512xi32, #tpu.memory_space<vmem>>, vector<16xi32>,
    %broadcast_in_dim3A_83 = arith.constant 2 : i32
    %broadcast_in_dim3A_84 = vector.broadcast %broadcast_in_dim3A_83 : i32 to vector<16xi32>
    tpu.vector_store_idx %arg6[%get3A_82, %broadcast_in_dim3A_84], %broadcast_in_dim3A_63 masked %eq3A_66 : memref<32x256xf32, #tpu.memory_space<vmem>>[vector<16xi32>, vector<16xi32>], vector<16xf32>, vector<16xi1>
    %get3A_85 = arith.index_cast %add3A_70 : i32 to index
    %get3A_86 = arith.constant 48 : index
    %get3A_87 = tpu.vector_load %arg5[%get3A_85, %get3A_86] {strides = array<i32>} : memref<32x512xi32, #tpu.memory_space<vmem>>, vector<16xi32>,
    %broadcast_in_dim3A_88 = arith.constant 3 : i32
    %broadcast_in_dim3A_89 = vector.broadcast %broadcast_in_dim3A_88 : i32 to vector<16xi32>
    tpu.vector_store_idx %arg6[%get3A_87, %broadcast_in_dim3A_89], %broadcast_in_dim3A_63 masked %eq3A_66 : memref<32x256xf32, #tpu.memory_space<vmem>>[vector<16xi32>, vector<16xi32>], vector<16xf32>, vector<16xi1>
    %get3A_90 = arith.index_cast %add3A_70 : i32 to index
    %get3A_91 = arith.constant 64 : index
    %get3A_92 = tpu.vector_load %arg5[%get3A_90, %get3A_91] {strides = array<i32>} : memref<32x512xi32, #tpu.memory_space<vmem>>, vector<16xi32>,
    %broadcast_in_dim3A_93 = arith.constant 4 : i32
    %broadcast_in_dim3A_94 = vector.broadcast %broadcast_in_dim3A_93 : i32 to vector<16xi32>
    tpu.vector_store_idx %arg6[%get3A_92, %broadcast_in_dim3A_94], %broadcast_in_dim3A_63 masked %eq3A_66 : memref<32x256xf32, #tpu.memory_space<vmem>>[vector<16xi32>, vector<16xi32>], vector<16xf32>, vector<16xi1>
    %get3A_95 = arith.index_cast %add3A_70 : i32 to index
    %get3A_96 = arith.constant 80 : index
    %get3A_97 = tpu.vector_load %arg5[%get3A_95, %get3A_96] {strides = array<i32>} : memref<32x512xi32, #tpu.memory_space<vmem>>, vector<16xi32>,
    %broadcast_in_dim3A_98 = arith.constant 5 : i32
    %broadcast_in_dim3A_99 = vector.broadcast %broadcast_in_dim3A_98 : i32 to vector<16xi32>
    tpu.vector_store_idx %arg6[%get3A_97, %broadcast_in_dim3A_99], %broadcast_in_dim3A_63 masked %eq3A_66 : memref<32x256xf32, #tpu.memory_space<vmem>>[vector<16xi32>, vector<16xi32>], vector<16xf32>, vector<16xi1>
    %get3A_100 = arith.index_cast %add3A_70 : i32 to index
    %get3A_101 = arith.constant 96 : index
    %get3A_102 = tpu.vector_load %arg5[%get3A_100, %get3A_101] {strides = array<i32>} : memref<32x512xi32, #tpu.memory_space<vmem>>, vector<16xi32>,
    %broadcast_in_dim3A_103 = arith.constant 6 : i32
    %broadcast_in_dim3A_104 = vector.broadcast %broadcast_in_dim3A_103 : i32 to vector<16xi32>
    tpu.vector_store_idx %arg6[%get3A_102, %broadcast_in_dim3A_104], %broadcast_in_dim3A_63 masked %eq3A_66 : memref<32x256xf32, #tpu.memory_space<vmem>>[vector<16xi32>, vector<16xi32>], vector<16xf32>, vector<16xi1>
    %get3A_105 = arith.index_cast %add3A_70 : i32 to index
    %get3A_106 = arith.constant 112 : index
    %get3A_107 = tpu.vector_load %arg5[%get3A_105, %get3A_106] {strides = array<i32>} : memref<32x512xi32, #tpu.memory_space<vmem>>, vector<16xi32>,
    %broadcast_in_dim3A_108 = arith.constant 7 : i32
    %broadcast_in_dim3A_109 = vector.broadcast %broadcast_in_dim3A_108 : i32 to vector<16xi32>
    tpu.vector_store_idx %arg6[%get3A_107, %broadcast_in_dim3A_109], %broadcast_in_dim3A_63 masked %eq3A_66 : memref<32x256xf32, #tpu.memory_space<vmem>>[vector<16xi32>, vector<16xi32>], vector<16xf32>, vector<16xi1>
    %get3A_110 = arith.index_cast %add3A_70 : i32 to index
    %get3A_111 = arith.constant 128 : index
    %get3A_112 = tpu.vector_load %arg5[%get3A_110, %get3A_111] {strides = array<i32>} : memref<32x512xi32, #tpu.memory_space<vmem>>, vector<16xi32>,
    %broadcast_in_dim3A_113 = arith.constant 8 : i32
    %broadcast_in_dim3A_114 = vector.broadcast %broadcast_in_dim3A_113 : i32 to vector<16xi32>
    tpu.vector_store_idx %arg6[%get3A_112, %broadcast_in_dim3A_114], %broadcast_in_dim3A_63 masked %eq3A_66 : memref<32x256xf32, #tpu.memory_space<vmem>>[vector<16xi32>, vector<16xi32>], vector<16xf32>, vector<16xi1>
    %get3A_115 = arith.index_cast %add3A_70 : i32 to index
    %get3A_116 = arith.constant 144 : index
    %get3A_117 = tpu.vector_load %arg5[%get3A_115, %get3A_116] {strides = array<i32>} : memref<32x512xi32, #tpu.memory_space<vmem>>, vector<16xi32>,
    %broadcast_in_dim3A_118 = arith.constant 9 : i32
    %broadcast_in_dim3A_119 = vector.broadcast %broadcast_in_dim3A_118 : i32 to vector<16xi32>
    tpu.vector_store_idx %arg6[%get3A_117, %broadcast_in_dim3A_119], %broadcast_in_dim3A_63 masked %eq3A_66 : memref<32x256xf32, #tpu.memory_space<vmem>>[vector<16xi32>, vector<16xi32>], vector<16xf32>, vector<16xi1>
    %get3A_120 = arith.index_cast %add3A_70 : i32 to index
    %get3A_121 = arith.constant 160 : index
    %get3A_122 = tpu.vector_load %arg5[%get3A_120, %get3A_121] {strides = array<i32>} : memref<32x512xi32, #tpu.memory_space<vmem>>, vector<16xi32>,
    %broadcast_in_dim3A_123 = arith.constant 10 : i32
    %broadcast_in_dim3A_124 = vector.broadcast %broadcast_in_dim3A_123 : i32 to vector<16xi32>
    tpu.vector_store_idx %arg6[%get3A_122, %broadcast_in_dim3A_124], %broadcast_in_dim3A_63 masked %eq3A_66 : memref<32x256xf32, #tpu.memory_space<vmem>>[vector<16xi32>, vector<16xi32>], vector<16xf32>, vector<16xi1>
    %get3A_125 = arith.index_cast %add3A_70 : i32 to index
    %get3A_126 = arith.constant 176 : index
    %get3A_127 = tpu.vector_load %arg5[%get3A_125, %get3A_126] {strides = array<i32>} : memref<32x512xi32, #tpu.memory_space<vmem>>, vector<16xi32>,
    %broadcast_in_dim3A_128 = arith.constant 11 : i32
    %broadcast_in_dim3A_129 = vector.broadcast %broadcast_in_dim3A_128 : i32 to vector<16xi32>
    tpu.vector_store_idx %arg6[%get3A_127, %broadcast_in_dim3A_129], %broadcast_in_dim3A_63 masked %eq3A_66 : memref<32x256xf32, #tpu.memory_space<vmem>>[vector<16xi32>, vector<16xi32>], vector<16xf32>, vector<16xi1>
    %get3A_130 = arith.index_cast %add3A_70 : i32 to index
    %get3A_131 = arith.constant 192 : index
    %get3A_132 = tpu.vector_load %arg5[%get3A_130, %get3A_131] {strides = array<i32>} : memref<32x512xi32, #tpu.memory_space<vmem>>, vector<16xi32>,
    %broadcast_in_dim3A_133 = arith.constant 12 : i32
    %broadcast_in_dim3A_134 = vector.broadcast %broadcast_in_dim3A_133 : i32 to vector<16xi32>
    tpu.vector_store_idx %arg6[%get3A_132, %broadcast_in_dim3A_134], %broadcast_in_dim3A_63 masked %eq3A_66 : memref<32x256xf32, #tpu.memory_space<vmem>>[vector<16xi32>, vector<16xi32>], vector<16xf32>, vector<16xi1>
    %get3A_135 = arith.index_cast %add3A_70 : i32 to index
    %get3A_136 = arith.constant 208 : index
    %get3A_137 = tpu.vector_load %arg5[%get3A_135, %get3A_136] {strides = array<i32>} : memref<32x512xi32, #tpu.memory_space<vmem>>, vector<16xi32>,
    %broadcast_in_dim3A_138 = arith.constant 13 : i32
    %broadcast_in_dim3A_139 = vector.broadcast %broadcast_in_dim3A_138 : i32 to vector<16xi32>
    tpu.vector_store_idx %arg6[%get3A_137, %broadcast_in_dim3A_139], %broadcast_in_dim3A_63 masked %eq3A_66 : memref<32x256xf32, #tpu.memory_space<vmem>>[vector<16xi32>, vector<16xi32>], vector<16xf32>, vector<16xi1>
    %get3A_140 = arith.index_cast %add3A_70 : i32 to index
    %get3A_141 = arith.constant 224 : index
    %get3A_142 = tpu.vector_load %arg5[%get3A_140, %get3A_141] {strides = array<i32>} : memref<32x512xi32, #tpu.memory_space<vmem>>, vector<16xi32>,
    %broadcast_in_dim3A_143 = arith.constant 14 : i32
    %broadcast_in_dim3A_144 = vector.broadcast %broadcast_in_dim3A_143 : i32 to vector<16xi32>
    tpu.vector_store_idx %arg6[%get3A_142, %broadcast_in_dim3A_144], %broadcast_in_dim3A_63 masked %eq3A_66 : memref<32x256xf32, #tpu.memory_space<vmem>>[vector<16xi32>, vector<16xi32>], vector<16xf32>, vector<16xi1>
    %get3A_145 = arith.index_cast %add3A_70 : i32 to index
    %get3A_146 = arith.constant 240 : index
    %get3A_147 = tpu.vector_load %arg5[%get3A_145, %get3A_146] {strides = array<i32>} : memref<32x512xi32, #tpu.memory_space<vmem>>, vector<16xi32>,
    %broadcast_in_dim3A_148 = arith.constant 15 : i32
    %broadcast_in_dim3A_149 = vector.broadcast %broadcast_in_dim3A_148 : i32 to vector<16xi32>
    tpu.vector_store_idx %arg6[%get3A_147, %broadcast_in_dim3A_149], %broadcast_in_dim3A_63 masked %eq3A_66 : memref<32x256xf32, #tpu.memory_space<vmem>>[vector<16xi32>, vector<16xi32>], vector<16xf32>, vector<16xi1>
    %get3A_150 = arith.index_cast %add3A_70 : i32 to index
    %get3A_151 = arith.constant 256 : index
    %get3A_152 = tpu.vector_load %arg5[%get3A_150, %get3A_151] {strides = array<i32>} : memref<32x512xi32, #tpu.memory_space<vmem>>, vector<16xi32>,
    %broadcast_in_dim3A_153 = arith.constant 16 : i32
    %broadcast_in_dim3A_154 = vector.broadcast %broadcast_in_dim3A_153 : i32 to vector<16xi32>
    tpu.vector_store_idx %arg6[%get3A_152, %broadcast_in_dim3A_154], %broadcast_in_dim3A_63 masked %eq3A_66 : memref<32x256xf32, #tpu.memory_space<vmem>>[vector<16xi32>, vector<16xi32>], vector<16xf32>, vector<16xi1>
    %get3A_155 = arith.index_cast %add3A_70 : i32 to index
    %get3A_156 = arith.constant 272 : index
    %get3A_157 = tpu.vector_load %arg5[%get3A_155, %get3A_156] {strides = array<i32>} : memref<32x512xi32, #tpu.memory_space<vmem>>, vector<16xi32>,
    %broadcast_in_dim3A_158 = arith.constant 17 : i32
    %broadcast_in_dim3A_159 = vector.broadcast %broadcast_in_dim3A_158 : i32 to vector<16xi32>
    tpu.vector_store_idx %arg6[%get3A_157, %broadcast_in_dim3A_159], %broadcast_in_dim3A_63 masked %eq3A_66 : memref<32x256xf32, #tpu.memory_space<vmem>>[vector<16xi32>, vector<16xi32>], vector<16xf32>, vector<16xi1>
    %get3A_160 = arith.index_cast %add3A_70 : i32 to index
    %get3A_161 = arith.constant 288 : index
    %get3A_162 = tpu.vector_load %arg5[%get3A_160, %get3A_161] {strides = array<i32>} : memref<32x512xi32, #tpu.memory_space<vmem>>, vector<16xi32>,
    %broadcast_in_dim3A_163 = arith.constant 18 : i32
    %broadcast_in_dim3A_164 = vector.broadcast %broadcast_in_dim3A_163 : i32 to vector<16xi32>
    tpu.vector_store_idx %arg6[%get3A_162, %broadcast_in_dim3A_164], %broadcast_in_dim3A_63 masked %eq3A_66 : memref<32x256xf32, #tpu.memory_space<vmem>>[vector<16xi32>, vector<16xi32>], vector<16xf32>, vector<16xi1>
    %get3A_165 = arith.index_cast %add3A_70 : i32 to index
    %get3A_166 = arith.constant 304 : index
    %get3A_167 = tpu.vector_load %arg5[%get3A_165, %get3A_166] {strides = array<i32>} : memref<32x512xi32, #tpu.memory_space<vmem>>, vector<16xi32>,
    %broadcast_in_dim3A_168 = arith.constant 19 : i32
    %broadcast_in_dim3A_169 = vector.broadcast %broadcast_in_dim3A_168 : i32 to vector<16xi32>
    tpu.vector_store_idx %arg6[%get3A_167, %broadcast_in_dim3A_169], %broadcast_in_dim3A_63 masked %eq3A_66 : memref<32x256xf32, #tpu.memory_space<vmem>>[vector<16xi32>, vector<16xi32>], vector<16xf32>, vector<16xi1>
    %get3A_170 = arith.index_cast %add3A_70 : i32 to index
    %get3A_171 = arith.constant 320 : index
    %get3A_172 = tpu.vector_load %arg5[%get3A_170, %get3A_171] {strides = array<i32>} : memref<32x512xi32, #tpu.memory_space<vmem>>, vector<16xi32>,
    %broadcast_in_dim3A_173 = arith.constant 20 : i32
    %broadcast_in_dim3A_174 = vector.broadcast %broadcast_in_dim3A_173 : i32 to vector<16xi32>
    tpu.vector_store_idx %arg6[%get3A_172, %broadcast_in_dim3A_174], %broadcast_in_dim3A_63 masked %eq3A_66 : memref<32x256xf32, #tpu.memory_space<vmem>>[vector<16xi32>, vector<16xi32>], vector<16xf32>, vector<16xi1>
    %get3A_175 = arith.index_cast %add3A_70 : i32 to index
    %get3A_176 = arith.constant 336 : index
    %get3A_177 = tpu.vector_load %arg5[%get3A_175, %get3A_176] {strides = array<i32>} : memref<32x512xi32, #tpu.memory_space<vmem>>, vector<16xi32>,
    %broadcast_in_dim3A_178 = arith.constant 21 : i32
    %broadcast_in_dim3A_179 = vector.broadcast %broadcast_in_dim3A_178 : i32 to vector<16xi32>
    tpu.vector_store_idx %arg6[%get3A_177, %broadcast_in_dim3A_179], %broadcast_in_dim3A_63 masked %eq3A_66 : memref<32x256xf32, #tpu.memory_space<vmem>>[vector<16xi32>, vector<16xi32>], vector<16xf32>, vector<16xi1>
    %get3A_180 = arith.index_cast %add3A_70 : i32 to index
    %get3A_181 = arith.constant 352 : index
    %get3A_182 = tpu.vector_load %arg5[%get3A_180, %get3A_181] {strides = array<i32>} : memref<32x512xi32, #tpu.memory_space<vmem>>, vector<16xi32>,
    %broadcast_in_dim3A_183 = arith.constant 22 : i32
    %broadcast_in_dim3A_184 = vector.broadcast %broadcast_in_dim3A_183 : i32 to vector<16xi32>
    tpu.vector_store_idx %arg6[%get3A_182, %broadcast_in_dim3A_184], %broadcast_in_dim3A_63 masked %eq3A_66 : memref<32x256xf32, #tpu.memory_space<vmem>>[vector<16xi32>, vector<16xi32>], vector<16xf32>, vector<16xi1>
    %get3A_185 = arith.index_cast %add3A_70 : i32 to index
    %get3A_186 = arith.constant 368 : index
    %get3A_187 = tpu.vector_load %arg5[%get3A_185, %get3A_186] {strides = array<i32>} : memref<32x512xi32, #tpu.memory_space<vmem>>, vector<16xi32>,
    %broadcast_in_dim3A_188 = arith.constant 23 : i32
    %broadcast_in_dim3A_189 = vector.broadcast %broadcast_in_dim3A_188 : i32 to vector<16xi32>
    tpu.vector_store_idx %arg6[%get3A_187, %broadcast_in_dim3A_189], %broadcast_in_dim3A_63 masked %eq3A_66 : memref<32x256xf32, #tpu.memory_space<vmem>>[vector<16xi32>, vector<16xi32>], vector<16xf32>, vector<16xi1>
    %get3A_190 = arith.index_cast %add3A_70 : i32 to index
    %get3A_191 = arith.constant 384 : index
    %get3A_192 = tpu.vector_load %arg5[%get3A_190, %get3A_191] {strides = array<i32>} : memref<32x512xi32, #tpu.memory_space<vmem>>, vector<16xi32>,
    %broadcast_in_dim3A_193 = arith.constant 24 : i32
    %broadcast_in_dim3A_194 = vector.broadcast %broadcast_in_dim3A_193 : i32 to vector<16xi32>
    tpu.vector_store_idx %arg6[%get3A_192, %broadcast_in_dim3A_194], %broadcast_in_dim3A_63 masked %eq3A_66 : memref<32x256xf32, #tpu.memory_space<vmem>>[vector<16xi32>, vector<16xi32>], vector<16xf32>, vector<16xi1>
    %get3A_195 = arith.index_cast %add3A_70 : i32 to index
    %get3A_196 = arith.constant 400 : index
    %get3A_197 = tpu.vector_load %arg5[%get3A_195, %get3A_196] {strides = array<i32>} : memref<32x512xi32, #tpu.memory_space<vmem>>, vector<16xi32>,
    %broadcast_in_dim3A_198 = arith.constant 25 : i32
    %broadcast_in_dim3A_199 = vector.broadcast %broadcast_in_dim3A_198 : i32 to vector<16xi32>
    tpu.vector_store_idx %arg6[%get3A_197, %broadcast_in_dim3A_199], %broadcast_in_dim3A_63 masked %eq3A_66 : memref<32x256xf32, #tpu.memory_space<vmem>>[vector<16xi32>, vector<16xi32>], vector<16xf32>, vector<16xi1>
    %get3A_200 = arith.index_cast %add3A_70 : i32 to index
    %get3A_201 = arith.constant 416 : index
    %get3A_202 = tpu.vector_load %arg5[%get3A_200, %get3A_201] {strides = array<i32>} : memref<32x512xi32, #tpu.memory_space<vmem>>, vector<16xi32>,
    %broadcast_in_dim3A_203 = arith.constant 26 : i32
    %broadcast_in_dim3A_204 = vector.broadcast %broadcast_in_dim3A_203 : i32 to vector<16xi32>
    tpu.vector_store_idx %arg6[%get3A_202, %broadcast_in_dim3A_204], %broadcast_in_dim3A_63 masked %eq3A_66 : memref<32x256xf32, #tpu.memory_space<vmem>>[vector<16xi32>, vector<16xi32>], vector<16xf32>, vector<16xi1>
    %get3A_205 = arith.index_cast %add3A_70 : i32 to index
    %get3A_206 = arith.constant 432 : index
    %get3A_207 = tpu.vector_load %arg5[%get3A_205, %get3A_206] {strides = array<i32>} : memref<32x512xi32, #tpu.memory_space<vmem>>, vector<16xi32>,
    %broadcast_in_dim3A_208 = arith.constant 27 : i32
    %broadcast_in_dim3A_209 = vector.broadcast %broadcast_in_dim3A_208 : i32 to vector<16xi32>
    tpu.vector_store_idx %arg6[%get3A_207, %broadcast_in_dim3A_209], %broadcast_in_dim3A_63 masked %eq3A_66 : memref<32x256xf32, #tpu.memory_space<vmem>>[vector<16xi32>, vector<16xi32>], vector<16xf32>, vector<16xi1>
    %get3A_210 = arith.index_cast %add3A_70 : i32 to index
    %get3A_211 = arith.constant 448 : index
    %get3A_212 = tpu.vector_load %arg5[%get3A_210, %get3A_211] {strides = array<i32>} : memref<32x512xi32, #tpu.memory_space<vmem>>, vector<16xi32>,
    %broadcast_in_dim3A_213 = arith.constant 28 : i32
    %broadcast_in_dim3A_214 = vector.broadcast %broadcast_in_dim3A_213 : i32 to vector<16xi32>
    tpu.vector_store_idx %arg6[%get3A_212, %broadcast_in_dim3A_214], %broadcast_in_dim3A_63 masked %eq3A_66 : memref<32x256xf32, #tpu.memory_space<vmem>>[vector<16xi32>, vector<16xi32>], vector<16xf32>, vector<16xi1>
    %get3A_215 = arith.index_cast %add3A_70 : i32 to index
    %get3A_216 = arith.constant 464 : index
    %get3A_217 = tpu.vector_load %arg5[%get3A_215, %get3A_216] {strides = array<i32>} : memref<32x512xi32, #tpu.memory_space<vmem>>, vector<16xi32>,
    %broadcast_in_dim3A_218 = arith.constant 29 : i32
    %broadcast_in_dim3A_219 = vector.broadcast %broadcast_in_dim3A_218 : i32 to vector<16xi32>
    tpu.vector_store_idx %arg6[%get3A_217, %broadcast_in_dim3A_219], %broadcast_in_dim3A_63 masked %eq3A_66 : memref<32x256xf32, #tpu.memory_space<vmem>>[vector<16xi32>, vector<16xi32>], vector<16xf32>, vector<16xi1>
    %get3A_220 = arith.index_cast %add3A_70 : i32 to index
    %get3A_221 = arith.constant 480 : index
    %get3A_222 = tpu.vector_load %arg5[%get3A_220, %get3A_221] {strides = array<i32>} : memref<32x512xi32, #tpu.memory_space<vmem>>, vector<16xi32>,
    %broadcast_in_dim3A_223 = arith.constant 30 : i32
    %broadcast_in_dim3A_224 = vector.broadcast %broadcast_in_dim3A_223 : i32 to vector<16xi32>
    tpu.vector_store_idx %arg6[%get3A_222, %broadcast_in_dim3A_224], %broadcast_in_dim3A_63 masked %eq3A_66 : memref<32x256xf32, #tpu.memory_space<vmem>>[vector<16xi32>, vector<16xi32>], vector<16xf32>, vector<16xi1>
    %get3A_225 = arith.index_cast %add3A_70 : i32 to index
    %get3A_226 = arith.constant 496 : index
    %get3A_227 = tpu.vector_load %arg5[%get3A_225, %get3A_226] {strides = array<i32>} : memref<32x512xi32, #tpu.memory_space<vmem>>, vector<16xi32>,
    %broadcast_in_dim3A_228 = arith.constant 31 : i32
    %broadcast_in_dim3A_229 = vector.broadcast %broadcast_in_dim3A_228 : i32 to vector<16xi32>
    tpu.vector_store_idx %arg6[%get3A_227, %broadcast_in_dim3A_229], %broadcast_in_dim3A_63 masked %eq3A_66 : memref<32x256xf32, #tpu.memory_space<vmem>>[vector<16xi32>, vector<16xi32>], vector<16xf32>, vector<16xi1>
    %mul3A_230 = arith.constant 8 : i32
    %mul3A_231 = arith.muli %select_n3A_30, %mul3A_230 : i32
    %add3A_232 = arith.constant 1 : i32
    %add3A_233 = arith.addi %mul3A_231, %add3A_232 : i32
    %get3A_234 = arith.index_cast %add3A_233 : i32 to index
    %get3A_235 = arith.constant 0 : index
    %get3A_236 = tpu.vector_load %arg5[%get3A_234, %get3A_235] {strides = array<i32>} : memref<32x512xi32, #tpu.memory_space<vmem>>, vector<16xi32>,
    %broadcast_in_dim3A_237 = arith.constant 32 : i32
    %broadcast_in_dim3A_238 = vector.broadcast %broadcast_in_dim3A_237 : i32 to vector<16xi32>
    tpu.vector_store_idx %arg6[%get3A_236, %broadcast_in_dim3A_238], %broadcast_in_dim3A_63 masked %eq3A_66 : memref<32x256xf32, #tpu.memory_space<vmem>>[vector<16xi32>, vector<16xi32>], vector<16xf32>, vector<16xi1>
    %get3A_239 = arith.index_cast %add3A_233 : i32 to index
    %get3A_240 = arith.constant 16 : index
    %get3A_241 = tpu.vector_load %arg5[%get3A_239, %get3A_240] {strides = array<i32>} : memref<32x512xi32, #tpu.memory_space<vmem>>, vector<16xi32>,
    %broadcast_in_dim3A_242 = arith.constant 33 : i32
    %broadcast_in_dim3A_243 = vector.broadcast %broadcast_in_dim3A_242 : i32 to vector<16xi32>
    tpu.vector_store_idx %arg6[%get3A_241, %broadcast_in_dim3A_243], %broadcast_in_dim3A_63 masked %eq3A_66 : memref<32x256xf32, #tpu.memory_space<vmem>>[vector<16xi32>, vector<16xi32>], vector<16xf32>, vector<16xi1>
    %get3A_244 = arith.index_cast %add3A_233 : i32 to index
    %get3A_245 = arith.constant 32 : index
    %get3A_246 = tpu.vector_load %arg5[%get3A_244, %get3A_245] {strides = array<i32>} : memref<32x512xi32, #tpu.memory_space<vmem>>, vector<16xi32>,
    %broadcast_in_dim3A_247 = arith.constant 34 : i32
    %broadcast_in_dim3A_248 = vector.broadcast %broadcast_in_dim3A_247 : i32 to vector<16xi32>
    tpu.vector_store_idx %arg6[%get3A_246, %broadcast_in_dim3A_248], %broadcast_in_dim3A_63 masked %eq3A_66 : memref<32x256xf32, #tpu.memory_space<vmem>>[vector<16xi32>, vector<16xi32>], vector<16xf32>, vector<16xi1>
    %get3A_249 = arith.index_cast %add3A_233 : i32 to index
    %get3A_250 = arith.constant 48 : index
    %get3A_251 = tpu.vector_load %arg5[%get3A_249, %get3A_250] {strides = array<i32>} : memref<32x512xi32, #tpu.memory_space<vmem>>, vector<16xi32>,
    %broadcast_in_dim3A_252 = arith.constant 35 : i32
    %broadcast_in_dim3A_253 = vector.broadcast %broadcast_in_dim3A_252 : i32 to vector<16xi32>
    tpu.vector_store_idx %arg6[%get3A_251, %broadcast_in_dim3A_253], %broadcast_in_dim3A_63 masked %eq3A_66 : memref<32x256xf32, #tpu.memory_space<vmem>>[vector<16xi32>, vector<16xi32>], vector<16xf32>, vector<16xi1>
    %get3A_254 = arith.index_cast %add3A_233 : i32 to index
    %get3A_255 = arith.constant 64 : index
    %get3A_256 = tpu.vector_load %arg5[%get3A_254, %get3A_255] {strides = array<i32>} : memref<32x512xi32, #tpu.memory_space<vmem>>, vector<16xi32>,
    %broadcast_in_dim3A_257 = arith.constant 36 : i32
    %broadcast_in_dim3A_258 = vector.broadcast %broadcast_in_dim3A_257 : i32 to vector<16xi32>
    tpu.vector_store_idx %arg6[%get3A_256, %broadcast_in_dim3A_258], %broadcast_in_dim3A_63 masked %eq3A_66 : memref<32x256xf32, #tpu.memory_space<vmem>>[vector<16xi32>, vector<16xi32>], vector<16xf32>, vector<16xi1>
    %get3A_259 = arith.index_cast %add3A_233 : i32 to index
    %get3A_260 = arith.constant 80 : index
    %get3A_261 = tpu.vector_load %arg5[%get3A_259, %get3A_260] {strides = array<i32>} : memref<32x512xi32, #tpu.memory_space<vmem>>, vector<16xi32>,
    %broadcast_in_dim3A_262 = arith.constant 37 : i32
    %broadcast_in_dim3A_263 = vector.broadcast %broadcast_in_dim3A_262 : i32 to vector<16xi32>
    tpu.vector_store_idx %arg6[%get3A_261, %broadcast_in_dim3A_263], %broadcast_in_dim3A_63 masked %eq3A_66 : memref<32x256xf32, #tpu.memory_space<vmem>>[vector<16xi32>, vector<16xi32>], vector<16xf32>, vector<16xi1>
    %get3A_264 = arith.index_cast %add3A_233 : i32 to index
    %get3A_265 = arith.constant 96 : index
    %get3A_266 = tpu.vector_load %arg5[%get3A_264, %get3A_265] {strides = array<i32>} : memref<32x512xi32, #tpu.memory_space<vmem>>, vector<16xi32>,
    %broadcast_in_dim3A_267 = arith.constant 38 : i32
    %broadcast_in_dim3A_268 = vector.broadcast %broadcast_in_dim3A_267 : i32 to vector<16xi32>
    tpu.vector_store_idx %arg6[%get3A_266, %broadcast_in_dim3A_268], %broadcast_in_dim3A_63 masked %eq3A_66 : memref<32x256xf32, #tpu.memory_space<vmem>>[vector<16xi32>, vector<16xi32>], vector<16xf32>, vector<16xi1>
    %get3A_269 = arith.index_cast %add3A_233 : i32 to index
    %get3A_270 = arith.constant 112 : index
    %get3A_271 = tpu.vector_load %arg5[%get3A_269, %get3A_270] {strides = array<i32>} : memref<32x512xi32, #tpu.memory_space<vmem>>, vector<16xi32>,
    %broadcast_in_dim3A_272 = arith.constant 39 : i32
    %broadcast_in_dim3A_273 = vector.broadcast %broadcast_in_dim3A_272 : i32 to vector<16xi32>
    tpu.vector_store_idx %arg6[%get3A_271, %broadcast_in_dim3A_273], %broadcast_in_dim3A_63 masked %eq3A_66 : memref<32x256xf32, #tpu.memory_space<vmem>>[vector<16xi32>, vector<16xi32>], vector<16xf32>, vector<16xi1>
    %get3A_274 = arith.index_cast %add3A_233 : i32 to index
    %get3A_275 = arith.constant 128 : index
    %get3A_276 = tpu.vector_load %arg5[%get3A_274, %get3A_275] {strides = array<i32>} : memref<32x512xi32, #tpu.memory_space<vmem>>, vector<16xi32>,
    %broadcast_in_dim3A_277 = arith.constant 40 : i32
    %broadcast_in_dim3A_278 = vector.broadcast %broadcast_in_dim3A_277 : i32 to vector<16xi32>
    tpu.vector_store_idx %arg6[%get3A_276, %broadcast_in_dim3A_278], %broadcast_in_dim3A_63 masked %eq3A_66 : memref<32x256xf32, #tpu.memory_space<vmem>>[vector<16xi32>, vector<16xi32>], vector<16xf32>, vector<16xi1>
    %get3A_279 = arith.index_cast %add3A_233 : i32 to index
    %get3A_280 = arith.constant 144 : index
    %get3A_281 = tpu.vector_load %arg5[%get3A_279, %get3A_280] {strides = array<i32>} : memref<32x512xi32, #tpu.memory_space<vmem>>, vector<16xi32>,
    %broadcast_in_dim3A_282 = arith.constant 41 : i32
    %broadcast_in_dim3A_283 = vector.broadcast %broadcast_in_dim3A_282 : i32 to vector<16xi32>
    tpu.vector_store_idx %arg6[%get3A_281, %broadcast_in_dim3A_283], %broadcast_in_dim3A_63 masked %eq3A_66 : memref<32x256xf32, #tpu.memory_space<vmem>>[vector<16xi32>, vector<16xi32>], vector<16xf32>, vector<16xi1>
    %get3A_284 = arith.index_cast %add3A_233 : i32 to index
    %get3A_285 = arith.constant 160 : index
    %get3A_286 = tpu.vector_load %arg5[%get3A_284, %get3A_285] {strides = array<i32>} : memref<32x512xi32, #tpu.memory_space<vmem>>, vector<16xi32>,
    %broadcast_in_dim3A_287 = arith.constant 42 : i32
    %broadcast_in_dim3A_288 = vector.broadcast %broadcast_in_dim3A_287 : i32 to vector<16xi32>
    tpu.vector_store_idx %arg6[%get3A_286, %broadcast_in_dim3A_288], %broadcast_in_dim3A_63 masked %eq3A_66 : memref<32x256xf32, #tpu.memory_space<vmem>>[vector<16xi32>, vector<16xi32>], vector<16xf32>, vector<16xi1>
    %get3A_289 = arith.index_cast %add3A_233 : i32 to index
    %get3A_290 = arith.constant 176 : index
    %get3A_291 = tpu.vector_load %arg5[%get3A_289, %get3A_290] {strides = array<i32>} : memref<32x512xi32, #tpu.memory_space<vmem>>, vector<16xi32>,
    %broadcast_in_dim3A_292 = arith.constant 43 : i32
    %broadcast_in_dim3A_293 = vector.broadcast %broadcast_in_dim3A_292 : i32 to vector<16xi32>
    tpu.vector_store_idx %arg6[%get3A_291, %broadcast_in_dim3A_293], %broadcast_in_dim3A_63 masked %eq3A_66 : memref<32x256xf32, #tpu.memory_space<vmem>>[vector<16xi32>, vector<16xi32>], vector<16xf32>, vector<16xi1>
    %get3A_294 = arith.index_cast %add3A_233 : i32 to index
    %get3A_295 = arith.constant 192 : index
    %get3A_296 = tpu.vector_load %arg5[%get3A_294, %get3A_295] {strides = array<i32>} : memref<32x512xi32, #tpu.memory_space<vmem>>, vector<16xi32>,
    %broadcast_in_dim3A_297 = arith.constant 44 : i32
    %broadcast_in_dim3A_298 = vector.broadcast %broadcast_in_dim3A_297 : i32 to vector<16xi32>
    tpu.vector_store_idx %arg6[%get3A_296, %broadcast_in_dim3A_298], %broadcast_in_dim3A_63 masked %eq3A_66 : memref<32x256xf32, #tpu.memory_space<vmem>>[vector<16xi32>, vector<16xi32>], vector<16xf32>, vector<16xi1>
    %get3A_299 = arith.index_cast %add3A_233 : i32 to index
    %get3A_300 = arith.constant 208 : index
    %get3A_301 = tpu.vector_load %arg5[%get3A_299, %get3A_300] {strides = array<i32>} : memref<32x512xi32, #tpu.memory_space<vmem>>, vector<16xi32>,
    %broadcast_in_dim3A_302 = arith.constant 45 : i32
    %broadcast_in_dim3A_303 = vector.broadcast %broadcast_in_dim3A_302 : i32 to vector<16xi32>
    tpu.vector_store_idx %arg6[%get3A_301, %broadcast_in_dim3A_303], %broadcast_in_dim3A_63 masked %eq3A_66 : memref<32x256xf32, #tpu.memory_space<vmem>>[vector<16xi32>, vector<16xi32>], vector<16xf32>, vector<16xi1>
    %get3A_304 = arith.index_cast %add3A_233 : i32 to index
    %get3A_305 = arith.constant 224 : index
    %get3A_306 = tpu.vector_load %arg5[%get3A_304, %get3A_305] {strides = array<i32>} : memref<32x512xi32, #tpu.memory_space<vmem>>, vector<16xi32>,
    %broadcast_in_dim3A_307 = arith.constant 46 : i32
    %broadcast_in_dim3A_308 = vector.broadcast %broadcast_in_dim3A_307 : i32 to vector<16xi32>
    tpu.vector_store_idx %arg6[%get3A_306, %broadcast_in_dim3A_308], %broadcast_in_dim3A_63 masked %eq3A_66 : memref<32x256xf32, #tpu.memory_space<vmem>>[vector<16xi32>, vector<16xi32>], vector<16xf32>, vector<16xi1>
    %get3A_309 = arith.index_cast %add3A_233 : i32 to index
    %get3A_310 = arith.constant 240 : index
    %get3A_311 = tpu.vector_load %arg5[%get3A_309, %get3A_310] {strides = array<i32>} : memref<32x512xi32, #tpu.memory_space<vmem>>, vector<16xi32>,
    %broadcast_in_dim3A_312 = arith.constant 47 : i32
    %broadcast_in_dim3A_313 = vector.broadcast %broadcast_in_dim3A_312 : i32 to vector<16xi32>
    tpu.vector_store_idx %arg6[%get3A_311, %broadcast_in_dim3A_313], %broadcast_in_dim3A_63 masked %eq3A_66 : memref<32x256xf32, #tpu.memory_space<vmem>>[vector<16xi32>, vector<16xi32>], vector<16xf32>, vector<16xi1>
    %get3A_314 = arith.index_cast %add3A_233 : i32 to index
    %get3A_315 = arith.constant 256 : index
    %get3A_316 = tpu.vector_load %arg5[%get3A_314, %get3A_315] {strides = array<i32>} : memref<32x512xi32, #tpu.memory_space<vmem>>, vector<16xi32>,
    %broadcast_in_dim3A_317 = arith.constant 48 : i32
    %broadcast_in_dim3A_318 = vector.broadcast %broadcast_in_dim3A_317 : i32 to vector<16xi32>
    tpu.vector_store_idx %arg6[%get3A_316, %broadcast_in_dim3A_318], %broadcast_in_dim3A_63 masked %eq3A_66 : memref<32x256xf32, #tpu.memory_space<vmem>>[vector<16xi32>, vector<16xi32>], vector<16xf32>, vector<16xi1>
    %get3A_319 = arith.index_cast %add3A_233 : i32 to index
    %get3A_320 = arith.constant 272 : index
    %get3A_321 = tpu.vector_load %arg5[%get3A_319, %get3A_320] {strides = array<i32>} : memref<32x512xi32, #tpu.memory_space<vmem>>, vector<16xi32>,
    %broadcast_in_dim3A_322 = arith.constant 49 : i32
    %broadcast_in_dim3A_323 = vector.broadcast %broadcast_in_dim3A_322 : i32 to vector<16xi32>
    tpu.vector_store_idx %arg6[%get3A_321, %broadcast_in_dim3A_323], %broadcast_in_dim3A_63 masked %eq3A_66 : memref<32x256xf32, #tpu.memory_space<vmem>>[vector<16xi32>, vector<16xi32>], vector<16xf32>, vector<16xi1>
    %get3A_324 = arith.index_cast %add3A_233 : i32 to index
    %get3A_325 = arith.constant 288 : index
    %get3A_326 = tpu.vector_load %arg5[%get3A_324, %get3A_325] {strides = array<i32>} : memref<32x512xi32, #tpu.memory_space<vmem>>, vector<16xi32>,
    %broadcast_in_dim3A_327 = arith.constant 50 : i32
    %broadcast_in_dim3A_328 = vector.broadcast %broadcast_in_dim3A_327 : i32 to vector<16xi32>
    tpu.vector_store_idx %arg6[%get3A_326, %broadcast_in_dim3A_328], %broadcast_in_dim3A_63 masked %eq3A_66 : memref<32x256xf32, #tpu.memory_space<vmem>>[vector<16xi32>, vector<16xi32>], vector<16xf32>, vector<16xi1>
    %get3A_329 = arith.index_cast %add3A_233 : i32 to index
    %get3A_330 = arith.constant 304 : index
    %get3A_331 = tpu.vector_load %arg5[%get3A_329, %get3A_330] {strides = array<i32>} : memref<32x512xi32, #tpu.memory_space<vmem>>, vector<16xi32>,
    %broadcast_in_dim3A_332 = arith.constant 51 : i32
    %broadcast_in_dim3A_333 = vector.broadcast %broadcast_in_dim3A_332 : i32 to vector<16xi32>
    tpu.vector_store_idx %arg6[%get3A_331, %broadcast_in_dim3A_333], %broadcast_in_dim3A_63 masked %eq3A_66 : memref<32x256xf32, #tpu.memory_space<vmem>>[vector<16xi32>, vector<16xi32>], vector<16xf32>, vector<16xi1>
    %get3A_334 = arith.index_cast %add3A_233 : i32 to index
    %get3A_335 = arith.constant 320 : index
    %get3A_336 = tpu.vector_load %arg5[%get3A_334, %get3A_335] {strides = array<i32>} : memref<32x512xi32, #tpu.memory_space<vmem>>, vector<16xi32>,
    %broadcast_in_dim3A_337 = arith.constant 52 : i32
    %broadcast_in_dim3A_338 = vector.broadcast %broadcast_in_dim3A_337 : i32 to vector<16xi32>
    tpu.vector_store_idx %arg6[%get3A_336, %broadcast_in_dim3A_338], %broadcast_in_dim3A_63 masked %eq3A_66 : memref<32x256xf32, #tpu.memory_space<vmem>>[vector<16xi32>, vector<16xi32>], vector<16xf32>, vector<16xi1>
    %get3A_339 = arith.index_cast %add3A_233 : i32 to index
    %get3A_340 = arith.constant 336 : index
    %get3A_341 = tpu.vector_load %arg5[%get3A_339, %get3A_340] {strides = array<i32>} : memref<32x512xi32, #tpu.memory_space<vmem>>, vector<16xi32>,
    %broadcast_in_dim3A_342 = arith.constant 53 : i32
    %broadcast_in_dim3A_343 = vector.broadcast %broadcast_in_dim3A_342 : i32 to vector<16xi32>
    tpu.vector_store_idx %arg6[%get3A_341, %broadcast_in_dim3A_343], %broadcast_in_dim3A_63 masked %eq3A_66 : memref<32x256xf32, #tpu.memory_space<vmem>>[vector<16xi32>, vector<16xi32>], vector<16xf32>, vector<16xi1>
    %get3A_344 = arith.index_cast %add3A_233 : i32 to index
    %get3A_345 = arith.constant 352 : index
    %get3A_346 = tpu.vector_load %arg5[%get3A_344, %get3A_345] {strides = array<i32>} : memref<32x512xi32, #tpu.memory_space<vmem>>, vector<16xi32>,
    %broadcast_in_dim3A_347 = arith.constant 54 : i32
    %broadcast_in_dim3A_348 = vector.broadcast %broadcast_in_dim3A_347 : i32 to vector<16xi32>
    tpu.vector_store_idx %arg6[%get3A_346, %broadcast_in_dim3A_348], %broadcast_in_dim3A_63 masked %eq3A_66 : memref<32x256xf32, #tpu.memory_space<vmem>>[vector<16xi32>, vector<16xi32>], vector<16xf32>, vector<16xi1>
    %get3A_349 = arith.index_cast %add3A_233 : i32 to index
    %get3A_350 = arith.constant 368 : index
    %get3A_351 = tpu.vector_load %arg5[%get3A_349, %get3A_350] {strides = array<i32>} : memref<32x512xi32, #tpu.memory_space<vmem>>, vector<16xi32>,
    %broadcast_in_dim3A_352 = arith.constant 55 : i32
    %broadcast_in_dim3A_353 = vector.broadcast %broadcast_in_dim3A_352 : i32 to vector<16xi32>
    tpu.vector_store_idx %arg6[%get3A_351, %broadcast_in_dim3A_353], %broadcast_in_dim3A_63 masked %eq3A_66 : memref<32x256xf32, #tpu.memory_space<vmem>>[vector<16xi32>, vector<16xi32>], vector<16xf32>, vector<16xi1>
    %get3A_354 = arith.index_cast %add3A_233 : i32 to index
    %get3A_355 = arith.constant 384 : index
    %get3A_356 = tpu.vector_load %arg5[%get3A_354, %get3A_355] {strides = array<i32>} : memref<32x512xi32, #tpu.memory_space<vmem>>, vector<16xi32>,
    %broadcast_in_dim3A_357 = arith.constant 56 : i32
    %broadcast_in_dim3A_358 = vector.broadcast %broadcast_in_dim3A_357 : i32 to vector<16xi32>
    tpu.vector_store_idx %arg6[%get3A_356, %broadcast_in_dim3A_358], %broadcast_in_dim3A_63 masked %eq3A_66 : memref<32x256xf32, #tpu.memory_space<vmem>>[vector<16xi32>, vector<16xi32>], vector<16xf32>, vector<16xi1>
    %get3A_359 = arith.index_cast %add3A_233 : i32 to index
    %get3A_360 = arith.constant 400 : index
    %get3A_361 = tpu.vector_load %arg5[%get3A_359, %get3A_360] {strides = array<i32>} : memref<32x512xi32, #tpu.memory_space<vmem>>, vector<16xi32>,
    %broadcast_in_dim3A_362 = arith.constant 57 : i32
    %broadcast_in_dim3A_363 = vector.broadcast %broadcast_in_dim3A_362 : i32 to vector<16xi32>
    tpu.vector_store_idx %arg6[%get3A_361, %broadcast_in_dim3A_363], %broadcast_in_dim3A_63 masked %eq3A_66 : memref<32x256xf32, #tpu.memory_space<vmem>>[vector<16xi32>, vector<16xi32>], vector<16xf32>, vector<16xi1>
    %get3A_364 = arith.index_cast %add3A_233 : i32 to index
    %get3A_365 = arith.constant 416 : index
    %get3A_366 = tpu.vector_load %arg5[%get3A_364, %get3A_365] {strides = array<i32>} : memref<32x512xi32, #tpu.memory_space<vmem>>, vector<16xi32>,
    %broadcast_in_dim3A_367 = arith.constant 58 : i32
    %broadcast_in_dim3A_368 = vector.broadcast %broadcast_in_dim3A_367 : i32 to vector<16xi32>
    tpu.vector_store_idx %arg6[%get3A_366, %broadcast_in_dim3A_368], %broadcast_in_dim3A_63 masked %eq3A_66 : memref<32x256xf32, #tpu.memory_space<vmem>>[vector<16xi32>, vector<16xi32>], vector<16xf32>, vector<16xi1>
    %get3A_369 = arith.index_cast %add3A_233 : i32 to index
    %get3A_370 = arith.constant 432 : index
    %get3A_371 = tpu.vector_load %arg5[%get3A_369, %get3A_370] {strides = array<i32>} : memref<32x512xi32, #tpu.memory_space<vmem>>, vector<16xi32>,
    %broadcast_in_dim3A_372 = arith.constant 59 : i32
    %broadcast_in_dim3A_373 = vector.broadcast %broadcast_in_dim3A_372 : i32 to vector<16xi32>
    tpu.vector_store_idx %arg6[%get3A_371, %broadcast_in_dim3A_373], %broadcast_in_dim3A_63 masked %eq3A_66 : memref<32x256xf32, #tpu.memory_space<vmem>>[vector<16xi32>, vector<16xi32>], vector<16xf32>, vector<16xi1>
    %get3A_374 = arith.index_cast %add3A_233 : i32 to index
    %get3A_375 = arith.constant 448 : index
    %get3A_376 = tpu.vector_load %arg5[%get3A_374, %get3A_375] {strides = array<i32>} : memref<32x512xi32, #tpu.memory_space<vmem>>, vector<16xi32>,
    %broadcast_in_dim3A_377 = arith.constant 60 : i32
    %broadcast_in_dim3A_378 = vector.broadcast %broadcast_in_dim3A_377 : i32 to vector<16xi32>
    tpu.vector_store_idx %arg6[%get3A_376, %broadcast_in_dim3A_378], %broadcast_in_dim3A_63 masked %eq3A_66 : memref<32x256xf32, #tpu.memory_space<vmem>>[vector<16xi32>, vector<16xi32>], vector<16xf32>, vector<16xi1>
    %get3A_379 = arith.index_cast %add3A_233 : i32 to index
    %get3A_380 = arith.constant 464 : index
    %get3A_381 = tpu.vector_load %arg5[%get3A_379, %get3A_380] {strides = array<i32>} : memref<32x512xi32, #tpu.memory_space<vmem>>, vector<16xi32>,
    %broadcast_in_dim3A_382 = arith.constant 61 : i32
    %broadcast_in_dim3A_383 = vector.broadcast %broadcast_in_dim3A_382 : i32 to vector<16xi32>
    tpu.vector_store_idx %arg6[%get3A_381, %broadcast_in_dim3A_383], %broadcast_in_dim3A_63 masked %eq3A_66 : memref<32x256xf32, #tpu.memory_space<vmem>>[vector<16xi32>, vector<16xi32>], vector<16xf32>, vector<16xi1>
    %get3A_384 = arith.index_cast %add3A_233 : i32 to index
    %get3A_385 = arith.constant 480 : index
    %get3A_386 = tpu.vector_load %arg5[%get3A_384, %get3A_385] {strides = array<i32>} : memref<32x512xi32, #tpu.memory_space<vmem>>, vector<16xi32>,
    %broadcast_in_dim3A_387 = arith.constant 62 : i32
    %broadcast_in_dim3A_388 = vector.broadcast %broadcast_in_dim3A_387 : i32 to vector<16xi32>
    tpu.vector_store_idx %arg6[%get3A_386, %broadcast_in_dim3A_388], %broadcast_in_dim3A_63 masked %eq3A_66 : memref<32x256xf32, #tpu.memory_space<vmem>>[vector<16xi32>, vector<16xi32>], vector<16xf32>, vector<16xi1>
    %get3A_389 = arith.index_cast %add3A_233 : i32 to index
    %get3A_390 = arith.constant 496 : index
    %get3A_391 = tpu.vector_load %arg5[%get3A_389, %get3A_390] {strides = array<i32>} : memref<32x512xi32, #tpu.memory_space<vmem>>, vector<16xi32>,
    %broadcast_in_dim3A_392 = arith.constant 63 : i32
    %broadcast_in_dim3A_393 = vector.broadcast %broadcast_in_dim3A_392 : i32 to vector<16xi32>
    tpu.vector_store_idx %arg6[%get3A_391, %broadcast_in_dim3A_393], %broadcast_in_dim3A_63 masked %eq3A_66 : memref<32x256xf32, #tpu.memory_space<vmem>>[vector<16xi32>, vector<16xi32>], vector<16xf32>, vector<16xi1>
    %mul3A_394 = arith.constant 8 : i32
    %mul3A_395 = arith.muli %select_n3A_30, %mul3A_394 : i32
    %add3A_396 = arith.constant 2 : i32
    %add3A_397 = arith.addi %mul3A_395, %add3A_396 : i32
    %get3A_398 = arith.index_cast %add3A_397 : i32 to index
    %get3A_399 = arith.constant 0 : index
    %get3A_400 = tpu.vector_load %arg5[%get3A_398, %get3A_399] {strides = array<i32>} : memref<32x512xi32, #tpu.memory_space<vmem>>, vector<16xi32>,
    %broadcast_in_dim3A_401 = arith.constant 64 : i32
    %broadcast_in_dim3A_402 = vector.broadcast %broadcast_in_dim3A_401 : i32 to vector<16xi32>
    tpu.vector_store_idx %arg6[%get3A_400, %broadcast_in_dim3A_402], %broadcast_in_dim3A_63 masked %eq3A_66 : memref<32x256xf32, #tpu.memory_space<vmem>>[vector<16xi32>, vector<16xi32>], vector<16xf32>, vector<16xi1>
    %get3A_403 = arith.index_cast %add3A_397 : i32 to index
    %get3A_404 = arith.constant 16 : index
    %get3A_405 = tpu.vector_load %arg5[%get3A_403, %get3A_404] {strides = array<i32>} : memref<32x512xi32, #tpu.memory_space<vmem>>, vector<16xi32>,
    %broadcast_in_dim3A_406 = arith.constant 65 : i32
    %broadcast_in_dim3A_407 = vector.broadcast %broadcast_in_dim3A_406 : i32 to vector<16xi32>
    tpu.vector_store_idx %arg6[%get3A_405, %broadcast_in_dim3A_407], %broadcast_in_dim3A_63 masked %eq3A_66 : memref<32x256xf32, #tpu.memory_space<vmem>>[vector<16xi32>, vector<16xi32>], vector<16xf32>, vector<16xi1>
    %get3A_408 = arith.index_cast %add3A_397 : i32 to index
    %get3A_409 = arith.constant 32 : index
    %get3A_410 = tpu.vector_load %arg5[%get3A_408, %get3A_409] {strides = array<i32>} : memref<32x512xi32, #tpu.memory_space<vmem>>, vector<16xi32>,
    %broadcast_in_dim3A_411 = arith.constant 66 : i32
    %broadcast_in_dim3A_412 = vector.broadcast %broadcast_in_dim3A_411 : i32 to vector<16xi32>
    tpu.vector_store_idx %arg6[%get3A_410, %broadcast_in_dim3A_412], %broadcast_in_dim3A_63 masked %eq3A_66 : memref<32x256xf32, #tpu.memory_space<vmem>>[vector<16xi32>, vector<16xi32>], vector<16xf32>, vector<16xi1>
    %get3A_413 = arith.index_cast %add3A_397 : i32 to index
    %get3A_414 = arith.constant 48 : index
    %get3A_415 = tpu.vector_load %arg5[%get3A_413, %get3A_414] {strides = array<i32>} : memref<32x512xi32, #tpu.memory_space<vmem>>, vector<16xi32>,
    %broadcast_in_dim3A_416 = arith.constant 67 : i32
    %broadcast_in_dim3A_417 = vector.broadcast %broadcast_in_dim3A_416 : i32 to vector<16xi32>
    tpu.vector_store_idx %arg6[%get3A_415, %broadcast_in_dim3A_417], %broadcast_in_dim3A_63 masked %eq3A_66 : memref<32x256xf32, #tpu.memory_space<vmem>>[vector<16xi32>, vector<16xi32>], vector<16xf32>, vector<16xi1>
    %get3A_418 = arith.index_cast %add3A_397 : i32 to index
    %get3A_419 = arith.constant 64 : index
    %get3A_420 = tpu.vector_load %arg5[%get3A_418, %get3A_419] {strides = array<i32>} : memref<32x512xi32, #tpu.memory_space<vmem>>, vector<16xi32>,
    %broadcast_in_dim3A_421 = arith.constant 68 : i32
    %broadcast_in_dim3A_422 = vector.broadcast %broadcast_in_dim3A_421 : i32 to vector<16xi32>
    tpu.vector_store_idx %arg6[%get3A_420, %broadcast_in_dim3A_422], %broadcast_in_dim3A_63 masked %eq3A_66 : memref<32x256xf32, #tpu.memory_space<vmem>>[vector<16xi32>, vector<16xi32>], vector<16xf32>, vector<16xi1>
    %get3A_423 = arith.index_cast %add3A_397 : i32 to index
    %get3A_424 = arith.constant 80 : index
    %get3A_425 = tpu.vector_load %arg5[%get3A_423, %get3A_424] {strides = array<i32>} : memref<32x512xi32, #tpu.memory_space<vmem>>, vector<16xi32>,
    %broadcast_in_dim3A_426 = arith.constant 69 : i32
    %broadcast_in_dim3A_427 = vector.broadcast %broadcast_in_dim3A_426 : i32 to vector<16xi32>
    tpu.vector_store_idx %arg6[%get3A_425, %broadcast_in_dim3A_427], %broadcast_in_dim3A_63 masked %eq3A_66 : memref<32x256xf32, #tpu.memory_space<vmem>>[vector<16xi32>, vector<16xi32>], vector<16xf32>, vector<16xi1>
    %get3A_428 = arith.index_cast %add3A_397 : i32 to index
    %get3A_429 = arith.constant 96 : index
    %get3A_430 = tpu.vector_load %arg5[%get3A_428, %get3A_429] {strides = array<i32>} : memref<32x512xi32, #tpu.memory_space<vmem>>, vector<16xi32>,
    %broadcast_in_dim3A_431 = arith.constant 70 : i32
    %broadcast_in_dim3A_432 = vector.broadcast %broadcast_in_dim3A_431 : i32 to vector<16xi32>
    tpu.vector_store_idx %arg6[%get3A_430, %broadcast_in_dim3A_432], %broadcast_in_dim3A_63 masked %eq3A_66 : memref<32x256xf32, #tpu.memory_space<vmem>>[vector<16xi32>, vector<16xi32>], vector<16xf32>, vector<16xi1>
    %get3A_433 = arith.index_cast %add3A_397 : i32 to index
    %get3A_434 = arith.constant 112 : index
    %get3A_435 = tpu.vector_load %arg5[%get3A_433, %get3A_434] {strides = array<i32>} : memref<32x512xi32, #tpu.memory_space<vmem>>, vector<16xi32>,
    %broadcast_in_dim3A_436 = arith.constant 71 : i32
    %broadcast_in_dim3A_437 = vector.broadcast %broadcast_in_dim3A_436 : i32 to vector<16xi32>
    tpu.vector_store_idx %arg6[%get3A_435, %broadcast_in_dim3A_437], %broadcast_in_dim3A_63 masked %eq3A_66 : memref<32x256xf32, #tpu.memory_space<vmem>>[vector<16xi32>, vector<16xi32>], vector<16xf32>, vector<16xi1>
    %get3A_438 = arith.index_cast %add3A_397 : i32 to index
    %get3A_439 = arith.constant 128 : index
    %get3A_440 = tpu.vector_load %arg5[%get3A_438, %get3A_439] {strides = array<i32>} : memref<32x512xi32, #tpu.memory_space<vmem>>, vector<16xi32>,
    %broadcast_in_dim3A_441 = arith.constant 72 : i32
    %broadcast_in_dim3A_442 = vector.broadcast %broadcast_in_dim3A_441 : i32 to vector<16xi32>
    tpu.vector_store_idx %arg6[%get3A_440, %broadcast_in_dim3A_442], %broadcast_in_dim3A_63 masked %eq3A_66 : memref<32x256xf32, #tpu.memory_space<vmem>>[vector<16xi32>, vector<16xi32>], vector<16xf32>, vector<16xi1>
    %get3A_443 = arith.index_cast %add3A_397 : i32 to index
    %get3A_444 = arith.constant 144 : index
    %get3A_445 = tpu.vector_load %arg5[%get3A_443, %get3A_444] {strides = array<i32>} : memref<32x512xi32, #tpu.memory_space<vmem>>, vector<16xi32>,
    %broadcast_in_dim3A_446 = arith.constant 73 : i32
    %broadcast_in_dim3A_447 = vector.broadcast %broadcast_in_dim3A_446 : i32 to vector<16xi32>
    tpu.vector_store_idx %arg6[%get3A_445, %broadcast_in_dim3A_447], %broadcast_in_dim3A_63 masked %eq3A_66 : memref<32x256xf32, #tpu.memory_space<vmem>>[vector<16xi32>, vector<16xi32>], vector<16xf32>, vector<16xi1>
    %get3A_448 = arith.index_cast %add3A_397 : i32 to index
    %get3A_449 = arith.constant 160 : index
    %get3A_450 = tpu.vector_load %arg5[%get3A_448, %get3A_449] {strides = array<i32>} : memref<32x512xi32, #tpu.memory_space<vmem>>, vector<16xi32>,
    %broadcast_in_dim3A_451 = arith.constant 74 : i32
    %broadcast_in_dim3A_452 = vector.broadcast %broadcast_in_dim3A_451 : i32 to vector<16xi32>
    tpu.vector_store_idx %arg6[%get3A_450, %broadcast_in_dim3A_452], %broadcast_in_dim3A_63 masked %eq3A_66 : memref<32x256xf32, #tpu.memory_space<vmem>>[vector<16xi32>, vector<16xi32>], vector<16xf32>, vector<16xi1>
    %get3A_453 = arith.index_cast %add3A_397 : i32 to index
    %get3A_454 = arith.constant 176 : index
    %get3A_455 = tpu.vector_load %arg5[%get3A_453, %get3A_454] {strides = array<i32>} : memref<32x512xi32, #tpu.memory_space<vmem>>, vector<16xi32>,
    %broadcast_in_dim3A_456 = arith.constant 75 : i32
    %broadcast_in_dim3A_457 = vector.broadcast %broadcast_in_dim3A_456 : i32 to vector<16xi32>
    tpu.vector_store_idx %arg6[%get3A_455, %broadcast_in_dim3A_457], %broadcast_in_dim3A_63 masked %eq3A_66 : memref<32x256xf32, #tpu.memory_space<vmem>>[vector<16xi32>, vector<16xi32>], vector<16xf32>, vector<16xi1>
    %get3A_458 = arith.index_cast %add3A_397 : i32 to index
    %get3A_459 = arith.constant 192 : index
    %get3A_460 = tpu.vector_load %arg5[%get3A_458, %get3A_459] {strides = array<i32>} : memref<32x512xi32, #tpu.memory_space<vmem>>, vector<16xi32>,
    %broadcast_in_dim3A_461 = arith.constant 76 : i32
    %broadcast_in_dim3A_462 = vector.broadcast %broadcast_in_dim3A_461 : i32 to vector<16xi32>
    tpu.vector_store_idx %arg6[%get3A_460, %broadcast_in_dim3A_462], %broadcast_in_dim3A_63 masked %eq3A_66 : memref<32x256xf32, #tpu.memory_space<vmem>>[vector<16xi32>, vector<16xi32>], vector<16xf32>, vector<16xi1>
    %get3A_463 = arith.index_cast %add3A_397 : i32 to index
    %get3A_464 = arith.constant 208 : index
    %get3A_465 = tpu.vector_load %arg5[%get3A_463, %get3A_464] {strides = array<i32>} : memref<32x512xi32, #tpu.memory_space<vmem>>, vector<16xi32>,
    %broadcast_in_dim3A_466 = arith.constant 77 : i32
    %broadcast_in_dim3A_467 = vector.broadcast %broadcast_in_dim3A_466 : i32 to vector<16xi32>
    tpu.vector_store_idx %arg6[%get3A_465, %broadcast_in_dim3A_467], %broadcast_in_dim3A_63 masked %eq3A_66 : memref<32x256xf32, #tpu.memory_space<vmem>>[vector<16xi32>, vector<16xi32>], vector<16xf32>, vector<16xi1>
    %get3A_468 = arith.index_cast %add3A_397 : i32 to index
    %get3A_469 = arith.constant 224 : index
    %get3A_470 = tpu.vector_load %arg5[%get3A_468, %get3A_469] {strides = array<i32>} : memref<32x512xi32, #tpu.memory_space<vmem>>, vector<16xi32>,
    %broadcast_in_dim3A_471 = arith.constant 78 : i32
    %broadcast_in_dim3A_472 = vector.broadcast %broadcast_in_dim3A_471 : i32 to vector<16xi32>
    tpu.vector_store_idx %arg6[%get3A_470, %broadcast_in_dim3A_472], %broadcast_in_dim3A_63 masked %eq3A_66 : memref<32x256xf32, #tpu.memory_space<vmem>>[vector<16xi32>, vector<16xi32>], vector<16xf32>, vector<16xi1>
    %get3A_473 = arith.index_cast %add3A_397 : i32 to index
    %get3A_474 = arith.constant 240 : index
    %get3A_475 = tpu.vector_load %arg5[%get3A_473, %get3A_474] {strides = array<i32>} : memref<32x512xi32, #tpu.memory_space<vmem>>, vector<16xi32>,
    %broadcast_in_dim3A_476 = arith.constant 79 : i32
    %broadcast_in_dim3A_477 = vector.broadcast %broadcast_in_dim3A_476 : i32 to vector<16xi32>
    tpu.vector_store_idx %arg6[%get3A_475, %broadcast_in_dim3A_477], %broadcast_in_dim3A_63 masked %eq3A_66 : memref<32x256xf32, #tpu.memory_space<vmem>>[vector<16xi32>, vector<16xi32>], vector<16xf32>, vector<16xi1>
    %get3A_478 = arith.index_cast %add3A_397 : i32 to index
    %get3A_479 = arith.constant 256 : index
    %get3A_480 = tpu.vector_load %arg5[%get3A_478, %get3A_479] {strides = array<i32>} : memref<32x512xi32, #tpu.memory_space<vmem>>, vector<16xi32>,
    %broadcast_in_dim3A_481 = arith.constant 80 : i32
    %broadcast_in_dim3A_482 = vector.broadcast %broadcast_in_dim3A_481 : i32 to vector<16xi32>
    tpu.vector_store_idx %arg6[%get3A_480, %broadcast_in_dim3A_482], %broadcast_in_dim3A_63 masked %eq3A_66 : memref<32x256xf32, #tpu.memory_space<vmem>>[vector<16xi32>, vector<16xi32>], vector<16xf32>, vector<16xi1>
    %get3A_483 = arith.index_cast %add3A_397 : i32 to index
    %get3A_484 = arith.constant 272 : index
    %get3A_485 = tpu.vector_load %arg5[%get3A_483, %get3A_484] {strides = array<i32>} : memref<32x512xi32, #tpu.memory_space<vmem>>, vector<16xi32>,
    %broadcast_in_dim3A_486 = arith.constant 81 : i32
    %broadcast_in_dim3A_487 = vector.broadcast %broadcast_in_dim3A_486 : i32 to vector<16xi32>
    tpu.vector_store_idx %arg6[%get3A_485, %broadcast_in_dim3A_487], %broadcast_in_dim3A_63 masked %eq3A_66 : memref<32x256xf32, #tpu.memory_space<vmem>>[vector<16xi32>, vector<16xi32>], vector<16xf32>, vector<16xi1>
    %get3A_488 = arith.index_cast %add3A_397 : i32 to index
    %get3A_489 = arith.constant 288 : index
    %get3A_490 = tpu.vector_load %arg5[%get3A_488, %get3A_489] {strides = array<i32>} : memref<32x512xi32, #tpu.memory_space<vmem>>, vector<16xi32>,
    %broadcast_in_dim3A_491 = arith.constant 82 : i32
    %broadcast_in_dim3A_492 = vector.broadcast %broadcast_in_dim3A_491 : i32 to vector<16xi32>
    tpu.vector_store_idx %arg6[%get3A_490, %broadcast_in_dim3A_492], %broadcast_in_dim3A_63 masked %eq3A_66 : memref<32x256xf32, #tpu.memory_space<vmem>>[vector<16xi32>, vector<16xi32>], vector<16xf32>, vector<16xi1>
    %get3A_493 = arith.index_cast %add3A_397 : i32 to index
    %get3A_494 = arith.constant 304 : index
    %get3A_495 = tpu.vector_load %arg5[%get3A_493, %get3A_494] {strides = array<i32>} : memref<32x512xi32, #tpu.memory_space<vmem>>, vector<16xi32>,
    %broadcast_in_dim3A_496 = arith.constant 83 : i32
    %broadcast_in_dim3A_497 = vector.broadcast %broadcast_in_dim3A_496 : i32 to vector<16xi32>
    tpu.vector_store_idx %arg6[%get3A_495, %broadcast_in_dim3A_497], %broadcast_in_dim3A_63 masked %eq3A_66 : memref<32x256xf32, #tpu.memory_space<vmem>>[vector<16xi32>, vector<16xi32>], vector<16xf32>, vector<16xi1>
    %get3A_498 = arith.index_cast %add3A_397 : i32 to index
    %get3A_499 = arith.constant 320 : index
    %get3A_500 = tpu.vector_load %arg5[%get3A_498, %get3A_499] {strides = array<i32>} : memref<32x512xi32, #tpu.memory_space<vmem>>, vector<16xi32>,
    %broadcast_in_dim3A_501 = arith.constant 84 : i32
    %broadcast_in_dim3A_502 = vector.broadcast %broadcast_in_dim3A_501 : i32 to vector<16xi32>
    tpu.vector_store_idx %arg6[%get3A_500, %broadcast_in_dim3A_502], %broadcast_in_dim3A_63 masked %eq3A_66 : memref<32x256xf32, #tpu.memory_space<vmem>>[vector<16xi32>, vector<16xi32>], vector<16xf32>, vector<16xi1>
    %get3A_503 = arith.index_cast %add3A_397 : i32 to index
    %get3A_504 = arith.constant 336 : index
    %get3A_505 = tpu.vector_load %arg5[%get3A_503, %get3A_504] {strides = array<i32>} : memref<32x512xi32, #tpu.memory_space<vmem>>, vector<16xi32>,
    %broadcast_in_dim3A_506 = arith.constant 85 : i32
    %broadcast_in_dim3A_507 = vector.broadcast %broadcast_in_dim3A_506 : i32 to vector<16xi32>
    tpu.vector_store_idx %arg6[%get3A_505, %broadcast_in_dim3A_507], %broadcast_in_dim3A_63 masked %eq3A_66 : memref<32x256xf32, #tpu.memory_space<vmem>>[vector<16xi32>, vector<16xi32>], vector<16xf32>, vector<16xi1>
    %get3A_508 = arith.index_cast %add3A_397 : i32 to index
    %get3A_509 = arith.constant 352 : index
    %get3A_510 = tpu.vector_load %arg5[%get3A_508, %get3A_509] {strides = array<i32>} : memref<32x512xi32, #tpu.memory_space<vmem>>, vector<16xi32>,
    %broadcast_in_dim3A_511 = arith.constant 86 : i32
    %broadcast_in_dim3A_512 = vector.broadcast %broadcast_in_dim3A_511 : i32 to vector<16xi32>
    tpu.vector_store_idx %arg6[%get3A_510, %broadcast_in_dim3A_512], %broadcast_in_dim3A_63 masked %eq3A_66 : memref<32x256xf32, #tpu.memory_space<vmem>>[vector<16xi32>, vector<16xi32>], vector<16xf32>, vector<16xi1>
    %get3A_513 = arith.index_cast %add3A_397 : i32 to index
    %get3A_514 = arith.constant 368 : index
    %get3A_515 = tpu.vector_load %arg5[%get3A_513, %get3A_514] {strides = array<i32>} : memref<32x512xi32, #tpu.memory_space<vmem>>, vector<16xi32>,
    %broadcast_in_dim3A_516 = arith.constant 87 : i32
    %broadcast_in_dim3A_517 = vector.broadcast %broadcast_in_dim3A_516 : i32 to vector<16xi32>
    tpu.vector_store_idx %arg6[%get3A_515, %broadcast_in_dim3A_517], %broadcast_in_dim3A_63 masked %eq3A_66 : memref<32x256xf32, #tpu.memory_space<vmem>>[vector<16xi32>, vector<16xi32>], vector<16xf32>, vector<16xi1>
    %get3A_518 = arith.index_cast %add3A_397 : i32 to index
    %get3A_519 = arith.constant 384 : index
    %get3A_520 = tpu.vector_load %arg5[%get3A_518, %get3A_519] {strides = array<i32>} : memref<32x512xi32, #tpu.memory_space<vmem>>, vector<16xi32>,
    %broadcast_in_dim3A_521 = arith.constant 88 : i32
    %broadcast_in_dim3A_522 = vector.broadcast %broadcast_in_dim3A_521 : i32 to vector<16xi32>
    tpu.vector_store_idx %arg6[%get3A_520, %broadcast_in_dim3A_522], %broadcast_in_dim3A_63 masked %eq3A_66 : memref<32x256xf32, #tpu.memory_space<vmem>>[vector<16xi32>, vector<16xi32>], vector<16xf32>, vector<16xi1>
    %get3A_523 = arith.index_cast %add3A_397 : i32 to index
    %get3A_524 = arith.constant 400 : index
    %get3A_525 = tpu.vector_load %arg5[%get3A_523, %get3A_524] {strides = array<i32>} : memref<32x512xi32, #tpu.memory_space<vmem>>, vector<16xi32>,
    %broadcast_in_dim3A_526 = arith.constant 89 : i32
    %broadcast_in_dim3A_527 = vector.broadcast %broadcast_in_dim3A_526 : i32 to vector<16xi32>
    tpu.vector_store_idx %arg6[%get3A_525, %broadcast_in_dim3A_527], %broadcast_in_dim3A_63 masked %eq3A_66 : memref<32x256xf32, #tpu.memory_space<vmem>>[vector<16xi32>, vector<16xi32>], vector<16xf32>, vector<16xi1>
    %get3A_528 = arith.index_cast %add3A_397 : i32 to index
    %get3A_529 = arith.constant 416 : index
    %get3A_530 = tpu.vector_load %arg5[%get3A_528, %get3A_529] {strides = array<i32>} : memref<32x512xi32, #tpu.memory_space<vmem>>, vector<16xi32>,
    %broadcast_in_dim3A_531 = arith.constant 90 : i32
    %broadcast_in_dim3A_532 = vector.broadcast %broadcast_in_dim3A_531 : i32 to vector<16xi32>
    tpu.vector_store_idx %arg6[%get3A_530, %broadcast_in_dim3A_532], %broadcast_in_dim3A_63 masked %eq3A_66 : memref<32x256xf32, #tpu.memory_space<vmem>>[vector<16xi32>, vector<16xi32>], vector<16xf32>, vector<16xi1>
    %get3A_533 = arith.index_cast %add3A_397 : i32 to index
    %get3A_534 = arith.constant 432 : index
    %get3A_535 = tpu.vector_load %arg5[%get3A_533, %get3A_534] {strides = array<i32>} : memref<32x512xi32, #tpu.memory_space<vmem>>, vector<16xi32>,
    %broadcast_in_dim3A_536 = arith.constant 91 : i32
    %broadcast_in_dim3A_537 = vector.broadcast %broadcast_in_dim3A_536 : i32 to vector<16xi32>
    tpu.vector_store_idx %arg6[%get3A_535, %broadcast_in_dim3A_537], %broadcast_in_dim3A_63 masked %eq3A_66 : memref<32x256xf32, #tpu.memory_space<vmem>>[vector<16xi32>, vector<16xi32>], vector<16xf32>, vector<16xi1>
    %get3A_538 = arith.index_cast %add3A_397 : i32 to index
    %get3A_539 = arith.constant 448 : index
    %get3A_540 = tpu.vector_load %arg5[%get3A_538, %get3A_539] {strides = array<i32>} : memref<32x512xi32, #tpu.memory_space<vmem>>, vector<16xi32>,
    %broadcast_in_dim3A_541 = arith.constant 92 : i32
    %broadcast_in_dim3A_542 = vector.broadcast %broadcast_in_dim3A_541 : i32 to vector<16xi32>
    tpu.vector_store_idx %arg6[%get3A_540, %broadcast_in_dim3A_542], %broadcast_in_dim3A_63 masked %eq3A_66 : memref<32x256xf32, #tpu.memory_space<vmem>>[vector<16xi32>, vector<16xi32>], vector<16xf32>, vector<16xi1>
    %get3A_543 = arith.index_cast %add3A_397 : i32 to index
    %get3A_544 = arith.constant 464 : index
    %get3A_545 = tpu.vector_load %arg5[%get3A_543, %get3A_544] {strides = array<i32>} : memref<32x512xi32, #tpu.memory_space<vmem>>, vector<16xi32>,
    %broadcast_in_dim3A_546 = arith.constant 93 : i32
    %broadcast_in_dim3A_547 = vector.broadcast %broadcast_in_dim3A_546 : i32 to vector<16xi32>
    tpu.vector_store_idx %arg6[%get3A_545, %broadcast_in_dim3A_547], %broadcast_in_dim3A_63 masked %eq3A_66 : memref<32x256xf32, #tpu.memory_space<vmem>>[vector<16xi32>, vector<16xi32>], vector<16xf32>, vector<16xi1>
    %get3A_548 = arith.index_cast %add3A_397 : i32 to index
    %get3A_549 = arith.constant 480 : index
    %get3A_550 = tpu.vector_load %arg5[%get3A_548, %get3A_549] {strides = array<i32>} : memref<32x512xi32, #tpu.memory_space<vmem>>, vector<16xi32>,
    %broadcast_in_dim3A_551 = arith.constant 94 : i32
    %broadcast_in_dim3A_552 = vector.broadcast %broadcast_in_dim3A_551 : i32 to vector<16xi32>
    tpu.vector_store_idx %arg6[%get3A_550, %broadcast_in_dim3A_552], %broadcast_in_dim3A_63 masked %eq3A_66 : memref<32x256xf32, #tpu.memory_space<vmem>>[vector<16xi32>, vector<16xi32>], vector<16xf32>, vector<16xi1>
    %get3A_553 = arith.index_cast %add3A_397 : i32 to index
    %get3A_554 = arith.constant 496 : index
    %get3A_555 = tpu.vector_load %arg5[%get3A_553, %get3A_554] {strides = array<i32>} : memref<32x512xi32, #tpu.memory_space<vmem>>, vector<16xi32>,
    %broadcast_in_dim3A_556 = arith.constant 95 : i32
    %broadcast_in_dim3A_557 = vector.broadcast %broadcast_in_dim3A_556 : i32 to vector<16xi32>
    tpu.vector_store_idx %arg6[%get3A_555, %broadcast_in_dim3A_557], %broadcast_in_dim3A_63 masked %eq3A_66 : memref<32x256xf32, #tpu.memory_space<vmem>>[vector<16xi32>, vector<16xi32>], vector<16xf32>, vector<16xi1>
    %mul3A_558 = arith.constant 8 : i32
    %mul3A_559 = arith.muli %select_n3A_30, %mul3A_558 : i32
    %add3A_560 = arith.constant 3 : i32
    %add3A_561 = arith.addi %mul3A_559, %add3A_560 : i32
    %get3A_562 = arith.index_cast %add3A_561 : i32 to index
    %get3A_563 = arith.constant 0 : index
    %get3A_564 = tpu.vector_load %arg5[%get3A_562, %get3A_563] {strides = array<i32>} : memref<32x512xi32, #tpu.memory_space<vmem>>, vector<16xi32>,
    %broadcast_in_dim3A_565 = arith.constant 96 : i32
    %broadcast_in_dim3A_566 = vector.broadcast %broadcast_in_dim3A_565 : i32 to vector<16xi32>
    tpu.vector_store_idx %arg6[%get3A_564, %broadcast_in_dim3A_566], %broadcast_in_dim3A_63 masked %eq3A_66 : memref<32x256xf32, #tpu.memory_space<vmem>>[vector<16xi32>, vector<16xi32>], vector<16xf32>, vector<16xi1>
    %get3A_567 = arith.index_cast %add3A_561 : i32 to index
    %get3A_568 = arith.constant 16 : index
    %get3A_569 = tpu.vector_load %arg5[%get3A_567, %get3A_568] {strides = array<i32>} : memref<32x512xi32, #tpu.memory_space<vmem>>, vector<16xi32>,
    %broadcast_in_dim3A_570 = arith.constant 97 : i32
    %broadcast_in_dim3A_571 = vector.broadcast %broadcast_in_dim3A_570 : i32 to vector<16xi32>
    tpu.vector_store_idx %arg6[%get3A_569, %broadcast_in_dim3A_571], %broadcast_in_dim3A_63 masked %eq3A_66 : memref<32x256xf32, #tpu.memory_space<vmem>>[vector<16xi32>, vector<16xi32>], vector<16xf32>, vector<16xi1>
    %get3A_572 = arith.index_cast %add3A_561 : i32 to index
    %get3A_573 = arith.constant 32 : index
    %get3A_574 = tpu.vector_load %arg5[%get3A_572, %get3A_573] {strides = array<i32>} : memref<32x512xi32, #tpu.memory_space<vmem>>, vector<16xi32>,
    %broadcast_in_dim3A_575 = arith.constant 98 : i32
    %broadcast_in_dim3A_576 = vector.broadcast %broadcast_in_dim3A_575 : i32 to vector<16xi32>
    tpu.vector_store_idx %arg6[%get3A_574, %broadcast_in_dim3A_576], %broadcast_in_dim3A_63 masked %eq3A_66 : memref<32x256xf32, #tpu.memory_space<vmem>>[vector<16xi32>, vector<16xi32>], vector<16xf32>, vector<16xi1>
    %get3A_577 = arith.index_cast %add3A_561 : i32 to index
    %get3A_578 = arith.constant 48 : index
    %get3A_579 = tpu.vector_load %arg5[%get3A_577, %get3A_578] {strides = array<i32>} : memref<32x512xi32, #tpu.memory_space<vmem>>, vector<16xi32>,
    %broadcast_in_dim3A_580 = arith.constant 99 : i32
    %broadcast_in_dim3A_581 = vector.broadcast %broadcast_in_dim3A_580 : i32 to vector<16xi32>
    tpu.vector_store_idx %arg6[%get3A_579, %broadcast_in_dim3A_581], %broadcast_in_dim3A_63 masked %eq3A_66 : memref<32x256xf32, #tpu.memory_space<vmem>>[vector<16xi32>, vector<16xi32>], vector<16xf32>, vector<16xi1>
    %get3A_582 = arith.index_cast %add3A_561 : i32 to index
    %get3A_583 = arith.constant 64 : index
    %get3A_584 = tpu.vector_load %arg5[%get3A_582, %get3A_583] {strides = array<i32>} : memref<32x512xi32, #tpu.memory_space<vmem>>, vector<16xi32>,
    %broadcast_in_dim3A_585 = arith.constant 100 : i32
    %broadcast_in_dim3A_586 = vector.broadcast %broadcast_in_dim3A_585 : i32 to vector<16xi32>
    tpu.vector_store_idx %arg6[%get3A_584, %broadcast_in_dim3A_586], %broadcast_in_dim3A_63 masked %eq3A_66 : memref<32x256xf32, #tpu.memory_space<vmem>>[vector<16xi32>, vector<16xi32>], vector<16xf32>, vector<16xi1>
    %get3A_587 = arith.index_cast %add3A_561 : i32 to index
    %get3A_588 = arith.constant 80 : index
    %get3A_589 = tpu.vector_load %arg5[%get3A_587, %get3A_588] {strides = array<i32>} : memref<32x512xi32, #tpu.memory_space<vmem>>, vector<16xi32>,
    %broadcast_in_dim3A_590 = arith.constant 101 : i32
    %broadcast_in_dim3A_591 = vector.broadcast %broadcast_in_dim3A_590 : i32 to vector<16xi32>
    tpu.vector_store_idx %arg6[%get3A_589, %broadcast_in_dim3A_591], %broadcast_in_dim3A_63 masked %eq3A_66 : memref<32x256xf32, #tpu.memory_space<vmem>>[vector<16xi32>, vector<16xi32>], vector<16xf32>, vector<16xi1>
    %get3A_592 = arith.index_cast %add3A_561 : i32 to index
    %get3A_593 = arith.constant 96 : index
    %get3A_594 = tpu.vector_load %arg5[%get3A_592, %get3A_593] {strides = array<i32>} : memref<32x512xi32, #tpu.memory_space<vmem>>, vector<16xi32>,
    %broadcast_in_dim3A_595 = arith.constant 102 : i32
    %broadcast_in_dim3A_596 = vector.broadcast %broadcast_in_dim3A_595 : i32 to vector<16xi32>
    tpu.vector_store_idx %arg6[%get3A_594, %broadcast_in_dim3A_596], %broadcast_in_dim3A_63 masked %eq3A_66 : memref<32x256xf32, #tpu.memory_space<vmem>>[vector<16xi32>, vector<16xi32>], vector<16xf32>, vector<16xi1>
    %get3A_597 = arith.index_cast %add3A_561 : i32 to index
    %get3A_598 = arith.constant 112 : index
    %get3A_599 = tpu.vector_load %arg5[%get3A_597, %get3A_598] {strides = array<i32>} : memref<32x512xi32, #tpu.memory_space<vmem>>, vector<16xi32>,
    %broadcast_in_dim3A_600 = arith.constant 103 : i32
    %broadcast_in_dim3A_601 = vector.broadcast %broadcast_in_dim3A_600 : i32 to vector<16xi32>
    tpu.vector_store_idx %arg6[%get3A_599, %broadcast_in_dim3A_601], %broadcast_in_dim3A_63 masked %eq3A_66 : memref<32x256xf32, #tpu.memory_space<vmem>>[vector<16xi32>, vector<16xi32>], vector<16xf32>, vector<16xi1>
    %get3A_602 = arith.index_cast %add3A_561 : i32 to index
    %get3A_603 = arith.constant 128 : index
    %get3A_604 = tpu.vector_load %arg5[%get3A_602, %get3A_603] {strides = array<i32>} : memref<32x512xi32, #tpu.memory_space<vmem>>, vector<16xi32>,
    %broadcast_in_dim3A_605 = arith.constant 104 : i32
    %broadcast_in_dim3A_606 = vector.broadcast %broadcast_in_dim3A_605 : i32 to vector<16xi32>
    tpu.vector_store_idx %arg6[%get3A_604, %broadcast_in_dim3A_606], %broadcast_in_dim3A_63 masked %eq3A_66 : memref<32x256xf32, #tpu.memory_space<vmem>>[vector<16xi32>, vector<16xi32>], vector<16xf32>, vector<16xi1>
    %get3A_607 = arith.index_cast %add3A_561 : i32 to index
    %get3A_608 = arith.constant 144 : index
    %get3A_609 = tpu.vector_load %arg5[%get3A_607, %get3A_608] {strides = array<i32>} : memref<32x512xi32, #tpu.memory_space<vmem>>, vector<16xi32>,
    %broadcast_in_dim3A_610 = arith.constant 105 : i32
    %broadcast_in_dim3A_611 = vector.broadcast %broadcast_in_dim3A_610 : i32 to vector<16xi32>
    tpu.vector_store_idx %arg6[%get3A_609, %broadcast_in_dim3A_611], %broadcast_in_dim3A_63 masked %eq3A_66 : memref<32x256xf32, #tpu.memory_space<vmem>>[vector<16xi32>, vector<16xi32>], vector<16xf32>, vector<16xi1>
    %get3A_612 = arith.index_cast %add3A_561 : i32 to index
    %get3A_613 = arith.constant 160 : index
    %get3A_614 = tpu.vector_load %arg5[%get3A_612, %get3A_613] {strides = array<i32>} : memref<32x512xi32, #tpu.memory_space<vmem>>, vector<16xi32>,
    %broadcast_in_dim3A_615 = arith.constant 106 : i32
    %broadcast_in_dim3A_616 = vector.broadcast %broadcast_in_dim3A_615 : i32 to vector<16xi32>
    tpu.vector_store_idx %arg6[%get3A_614, %broadcast_in_dim3A_616], %broadcast_in_dim3A_63 masked %eq3A_66 : memref<32x256xf32, #tpu.memory_space<vmem>>[vector<16xi32>, vector<16xi32>], vector<16xf32>, vector<16xi1>
    %get3A_617 = arith.index_cast %add3A_561 : i32 to index
    %get3A_618 = arith.constant 176 : index
    %get3A_619 = tpu.vector_load %arg5[%get3A_617, %get3A_618] {strides = array<i32>} : memref<32x512xi32, #tpu.memory_space<vmem>>, vector<16xi32>,
    %broadcast_in_dim3A_620 = arith.constant 107 : i32
    %broadcast_in_dim3A_621 = vector.broadcast %broadcast_in_dim3A_620 : i32 to vector<16xi32>
    tpu.vector_store_idx %arg6[%get3A_619, %broadcast_in_dim3A_621], %broadcast_in_dim3A_63 masked %eq3A_66 : memref<32x256xf32, #tpu.memory_space<vmem>>[vector<16xi32>, vector<16xi32>], vector<16xf32>, vector<16xi1>
    %get3A_622 = arith.index_cast %add3A_561 : i32 to index
    %get3A_623 = arith.constant 192 : index
    %get3A_624 = tpu.vector_load %arg5[%get3A_622, %get3A_623] {strides = array<i32>} : memref<32x512xi32, #tpu.memory_space<vmem>>, vector<16xi32>,
    %broadcast_in_dim3A_625 = arith.constant 108 : i32
    %broadcast_in_dim3A_626 = vector.broadcast %broadcast_in_dim3A_625 : i32 to vector<16xi32>
    tpu.vector_store_idx %arg6[%get3A_624, %broadcast_in_dim3A_626], %broadcast_in_dim3A_63 masked %eq3A_66 : memref<32x256xf32, #tpu.memory_space<vmem>>[vector<16xi32>, vector<16xi32>], vector<16xf32>, vector<16xi1>
    %get3A_627 = arith.index_cast %add3A_561 : i32 to index
    %get3A_628 = arith.constant 208 : index
    %get3A_629 = tpu.vector_load %arg5[%get3A_627, %get3A_628] {strides = array<i32>} : memref<32x512xi32, #tpu.memory_space<vmem>>, vector<16xi32>,
    %broadcast_in_dim3A_630 = arith.constant 109 : i32
    %broadcast_in_dim3A_631 = vector.broadcast %broadcast_in_dim3A_630 : i32 to vector<16xi32>
    tpu.vector_store_idx %arg6[%get3A_629, %broadcast_in_dim3A_631], %broadcast_in_dim3A_63 masked %eq3A_66 : memref<32x256xf32, #tpu.memory_space<vmem>>[vector<16xi32>, vector<16xi32>], vector<16xf32>, vector<16xi1>
    %get3A_632 = arith.index_cast %add3A_561 : i32 to index
    %get3A_633 = arith.constant 224 : index
    %get3A_634 = tpu.vector_load %arg5[%get3A_632, %get3A_633] {strides = array<i32>} : memref<32x512xi32, #tpu.memory_space<vmem>>, vector<16xi32>,
    %broadcast_in_dim3A_635 = arith.constant 110 : i32
    %broadcast_in_dim3A_636 = vector.broadcast %broadcast_in_dim3A_635 : i32 to vector<16xi32>
    tpu.vector_store_idx %arg6[%get3A_634, %broadcast_in_dim3A_636], %broadcast_in_dim3A_63 masked %eq3A_66 : memref<32x256xf32, #tpu.memory_space<vmem>>[vector<16xi32>, vector<16xi32>], vector<16xf32>, vector<16xi1>
    %get3A_637 = arith.index_cast %add3A_561 : i32 to index
    %get3A_638 = arith.constant 240 : index
    %get3A_639 = tpu.vector_load %arg5[%get3A_637, %get3A_638] {strides = array<i32>} : memref<32x512xi32, #tpu.memory_space<vmem>>, vector<16xi32>,
    %broadcast_in_dim3A_640 = arith.constant 111 : i32
    %broadcast_in_dim3A_641 = vector.broadcast %broadcast_in_dim3A_640 : i32 to vector<16xi32>
    tpu.vector_store_idx %arg6[%get3A_639, %broadcast_in_dim3A_641], %broadcast_in_dim3A_63 masked %eq3A_66 : memref<32x256xf32, #tpu.memory_space<vmem>>[vector<16xi32>, vector<16xi32>], vector<16xf32>, vector<16xi1>
    %get3A_642 = arith.index_cast %add3A_561 : i32 to index
    %get3A_643 = arith.constant 256 : index
    %get3A_644 = tpu.vector_load %arg5[%get3A_642, %get3A_643] {strides = array<i32>} : memref<32x512xi32, #tpu.memory_space<vmem>>, vector<16xi32>,
    %broadcast_in_dim3A_645 = arith.constant 112 : i32
    %broadcast_in_dim3A_646 = vector.broadcast %broadcast_in_dim3A_645 : i32 to vector<16xi32>
    tpu.vector_store_idx %arg6[%get3A_644, %broadcast_in_dim3A_646], %broadcast_in_dim3A_63 masked %eq3A_66 : memref<32x256xf32, #tpu.memory_space<vmem>>[vector<16xi32>, vector<16xi32>], vector<16xf32>, vector<16xi1>
    %get3A_647 = arith.index_cast %add3A_561 : i32 to index
    %get3A_648 = arith.constant 272 : index
    %get3A_649 = tpu.vector_load %arg5[%get3A_647, %get3A_648] {strides = array<i32>} : memref<32x512xi32, #tpu.memory_space<vmem>>, vector<16xi32>,
    %broadcast_in_dim3A_650 = arith.constant 113 : i32
    %broadcast_in_dim3A_651 = vector.broadcast %broadcast_in_dim3A_650 : i32 to vector<16xi32>
    tpu.vector_store_idx %arg6[%get3A_649, %broadcast_in_dim3A_651], %broadcast_in_dim3A_63 masked %eq3A_66 : memref<32x256xf32, #tpu.memory_space<vmem>>[vector<16xi32>, vector<16xi32>], vector<16xf32>, vector<16xi1>
    %get3A_652 = arith.index_cast %add3A_561 : i32 to index
    %get3A_653 = arith.constant 288 : index
    %get3A_654 = tpu.vector_load %arg5[%get3A_652, %get3A_653] {strides = array<i32>} : memref<32x512xi32, #tpu.memory_space<vmem>>, vector<16xi32>,
    %broadcast_in_dim3A_655 = arith.constant 114 : i32
    %broadcast_in_dim3A_656 = vector.broadcast %broadcast_in_dim3A_655 : i32 to vector<16xi32>
    tpu.vector_store_idx %arg6[%get3A_654, %broadcast_in_dim3A_656], %broadcast_in_dim3A_63 masked %eq3A_66 : memref<32x256xf32, #tpu.memory_space<vmem>>[vector<16xi32>, vector<16xi32>], vector<16xf32>, vector<16xi1>
    %get3A_657 = arith.index_cast %add3A_561 : i32 to index
    %get3A_658 = arith.constant 304 : index
    %get3A_659 = tpu.vector_load %arg5[%get3A_657, %get3A_658] {strides = array<i32>} : memref<32x512xi32, #tpu.memory_space<vmem>>, vector<16xi32>,
    %broadcast_in_dim3A_660 = arith.constant 115 : i32
    %broadcast_in_dim3A_661 = vector.broadcast %broadcast_in_dim3A_660 : i32 to vector<16xi32>
    tpu.vector_store_idx %arg6[%get3A_659, %broadcast_in_dim3A_661], %broadcast_in_dim3A_63 masked %eq3A_66 : memref<32x256xf32, #tpu.memory_space<vmem>>[vector<16xi32>, vector<16xi32>], vector<16xf32>, vector<16xi1>
    %get3A_662 = arith.index_cast %add3A_561 : i32 to index
    %get3A_663 = arith.constant 320 : index
    %get3A_664 = tpu.vector_load %arg5[%get3A_662, %get3A_663] {strides = array<i32>} : memref<32x512xi32, #tpu.memory_space<vmem>>, vector<16xi32>,
    %broadcast_in_dim3A_665 = arith.constant 116 : i32
    %broadcast_in_dim3A_666 = vector.broadcast %broadcast_in_dim3A_665 : i32 to vector<16xi32>
    tpu.vector_store_idx %arg6[%get3A_664, %broadcast_in_dim3A_666], %broadcast_in_dim3A_63 masked %eq3A_66 : memref<32x256xf32, #tpu.memory_space<vmem>>[vector<16xi32>, vector<16xi32>], vector<16xf32>, vector<16xi1>
    %get3A_667 = arith.index_cast %add3A_561 : i32 to index
    %get3A_668 = arith.constant 336 : index
    %get3A_669 = tpu.vector_load %arg5[%get3A_667, %get3A_668] {strides = array<i32>} : memref<32x512xi32, #tpu.memory_space<vmem>>, vector<16xi32>,
    %broadcast_in_dim3A_670 = arith.constant 117 : i32
    %broadcast_in_dim3A_671 = vector.broadcast %broadcast_in_dim3A_670 : i32 to vector<16xi32>
    tpu.vector_store_idx %arg6[%get3A_669, %broadcast_in_dim3A_671], %broadcast_in_dim3A_63 masked %eq3A_66 : memref<32x256xf32, #tpu.memory_space<vmem>>[vector<16xi32>, vector<16xi32>], vector<16xf32>, vector<16xi1>
    %get3A_672 = arith.index_cast %add3A_561 : i32 to index
    %get3A_673 = arith.constant 352 : index
    %get3A_674 = tpu.vector_load %arg5[%get3A_672, %get3A_673] {strides = array<i32>} : memref<32x512xi32, #tpu.memory_space<vmem>>, vector<16xi32>,
    %broadcast_in_dim3A_675 = arith.constant 118 : i32
    %broadcast_in_dim3A_676 = vector.broadcast %broadcast_in_dim3A_675 : i32 to vector<16xi32>
    tpu.vector_store_idx %arg6[%get3A_674, %broadcast_in_dim3A_676], %broadcast_in_dim3A_63 masked %eq3A_66 : memref<32x256xf32, #tpu.memory_space<vmem>>[vector<16xi32>, vector<16xi32>], vector<16xf32>, vector<16xi1>
    %get3A_677 = arith.index_cast %add3A_561 : i32 to index
    %get3A_678 = arith.constant 368 : index
    %get3A_679 = tpu.vector_load %arg5[%get3A_677, %get3A_678] {strides = array<i32>} : memref<32x512xi32, #tpu.memory_space<vmem>>, vector<16xi32>,
    %broadcast_in_dim3A_680 = arith.constant 119 : i32
    %broadcast_in_dim3A_681 = vector.broadcast %broadcast_in_dim3A_680 : i32 to vector<16xi32>
    tpu.vector_store_idx %arg6[%get3A_679, %broadcast_in_dim3A_681], %broadcast_in_dim3A_63 masked %eq3A_66 : memref<32x256xf32, #tpu.memory_space<vmem>>[vector<16xi32>, vector<16xi32>], vector<16xf32>, vector<16xi1>
    %get3A_682 = arith.index_cast %add3A_561 : i32 to index
    %get3A_683 = arith.constant 384 : index
    %get3A_684 = tpu.vector_load %arg5[%get3A_682, %get3A_683] {strides = array<i32>} : memref<32x512xi32, #tpu.memory_space<vmem>>, vector<16xi32>,
    %broadcast_in_dim3A_685 = arith.constant 120 : i32
    %broadcast_in_dim3A_686 = vector.broadcast %broadcast_in_dim3A_685 : i32 to vector<16xi32>
    tpu.vector_store_idx %arg6[%get3A_684, %broadcast_in_dim3A_686], %broadcast_in_dim3A_63 masked %eq3A_66 : memref<32x256xf32, #tpu.memory_space<vmem>>[vector<16xi32>, vector<16xi32>], vector<16xf32>, vector<16xi1>
    %get3A_687 = arith.index_cast %add3A_561 : i32 to index
    %get3A_688 = arith.constant 400 : index
    %get3A_689 = tpu.vector_load %arg5[%get3A_687, %get3A_688] {strides = array<i32>} : memref<32x512xi32, #tpu.memory_space<vmem>>, vector<16xi32>,
    %broadcast_in_dim3A_690 = arith.constant 121 : i32
    %broadcast_in_dim3A_691 = vector.broadcast %broadcast_in_dim3A_690 : i32 to vector<16xi32>
    tpu.vector_store_idx %arg6[%get3A_689, %broadcast_in_dim3A_691], %broadcast_in_dim3A_63 masked %eq3A_66 : memref<32x256xf32, #tpu.memory_space<vmem>>[vector<16xi32>, vector<16xi32>], vector<16xf32>, vector<16xi1>
    %get3A_692 = arith.index_cast %add3A_561 : i32 to index
    %get3A_693 = arith.constant 416 : index
    %get3A_694 = tpu.vector_load %arg5[%get3A_692, %get3A_693] {strides = array<i32>} : memref<32x512xi32, #tpu.memory_space<vmem>>, vector<16xi32>,
    %broadcast_in_dim3A_695 = arith.constant 122 : i32
    %broadcast_in_dim3A_696 = vector.broadcast %broadcast_in_dim3A_695 : i32 to vector<16xi32>
    tpu.vector_store_idx %arg6[%get3A_694, %broadcast_in_dim3A_696], %broadcast_in_dim3A_63 masked %eq3A_66 : memref<32x256xf32, #tpu.memory_space<vmem>>[vector<16xi32>, vector<16xi32>], vector<16xf32>, vector<16xi1>
    %get3A_697 = arith.index_cast %add3A_561 : i32 to index
    %get3A_698 = arith.constant 432 : index
    %get3A_699 = tpu.vector_load %arg5[%get3A_697, %get3A_698] {strides = array<i32>} : memref<32x512xi32, #tpu.memory_space<vmem>>, vector<16xi32>,
    %broadcast_in_dim3A_700 = arith.constant 123 : i32
    %broadcast_in_dim3A_701 = vector.broadcast %broadcast_in_dim3A_700 : i32 to vector<16xi32>
    tpu.vector_store_idx %arg6[%get3A_699, %broadcast_in_dim3A_701], %broadcast_in_dim3A_63 masked %eq3A_66 : memref<32x256xf32, #tpu.memory_space<vmem>>[vector<16xi32>, vector<16xi32>], vector<16xf32>, vector<16xi1>
    %get3A_702 = arith.index_cast %add3A_561 : i32 to index
    %get3A_703 = arith.constant 448 : index
    %get3A_704 = tpu.vector_load %arg5[%get3A_702, %get3A_703] {strides = array<i32>} : memref<32x512xi32, #tpu.memory_space<vmem>>, vector<16xi32>,
    %broadcast_in_dim3A_705 = arith.constant 124 : i32
    %broadcast_in_dim3A_706 = vector.broadcast %broadcast_in_dim3A_705 : i32 to vector<16xi32>
    tpu.vector_store_idx %arg6[%get3A_704, %broadcast_in_dim3A_706], %broadcast_in_dim3A_63 masked %eq3A_66 : memref<32x256xf32, #tpu.memory_space<vmem>>[vector<16xi32>, vector<16xi32>], vector<16xf32>, vector<16xi1>
    %get3A_707 = arith.index_cast %add3A_561 : i32 to index
    %get3A_708 = arith.constant 464 : index
    %get3A_709 = tpu.vector_load %arg5[%get3A_707, %get3A_708] {strides = array<i32>} : memref<32x512xi32, #tpu.memory_space<vmem>>, vector<16xi32>,
    %broadcast_in_dim3A_710 = arith.constant 125 : i32
    %broadcast_in_dim3A_711 = vector.broadcast %broadcast_in_dim3A_710 : i32 to vector<16xi32>
    tpu.vector_store_idx %arg6[%get3A_709, %broadcast_in_dim3A_711], %broadcast_in_dim3A_63 masked %eq3A_66 : memref<32x256xf32, #tpu.memory_space<vmem>>[vector<16xi32>, vector<16xi32>], vector<16xf32>, vector<16xi1>
    %get3A_712 = arith.index_cast %add3A_561 : i32 to index
    %get3A_713 = arith.constant 480 : index
    %get3A_714 = tpu.vector_load %arg5[%get3A_712, %get3A_713] {strides = array<i32>} : memref<32x512xi32, #tpu.memory_space<vmem>>, vector<16xi32>,
    %broadcast_in_dim3A_715 = arith.constant 126 : i32
    %broadcast_in_dim3A_716 = vector.broadcast %broadcast_in_dim3A_715 : i32 to vector<16xi32>
    tpu.vector_store_idx %arg6[%get3A_714, %broadcast_in_dim3A_716], %broadcast_in_dim3A_63 masked %eq3A_66 : memref<32x256xf32, #tpu.memory_space<vmem>>[vector<16xi32>, vector<16xi32>], vector<16xf32>, vector<16xi1>
    %get3A_717 = arith.index_cast %add3A_561 : i32 to index
    %get3A_718 = arith.constant 496 : index
    %get3A_719 = tpu.vector_load %arg5[%get3A_717, %get3A_718] {strides = array<i32>} : memref<32x512xi32, #tpu.memory_space<vmem>>, vector<16xi32>,
    %broadcast_in_dim3A_720 = arith.constant 127 : i32
    %broadcast_in_dim3A_721 = vector.broadcast %broadcast_in_dim3A_720 : i32 to vector<16xi32>
    tpu.vector_store_idx %arg6[%get3A_719, %broadcast_in_dim3A_721], %broadcast_in_dim3A_63 masked %eq3A_66 : memref<32x256xf32, #tpu.memory_space<vmem>>[vector<16xi32>, vector<16xi32>], vector<16xf32>, vector<16xi1>
    %mul3A_722 = arith.constant 8 : i32
    %mul3A_723 = arith.muli %select_n3A_30, %mul3A_722 : i32
    %add3A_724 = arith.constant 4 : i32
    %add3A_725 = arith.addi %mul3A_723, %add3A_724 : i32
    %get3A_726 = arith.index_cast %add3A_725 : i32 to index
    %get3A_727 = arith.constant 0 : index
    %get3A_728 = tpu.vector_load %arg5[%get3A_726, %get3A_727] {strides = array<i32>} : memref<32x512xi32, #tpu.memory_space<vmem>>, vector<16xi32>,
    %broadcast_in_dim3A_729 = arith.constant 128 : i32
    %broadcast_in_dim3A_730 = vector.broadcast %broadcast_in_dim3A_729 : i32 to vector<16xi32>
    tpu.vector_store_idx %arg6[%get3A_728, %broadcast_in_dim3A_730], %broadcast_in_dim3A_63 masked %eq3A_66 : memref<32x256xf32, #tpu.memory_space<vmem>>[vector<16xi32>, vector<16xi32>], vector<16xf32>, vector<16xi1>
    %get3A_731 = arith.index_cast %add3A_725 : i32 to index
    %get3A_732 = arith.constant 16 : index
    %get3A_733 = tpu.vector_load %arg5[%get3A_731, %get3A_732] {strides = array<i32>} : memref<32x512xi32, #tpu.memory_space<vmem>>, vector<16xi32>,
    %broadcast_in_dim3A_734 = arith.constant 129 : i32
    %broadcast_in_dim3A_735 = vector.broadcast %broadcast_in_dim3A_734 : i32 to vector<16xi32>
    tpu.vector_store_idx %arg6[%get3A_733, %broadcast_in_dim3A_735], %broadcast_in_dim3A_63 masked %eq3A_66 : memref<32x256xf32, #tpu.memory_space<vmem>>[vector<16xi32>, vector<16xi32>], vector<16xf32>, vector<16xi1>
    %get3A_736 = arith.index_cast %add3A_725 : i32 to index
    %get3A_737 = arith.constant 32 : index
    %get3A_738 = tpu.vector_load %arg5[%get3A_736, %get3A_737] {strides = array<i32>} : memref<32x512xi32, #tpu.memory_space<vmem>>, vector<16xi32>,
    %broadcast_in_dim3A_739 = arith.constant 130 : i32
    %broadcast_in_dim3A_740 = vector.broadcast %broadcast_in_dim3A_739 : i32 to vector<16xi32>
    tpu.vector_store_idx %arg6[%get3A_738, %broadcast_in_dim3A_740], %broadcast_in_dim3A_63 masked %eq3A_66 : memref<32x256xf32, #tpu.memory_space<vmem>>[vector<16xi32>, vector<16xi32>], vector<16xf32>, vector<16xi1>
    %get3A_741 = arith.index_cast %add3A_725 : i32 to index
    %get3A_742 = arith.constant 48 : index
    %get3A_743 = tpu.vector_load %arg5[%get3A_741, %get3A_742] {strides = array<i32>} : memref<32x512xi32, #tpu.memory_space<vmem>>, vector<16xi32>,
    %broadcast_in_dim3A_744 = arith.constant 131 : i32
    %broadcast_in_dim3A_745 = vector.broadcast %broadcast_in_dim3A_744 : i32 to vector<16xi32>
    tpu.vector_store_idx %arg6[%get3A_743, %broadcast_in_dim3A_745], %broadcast_in_dim3A_63 masked %eq3A_66 : memref<32x256xf32, #tpu.memory_space<vmem>>[vector<16xi32>, vector<16xi32>], vector<16xf32>, vector<16xi1>
    %get3A_746 = arith.index_cast %add3A_725 : i32 to index
    %get3A_747 = arith.constant 64 : index
    %get3A_748 = tpu.vector_load %arg5[%get3A_746, %get3A_747] {strides = array<i32>} : memref<32x512xi32, #tpu.memory_space<vmem>>, vector<16xi32>,
    %broadcast_in_dim3A_749 = arith.constant 132 : i32
    %broadcast_in_dim3A_750 = vector.broadcast %broadcast_in_dim3A_749 : i32 to vector<16xi32>
    tpu.vector_store_idx %arg6[%get3A_748, %broadcast_in_dim3A_750], %broadcast_in_dim3A_63 masked %eq3A_66 : memref<32x256xf32, #tpu.memory_space<vmem>>[vector<16xi32>, vector<16xi32>], vector<16xf32>, vector<16xi1>
    %get3A_751 = arith.index_cast %add3A_725 : i32 to index
    %get3A_752 = arith.constant 80 : index
    %get3A_753 = tpu.vector_load %arg5[%get3A_751, %get3A_752] {strides = array<i32>} : memref<32x512xi32, #tpu.memory_space<vmem>>, vector<16xi32>,
    %broadcast_in_dim3A_754 = arith.constant 133 : i32
    %broadcast_in_dim3A_755 = vector.broadcast %broadcast_in_dim3A_754 : i32 to vector<16xi32>
    tpu.vector_store_idx %arg6[%get3A_753, %broadcast_in_dim3A_755], %broadcast_in_dim3A_63 masked %eq3A_66 : memref<32x256xf32, #tpu.memory_space<vmem>>[vector<16xi32>, vector<16xi32>], vector<16xf32>, vector<16xi1>
    %get3A_756 = arith.index_cast %add3A_725 : i32 to index
    %get3A_757 = arith.constant 96 : index
    %get3A_758 = tpu.vector_load %arg5[%get3A_756, %get3A_757] {strides = array<i32>} : memref<32x512xi32, #tpu.memory_space<vmem>>, vector<16xi32>,
    %broadcast_in_dim3A_759 = arith.constant 134 : i32
    %broadcast_in_dim3A_760 = vector.broadcast %broadcast_in_dim3A_759 : i32 to vector<16xi32>
    tpu.vector_store_idx %arg6[%get3A_758, %broadcast_in_dim3A_760], %broadcast_in_dim3A_63 masked %eq3A_66 : memref<32x256xf32, #tpu.memory_space<vmem>>[vector<16xi32>, vector<16xi32>], vector<16xf32>, vector<16xi1>
    %get3A_761 = arith.index_cast %add3A_725 : i32 to index
    %get3A_762 = arith.constant 112 : index
    %get3A_763 = tpu.vector_load %arg5[%get3A_761, %get3A_762] {strides = array<i32>} : memref<32x512xi32, #tpu.memory_space<vmem>>, vector<16xi32>,
    %broadcast_in_dim3A_764 = arith.constant 135 : i32
    %broadcast_in_dim3A_765 = vector.broadcast %broadcast_in_dim3A_764 : i32 to vector<16xi32>
    tpu.vector_store_idx %arg6[%get3A_763, %broadcast_in_dim3A_765], %broadcast_in_dim3A_63 masked %eq3A_66 : memref<32x256xf32, #tpu.memory_space<vmem>>[vector<16xi32>, vector<16xi32>], vector<16xf32>, vector<16xi1>
    %get3A_766 = arith.index_cast %add3A_725 : i32 to index
    %get3A_767 = arith.constant 128 : index
    %get3A_768 = tpu.vector_load %arg5[%get3A_766, %get3A_767] {strides = array<i32>} : memref<32x512xi32, #tpu.memory_space<vmem>>, vector<16xi32>,
    %broadcast_in_dim3A_769 = arith.constant 136 : i32
    %broadcast_in_dim3A_770 = vector.broadcast %broadcast_in_dim3A_769 : i32 to vector<16xi32>
    tpu.vector_store_idx %arg6[%get3A_768, %broadcast_in_dim3A_770], %broadcast_in_dim3A_63 masked %eq3A_66 : memref<32x256xf32, #tpu.memory_space<vmem>>[vector<16xi32>, vector<16xi32>], vector<16xf32>, vector<16xi1>
    %get3A_771 = arith.index_cast %add3A_725 : i32 to index
    %get3A_772 = arith.constant 144 : index
    %get3A_773 = tpu.vector_load %arg5[%get3A_771, %get3A_772] {strides = array<i32>} : memref<32x512xi32, #tpu.memory_space<vmem>>, vector<16xi32>,
    %broadcast_in_dim3A_774 = arith.constant 137 : i32
    %broadcast_in_dim3A_775 = vector.broadcast %broadcast_in_dim3A_774 : i32 to vector<16xi32>
    tpu.vector_store_idx %arg6[%get3A_773, %broadcast_in_dim3A_775], %broadcast_in_dim3A_63 masked %eq3A_66 : memref<32x256xf32, #tpu.memory_space<vmem>>[vector<16xi32>, vector<16xi32>], vector<16xf32>, vector<16xi1>
    %get3A_776 = arith.index_cast %add3A_725 : i32 to index
    %get3A_777 = arith.constant 160 : index
    %get3A_778 = tpu.vector_load %arg5[%get3A_776, %get3A_777] {strides = array<i32>} : memref<32x512xi32, #tpu.memory_space<vmem>>, vector<16xi32>,
    %broadcast_in_dim3A_779 = arith.constant 138 : i32
    %broadcast_in_dim3A_780 = vector.broadcast %broadcast_in_dim3A_779 : i32 to vector<16xi32>
    tpu.vector_store_idx %arg6[%get3A_778, %broadcast_in_dim3A_780], %broadcast_in_dim3A_63 masked %eq3A_66 : memref<32x256xf32, #tpu.memory_space<vmem>>[vector<16xi32>, vector<16xi32>], vector<16xf32>, vector<16xi1>
    %get3A_781 = arith.index_cast %add3A_725 : i32 to index
    %get3A_782 = arith.constant 176 : index
    %get3A_783 = tpu.vector_load %arg5[%get3A_781, %get3A_782] {strides = array<i32>} : memref<32x512xi32, #tpu.memory_space<vmem>>, vector<16xi32>,
    %broadcast_in_dim3A_784 = arith.constant 139 : i32
    %broadcast_in_dim3A_785 = vector.broadcast %broadcast_in_dim3A_784 : i32 to vector<16xi32>
    tpu.vector_store_idx %arg6[%get3A_783, %broadcast_in_dim3A_785], %broadcast_in_dim3A_63 masked %eq3A_66 : memref<32x256xf32, #tpu.memory_space<vmem>>[vector<16xi32>, vector<16xi32>], vector<16xf32>, vector<16xi1>
    %get3A_786 = arith.index_cast %add3A_725 : i32 to index
    %get3A_787 = arith.constant 192 : index
    %get3A_788 = tpu.vector_load %arg5[%get3A_786, %get3A_787] {strides = array<i32>} : memref<32x512xi32, #tpu.memory_space<vmem>>, vector<16xi32>,
    %broadcast_in_dim3A_789 = arith.constant 140 : i32
    %broadcast_in_dim3A_790 = vector.broadcast %broadcast_in_dim3A_789 : i32 to vector<16xi32>
    tpu.vector_store_idx %arg6[%get3A_788, %broadcast_in_dim3A_790], %broadcast_in_dim3A_63 masked %eq3A_66 : memref<32x256xf32, #tpu.memory_space<vmem>>[vector<16xi32>, vector<16xi32>], vector<16xf32>, vector<16xi1>
    %get3A_791 = arith.index_cast %add3A_725 : i32 to index
    %get3A_792 = arith.constant 208 : index
    %get3A_793 = tpu.vector_load %arg5[%get3A_791, %get3A_792] {strides = array<i32>} : memref<32x512xi32, #tpu.memory_space<vmem>>, vector<16xi32>,
    %broadcast_in_dim3A_794 = arith.constant 141 : i32
    %broadcast_in_dim3A_795 = vector.broadcast %broadcast_in_dim3A_794 : i32 to vector<16xi32>
    tpu.vector_store_idx %arg6[%get3A_793, %broadcast_in_dim3A_795], %broadcast_in_dim3A_63 masked %eq3A_66 : memref<32x256xf32, #tpu.memory_space<vmem>>[vector<16xi32>, vector<16xi32>], vector<16xf32>, vector<16xi1>
    %get3A_796 = arith.index_cast %add3A_725 : i32 to index
    %get3A_797 = arith.constant 224 : index
    %get3A_798 = tpu.vector_load %arg5[%get3A_796, %get3A_797] {strides = array<i32>} : memref<32x512xi32, #tpu.memory_space<vmem>>, vector<16xi32>,
    %broadcast_in_dim3A_799 = arith.constant 142 : i32
    %broadcast_in_dim3A_800 = vector.broadcast %broadcast_in_dim3A_799 : i32 to vector<16xi32>
    tpu.vector_store_idx %arg6[%get3A_798, %broadcast_in_dim3A_800], %broadcast_in_dim3A_63 masked %eq3A_66 : memref<32x256xf32, #tpu.memory_space<vmem>>[vector<16xi32>, vector<16xi32>], vector<16xf32>, vector<16xi1>
    %get3A_801 = arith.index_cast %add3A_725 : i32 to index
    %get3A_802 = arith.constant 240 : index
    %get3A_803 = tpu.vector_load %arg5[%get3A_801, %get3A_802] {strides = array<i32>} : memref<32x512xi32, #tpu.memory_space<vmem>>, vector<16xi32>,
    %broadcast_in_dim3A_804 = arith.constant 143 : i32
    %broadcast_in_dim3A_805 = vector.broadcast %broadcast_in_dim3A_804 : i32 to vector<16xi32>
    tpu.vector_store_idx %arg6[%get3A_803, %broadcast_in_dim3A_805], %broadcast_in_dim3A_63 masked %eq3A_66 : memref<32x256xf32, #tpu.memory_space<vmem>>[vector<16xi32>, vector<16xi32>], vector<16xf32>, vector<16xi1>
    %get3A_806 = arith.index_cast %add3A_725 : i32 to index
    %get3A_807 = arith.constant 256 : index
    %get3A_808 = tpu.vector_load %arg5[%get3A_806, %get3A_807] {strides = array<i32>} : memref<32x512xi32, #tpu.memory_space<vmem>>, vector<16xi32>,
    %broadcast_in_dim3A_809 = arith.constant 144 : i32
    %broadcast_in_dim3A_810 = vector.broadcast %broadcast_in_dim3A_809 : i32 to vector<16xi32>
    tpu.vector_store_idx %arg6[%get3A_808, %broadcast_in_dim3A_810], %broadcast_in_dim3A_63 masked %eq3A_66 : memref<32x256xf32, #tpu.memory_space<vmem>>[vector<16xi32>, vector<16xi32>], vector<16xf32>, vector<16xi1>
    %get3A_811 = arith.index_cast %add3A_725 : i32 to index
    %get3A_812 = arith.constant 272 : index
    %get3A_813 = tpu.vector_load %arg5[%get3A_811, %get3A_812] {strides = array<i32>} : memref<32x512xi32, #tpu.memory_space<vmem>>, vector<16xi32>,
    %broadcast_in_dim3A_814 = arith.constant 145 : i32
    %broadcast_in_dim3A_815 = vector.broadcast %broadcast_in_dim3A_814 : i32 to vector<16xi32>
    tpu.vector_store_idx %arg6[%get3A_813, %broadcast_in_dim3A_815], %broadcast_in_dim3A_63 masked %eq3A_66 : memref<32x256xf32, #tpu.memory_space<vmem>>[vector<16xi32>, vector<16xi32>], vector<16xf32>, vector<16xi1>
    %get3A_816 = arith.index_cast %add3A_725 : i32 to index
    %get3A_817 = arith.constant 288 : index
    %get3A_818 = tpu.vector_load %arg5[%get3A_816, %get3A_817] {strides = array<i32>} : memref<32x512xi32, #tpu.memory_space<vmem>>, vector<16xi32>,
    %broadcast_in_dim3A_819 = arith.constant 146 : i32
    %broadcast_in_dim3A_820 = vector.broadcast %broadcast_in_dim3A_819 : i32 to vector<16xi32>
    tpu.vector_store_idx %arg6[%get3A_818, %broadcast_in_dim3A_820], %broadcast_in_dim3A_63 masked %eq3A_66 : memref<32x256xf32, #tpu.memory_space<vmem>>[vector<16xi32>, vector<16xi32>], vector<16xf32>, vector<16xi1>
    %get3A_821 = arith.index_cast %add3A_725 : i32 to index
    %get3A_822 = arith.constant 304 : index
    %get3A_823 = tpu.vector_load %arg5[%get3A_821, %get3A_822] {strides = array<i32>} : memref<32x512xi32, #tpu.memory_space<vmem>>, vector<16xi32>,
    %broadcast_in_dim3A_824 = arith.constant 147 : i32
    %broadcast_in_dim3A_825 = vector.broadcast %broadcast_in_dim3A_824 : i32 to vector<16xi32>
    tpu.vector_store_idx %arg6[%get3A_823, %broadcast_in_dim3A_825], %broadcast_in_dim3A_63 masked %eq3A_66 : memref<32x256xf32, #tpu.memory_space<vmem>>[vector<16xi32>, vector<16xi32>], vector<16xf32>, vector<16xi1>
    %get3A_826 = arith.index_cast %add3A_725 : i32 to index
    %get3A_827 = arith.constant 320 : index
    %get3A_828 = tpu.vector_load %arg5[%get3A_826, %get3A_827] {strides = array<i32>} : memref<32x512xi32, #tpu.memory_space<vmem>>, vector<16xi32>,
    %broadcast_in_dim3A_829 = arith.constant 148 : i32
    %broadcast_in_dim3A_830 = vector.broadcast %broadcast_in_dim3A_829 : i32 to vector<16xi32>
    tpu.vector_store_idx %arg6[%get3A_828, %broadcast_in_dim3A_830], %broadcast_in_dim3A_63 masked %eq3A_66 : memref<32x256xf32, #tpu.memory_space<vmem>>[vector<16xi32>, vector<16xi32>], vector<16xf32>, vector<16xi1>
    %get3A_831 = arith.index_cast %add3A_725 : i32 to index
    %get3A_832 = arith.constant 336 : index
    %get3A_833 = tpu.vector_load %arg5[%get3A_831, %get3A_832] {strides = array<i32>} : memref<32x512xi32, #tpu.memory_space<vmem>>, vector<16xi32>,
    %broadcast_in_dim3A_834 = arith.constant 149 : i32
    %broadcast_in_dim3A_835 = vector.broadcast %broadcast_in_dim3A_834 : i32 to vector<16xi32>
    tpu.vector_store_idx %arg6[%get3A_833, %broadcast_in_dim3A_835], %broadcast_in_dim3A_63 masked %eq3A_66 : memref<32x256xf32, #tpu.memory_space<vmem>>[vector<16xi32>, vector<16xi32>], vector<16xf32>, vector<16xi1>
    %get3A_836 = arith.index_cast %add3A_725 : i32 to index
    %get3A_837 = arith.constant 352 : index
    %get3A_838 = tpu.vector_load %arg5[%get3A_836, %get3A_837] {strides = array<i32>} : memref<32x512xi32, #tpu.memory_space<vmem>>, vector<16xi32>,
    %broadcast_in_dim3A_839 = arith.constant 150 : i32
    %broadcast_in_dim3A_840 = vector.broadcast %broadcast_in_dim3A_839 : i32 to vector<16xi32>
    tpu.vector_store_idx %arg6[%get3A_838, %broadcast_in_dim3A_840], %broadcast_in_dim3A_63 masked %eq3A_66 : memref<32x256xf32, #tpu.memory_space<vmem>>[vector<16xi32>, vector<16xi32>], vector<16xf32>, vector<16xi1>
    %get3A_841 = arith.index_cast %add3A_725 : i32 to index
    %get3A_842 = arith.constant 368 : index
    %get3A_843 = tpu.vector_load %arg5[%get3A_841, %get3A_842] {strides = array<i32>} : memref<32x512xi32, #tpu.memory_space<vmem>>, vector<16xi32>,
    %broadcast_in_dim3A_844 = arith.constant 151 : i32
    %broadcast_in_dim3A_845 = vector.broadcast %broadcast_in_dim3A_844 : i32 to vector<16xi32>
    tpu.vector_store_idx %arg6[%get3A_843, %broadcast_in_dim3A_845], %broadcast_in_dim3A_63 masked %eq3A_66 : memref<32x256xf32, #tpu.memory_space<vmem>>[vector<16xi32>, vector<16xi32>], vector<16xf32>, vector<16xi1>
    %get3A_846 = arith.index_cast %add3A_725 : i32 to index
    %get3A_847 = arith.constant 384 : index
    %get3A_848 = tpu.vector_load %arg5[%get3A_846, %get3A_847] {strides = array<i32>} : memref<32x512xi32, #tpu.memory_space<vmem>>, vector<16xi32>,
    %broadcast_in_dim3A_849 = arith.constant 152 : i32
    %broadcast_in_dim3A_850 = vector.broadcast %broadcast_in_dim3A_849 : i32 to vector<16xi32>
    tpu.vector_store_idx %arg6[%get3A_848, %broadcast_in_dim3A_850], %broadcast_in_dim3A_63 masked %eq3A_66 : memref<32x256xf32, #tpu.memory_space<vmem>>[vector<16xi32>, vector<16xi32>], vector<16xf32>, vector<16xi1>
    %get3A_851 = arith.index_cast %add3A_725 : i32 to index
    %get3A_852 = arith.constant 400 : index
    %get3A_853 = tpu.vector_load %arg5[%get3A_851, %get3A_852] {strides = array<i32>} : memref<32x512xi32, #tpu.memory_space<vmem>>, vector<16xi32>,
    %broadcast_in_dim3A_854 = arith.constant 153 : i32
    %broadcast_in_dim3A_855 = vector.broadcast %broadcast_in_dim3A_854 : i32 to vector<16xi32>
    tpu.vector_store_idx %arg6[%get3A_853, %broadcast_in_dim3A_855], %broadcast_in_dim3A_63 masked %eq3A_66 : memref<32x256xf32, #tpu.memory_space<vmem>>[vector<16xi32>, vector<16xi32>], vector<16xf32>, vector<16xi1>
    %get3A_856 = arith.index_cast %add3A_725 : i32 to index
    %get3A_857 = arith.constant 416 : index
    %get3A_858 = tpu.vector_load %arg5[%get3A_856, %get3A_857] {strides = array<i32>} : memref<32x512xi32, #tpu.memory_space<vmem>>, vector<16xi32>,
    %broadcast_in_dim3A_859 = arith.constant 154 : i32
    %broadcast_in_dim3A_860 = vector.broadcast %broadcast_in_dim3A_859 : i32 to vector<16xi32>
    tpu.vector_store_idx %arg6[%get3A_858, %broadcast_in_dim3A_860], %broadcast_in_dim3A_63 masked %eq3A_66 : memref<32x256xf32, #tpu.memory_space<vmem>>[vector<16xi32>, vector<16xi32>], vector<16xf32>, vector<16xi1>
    %get3A_861 = arith.index_cast %add3A_725 : i32 to index
    %get3A_862 = arith.constant 432 : index
    %get3A_863 = tpu.vector_load %arg5[%get3A_861, %get3A_862] {strides = array<i32>} : memref<32x512xi32, #tpu.memory_space<vmem>>, vector<16xi32>,
    %broadcast_in_dim3A_864 = arith.constant 155 : i32
    %broadcast_in_dim3A_865 = vector.broadcast %broadcast_in_dim3A_864 : i32 to vector<16xi32>
    tpu.vector_store_idx %arg6[%get3A_863, %broadcast_in_dim3A_865], %broadcast_in_dim3A_63 masked %eq3A_66 : memref<32x256xf32, #tpu.memory_space<vmem>>[vector<16xi32>, vector<16xi32>], vector<16xf32>, vector<16xi1>
    %get3A_866 = arith.index_cast %add3A_725 : i32 to index
    %get3A_867 = arith.constant 448 : index
    %get3A_868 = tpu.vector_load %arg5[%get3A_866, %get3A_867] {strides = array<i32>} : memref<32x512xi32, #tpu.memory_space<vmem>>, vector<16xi32>,
    %broadcast_in_dim3A_869 = arith.constant 156 : i32
    %broadcast_in_dim3A_870 = vector.broadcast %broadcast_in_dim3A_869 : i32 to vector<16xi32>
    tpu.vector_store_idx %arg6[%get3A_868, %broadcast_in_dim3A_870], %broadcast_in_dim3A_63 masked %eq3A_66 : memref<32x256xf32, #tpu.memory_space<vmem>>[vector<16xi32>, vector<16xi32>], vector<16xf32>, vector<16xi1>
    %get3A_871 = arith.index_cast %add3A_725 : i32 to index
    %get3A_872 = arith.constant 464 : index
    %get3A_873 = tpu.vector_load %arg5[%get3A_871, %get3A_872] {strides = array<i32>} : memref<32x512xi32, #tpu.memory_space<vmem>>, vector<16xi32>,
    %broadcast_in_dim3A_874 = arith.constant 157 : i32
    %broadcast_in_dim3A_875 = vector.broadcast %broadcast_in_dim3A_874 : i32 to vector<16xi32>
    tpu.vector_store_idx %arg6[%get3A_873, %broadcast_in_dim3A_875], %broadcast_in_dim3A_63 masked %eq3A_66 : memref<32x256xf32, #tpu.memory_space<vmem>>[vector<16xi32>, vector<16xi32>], vector<16xf32>, vector<16xi1>
    %get3A_876 = arith.index_cast %add3A_725 : i32 to index
    %get3A_877 = arith.constant 480 : index
    %get3A_878 = tpu.vector_load %arg5[%get3A_876, %get3A_877] {strides = array<i32>} : memref<32x512xi32, #tpu.memory_space<vmem>>, vector<16xi32>,
    %broadcast_in_dim3A_879 = arith.constant 158 : i32
    %broadcast_in_dim3A_880 = vector.broadcast %broadcast_in_dim3A_879 : i32 to vector<16xi32>
    tpu.vector_store_idx %arg6[%get3A_878, %broadcast_in_dim3A_880], %broadcast_in_dim3A_63 masked %eq3A_66 : memref<32x256xf32, #tpu.memory_space<vmem>>[vector<16xi32>, vector<16xi32>], vector<16xf32>, vector<16xi1>
    %get3A_881 = arith.index_cast %add3A_725 : i32 to index
    %get3A_882 = arith.constant 496 : index
    %get3A_883 = tpu.vector_load %arg5[%get3A_881, %get3A_882] {strides = array<i32>} : memref<32x512xi32, #tpu.memory_space<vmem>>, vector<16xi32>,
    %broadcast_in_dim3A_884 = arith.constant 159 : i32
    %broadcast_in_dim3A_885 = vector.broadcast %broadcast_in_dim3A_884 : i32 to vector<16xi32>
    tpu.vector_store_idx %arg6[%get3A_883, %broadcast_in_dim3A_885], %broadcast_in_dim3A_63 masked %eq3A_66 : memref<32x256xf32, #tpu.memory_space<vmem>>[vector<16xi32>, vector<16xi32>], vector<16xf32>, vector<16xi1>
    %mul3A_886 = arith.constant 8 : i32
    %mul3A_887 = arith.muli %select_n3A_30, %mul3A_886 : i32
    %add3A_888 = arith.constant 5 : i32
    %add3A_889 = arith.addi %mul3A_887, %add3A_888 : i32
    %get3A_890 = arith.index_cast %add3A_889 : i32 to index
    %get3A_891 = arith.constant 0 : index
    %get3A_892 = tpu.vector_load %arg5[%get3A_890, %get3A_891] {strides = array<i32>} : memref<32x512xi32, #tpu.memory_space<vmem>>, vector<16xi32>,
    %broadcast_in_dim3A_893 = arith.constant 160 : i32
    %broadcast_in_dim3A_894 = vector.broadcast %broadcast_in_dim3A_893 : i32 to vector<16xi32>
    tpu.vector_store_idx %arg6[%get3A_892, %broadcast_in_dim3A_894], %broadcast_in_dim3A_63 masked %eq3A_66 : memref<32x256xf32, #tpu.memory_space<vmem>>[vector<16xi32>, vector<16xi32>], vector<16xf32>, vector<16xi1>
    %get3A_895 = arith.index_cast %add3A_889 : i32 to index
    %get3A_896 = arith.constant 16 : index
    %get3A_897 = tpu.vector_load %arg5[%get3A_895, %get3A_896] {strides = array<i32>} : memref<32x512xi32, #tpu.memory_space<vmem>>, vector<16xi32>,
    %broadcast_in_dim3A_898 = arith.constant 161 : i32
    %broadcast_in_dim3A_899 = vector.broadcast %broadcast_in_dim3A_898 : i32 to vector<16xi32>
    tpu.vector_store_idx %arg6[%get3A_897, %broadcast_in_dim3A_899], %broadcast_in_dim3A_63 masked %eq3A_66 : memref<32x256xf32, #tpu.memory_space<vmem>>[vector<16xi32>, vector<16xi32>], vector<16xf32>, vector<16xi1>
    %get3A_900 = arith.index_cast %add3A_889 : i32 to index
    %get3A_901 = arith.constant 32 : index
    %get3A_902 = tpu.vector_load %arg5[%get3A_900, %get3A_901] {strides = array<i32>} : memref<32x512xi32, #tpu.memory_space<vmem>>, vector<16xi32>,
    %broadcast_in_dim3A_903 = arith.constant 162 : i32
    %broadcast_in_dim3A_904 = vector.broadcast %broadcast_in_dim3A_903 : i32 to vector<16xi32>
    tpu.vector_store_idx %arg6[%get3A_902, %broadcast_in_dim3A_904], %broadcast_in_dim3A_63 masked %eq3A_66 : memref<32x256xf32, #tpu.memory_space<vmem>>[vector<16xi32>, vector<16xi32>], vector<16xf32>, vector<16xi1>
    %get3A_905 = arith.index_cast %add3A_889 : i32 to index
    %get3A_906 = arith.constant 48 : index
    %get3A_907 = tpu.vector_load %arg5[%get3A_905, %get3A_906] {strides = array<i32>} : memref<32x512xi32, #tpu.memory_space<vmem>>, vector<16xi32>,
    %broadcast_in_dim3A_908 = arith.constant 163 : i32
    %broadcast_in_dim3A_909 = vector.broadcast %broadcast_in_dim3A_908 : i32 to vector<16xi32>
    tpu.vector_store_idx %arg6[%get3A_907, %broadcast_in_dim3A_909], %broadcast_in_dim3A_63 masked %eq3A_66 : memref<32x256xf32, #tpu.memory_space<vmem>>[vector<16xi32>, vector<16xi32>], vector<16xf32>, vector<16xi1>
    %get3A_910 = arith.index_cast %add3A_889 : i32 to index
    %get3A_911 = arith.constant 64 : index
    %get3A_912 = tpu.vector_load %arg5[%get3A_910, %get3A_911] {strides = array<i32>} : memref<32x512xi32, #tpu.memory_space<vmem>>, vector<16xi32>,
    %broadcast_in_dim3A_913 = arith.constant 164 : i32
    %broadcast_in_dim3A_914 = vector.broadcast %broadcast_in_dim3A_913 : i32 to vector<16xi32>
    tpu.vector_store_idx %arg6[%get3A_912, %broadcast_in_dim3A_914], %broadcast_in_dim3A_63 masked %eq3A_66 : memref<32x256xf32, #tpu.memory_space<vmem>>[vector<16xi32>, vector<16xi32>], vector<16xf32>, vector<16xi1>
    %get3A_915 = arith.index_cast %add3A_889 : i32 to index
    %get3A_916 = arith.constant 80 : index
    %get3A_917 = tpu.vector_load %arg5[%get3A_915, %get3A_916] {strides = array<i32>} : memref<32x512xi32, #tpu.memory_space<vmem>>, vector<16xi32>,
    %broadcast_in_dim3A_918 = arith.constant 165 : i32
    %broadcast_in_dim3A_919 = vector.broadcast %broadcast_in_dim3A_918 : i32 to vector<16xi32>
    tpu.vector_store_idx %arg6[%get3A_917, %broadcast_in_dim3A_919], %broadcast_in_dim3A_63 masked %eq3A_66 : memref<32x256xf32, #tpu.memory_space<vmem>>[vector<16xi32>, vector<16xi32>], vector<16xf32>, vector<16xi1>
    %get3A_920 = arith.index_cast %add3A_889 : i32 to index
    %get3A_921 = arith.constant 96 : index
    %get3A_922 = tpu.vector_load %arg5[%get3A_920, %get3A_921] {strides = array<i32>} : memref<32x512xi32, #tpu.memory_space<vmem>>, vector<16xi32>,
    %broadcast_in_dim3A_923 = arith.constant 166 : i32
    %broadcast_in_dim3A_924 = vector.broadcast %broadcast_in_dim3A_923 : i32 to vector<16xi32>
    tpu.vector_store_idx %arg6[%get3A_922, %broadcast_in_dim3A_924], %broadcast_in_dim3A_63 masked %eq3A_66 : memref<32x256xf32, #tpu.memory_space<vmem>>[vector<16xi32>, vector<16xi32>], vector<16xf32>, vector<16xi1>
    %get3A_925 = arith.index_cast %add3A_889 : i32 to index
    %get3A_926 = arith.constant 112 : index
    %get3A_927 = tpu.vector_load %arg5[%get3A_925, %get3A_926] {strides = array<i32>} : memref<32x512xi32, #tpu.memory_space<vmem>>, vector<16xi32>,
    %broadcast_in_dim3A_928 = arith.constant 167 : i32
    %broadcast_in_dim3A_929 = vector.broadcast %broadcast_in_dim3A_928 : i32 to vector<16xi32>
    tpu.vector_store_idx %arg6[%get3A_927, %broadcast_in_dim3A_929], %broadcast_in_dim3A_63 masked %eq3A_66 : memref<32x256xf32, #tpu.memory_space<vmem>>[vector<16xi32>, vector<16xi32>], vector<16xf32>, vector<16xi1>
    %get3A_930 = arith.index_cast %add3A_889 : i32 to index
    %get3A_931 = arith.constant 128 : index
    %get3A_932 = tpu.vector_load %arg5[%get3A_930, %get3A_931] {strides = array<i32>} : memref<32x512xi32, #tpu.memory_space<vmem>>, vector<16xi32>,
    %broadcast_in_dim3A_933 = arith.constant 168 : i32
    %broadcast_in_dim3A_934 = vector.broadcast %broadcast_in_dim3A_933 : i32 to vector<16xi32>
    tpu.vector_store_idx %arg6[%get3A_932, %broadcast_in_dim3A_934], %broadcast_in_dim3A_63 masked %eq3A_66 : memref<32x256xf32, #tpu.memory_space<vmem>>[vector<16xi32>, vector<16xi32>], vector<16xf32>, vector<16xi1>
    %get3A_935 = arith.index_cast %add3A_889 : i32 to index
    %get3A_936 = arith.constant 144 : index
    %get3A_937 = tpu.vector_load %arg5[%get3A_935, %get3A_936] {strides = array<i32>} : memref<32x512xi32, #tpu.memory_space<vmem>>, vector<16xi32>,
    %broadcast_in_dim3A_938 = arith.constant 169 : i32
    %broadcast_in_dim3A_939 = vector.broadcast %broadcast_in_dim3A_938 : i32 to vector<16xi32>
    tpu.vector_store_idx %arg6[%get3A_937, %broadcast_in_dim3A_939], %broadcast_in_dim3A_63 masked %eq3A_66 : memref<32x256xf32, #tpu.memory_space<vmem>>[vector<16xi32>, vector<16xi32>], vector<16xf32>, vector<16xi1>
    %get3A_940 = arith.index_cast %add3A_889 : i32 to index
    %get3A_941 = arith.constant 160 : index
    %get3A_942 = tpu.vector_load %arg5[%get3A_940, %get3A_941] {strides = array<i32>} : memref<32x512xi32, #tpu.memory_space<vmem>>, vector<16xi32>,
    %broadcast_in_dim3A_943 = arith.constant 170 : i32
    %broadcast_in_dim3A_944 = vector.broadcast %broadcast_in_dim3A_943 : i32 to vector<16xi32>
    tpu.vector_store_idx %arg6[%get3A_942, %broadcast_in_dim3A_944], %broadcast_in_dim3A_63 masked %eq3A_66 : memref<32x256xf32, #tpu.memory_space<vmem>>[vector<16xi32>, vector<16xi32>], vector<16xf32>, vector<16xi1>
    %get3A_945 = arith.index_cast %add3A_889 : i32 to index
    %get3A_946 = arith.constant 176 : index
    %get3A_947 = tpu.vector_load %arg5[%get3A_945, %get3A_946] {strides = array<i32>} : memref<32x512xi32, #tpu.memory_space<vmem>>, vector<16xi32>,
    %broadcast_in_dim3A_948 = arith.constant 171 : i32
    %broadcast_in_dim3A_949 = vector.broadcast %broadcast_in_dim3A_948 : i32 to vector<16xi32>
    tpu.vector_store_idx %arg6[%get3A_947, %broadcast_in_dim3A_949], %broadcast_in_dim3A_63 masked %eq3A_66 : memref<32x256xf32, #tpu.memory_space<vmem>>[vector<16xi32>, vector<16xi32>], vector<16xf32>, vector<16xi1>
    %get3A_950 = arith.index_cast %add3A_889 : i32 to index
    %get3A_951 = arith.constant 192 : index
    %get3A_952 = tpu.vector_load %arg5[%get3A_950, %get3A_951] {strides = array<i32>} : memref<32x512xi32, #tpu.memory_space<vmem>>, vector<16xi32>,
    %broadcast_in_dim3A_953 = arith.constant 172 : i32
    %broadcast_in_dim3A_954 = vector.broadcast %broadcast_in_dim3A_953 : i32 to vector<16xi32>
    tpu.vector_store_idx %arg6[%get3A_952, %broadcast_in_dim3A_954], %broadcast_in_dim3A_63 masked %eq3A_66 : memref<32x256xf32, #tpu.memory_space<vmem>>[vector<16xi32>, vector<16xi32>], vector<16xf32>, vector<16xi1>
    %get3A_955 = arith.index_cast %add3A_889 : i32 to index
    %get3A_956 = arith.constant 208 : index
    %get3A_957 = tpu.vector_load %arg5[%get3A_955, %get3A_956] {strides = array<i32>} : memref<32x512xi32, #tpu.memory_space<vmem>>, vector<16xi32>,
    %broadcast_in_dim3A_958 = arith.constant 173 : i32
    %broadcast_in_dim3A_959 = vector.broadcast %broadcast_in_dim3A_958 : i32 to vector<16xi32>
    tpu.vector_store_idx %arg6[%get3A_957, %broadcast_in_dim3A_959], %broadcast_in_dim3A_63 masked %eq3A_66 : memref<32x256xf32, #tpu.memory_space<vmem>>[vector<16xi32>, vector<16xi32>], vector<16xf32>, vector<16xi1>
    %get3A_960 = arith.index_cast %add3A_889 : i32 to index
    %get3A_961 = arith.constant 224 : index
    %get3A_962 = tpu.vector_load %arg5[%get3A_960, %get3A_961] {strides = array<i32>} : memref<32x512xi32, #tpu.memory_space<vmem>>, vector<16xi32>,
    %broadcast_in_dim3A_963 = arith.constant 174 : i32
    %broadcast_in_dim3A_964 = vector.broadcast %broadcast_in_dim3A_963 : i32 to vector<16xi32>
    tpu.vector_store_idx %arg6[%get3A_962, %broadcast_in_dim3A_964], %broadcast_in_dim3A_63 masked %eq3A_66 : memref<32x256xf32, #tpu.memory_space<vmem>>[vector<16xi32>, vector<16xi32>], vector<16xf32>, vector<16xi1>
    %get3A_965 = arith.index_cast %add3A_889 : i32 to index
    %get3A_966 = arith.constant 240 : index
    %get3A_967 = tpu.vector_load %arg5[%get3A_965, %get3A_966] {strides = array<i32>} : memref<32x512xi32, #tpu.memory_space<vmem>>, vector<16xi32>,
    %broadcast_in_dim3A_968 = arith.constant 175 : i32
    %broadcast_in_dim3A_969 = vector.broadcast %broadcast_in_dim3A_968 : i32 to vector<16xi32>
    tpu.vector_store_idx %arg6[%get3A_967, %broadcast_in_dim3A_969], %broadcast_in_dim3A_63 masked %eq3A_66 : memref<32x256xf32, #tpu.memory_space<vmem>>[vector<16xi32>, vector<16xi32>], vector<16xf32>, vector<16xi1>
    %get3A_970 = arith.index_cast %add3A_889 : i32 to index
    %get3A_971 = arith.constant 256 : index
    %get3A_972 = tpu.vector_load %arg5[%get3A_970, %get3A_971] {strides = array<i32>} : memref<32x512xi32, #tpu.memory_space<vmem>>, vector<16xi32>,
    %broadcast_in_dim3A_973 = arith.constant 176 : i32
    %broadcast_in_dim3A_974 = vector.broadcast %broadcast_in_dim3A_973 : i32 to vector<16xi32>
    tpu.vector_store_idx %arg6[%get3A_972, %broadcast_in_dim3A_974], %broadcast_in_dim3A_63 masked %eq3A_66 : memref<32x256xf32, #tpu.memory_space<vmem>>[vector<16xi32>, vector<16xi32>], vector<16xf32>, vector<16xi1>
    %get3A_975 = arith.index_cast %add3A_889 : i32 to index
    %get3A_976 = arith.constant 272 : index
    %get3A_977 = tpu.vector_load %arg5[%get3A_975, %get3A_976] {strides = array<i32>} : memref<32x512xi32, #tpu.memory_space<vmem>>, vector<16xi32>,
    %broadcast_in_dim3A_978 = arith.constant 177 : i32
    %broadcast_in_dim3A_979 = vector.broadcast %broadcast_in_dim3A_978 : i32 to vector<16xi32>
    tpu.vector_store_idx %arg6[%get3A_977, %broadcast_in_dim3A_979], %broadcast_in_dim3A_63 masked %eq3A_66 : memref<32x256xf32, #tpu.memory_space<vmem>>[vector<16xi32>, vector<16xi32>], vector<16xf32>, vector<16xi1>
    %get3A_980 = arith.index_cast %add3A_889 : i32 to index
    %get3A_981 = arith.constant 288 : index
    %get3A_982 = tpu.vector_load %arg5[%get3A_980, %get3A_981] {strides = array<i32>} : memref<32x512xi32, #tpu.memory_space<vmem>>, vector<16xi32>,
    %broadcast_in_dim3A_983 = arith.constant 178 : i32
    %broadcast_in_dim3A_984 = vector.broadcast %broadcast_in_dim3A_983 : i32 to vector<16xi32>
    tpu.vector_store_idx %arg6[%get3A_982, %broadcast_in_dim3A_984], %broadcast_in_dim3A_63 masked %eq3A_66 : memref<32x256xf32, #tpu.memory_space<vmem>>[vector<16xi32>, vector<16xi32>], vector<16xf32>, vector<16xi1>
    %get3A_985 = arith.index_cast %add3A_889 : i32 to index
    %get3A_986 = arith.constant 304 : index
    %get3A_987 = tpu.vector_load %arg5[%get3A_985, %get3A_986] {strides = array<i32>} : memref<32x512xi32, #tpu.memory_space<vmem>>, vector<16xi32>,
    %broadcast_in_dim3A_988 = arith.constant 179 : i32
    %broadcast_in_dim3A_989 = vector.broadcast %broadcast_in_dim3A_988 : i32 to vector<16xi32>
    tpu.vector_store_idx %arg6[%get3A_987, %broadcast_in_dim3A_989], %broadcast_in_dim3A_63 masked %eq3A_66 : memref<32x256xf32, #tpu.memory_space<vmem>>[vector<16xi32>, vector<16xi32>], vector<16xf32>, vector<16xi1>
    %get3A_990 = arith.index_cast %add3A_889 : i32 to index
    %get3A_991 = arith.constant 320 : index
    %get3A_992 = tpu.vector_load %arg5[%get3A_990, %get3A_991] {strides = array<i32>} : memref<32x512xi32, #tpu.memory_space<vmem>>, vector<16xi32>,
    %broadcast_in_dim3A_993 = arith.constant 180 : i32
    %broadcast_in_dim3A_994 = vector.broadcast %broadcast_in_dim3A_993 : i32 to vector<16xi32>
    tpu.vector_store_idx %arg6[%get3A_992, %broadcast_in_dim3A_994], %broadcast_in_dim3A_63 masked %eq3A_66 : memref<32x256xf32, #tpu.memory_space<vmem>>[vector<16xi32>, vector<16xi32>], vector<16xf32>, vector<16xi1>
    %get3A_995 = arith.index_cast %add3A_889 : i32 to index
    %get3A_996 = arith.constant 336 : index
    %get3A_997 = tpu.vector_load %arg5[%get3A_995, %get3A_996] {strides = array<i32>} : memref<32x512xi32, #tpu.memory_space<vmem>>, vector<16xi32>,
    %broadcast_in_dim3A_998 = arith.constant 181 : i32
    %broadcast_in_dim3A_999 = vector.broadcast %broadcast_in_dim3A_998 : i32 to vector<16xi32>
    tpu.vector_store_idx %arg6[%get3A_997, %broadcast_in_dim3A_999], %broadcast_in_dim3A_63 masked %eq3A_66 : memref<32x256xf32, #tpu.memory_space<vmem>>[vector<16xi32>, vector<16xi32>], vector<16xf32>, vector<16xi1>
    %get3A_1000 = arith.index_cast %add3A_889 : i32 to index
    %get3A_1001 = arith.constant 352 : index
    %get3A_1002 = tpu.vector_load %arg5[%get3A_1000, %get3A_1001] {strides = array<i32>} : memref<32x512xi32, #tpu.memory_space<vmem>>, vector<16xi32>,
    %broadcast_in_dim3A_1003 = arith.constant 182 : i32
    %broadcast_in_dim3A_1004 = vector.broadcast %broadcast_in_dim3A_1003 : i32 to vector<16xi32>
    tpu.vector_store_idx %arg6[%get3A_1002, %broadcast_in_dim3A_1004], %broadcast_in_dim3A_63 masked %eq3A_66 : memref<32x256xf32, #tpu.memory_space<vmem>>[vector<16xi32>, vector<16xi32>], vector<16xf32>, vector<16xi1>
    %get3A_1005 = arith.index_cast %add3A_889 : i32 to index
    %get3A_1006 = arith.constant 368 : index
    %get3A_1007 = tpu.vector_load %arg5[%get3A_1005, %get3A_1006] {strides = array<i32>} : memref<32x512xi32, #tpu.memory_space<vmem>>, vector<16xi32>,
    %broadcast_in_dim3A_1008 = arith.constant 183 : i32
    %broadcast_in_dim3A_1009 = vector.broadcast %broadcast_in_dim3A_1008 : i32 to vector<16xi32>
    tpu.vector_store_idx %arg6[%get3A_1007, %broadcast_in_dim3A_1009], %broadcast_in_dim3A_63 masked %eq3A_66 : memref<32x256xf32, #tpu.memory_space<vmem>>[vector<16xi32>, vector<16xi32>], vector<16xf32>, vector<16xi1>
    %get3A_1010 = arith.index_cast %add3A_889 : i32 to index
    %get3A_1011 = arith.constant 384 : index
    %get3A_1012 = tpu.vector_load %arg5[%get3A_1010, %get3A_1011] {strides = array<i32>} : memref<32x512xi32, #tpu.memory_space<vmem>>, vector<16xi32>,
    %broadcast_in_dim3A_1013 = arith.constant 184 : i32
    %broadcast_in_dim3A_1014 = vector.broadcast %broadcast_in_dim3A_1013 : i32 to vector<16xi32>
    tpu.vector_store_idx %arg6[%get3A_1012, %broadcast_in_dim3A_1014], %broadcast_in_dim3A_63 masked %eq3A_66 : memref<32x256xf32, #tpu.memory_space<vmem>>[vector<16xi32>, vector<16xi32>], vector<16xf32>, vector<16xi1>
    %get3A_1015 = arith.index_cast %add3A_889 : i32 to index
    %get3A_1016 = arith.constant 400 : index
    %get3A_1017 = tpu.vector_load %arg5[%get3A_1015, %get3A_1016] {strides = array<i32>} : memref<32x512xi32, #tpu.memory_space<vmem>>, vector<16xi32>,
    %broadcast_in_dim3A_1018 = arith.constant 185 : i32
    %broadcast_in_dim3A_1019 = vector.broadcast %broadcast_in_dim3A_1018 : i32 to vector<16xi32>
    tpu.vector_store_idx %arg6[%get3A_1017, %broadcast_in_dim3A_1019], %broadcast_in_dim3A_63 masked %eq3A_66 : memref<32x256xf32, #tpu.memory_space<vmem>>[vector<16xi32>, vector<16xi32>], vector<16xf32>, vector<16xi1>
    %get3A_1020 = arith.index_cast %add3A_889 : i32 to index
    %get3A_1021 = arith.constant 416 : index
    %get3A_1022 = tpu.vector_load %arg5[%get3A_1020, %get3A_1021] {strides = array<i32>} : memref<32x512xi32, #tpu.memory_space<vmem>>, vector<16xi32>,
    %broadcast_in_dim3A_1023 = arith.constant 186 : i32
    %broadcast_in_dim3A_1024 = vector.broadcast %broadcast_in_dim3A_1023 : i32 to vector<16xi32>
    tpu.vector_store_idx %arg6[%get3A_1022, %broadcast_in_dim3A_1024], %broadcast_in_dim3A_63 masked %eq3A_66 : memref<32x256xf32, #tpu.memory_space<vmem>>[vector<16xi32>, vector<16xi32>], vector<16xf32>, vector<16xi1>
    %get3A_1025 = arith.index_cast %add3A_889 : i32 to index
    %get3A_1026 = arith.constant 432 : index
    %get3A_1027 = tpu.vector_load %arg5[%get3A_1025, %get3A_1026] {strides = array<i32>} : memref<32x512xi32, #tpu.memory_space<vmem>>, vector<16xi32>,
    %broadcast_in_dim3A_1028 = arith.constant 187 : i32
    %broadcast_in_dim3A_1029 = vector.broadcast %broadcast_in_dim3A_1028 : i32 to vector<16xi32>
    tpu.vector_store_idx %arg6[%get3A_1027, %broadcast_in_dim3A_1029], %broadcast_in_dim3A_63 masked %eq3A_66 : memref<32x256xf32, #tpu.memory_space<vmem>>[vector<16xi32>, vector<16xi32>], vector<16xf32>, vector<16xi1>
    %get3A_1030 = arith.index_cast %add3A_889 : i32 to index
    %get3A_1031 = arith.constant 448 : index
    %get3A_1032 = tpu.vector_load %arg5[%get3A_1030, %get3A_1031] {strides = array<i32>} : memref<32x512xi32, #tpu.memory_space<vmem>>, vector<16xi32>,
    %broadcast_in_dim3A_1033 = arith.constant 188 : i32
    %broadcast_in_dim3A_1034 = vector.broadcast %broadcast_in_dim3A_1033 : i32 to vector<16xi32>
    tpu.vector_store_idx %arg6[%get3A_1032, %broadcast_in_dim3A_1034], %broadcast_in_dim3A_63 masked %eq3A_66 : memref<32x256xf32, #tpu.memory_space<vmem>>[vector<16xi32>, vector<16xi32>], vector<16xf32>, vector<16xi1>
    %get3A_1035 = arith.index_cast %add3A_889 : i32 to index
    %get3A_1036 = arith.constant 464 : index
    %get3A_1037 = tpu.vector_load %arg5[%get3A_1035, %get3A_1036] {strides = array<i32>} : memref<32x512xi32, #tpu.memory_space<vmem>>, vector<16xi32>,
    %broadcast_in_dim3A_1038 = arith.constant 189 : i32
    %broadcast_in_dim3A_1039 = vector.broadcast %broadcast_in_dim3A_1038 : i32 to vector<16xi32>
    tpu.vector_store_idx %arg6[%get3A_1037, %broadcast_in_dim3A_1039], %broadcast_in_dim3A_63 masked %eq3A_66 : memref<32x256xf32, #tpu.memory_space<vmem>>[vector<16xi32>, vector<16xi32>], vector<16xf32>, vector<16xi1>
    %get3A_1040 = arith.index_cast %add3A_889 : i32 to index
    %get3A_1041 = arith.constant 480 : index
    %get3A_1042 = tpu.vector_load %arg5[%get3A_1040, %get3A_1041] {strides = array<i32>} : memref<32x512xi32, #tpu.memory_space<vmem>>, vector<16xi32>,
    %broadcast_in_dim3A_1043 = arith.constant 190 : i32
    %broadcast_in_dim3A_1044 = vector.broadcast %broadcast_in_dim3A_1043 : i32 to vector<16xi32>
    tpu.vector_store_idx %arg6[%get3A_1042, %broadcast_in_dim3A_1044], %broadcast_in_dim3A_63 masked %eq3A_66 : memref<32x256xf32, #tpu.memory_space<vmem>>[vector<16xi32>, vector<16xi32>], vector<16xf32>, vector<16xi1>
    %get3A_1045 = arith.index_cast %add3A_889 : i32 to index
    %get3A_1046 = arith.constant 496 : index
    %get3A_1047 = tpu.vector_load %arg5[%get3A_1045, %get3A_1046] {strides = array<i32>} : memref<32x512xi32, #tpu.memory_space<vmem>>, vector<16xi32>,
    %broadcast_in_dim3A_1048 = arith.constant 191 : i32
    %broadcast_in_dim3A_1049 = vector.broadcast %broadcast_in_dim3A_1048 : i32 to vector<16xi32>
    tpu.vector_store_idx %arg6[%get3A_1047, %broadcast_in_dim3A_1049], %broadcast_in_dim3A_63 masked %eq3A_66 : memref<32x256xf32, #tpu.memory_space<vmem>>[vector<16xi32>, vector<16xi32>], vector<16xf32>, vector<16xi1>
    %mul3A_1050 = arith.constant 8 : i32
    %mul3A_1051 = arith.muli %select_n3A_30, %mul3A_1050 : i32
    %add3A_1052 = arith.constant 6 : i32
    %add3A_1053 = arith.addi %mul3A_1051, %add3A_1052 : i32
    %get3A_1054 = arith.index_cast %add3A_1053 : i32 to index
    %get3A_1055 = arith.constant 0 : index
    %get3A_1056 = tpu.vector_load %arg5[%get3A_1054, %get3A_1055] {strides = array<i32>} : memref<32x512xi32, #tpu.memory_space<vmem>>, vector<16xi32>,
    %broadcast_in_dim3A_1057 = arith.constant 192 : i32
    %broadcast_in_dim3A_1058 = vector.broadcast %broadcast_in_dim3A_1057 : i32 to vector<16xi32>
    tpu.vector_store_idx %arg6[%get3A_1056, %broadcast_in_dim3A_1058], %broadcast_in_dim3A_63 masked %eq3A_66 : memref<32x256xf32, #tpu.memory_space<vmem>>[vector<16xi32>, vector<16xi32>], vector<16xf32>, vector<16xi1>
    %get3A_1059 = arith.index_cast %add3A_1053 : i32 to index
    %get3A_1060 = arith.constant 16 : index
    %get3A_1061 = tpu.vector_load %arg5[%get3A_1059, %get3A_1060] {strides = array<i32>} : memref<32x512xi32, #tpu.memory_space<vmem>>, vector<16xi32>,
    %broadcast_in_dim3A_1062 = arith.constant 193 : i32
    %broadcast_in_dim3A_1063 = vector.broadcast %broadcast_in_dim3A_1062 : i32 to vector<16xi32>
    tpu.vector_store_idx %arg6[%get3A_1061, %broadcast_in_dim3A_1063], %broadcast_in_dim3A_63 masked %eq3A_66 : memref<32x256xf32, #tpu.memory_space<vmem>>[vector<16xi32>, vector<16xi32>], vector<16xf32>, vector<16xi1>
    %get3A_1064 = arith.index_cast %add3A_1053 : i32 to index
    %get3A_1065 = arith.constant 32 : index
    %get3A_1066 = tpu.vector_load %arg5[%get3A_1064, %get3A_1065] {strides = array<i32>} : memref<32x512xi32, #tpu.memory_space<vmem>>, vector<16xi32>,
    %broadcast_in_dim3A_1067 = arith.constant 194 : i32
    %broadcast_in_dim3A_1068 = vector.broadcast %broadcast_in_dim3A_1067 : i32 to vector<16xi32>
    tpu.vector_store_idx %arg6[%get3A_1066, %broadcast_in_dim3A_1068], %broadcast_in_dim3A_63 masked %eq3A_66 : memref<32x256xf32, #tpu.memory_space<vmem>>[vector<16xi32>, vector<16xi32>], vector<16xf32>, vector<16xi1>
    %get3A_1069 = arith.index_cast %add3A_1053 : i32 to index
    %get3A_1070 = arith.constant 48 : index
    %get3A_1071 = tpu.vector_load %arg5[%get3A_1069, %get3A_1070] {strides = array<i32>} : memref<32x512xi32, #tpu.memory_space<vmem>>, vector<16xi32>,
    %broadcast_in_dim3A_1072 = arith.constant 195 : i32
    %broadcast_in_dim3A_1073 = vector.broadcast %broadcast_in_dim3A_1072 : i32 to vector<16xi32>
    tpu.vector_store_idx %arg6[%get3A_1071, %broadcast_in_dim3A_1073], %broadcast_in_dim3A_63 masked %eq3A_66 : memref<32x256xf32, #tpu.memory_space<vmem>>[vector<16xi32>, vector<16xi32>], vector<16xf32>, vector<16xi1>
    %get3A_1074 = arith.index_cast %add3A_1053 : i32 to index
    %get3A_1075 = arith.constant 64 : index
    %get3A_1076 = tpu.vector_load %arg5[%get3A_1074, %get3A_1075] {strides = array<i32>} : memref<32x512xi32, #tpu.memory_space<vmem>>, vector<16xi32>,
    %broadcast_in_dim3A_1077 = arith.constant 196 : i32
    %broadcast_in_dim3A_1078 = vector.broadcast %broadcast_in_dim3A_1077 : i32 to vector<16xi32>
    tpu.vector_store_idx %arg6[%get3A_1076, %broadcast_in_dim3A_1078], %broadcast_in_dim3A_63 masked %eq3A_66 : memref<32x256xf32, #tpu.memory_space<vmem>>[vector<16xi32>, vector<16xi32>], vector<16xf32>, vector<16xi1>
    %get3A_1079 = arith.index_cast %add3A_1053 : i32 to index
    %get3A_1080 = arith.constant 80 : index
    %get3A_1081 = tpu.vector_load %arg5[%get3A_1079, %get3A_1080] {strides = array<i32>} : memref<32x512xi32, #tpu.memory_space<vmem>>, vector<16xi32>,
    %broadcast_in_dim3A_1082 = arith.constant 197 : i32
    %broadcast_in_dim3A_1083 = vector.broadcast %broadcast_in_dim3A_1082 : i32 to vector<16xi32>
    tpu.vector_store_idx %arg6[%get3A_1081, %broadcast_in_dim3A_1083], %broadcast_in_dim3A_63 masked %eq3A_66 : memref<32x256xf32, #tpu.memory_space<vmem>>[vector<16xi32>, vector<16xi32>], vector<16xf32>, vector<16xi1>
    %get3A_1084 = arith.index_cast %add3A_1053 : i32 to index
    %get3A_1085 = arith.constant 96 : index
    %get3A_1086 = tpu.vector_load %arg5[%get3A_1084, %get3A_1085] {strides = array<i32>} : memref<32x512xi32, #tpu.memory_space<vmem>>, vector<16xi32>,
    %broadcast_in_dim3A_1087 = arith.constant 198 : i32
    %broadcast_in_dim3A_1088 = vector.broadcast %broadcast_in_dim3A_1087 : i32 to vector<16xi32>
    tpu.vector_store_idx %arg6[%get3A_1086, %broadcast_in_dim3A_1088], %broadcast_in_dim3A_63 masked %eq3A_66 : memref<32x256xf32, #tpu.memory_space<vmem>>[vector<16xi32>, vector<16xi32>], vector<16xf32>, vector<16xi1>
    %get3A_1089 = arith.index_cast %add3A_1053 : i32 to index
    %get3A_1090 = arith.constant 112 : index
    %get3A_1091 = tpu.vector_load %arg5[%get3A_1089, %get3A_1090] {strides = array<i32>} : memref<32x512xi32, #tpu.memory_space<vmem>>, vector<16xi32>,
    %broadcast_in_dim3A_1092 = arith.constant 199 : i32
    %broadcast_in_dim3A_1093 = vector.broadcast %broadcast_in_dim3A_1092 : i32 to vector<16xi32>
    tpu.vector_store_idx %arg6[%get3A_1091, %broadcast_in_dim3A_1093], %broadcast_in_dim3A_63 masked %eq3A_66 : memref<32x256xf32, #tpu.memory_space<vmem>>[vector<16xi32>, vector<16xi32>], vector<16xf32>, vector<16xi1>
    %get3A_1094 = arith.index_cast %add3A_1053 : i32 to index
    %get3A_1095 = arith.constant 128 : index
    %get3A_1096 = tpu.vector_load %arg5[%get3A_1094, %get3A_1095] {strides = array<i32>} : memref<32x512xi32, #tpu.memory_space<vmem>>, vector<16xi32>,
    %broadcast_in_dim3A_1097 = arith.constant 200 : i32
    %broadcast_in_dim3A_1098 = vector.broadcast %broadcast_in_dim3A_1097 : i32 to vector<16xi32>
    tpu.vector_store_idx %arg6[%get3A_1096, %broadcast_in_dim3A_1098], %broadcast_in_dim3A_63 masked %eq3A_66 : memref<32x256xf32, #tpu.memory_space<vmem>>[vector<16xi32>, vector<16xi32>], vector<16xf32>, vector<16xi1>
    %get3A_1099 = arith.index_cast %add3A_1053 : i32 to index
    %get3A_1100 = arith.constant 144 : index
    %get3A_1101 = tpu.vector_load %arg5[%get3A_1099, %get3A_1100] {strides = array<i32>} : memref<32x512xi32, #tpu.memory_space<vmem>>, vector<16xi32>,
    %broadcast_in_dim3A_1102 = arith.constant 201 : i32
    %broadcast_in_dim3A_1103 = vector.broadcast %broadcast_in_dim3A_1102 : i32 to vector<16xi32>
    tpu.vector_store_idx %arg6[%get3A_1101, %broadcast_in_dim3A_1103], %broadcast_in_dim3A_63 masked %eq3A_66 : memref<32x256xf32, #tpu.memory_space<vmem>>[vector<16xi32>, vector<16xi32>], vector<16xf32>, vector<16xi1>
    %get3A_1104 = arith.index_cast %add3A_1053 : i32 to index
    %get3A_1105 = arith.constant 160 : index
    %get3A_1106 = tpu.vector_load %arg5[%get3A_1104, %get3A_1105] {strides = array<i32>} : memref<32x512xi32, #tpu.memory_space<vmem>>, vector<16xi32>,
    %broadcast_in_dim3A_1107 = arith.constant 202 : i32
    %broadcast_in_dim3A_1108 = vector.broadcast %broadcast_in_dim3A_1107 : i32 to vector<16xi32>
    tpu.vector_store_idx %arg6[%get3A_1106, %broadcast_in_dim3A_1108], %broadcast_in_dim3A_63 masked %eq3A_66 : memref<32x256xf32, #tpu.memory_space<vmem>>[vector<16xi32>, vector<16xi32>], vector<16xf32>, vector<16xi1>
    %get3A_1109 = arith.index_cast %add3A_1053 : i32 to index
    %get3A_1110 = arith.constant 176 : index
    %get3A_1111 = tpu.vector_load %arg5[%get3A_1109, %get3A_1110] {strides = array<i32>} : memref<32x512xi32, #tpu.memory_space<vmem>>, vector<16xi32>,
    %broadcast_in_dim3A_1112 = arith.constant 203 : i32
    %broadcast_in_dim3A_1113 = vector.broadcast %broadcast_in_dim3A_1112 : i32 to vector<16xi32>
    tpu.vector_store_idx %arg6[%get3A_1111, %broadcast_in_dim3A_1113], %broadcast_in_dim3A_63 masked %eq3A_66 : memref<32x256xf32, #tpu.memory_space<vmem>>[vector<16xi32>, vector<16xi32>], vector<16xf32>, vector<16xi1>
    %get3A_1114 = arith.index_cast %add3A_1053 : i32 to index
    %get3A_1115 = arith.constant 192 : index
    %get3A_1116 = tpu.vector_load %arg5[%get3A_1114, %get3A_1115] {strides = array<i32>} : memref<32x512xi32, #tpu.memory_space<vmem>>, vector<16xi32>,
    %broadcast_in_dim3A_1117 = arith.constant 204 : i32
    %broadcast_in_dim3A_1118 = vector.broadcast %broadcast_in_dim3A_1117 : i32 to vector<16xi32>
    tpu.vector_store_idx %arg6[%get3A_1116, %broadcast_in_dim3A_1118], %broadcast_in_dim3A_63 masked %eq3A_66 : memref<32x256xf32, #tpu.memory_space<vmem>>[vector<16xi32>, vector<16xi32>], vector<16xf32>, vector<16xi1>
    %get3A_1119 = arith.index_cast %add3A_1053 : i32 to index
    %get3A_1120 = arith.constant 208 : index
    %get3A_1121 = tpu.vector_load %arg5[%get3A_1119, %get3A_1120] {strides = array<i32>} : memref<32x512xi32, #tpu.memory_space<vmem>>, vector<16xi32>,
    %broadcast_in_dim3A_1122 = arith.constant 205 : i32
    %broadcast_in_dim3A_1123 = vector.broadcast %broadcast_in_dim3A_1122 : i32 to vector<16xi32>
    tpu.vector_store_idx %arg6[%get3A_1121, %broadcast_in_dim3A_1123], %broadcast_in_dim3A_63 masked %eq3A_66 : memref<32x256xf32, #tpu.memory_space<vmem>>[vector<16xi32>, vector<16xi32>], vector<16xf32>, vector<16xi1>
    %get3A_1124 = arith.index_cast %add3A_1053 : i32 to index
    %get3A_1125 = arith.constant 224 : index
    %get3A_1126 = tpu.vector_load %arg5[%get3A_1124, %get3A_1125] {strides = array<i32>} : memref<32x512xi32, #tpu.memory_space<vmem>>, vector<16xi32>,
    %broadcast_in_dim3A_1127 = arith.constant 206 : i32
    %broadcast_in_dim3A_1128 = vector.broadcast %broadcast_in_dim3A_1127 : i32 to vector<16xi32>
    tpu.vector_store_idx %arg6[%get3A_1126, %broadcast_in_dim3A_1128], %broadcast_in_dim3A_63 masked %eq3A_66 : memref<32x256xf32, #tpu.memory_space<vmem>>[vector<16xi32>, vector<16xi32>], vector<16xf32>, vector<16xi1>
    %get3A_1129 = arith.index_cast %add3A_1053 : i32 to index
    %get3A_1130 = arith.constant 240 : index
    %get3A_1131 = tpu.vector_load %arg5[%get3A_1129, %get3A_1130] {strides = array<i32>} : memref<32x512xi32, #tpu.memory_space<vmem>>, vector<16xi32>,
    %broadcast_in_dim3A_1132 = arith.constant 207 : i32
    %broadcast_in_dim3A_1133 = vector.broadcast %broadcast_in_dim3A_1132 : i32 to vector<16xi32>
    tpu.vector_store_idx %arg6[%get3A_1131, %broadcast_in_dim3A_1133], %broadcast_in_dim3A_63 masked %eq3A_66 : memref<32x256xf32, #tpu.memory_space<vmem>>[vector<16xi32>, vector<16xi32>], vector<16xf32>, vector<16xi1>
    %get3A_1134 = arith.index_cast %add3A_1053 : i32 to index
    %get3A_1135 = arith.constant 256 : index
    %get3A_1136 = tpu.vector_load %arg5[%get3A_1134, %get3A_1135] {strides = array<i32>} : memref<32x512xi32, #tpu.memory_space<vmem>>, vector<16xi32>,
    %broadcast_in_dim3A_1137 = arith.constant 208 : i32
    %broadcast_in_dim3A_1138 = vector.broadcast %broadcast_in_dim3A_1137 : i32 to vector<16xi32>
    tpu.vector_store_idx %arg6[%get3A_1136, %broadcast_in_dim3A_1138], %broadcast_in_dim3A_63 masked %eq3A_66 : memref<32x256xf32, #tpu.memory_space<vmem>>[vector<16xi32>, vector<16xi32>], vector<16xf32>, vector<16xi1>
    %get3A_1139 = arith.index_cast %add3A_1053 : i32 to index
    %get3A_1140 = arith.constant 272 : index
    %get3A_1141 = tpu.vector_load %arg5[%get3A_1139, %get3A_1140] {strides = array<i32>} : memref<32x512xi32, #tpu.memory_space<vmem>>, vector<16xi32>,
    %broadcast_in_dim3A_1142 = arith.constant 209 : i32
    %broadcast_in_dim3A_1143 = vector.broadcast %broadcast_in_dim3A_1142 : i32 to vector<16xi32>
    tpu.vector_store_idx %arg6[%get3A_1141, %broadcast_in_dim3A_1143], %broadcast_in_dim3A_63 masked %eq3A_66 : memref<32x256xf32, #tpu.memory_space<vmem>>[vector<16xi32>, vector<16xi32>], vector<16xf32>, vector<16xi1>
    %get3A_1144 = arith.index_cast %add3A_1053 : i32 to index
    %get3A_1145 = arith.constant 288 : index
    %get3A_1146 = tpu.vector_load %arg5[%get3A_1144, %get3A_1145] {strides = array<i32>} : memref<32x512xi32, #tpu.memory_space<vmem>>, vector<16xi32>,
    %broadcast_in_dim3A_1147 = arith.constant 210 : i32
    %broadcast_in_dim3A_1148 = vector.broadcast %broadcast_in_dim3A_1147 : i32 to vector<16xi32>
    tpu.vector_store_idx %arg6[%get3A_1146, %broadcast_in_dim3A_1148], %broadcast_in_dim3A_63 masked %eq3A_66 : memref<32x256xf32, #tpu.memory_space<vmem>>[vector<16xi32>, vector<16xi32>], vector<16xf32>, vector<16xi1>
    %get3A_1149 = arith.index_cast %add3A_1053 : i32 to index
    %get3A_1150 = arith.constant 304 : index
    %get3A_1151 = tpu.vector_load %arg5[%get3A_1149, %get3A_1150] {strides = array<i32>} : memref<32x512xi32, #tpu.memory_space<vmem>>, vector<16xi32>,
    %broadcast_in_dim3A_1152 = arith.constant 211 : i32
    %broadcast_in_dim3A_1153 = vector.broadcast %broadcast_in_dim3A_1152 : i32 to vector<16xi32>
    tpu.vector_store_idx %arg6[%get3A_1151, %broadcast_in_dim3A_1153], %broadcast_in_dim3A_63 masked %eq3A_66 : memref<32x256xf32, #tpu.memory_space<vmem>>[vector<16xi32>, vector<16xi32>], vector<16xf32>, vector<16xi1>
    %get3A_1154 = arith.index_cast %add3A_1053 : i32 to index
    %get3A_1155 = arith.constant 320 : index
    %get3A_1156 = tpu.vector_load %arg5[%get3A_1154, %get3A_1155] {strides = array<i32>} : memref<32x512xi32, #tpu.memory_space<vmem>>, vector<16xi32>,
    %broadcast_in_dim3A_1157 = arith.constant 212 : i32
    %broadcast_in_dim3A_1158 = vector.broadcast %broadcast_in_dim3A_1157 : i32 to vector<16xi32>
    tpu.vector_store_idx %arg6[%get3A_1156, %broadcast_in_dim3A_1158], %broadcast_in_dim3A_63 masked %eq3A_66 : memref<32x256xf32, #tpu.memory_space<vmem>>[vector<16xi32>, vector<16xi32>], vector<16xf32>, vector<16xi1>
    %get3A_1159 = arith.index_cast %add3A_1053 : i32 to index
    %get3A_1160 = arith.constant 336 : index
    %get3A_1161 = tpu.vector_load %arg5[%get3A_1159, %get3A_1160] {strides = array<i32>} : memref<32x512xi32, #tpu.memory_space<vmem>>, vector<16xi32>,
    %broadcast_in_dim3A_1162 = arith.constant 213 : i32
    %broadcast_in_dim3A_1163 = vector.broadcast %broadcast_in_dim3A_1162 : i32 to vector<16xi32>
    tpu.vector_store_idx %arg6[%get3A_1161, %broadcast_in_dim3A_1163], %broadcast_in_dim3A_63 masked %eq3A_66 : memref<32x256xf32, #tpu.memory_space<vmem>>[vector<16xi32>, vector<16xi32>], vector<16xf32>, vector<16xi1>
    %get3A_1164 = arith.index_cast %add3A_1053 : i32 to index
    %get3A_1165 = arith.constant 352 : index
    %get3A_1166 = tpu.vector_load %arg5[%get3A_1164, %get3A_1165] {strides = array<i32>} : memref<32x512xi32, #tpu.memory_space<vmem>>, vector<16xi32>,
    %broadcast_in_dim3A_1167 = arith.constant 214 : i32
    %broadcast_in_dim3A_1168 = vector.broadcast %broadcast_in_dim3A_1167 : i32 to vector<16xi32>
    tpu.vector_store_idx %arg6[%get3A_1166, %broadcast_in_dim3A_1168], %broadcast_in_dim3A_63 masked %eq3A_66 : memref<32x256xf32, #tpu.memory_space<vmem>>[vector<16xi32>, vector<16xi32>], vector<16xf32>, vector<16xi1>
    %get3A_1169 = arith.index_cast %add3A_1053 : i32 to index
    %get3A_1170 = arith.constant 368 : index
    %get3A_1171 = tpu.vector_load %arg5[%get3A_1169, %get3A_1170] {strides = array<i32>} : memref<32x512xi32, #tpu.memory_space<vmem>>, vector<16xi32>,
    %broadcast_in_dim3A_1172 = arith.constant 215 : i32
    %broadcast_in_dim3A_1173 = vector.broadcast %broadcast_in_dim3A_1172 : i32 to vector<16xi32>
    tpu.vector_store_idx %arg6[%get3A_1171, %broadcast_in_dim3A_1173], %broadcast_in_dim3A_63 masked %eq3A_66 : memref<32x256xf32, #tpu.memory_space<vmem>>[vector<16xi32>, vector<16xi32>], vector<16xf32>, vector<16xi1>
    %get3A_1174 = arith.index_cast %add3A_1053 : i32 to index
    %get3A_1175 = arith.constant 384 : index
    %get3A_1176 = tpu.vector_load %arg5[%get3A_1174, %get3A_1175] {strides = array<i32>} : memref<32x512xi32, #tpu.memory_space<vmem>>, vector<16xi32>,
    %broadcast_in_dim3A_1177 = arith.constant 216 : i32
    %broadcast_in_dim3A_1178 = vector.broadcast %broadcast_in_dim3A_1177 : i32 to vector<16xi32>
    tpu.vector_store_idx %arg6[%get3A_1176, %broadcast_in_dim3A_1178], %broadcast_in_dim3A_63 masked %eq3A_66 : memref<32x256xf32, #tpu.memory_space<vmem>>[vector<16xi32>, vector<16xi32>], vector<16xf32>, vector<16xi1>
    %get3A_1179 = arith.index_cast %add3A_1053 : i32 to index
    %get3A_1180 = arith.constant 400 : index
    %get3A_1181 = tpu.vector_load %arg5[%get3A_1179, %get3A_1180] {strides = array<i32>} : memref<32x512xi32, #tpu.memory_space<vmem>>, vector<16xi32>,
    %broadcast_in_dim3A_1182 = arith.constant 217 : i32
    %broadcast_in_dim3A_1183 = vector.broadcast %broadcast_in_dim3A_1182 : i32 to vector<16xi32>
    tpu.vector_store_idx %arg6[%get3A_1181, %broadcast_in_dim3A_1183], %broadcast_in_dim3A_63 masked %eq3A_66 : memref<32x256xf32, #tpu.memory_space<vmem>>[vector<16xi32>, vector<16xi32>], vector<16xf32>, vector<16xi1>
    %get3A_1184 = arith.index_cast %add3A_1053 : i32 to index
    %get3A_1185 = arith.constant 416 : index
    %get3A_1186 = tpu.vector_load %arg5[%get3A_1184, %get3A_1185] {strides = array<i32>} : memref<32x512xi32, #tpu.memory_space<vmem>>, vector<16xi32>,
    %broadcast_in_dim3A_1187 = arith.constant 218 : i32
    %broadcast_in_dim3A_1188 = vector.broadcast %broadcast_in_dim3A_1187 : i32 to vector<16xi32>
    tpu.vector_store_idx %arg6[%get3A_1186, %broadcast_in_dim3A_1188], %broadcast_in_dim3A_63 masked %eq3A_66 : memref<32x256xf32, #tpu.memory_space<vmem>>[vector<16xi32>, vector<16xi32>], vector<16xf32>, vector<16xi1>
    %get3A_1189 = arith.index_cast %add3A_1053 : i32 to index
    %get3A_1190 = arith.constant 432 : index
    %get3A_1191 = tpu.vector_load %arg5[%get3A_1189, %get3A_1190] {strides = array<i32>} : memref<32x512xi32, #tpu.memory_space<vmem>>, vector<16xi32>,
    %broadcast_in_dim3A_1192 = arith.constant 219 : i32
    %broadcast_in_dim3A_1193 = vector.broadcast %broadcast_in_dim3A_1192 : i32 to vector<16xi32>
    tpu.vector_store_idx %arg6[%get3A_1191, %broadcast_in_dim3A_1193], %broadcast_in_dim3A_63 masked %eq3A_66 : memref<32x256xf32, #tpu.memory_space<vmem>>[vector<16xi32>, vector<16xi32>], vector<16xf32>, vector<16xi1>
    %get3A_1194 = arith.index_cast %add3A_1053 : i32 to index
    %get3A_1195 = arith.constant 448 : index
    %get3A_1196 = tpu.vector_load %arg5[%get3A_1194, %get3A_1195] {strides = array<i32>} : memref<32x512xi32, #tpu.memory_space<vmem>>, vector<16xi32>,
    %broadcast_in_dim3A_1197 = arith.constant 220 : i32
    %broadcast_in_dim3A_1198 = vector.broadcast %broadcast_in_dim3A_1197 : i32 to vector<16xi32>
    tpu.vector_store_idx %arg6[%get3A_1196, %broadcast_in_dim3A_1198], %broadcast_in_dim3A_63 masked %eq3A_66 : memref<32x256xf32, #tpu.memory_space<vmem>>[vector<16xi32>, vector<16xi32>], vector<16xf32>, vector<16xi1>
    %get3A_1199 = arith.index_cast %add3A_1053 : i32 to index
    %get3A_1200 = arith.constant 464 : index
    %get3A_1201 = tpu.vector_load %arg5[%get3A_1199, %get3A_1200] {strides = array<i32>} : memref<32x512xi32, #tpu.memory_space<vmem>>, vector<16xi32>,
    %broadcast_in_dim3A_1202 = arith.constant 221 : i32
    %broadcast_in_dim3A_1203 = vector.broadcast %broadcast_in_dim3A_1202 : i32 to vector<16xi32>
    tpu.vector_store_idx %arg6[%get3A_1201, %broadcast_in_dim3A_1203], %broadcast_in_dim3A_63 masked %eq3A_66 : memref<32x256xf32, #tpu.memory_space<vmem>>[vector<16xi32>, vector<16xi32>], vector<16xf32>, vector<16xi1>
    %get3A_1204 = arith.index_cast %add3A_1053 : i32 to index
    %get3A_1205 = arith.constant 480 : index
    %get3A_1206 = tpu.vector_load %arg5[%get3A_1204, %get3A_1205] {strides = array<i32>} : memref<32x512xi32, #tpu.memory_space<vmem>>, vector<16xi32>,
    %broadcast_in_dim3A_1207 = arith.constant 222 : i32
    %broadcast_in_dim3A_1208 = vector.broadcast %broadcast_in_dim3A_1207 : i32 to vector<16xi32>
    tpu.vector_store_idx %arg6[%get3A_1206, %broadcast_in_dim3A_1208], %broadcast_in_dim3A_63 masked %eq3A_66 : memref<32x256xf32, #tpu.memory_space<vmem>>[vector<16xi32>, vector<16xi32>], vector<16xf32>, vector<16xi1>
    %get3A_1209 = arith.index_cast %add3A_1053 : i32 to index
    %get3A_1210 = arith.constant 496 : index
    %get3A_1211 = tpu.vector_load %arg5[%get3A_1209, %get3A_1210] {strides = array<i32>} : memref<32x512xi32, #tpu.memory_space<vmem>>, vector<16xi32>,
    %broadcast_in_dim3A_1212 = arith.constant 223 : i32
    %broadcast_in_dim3A_1213 = vector.broadcast %broadcast_in_dim3A_1212 : i32 to vector<16xi32>
    tpu.vector_store_idx %arg6[%get3A_1211, %broadcast_in_dim3A_1213], %broadcast_in_dim3A_63 masked %eq3A_66 : memref<32x256xf32, #tpu.memory_space<vmem>>[vector<16xi32>, vector<16xi32>], vector<16xf32>, vector<16xi1>
    %mul3A_1214 = arith.constant 8 : i32
    %mul3A_1215 = arith.muli %select_n3A_30, %mul3A_1214 : i32
    %add3A_1216 = arith.constant 7 : i32
    %add3A_1217 = arith.addi %mul3A_1215, %add3A_1216 : i32
    %get3A_1218 = arith.index_cast %add3A_1217 : i32 to index
    %get3A_1219 = arith.constant 0 : index
    %get3A_1220 = tpu.vector_load %arg5[%get3A_1218, %get3A_1219] {strides = array<i32>} : memref<32x512xi32, #tpu.memory_space<vmem>>, vector<16xi32>,
    %broadcast_in_dim3A_1221 = arith.constant 224 : i32
    %broadcast_in_dim3A_1222 = vector.broadcast %broadcast_in_dim3A_1221 : i32 to vector<16xi32>
    tpu.vector_store_idx %arg6[%get3A_1220, %broadcast_in_dim3A_1222], %broadcast_in_dim3A_63 masked %eq3A_66 : memref<32x256xf32, #tpu.memory_space<vmem>>[vector<16xi32>, vector<16xi32>], vector<16xf32>, vector<16xi1>
    %get3A_1223 = arith.index_cast %add3A_1217 : i32 to index
    %get3A_1224 = arith.constant 16 : index
    %get3A_1225 = tpu.vector_load %arg5[%get3A_1223, %get3A_1224] {strides = array<i32>} : memref<32x512xi32, #tpu.memory_space<vmem>>, vector<16xi32>,
    %broadcast_in_dim3A_1226 = arith.constant 225 : i32
    %broadcast_in_dim3A_1227 = vector.broadcast %broadcast_in_dim3A_1226 : i32 to vector<16xi32>
    tpu.vector_store_idx %arg6[%get3A_1225, %broadcast_in_dim3A_1227], %broadcast_in_dim3A_63 masked %eq3A_66 : memref<32x256xf32, #tpu.memory_space<vmem>>[vector<16xi32>, vector<16xi32>], vector<16xf32>, vector<16xi1>
    %get3A_1228 = arith.index_cast %add3A_1217 : i32 to index
    %get3A_1229 = arith.constant 32 : index
    %get3A_1230 = tpu.vector_load %arg5[%get3A_1228, %get3A_1229] {strides = array<i32>} : memref<32x512xi32, #tpu.memory_space<vmem>>, vector<16xi32>,
    %broadcast_in_dim3A_1231 = arith.constant 226 : i32
    %broadcast_in_dim3A_1232 = vector.broadcast %broadcast_in_dim3A_1231 : i32 to vector<16xi32>
    tpu.vector_store_idx %arg6[%get3A_1230, %broadcast_in_dim3A_1232], %broadcast_in_dim3A_63 masked %eq3A_66 : memref<32x256xf32, #tpu.memory_space<vmem>>[vector<16xi32>, vector<16xi32>], vector<16xf32>, vector<16xi1>
    %get3A_1233 = arith.index_cast %add3A_1217 : i32 to index
    %get3A_1234 = arith.constant 48 : index
    %get3A_1235 = tpu.vector_load %arg5[%get3A_1233, %get3A_1234] {strides = array<i32>} : memref<32x512xi32, #tpu.memory_space<vmem>>, vector<16xi32>,
    %broadcast_in_dim3A_1236 = arith.constant 227 : i32
    %broadcast_in_dim3A_1237 = vector.broadcast %broadcast_in_dim3A_1236 : i32 to vector<16xi32>
    tpu.vector_store_idx %arg6[%get3A_1235, %broadcast_in_dim3A_1237], %broadcast_in_dim3A_63 masked %eq3A_66 : memref<32x256xf32, #tpu.memory_space<vmem>>[vector<16xi32>, vector<16xi32>], vector<16xf32>, vector<16xi1>
    %get3A_1238 = arith.index_cast %add3A_1217 : i32 to index
    %get3A_1239 = arith.constant 64 : index
    %get3A_1240 = tpu.vector_load %arg5[%get3A_1238, %get3A_1239] {strides = array<i32>} : memref<32x512xi32, #tpu.memory_space<vmem>>, vector<16xi32>,
    %broadcast_in_dim3A_1241 = arith.constant 228 : i32
    %broadcast_in_dim3A_1242 = vector.broadcast %broadcast_in_dim3A_1241 : i32 to vector<16xi32>
    tpu.vector_store_idx %arg6[%get3A_1240, %broadcast_in_dim3A_1242], %broadcast_in_dim3A_63 masked %eq3A_66 : memref<32x256xf32, #tpu.memory_space<vmem>>[vector<16xi32>, vector<16xi32>], vector<16xf32>, vector<16xi1>
    %get3A_1243 = arith.index_cast %add3A_1217 : i32 to index
    %get3A_1244 = arith.constant 80 : index
    %get3A_1245 = tpu.vector_load %arg5[%get3A_1243, %get3A_1244] {strides = array<i32>} : memref<32x512xi32, #tpu.memory_space<vmem>>, vector<16xi32>,
    %broadcast_in_dim3A_1246 = arith.constant 229 : i32
    %broadcast_in_dim3A_1247 = vector.broadcast %broadcast_in_dim3A_1246 : i32 to vector<16xi32>
    tpu.vector_store_idx %arg6[%get3A_1245, %broadcast_in_dim3A_1247], %broadcast_in_dim3A_63 masked %eq3A_66 : memref<32x256xf32, #tpu.memory_space<vmem>>[vector<16xi32>, vector<16xi32>], vector<16xf32>, vector<16xi1>
    %get3A_1248 = arith.index_cast %add3A_1217 : i32 to index
    %get3A_1249 = arith.constant 96 : index
    %get3A_1250 = tpu.vector_load %arg5[%get3A_1248, %get3A_1249] {strides = array<i32>} : memref<32x512xi32, #tpu.memory_space<vmem>>, vector<16xi32>,
    %broadcast_in_dim3A_1251 = arith.constant 230 : i32
    %broadcast_in_dim3A_1252 = vector.broadcast %broadcast_in_dim3A_1251 : i32 to vector<16xi32>
    tpu.vector_store_idx %arg6[%get3A_1250, %broadcast_in_dim3A_1252], %broadcast_in_dim3A_63 masked %eq3A_66 : memref<32x256xf32, #tpu.memory_space<vmem>>[vector<16xi32>, vector<16xi32>], vector<16xf32>, vector<16xi1>
    %get3A_1253 = arith.index_cast %add3A_1217 : i32 to index
    %get3A_1254 = arith.constant 112 : index
    %get3A_1255 = tpu.vector_load %arg5[%get3A_1253, %get3A_1254] {strides = array<i32>} : memref<32x512xi32, #tpu.memory_space<vmem>>, vector<16xi32>,
    %broadcast_in_dim3A_1256 = arith.constant 231 : i32
    %broadcast_in_dim3A_1257 = vector.broadcast %broadcast_in_dim3A_1256 : i32 to vector<16xi32>
    tpu.vector_store_idx %arg6[%get3A_1255, %broadcast_in_dim3A_1257], %broadcast_in_dim3A_63 masked %eq3A_66 : memref<32x256xf32, #tpu.memory_space<vmem>>[vector<16xi32>, vector<16xi32>], vector<16xf32>, vector<16xi1>
    %get3A_1258 = arith.index_cast %add3A_1217 : i32 to index
    %get3A_1259 = arith.constant 128 : index
    %get3A_1260 = tpu.vector_load %arg5[%get3A_1258, %get3A_1259] {strides = array<i32>} : memref<32x512xi32, #tpu.memory_space<vmem>>, vector<16xi32>,
    %broadcast_in_dim3A_1261 = arith.constant 232 : i32
    %broadcast_in_dim3A_1262 = vector.broadcast %broadcast_in_dim3A_1261 : i32 to vector<16xi32>
    tpu.vector_store_idx %arg6[%get3A_1260, %broadcast_in_dim3A_1262], %broadcast_in_dim3A_63 masked %eq3A_66 : memref<32x256xf32, #tpu.memory_space<vmem>>[vector<16xi32>, vector<16xi32>], vector<16xf32>, vector<16xi1>
    %get3A_1263 = arith.index_cast %add3A_1217 : i32 to index
    %get3A_1264 = arith.constant 144 : index
    %get3A_1265 = tpu.vector_load %arg5[%get3A_1263, %get3A_1264] {strides = array<i32>} : memref<32x512xi32, #tpu.memory_space<vmem>>, vector<16xi32>,
    %broadcast_in_dim3A_1266 = arith.constant 233 : i32
    %broadcast_in_dim3A_1267 = vector.broadcast %broadcast_in_dim3A_1266 : i32 to vector<16xi32>
    tpu.vector_store_idx %arg6[%get3A_1265, %broadcast_in_dim3A_1267], %broadcast_in_dim3A_63 masked %eq3A_66 : memref<32x256xf32, #tpu.memory_space<vmem>>[vector<16xi32>, vector<16xi32>], vector<16xf32>, vector<16xi1>
    %get3A_1268 = arith.index_cast %add3A_1217 : i32 to index
    %get3A_1269 = arith.constant 160 : index
    %get3A_1270 = tpu.vector_load %arg5[%get3A_1268, %get3A_1269] {strides = array<i32>} : memref<32x512xi32, #tpu.memory_space<vmem>>, vector<16xi32>,
    %broadcast_in_dim3A_1271 = arith.constant 234 : i32
    %broadcast_in_dim3A_1272 = vector.broadcast %broadcast_in_dim3A_1271 : i32 to vector<16xi32>
    tpu.vector_store_idx %arg6[%get3A_1270, %broadcast_in_dim3A_1272], %broadcast_in_dim3A_63 masked %eq3A_66 : memref<32x256xf32, #tpu.memory_space<vmem>>[vector<16xi32>, vector<16xi32>], vector<16xf32>, vector<16xi1>
    %get3A_1273 = arith.index_cast %add3A_1217 : i32 to index
    %get3A_1274 = arith.constant 176 : index
    %get3A_1275 = tpu.vector_load %arg5[%get3A_1273, %get3A_1274] {strides = array<i32>} : memref<32x512xi32, #tpu.memory_space<vmem>>, vector<16xi32>,
    %broadcast_in_dim3A_1276 = arith.constant 235 : i32
    %broadcast_in_dim3A_1277 = vector.broadcast %broadcast_in_dim3A_1276 : i32 to vector<16xi32>
    tpu.vector_store_idx %arg6[%get3A_1275, %broadcast_in_dim3A_1277], %broadcast_in_dim3A_63 masked %eq3A_66 : memref<32x256xf32, #tpu.memory_space<vmem>>[vector<16xi32>, vector<16xi32>], vector<16xf32>, vector<16xi1>
    %get3A_1278 = arith.index_cast %add3A_1217 : i32 to index
    %get3A_1279 = arith.constant 192 : index
    %get3A_1280 = tpu.vector_load %arg5[%get3A_1278, %get3A_1279] {strides = array<i32>} : memref<32x512xi32, #tpu.memory_space<vmem>>, vector<16xi32>,
    %broadcast_in_dim3A_1281 = arith.constant 236 : i32
    %broadcast_in_dim3A_1282 = vector.broadcast %broadcast_in_dim3A_1281 : i32 to vector<16xi32>
    tpu.vector_store_idx %arg6[%get3A_1280, %broadcast_in_dim3A_1282], %broadcast_in_dim3A_63 masked %eq3A_66 : memref<32x256xf32, #tpu.memory_space<vmem>>[vector<16xi32>, vector<16xi32>], vector<16xf32>, vector<16xi1>
    %get3A_1283 = arith.index_cast %add3A_1217 : i32 to index
    %get3A_1284 = arith.constant 208 : index
    %get3A_1285 = tpu.vector_load %arg5[%get3A_1283, %get3A_1284] {strides = array<i32>} : memref<32x512xi32, #tpu.memory_space<vmem>>, vector<16xi32>,
    %broadcast_in_dim3A_1286 = arith.constant 237 : i32
    %broadcast_in_dim3A_1287 = vector.broadcast %broadcast_in_dim3A_1286 : i32 to vector<16xi32>
    tpu.vector_store_idx %arg6[%get3A_1285, %broadcast_in_dim3A_1287], %broadcast_in_dim3A_63 masked %eq3A_66 : memref<32x256xf32, #tpu.memory_space<vmem>>[vector<16xi32>, vector<16xi32>], vector<16xf32>, vector<16xi1>
    %get3A_1288 = arith.index_cast %add3A_1217 : i32 to index
    %get3A_1289 = arith.constant 224 : index
    %get3A_1290 = tpu.vector_load %arg5[%get3A_1288, %get3A_1289] {strides = array<i32>} : memref<32x512xi32, #tpu.memory_space<vmem>>, vector<16xi32>,
    %broadcast_in_dim3A_1291 = arith.constant 238 : i32
    %broadcast_in_dim3A_1292 = vector.broadcast %broadcast_in_dim3A_1291 : i32 to vector<16xi32>
    tpu.vector_store_idx %arg6[%get3A_1290, %broadcast_in_dim3A_1292], %broadcast_in_dim3A_63 masked %eq3A_66 : memref<32x256xf32, #tpu.memory_space<vmem>>[vector<16xi32>, vector<16xi32>], vector<16xf32>, vector<16xi1>
    %get3A_1293 = arith.index_cast %add3A_1217 : i32 to index
    %get3A_1294 = arith.constant 240 : index
    %get3A_1295 = tpu.vector_load %arg5[%get3A_1293, %get3A_1294] {strides = array<i32>} : memref<32x512xi32, #tpu.memory_space<vmem>>, vector<16xi32>,
    %broadcast_in_dim3A_1296 = arith.constant 239 : i32
    %broadcast_in_dim3A_1297 = vector.broadcast %broadcast_in_dim3A_1296 : i32 to vector<16xi32>
    tpu.vector_store_idx %arg6[%get3A_1295, %broadcast_in_dim3A_1297], %broadcast_in_dim3A_63 masked %eq3A_66 : memref<32x256xf32, #tpu.memory_space<vmem>>[vector<16xi32>, vector<16xi32>], vector<16xf32>, vector<16xi1>
    %get3A_1298 = arith.index_cast %add3A_1217 : i32 to index
    %get3A_1299 = arith.constant 256 : index
    %get3A_1300 = tpu.vector_load %arg5[%get3A_1298, %get3A_1299] {strides = array<i32>} : memref<32x512xi32, #tpu.memory_space<vmem>>, vector<16xi32>,
    %broadcast_in_dim3A_1301 = arith.constant 240 : i32
    %broadcast_in_dim3A_1302 = vector.broadcast %broadcast_in_dim3A_1301 : i32 to vector<16xi32>
    tpu.vector_store_idx %arg6[%get3A_1300, %broadcast_in_dim3A_1302], %broadcast_in_dim3A_63 masked %eq3A_66 : memref<32x256xf32, #tpu.memory_space<vmem>>[vector<16xi32>, vector<16xi32>], vector<16xf32>, vector<16xi1>
    %get3A_1303 = arith.index_cast %add3A_1217 : i32 to index
    %get3A_1304 = arith.constant 272 : index
    %get3A_1305 = tpu.vector_load %arg5[%get3A_1303, %get3A_1304] {strides = array<i32>} : memref<32x512xi32, #tpu.memory_space<vmem>>, vector<16xi32>,
    %broadcast_in_dim3A_1306 = arith.constant 241 : i32
    %broadcast_in_dim3A_1307 = vector.broadcast %broadcast_in_dim3A_1306 : i32 to vector<16xi32>
    tpu.vector_store_idx %arg6[%get3A_1305, %broadcast_in_dim3A_1307], %broadcast_in_dim3A_63 masked %eq3A_66 : memref<32x256xf32, #tpu.memory_space<vmem>>[vector<16xi32>, vector<16xi32>], vector<16xf32>, vector<16xi1>
    %get3A_1308 = arith.index_cast %add3A_1217 : i32 to index
    %get3A_1309 = arith.constant 288 : index
    %get3A_1310 = tpu.vector_load %arg5[%get3A_1308, %get3A_1309] {strides = array<i32>} : memref<32x512xi32, #tpu.memory_space<vmem>>, vector<16xi32>,
    %broadcast_in_dim3A_1311 = arith.constant 242 : i32
    %broadcast_in_dim3A_1312 = vector.broadcast %broadcast_in_dim3A_1311 : i32 to vector<16xi32>
    tpu.vector_store_idx %arg6[%get3A_1310, %broadcast_in_dim3A_1312], %broadcast_in_dim3A_63 masked %eq3A_66 : memref<32x256xf32, #tpu.memory_space<vmem>>[vector<16xi32>, vector<16xi32>], vector<16xf32>, vector<16xi1>
    %get3A_1313 = arith.index_cast %add3A_1217 : i32 to index
    %get3A_1314 = arith.constant 304 : index
    %get3A_1315 = tpu.vector_load %arg5[%get3A_1313, %get3A_1314] {strides = array<i32>} : memref<32x512xi32, #tpu.memory_space<vmem>>, vector<16xi32>,
    %broadcast_in_dim3A_1316 = arith.constant 243 : i32
    %broadcast_in_dim3A_1317 = vector.broadcast %broadcast_in_dim3A_1316 : i32 to vector<16xi32>
    tpu.vector_store_idx %arg6[%get3A_1315, %broadcast_in_dim3A_1317], %broadcast_in_dim3A_63 masked %eq3A_66 : memref<32x256xf32, #tpu.memory_space<vmem>>[vector<16xi32>, vector<16xi32>], vector<16xf32>, vector<16xi1>
    %get3A_1318 = arith.index_cast %add3A_1217 : i32 to index
    %get3A_1319 = arith.constant 320 : index
    %get3A_1320 = tpu.vector_load %arg5[%get3A_1318, %get3A_1319] {strides = array<i32>} : memref<32x512xi32, #tpu.memory_space<vmem>>, vector<16xi32>,
    %broadcast_in_dim3A_1321 = arith.constant 244 : i32
    %broadcast_in_dim3A_1322 = vector.broadcast %broadcast_in_dim3A_1321 : i32 to vector<16xi32>
    tpu.vector_store_idx %arg6[%get3A_1320, %broadcast_in_dim3A_1322], %broadcast_in_dim3A_63 masked %eq3A_66 : memref<32x256xf32, #tpu.memory_space<vmem>>[vector<16xi32>, vector<16xi32>], vector<16xf32>, vector<16xi1>
    %get3A_1323 = arith.index_cast %add3A_1217 : i32 to index
    %get3A_1324 = arith.constant 336 : index
    %get3A_1325 = tpu.vector_load %arg5[%get3A_1323, %get3A_1324] {strides = array<i32>} : memref<32x512xi32, #tpu.memory_space<vmem>>, vector<16xi32>,
    %broadcast_in_dim3A_1326 = arith.constant 245 : i32
    %broadcast_in_dim3A_1327 = vector.broadcast %broadcast_in_dim3A_1326 : i32 to vector<16xi32>
    tpu.vector_store_idx %arg6[%get3A_1325, %broadcast_in_dim3A_1327], %broadcast_in_dim3A_63 masked %eq3A_66 : memref<32x256xf32, #tpu.memory_space<vmem>>[vector<16xi32>, vector<16xi32>], vector<16xf32>, vector<16xi1>
    %get3A_1328 = arith.index_cast %add3A_1217 : i32 to index
    %get3A_1329 = arith.constant 352 : index
    %get3A_1330 = tpu.vector_load %arg5[%get3A_1328, %get3A_1329] {strides = array<i32>} : memref<32x512xi32, #tpu.memory_space<vmem>>, vector<16xi32>,
    %broadcast_in_dim3A_1331 = arith.constant 246 : i32
    %broadcast_in_dim3A_1332 = vector.broadcast %broadcast_in_dim3A_1331 : i32 to vector<16xi32>
    tpu.vector_store_idx %arg6[%get3A_1330, %broadcast_in_dim3A_1332], %broadcast_in_dim3A_63 masked %eq3A_66 : memref<32x256xf32, #tpu.memory_space<vmem>>[vector<16xi32>, vector<16xi32>], vector<16xf32>, vector<16xi1>
    %get3A_1333 = arith.index_cast %add3A_1217 : i32 to index
    %get3A_1334 = arith.constant 368 : index
    %get3A_1335 = tpu.vector_load %arg5[%get3A_1333, %get3A_1334] {strides = array<i32>} : memref<32x512xi32, #tpu.memory_space<vmem>>, vector<16xi32>,
    %broadcast_in_dim3A_1336 = arith.constant 247 : i32
    %broadcast_in_dim3A_1337 = vector.broadcast %broadcast_in_dim3A_1336 : i32 to vector<16xi32>
    tpu.vector_store_idx %arg6[%get3A_1335, %broadcast_in_dim3A_1337], %broadcast_in_dim3A_63 masked %eq3A_66 : memref<32x256xf32, #tpu.memory_space<vmem>>[vector<16xi32>, vector<16xi32>], vector<16xf32>, vector<16xi1>
    %get3A_1338 = arith.index_cast %add3A_1217 : i32 to index
    %get3A_1339 = arith.constant 384 : index
    %get3A_1340 = tpu.vector_load %arg5[%get3A_1338, %get3A_1339] {strides = array<i32>} : memref<32x512xi32, #tpu.memory_space<vmem>>, vector<16xi32>,
    %broadcast_in_dim3A_1341 = arith.constant 248 : i32
    %broadcast_in_dim3A_1342 = vector.broadcast %broadcast_in_dim3A_1341 : i32 to vector<16xi32>
    tpu.vector_store_idx %arg6[%get3A_1340, %broadcast_in_dim3A_1342], %broadcast_in_dim3A_63 masked %eq3A_66 : memref<32x256xf32, #tpu.memory_space<vmem>>[vector<16xi32>, vector<16xi32>], vector<16xf32>, vector<16xi1>
    %get3A_1343 = arith.index_cast %add3A_1217 : i32 to index
    %get3A_1344 = arith.constant 400 : index
    %get3A_1345 = tpu.vector_load %arg5[%get3A_1343, %get3A_1344] {strides = array<i32>} : memref<32x512xi32, #tpu.memory_space<vmem>>, vector<16xi32>,
    %broadcast_in_dim3A_1346 = arith.constant 249 : i32
    %broadcast_in_dim3A_1347 = vector.broadcast %broadcast_in_dim3A_1346 : i32 to vector<16xi32>
    tpu.vector_store_idx %arg6[%get3A_1345, %broadcast_in_dim3A_1347], %broadcast_in_dim3A_63 masked %eq3A_66 : memref<32x256xf32, #tpu.memory_space<vmem>>[vector<16xi32>, vector<16xi32>], vector<16xf32>, vector<16xi1>
    %get3A_1348 = arith.index_cast %add3A_1217 : i32 to index
    %get3A_1349 = arith.constant 416 : index
    %get3A_1350 = tpu.vector_load %arg5[%get3A_1348, %get3A_1349] {strides = array<i32>} : memref<32x512xi32, #tpu.memory_space<vmem>>, vector<16xi32>,
    %broadcast_in_dim3A_1351 = arith.constant 250 : i32
    %broadcast_in_dim3A_1352 = vector.broadcast %broadcast_in_dim3A_1351 : i32 to vector<16xi32>
    tpu.vector_store_idx %arg6[%get3A_1350, %broadcast_in_dim3A_1352], %broadcast_in_dim3A_63 masked %eq3A_66 : memref<32x256xf32, #tpu.memory_space<vmem>>[vector<16xi32>, vector<16xi32>], vector<16xf32>, vector<16xi1>
    %get3A_1353 = arith.index_cast %add3A_1217 : i32 to index
    %get3A_1354 = arith.constant 432 : index
    %get3A_1355 = tpu.vector_load %arg5[%get3A_1353, %get3A_1354] {strides = array<i32>} : memref<32x512xi32, #tpu.memory_space<vmem>>, vector<16xi32>,
    %broadcast_in_dim3A_1356 = arith.constant 251 : i32
    %broadcast_in_dim3A_1357 = vector.broadcast %broadcast_in_dim3A_1356 : i32 to vector<16xi32>
    tpu.vector_store_idx %arg6[%get3A_1355, %broadcast_in_dim3A_1357], %broadcast_in_dim3A_63 masked %eq3A_66 : memref<32x256xf32, #tpu.memory_space<vmem>>[vector<16xi32>, vector<16xi32>], vector<16xf32>, vector<16xi1>
    %get3A_1358 = arith.index_cast %add3A_1217 : i32 to index
    %get3A_1359 = arith.constant 448 : index
    %get3A_1360 = tpu.vector_load %arg5[%get3A_1358, %get3A_1359] {strides = array<i32>} : memref<32x512xi32, #tpu.memory_space<vmem>>, vector<16xi32>,
    %broadcast_in_dim3A_1361 = arith.constant 252 : i32
    %broadcast_in_dim3A_1362 = vector.broadcast %broadcast_in_dim3A_1361 : i32 to vector<16xi32>
    tpu.vector_store_idx %arg6[%get3A_1360, %broadcast_in_dim3A_1362], %broadcast_in_dim3A_63 masked %eq3A_66 : memref<32x256xf32, #tpu.memory_space<vmem>>[vector<16xi32>, vector<16xi32>], vector<16xf32>, vector<16xi1>
    %get3A_1363 = arith.index_cast %add3A_1217 : i32 to index
    %get3A_1364 = arith.constant 464 : index
    %get3A_1365 = tpu.vector_load %arg5[%get3A_1363, %get3A_1364] {strides = array<i32>} : memref<32x512xi32, #tpu.memory_space<vmem>>, vector<16xi32>,
    %broadcast_in_dim3A_1366 = arith.constant 253 : i32
    %broadcast_in_dim3A_1367 = vector.broadcast %broadcast_in_dim3A_1366 : i32 to vector<16xi32>
    tpu.vector_store_idx %arg6[%get3A_1365, %broadcast_in_dim3A_1367], %broadcast_in_dim3A_63 masked %eq3A_66 : memref<32x256xf32, #tpu.memory_space<vmem>>[vector<16xi32>, vector<16xi32>], vector<16xf32>, vector<16xi1>
    %get3A_1368 = arith.index_cast %add3A_1217 : i32 to index
    %get3A_1369 = arith.constant 480 : index
    %get3A_1370 = tpu.vector_load %arg5[%get3A_1368, %get3A_1369] {strides = array<i32>} : memref<32x512xi32, #tpu.memory_space<vmem>>, vector<16xi32>,
    %broadcast_in_dim3A_1371 = arith.constant 254 : i32
    %broadcast_in_dim3A_1372 = vector.broadcast %broadcast_in_dim3A_1371 : i32 to vector<16xi32>
    tpu.vector_store_idx %arg6[%get3A_1370, %broadcast_in_dim3A_1372], %broadcast_in_dim3A_63 masked %eq3A_66 : memref<32x256xf32, #tpu.memory_space<vmem>>[vector<16xi32>, vector<16xi32>], vector<16xf32>, vector<16xi1>
    %get3A_1373 = arith.index_cast %add3A_1217 : i32 to index
    %get3A_1374 = arith.constant 496 : index
    %get3A_1375 = tpu.vector_load %arg5[%get3A_1373, %get3A_1374] {strides = array<i32>} : memref<32x512xi32, #tpu.memory_space<vmem>>, vector<16xi32>,
    %broadcast_in_dim3A_1376 = arith.constant 255 : i32
    %broadcast_in_dim3A_1377 = vector.broadcast %broadcast_in_dim3A_1376 : i32 to vector<16xi32>
    tpu.vector_store_idx %arg6[%get3A_1375, %broadcast_in_dim3A_1377], %broadcast_in_dim3A_63 masked %eq3A_66 : memref<32x256xf32, #tpu.memory_space<vmem>>[vector<16xi32>, vector<16xi32>], vector<16xf32>, vector<16xi1>
    %mul3A_1378 = arith.constant 256 : i32
    %mul3A_1379 = arith.muli %select_n3A_30, %mul3A_1378 : i32
    "tpu.region"() ({
      %run_scoped3A = tpu.sem_alloc : memref<!tpu.dma_semaphore, #tpu.memory_space<semaphore_mem>>
      %dma_start3A_1380 = arith.constant 0 : i32
      %dma_start3A_1381 = tpu.memref_slice %arg3[%select_n3A, %dma_start3A_1380, %mul3A_1379] : memref<8x32x1024xf32, #tpu.memory_space<hbm>> -> memref<1x32x256xf32, #tpu.memory_space<hbm>>
      %dma_start3A_1382 = tpu.memref_squeeze %dma_start3A_1381 : memref<1x32x256xf32, #tpu.memory_space<hbm>> -> memref<32x256xf32, #tpu.memory_space<hbm>>
      %dma_start3A_1383 = arith.constant 0 : i32
      %dma_start3A_1384 = tpu.memref_slice %arg3[%select_n3A, %dma_start3A_1383, %mul3A_1379] : memref<8x32x1024xf32, #tpu.memory_space<hbm>> -> memref<1x32x256xf32, #tpu.memory_space<hbm>>
      %dma_start3A_1385 = tpu.memref_squeeze %dma_start3A_1384 : memref<1x32x256xf32, #tpu.memory_space<hbm>> -> memref<32x256xf32, #tpu.memory_space<hbm>>
      tpu.enqueue_dma source(%arg6 : memref<32x256xf32, #tpu.memory_space<vmem>>) target(%dma_start3A_1385 : memref<32x256xf32, #tpu.memory_space<hbm>>) target_semaphore(%run_scoped3A : memref<!tpu.dma_semaphore, #tpu.memory_space<semaphore_mem>>)
      %dma_wait3A_1386 = arith.constant 0 : i32
      %dma_wait3A_1387 = tpu.memref_slice %arg3[%select_n3A, %dma_wait3A_1386, %mul3A_1379] : memref<8x32x1024xf32, #tpu.memory_space<hbm>> -> memref<1x32x256xf32, #tpu.memory_space<hbm>>
      %dma_wait3A_1388 = tpu.memref_squeeze %dma_wait3A_1387 : memref<1x32x256xf32, #tpu.memory_space<hbm>> -> memref<32x256xf32, #tpu.memory_space<hbm>>
      %dma_wait3A_1389 = arith.constant 0 : i32
      %dma_wait3A_1390 = tpu.memref_slice %arg3[%select_n3A, %dma_wait3A_1389, %mul3A_1379] : memref<8x32x1024xf32, #tpu.memory_space<hbm>> -> memref<1x32x256xf32, #tpu.memory_space<hbm>>
      %dma_wait3A_1391 = tpu.memref_squeeze %dma_wait3A_1390 : memref<1x32x256xf32, #tpu.memory_space<hbm>> -> memref<32x256xf32, #tpu.memory_space<hbm>>
      tpu.wait_dma2 semaphore(%run_scoped3A : memref<!tpu.dma_semaphore, #tpu.memory_space<semaphore_mem>>) src(%arg6 : memref<32x256xf32, #tpu.memory_space<vmem>>) dst(%dma_wait3A_1391 : memref<32x256xf32, #tpu.memory_space<hbm>>)
      tpu.yield
    }) : () -> ()
    return
  }
}

module attributes {stable_mosaic.version = 14 : i64} {
  func.func @_loss_body(%arg0: memref<1xi32, #tpu.memory_space<smem>>, %arg1: memref<8x32x1024xf32, #tpu.memory_space<vmem>>, %arg2: memref<8x256x1024xf32, #tpu.memory_space<vmem>>, %arg3: memref<32x256xf32, #tpu.memory_space<vmem>>, %arg4: memref<1x1xf32, #tpu.memory_space<smem>>) attributes {dimension_semantics = [], scalar_prefetch = 0 : i64, scratch_operands = 0 : i64, tpu.core_type = #tpu.core_type<tc>} {
    %get3A = arith.constant 0 : index
    %get3A_0 = arith.constant 0 : index
    %get3A_1 = arith.constant 0 : index
    %get3A_2 = vector.load %arg1[%get3A, %get3A_0, %get3A_1] : memref<8x32x1024xf32, #tpu.memory_space<vmem>>, vector<8x32x1024xf32>
    %get3A_3 = arith.constant 0 : index
    %get3A_4 = arith.constant 0 : index
    %get3A_5 = arith.constant 0 : index
    %get3A_6 = vector.load %arg2[%get3A_3, %get3A_4, %get3A_5] : memref<8x256x1024xf32, #tpu.memory_space<vmem>>, vector<8x256x1024xf32>
    %dot_general3A = arith.constant dense<0.000000e+00> : vector<8x32x256xf32>
    %dot_general3A_7 = tpu.matmul %get3A_2, %get3A_6, %dot_general3A {dimension_numbers = #tpu.dot_dimension_numbers<[2], [2], [1], [1], [0, 0, 0, 1, 1, 1], [0], [0]>, transpose_lhs_hint = false} : vector<8x32x1024xf32>, vector<8x256x1024xf32>, vector<8x32x256xf32> -> vector<8x32x256xf32>
    %reduce_sum3A = arith.constant dense<0.000000e+00> : vector<8x32xf32>
    %reduce_sum3A_8 = vector.multi_reduction <add>, %get3A_2, %reduce_sum3A [2] : vector<8x32x1024xf32> to vector<8x32xf32>
    %get3A_9 = arith.constant 0 : index
    %get3A_10 = memref.load %arg0[%get3A_9] : memref<1xi32, #tpu.memory_space<smem>>
    %iota3A = tpu.iota {dimensions = array<i32: 1>} : vector<1x32xi32>
    %ge3A = arith.constant 1 : i32
    %ge3A_11 = vector.broadcast %ge3A : i32 to vector<1x32xi32>
    %ge3A_12 = arith.cmpi sge, %iota3A, %ge3A_11 : vector<1x32xi32>
    %le3A = vector.broadcast %get3A_10 : i32 to vector<1x32xi32>
    %le3A_13 = arith.cmpi sle, %iota3A, %le3A : vector<1x32xi32>
    %and3A = arith.andi %ge3A_12, %le3A_13 : vector<1x32xi1>
    %gt3A = arith.constant 5.000000e-01 : f32
    %gt3A_14 = vector.broadcast %gt3A : f32 to vector<8x32xf32>
    %gt3A_15 = arith.cmpf ogt, %reduce_sum3A_8, %gt3A_14 : vector<8x32xf32>
    %and3A_16 = vector.broadcast %and3A : vector<1x32xi1> to vector<8x32xi1>
    %and3A_17 = arith.andi %gt3A_15, %and3A_16 : vector<8x32xi1>
    %convert_element_type3A = arith.extui %and3A_17 : vector<8x32xi1> to vector<8x32xi32>
    %convert_element_type3A_18 = arith.sitofp %convert_element_type3A : vector<8x32xi32> to vector<8x32xf32>
    %reduce_sum3A_19 = arith.constant dense<0.000000e+00> : vector<32xf32>
    %reduce_sum3A_20 = vector.multi_reduction <add>, %convert_element_type3A_18, %reduce_sum3A_19 [0] : vector<8x32xf32> to vector<32xf32>
    %mul3A = arith.mulf %dot_general3A_7, %dot_general3A_7 : vector<8x32x256xf32>
    %reduce_sum3A_21 = arith.constant dense<0.000000e+00> : vector<8x32xf32>
    %reduce_sum3A_22 = vector.multi_reduction <add>, %mul3A, %reduce_sum3A_21 [2] : vector<8x32x256xf32> to vector<8x32xf32>
    %broadcast_in_dim3A = vector.shape_cast %reduce_sum3A_22 : vector<8x32xf32> to vector<8x32x1xf32>
    %sqrt3A = math.sqrt %broadcast_in_dim3A : vector<8x32x1xf32>
    %max3A = arith.constant 9.99999996E-13 : f32
    %max3A_23 = vector.broadcast %max3A : f32 to vector<8x32x1xf32>
    %max3A_24 = arith.maximumf %sqrt3A, %max3A_23 : vector<8x32x1xf32>
    %div3A = vector.broadcast %max3A_24 : vector<8x32x1xf32> to vector<8x32x256xf32>
    %div3A_25 = arith.divf %dot_general3A_7, %div3A : vector<8x32x256xf32>
    %get3A_26 = arith.constant 0 : index
    %get3A_27 = arith.constant 0 : index
    %get3A_28 = vector.load %arg3[%get3A_26, %get3A_27] : memref<32x256xf32, #tpu.memory_space<vmem>>, vector<32x256xf32>
    %mul3A_29 = arith.mulf %get3A_28, %get3A_28 : vector<32x256xf32>
    %reduce_sum3A_30 = arith.constant dense<0.000000e+00> : vector<32xf32>
    %reduce_sum3A_31 = vector.multi_reduction <add>, %mul3A_29, %reduce_sum3A_30 [1] : vector<32x256xf32> to vector<32xf32>
    %broadcast_in_dim3A_32 = vector.shape_cast %reduce_sum3A_31 : vector<32xf32> to vector<32x1xf32>
    %sqrt3A_33 = math.sqrt %broadcast_in_dim3A_32 : vector<32x1xf32>
    %max3A_34 = arith.constant 9.99999996E-13 : f32
    %max3A_35 = vector.broadcast %max3A_34 : f32 to vector<32x1xf32>
    %max3A_36 = arith.maximumf %sqrt3A_33, %max3A_35 : vector<32x1xf32>
    %div3A_37 = vector.broadcast %max3A_36 : vector<32x1xf32> to vector<32x256xf32>
    %div3A_38 = arith.divf %get3A_28, %div3A_37 : vector<32x256xf32>
    %reshape3A = vector.shape_cast %div3A_25 : vector<8x32x256xf32> to vector<256x256xf32>
    %dot_general3A_39 = arith.constant dense<0.000000e+00> : vector<256x256xf32>
    %dot_general3A_40 = tpu.matmul %reshape3A, %reshape3A, %dot_general3A_39 {dimension_numbers = #tpu.dot_dimension_numbers<[1], [1], [0], [0], [0, 0, 1, 0], [], []>, transpose_lhs_hint = false} : vector<256x256xf32>, vector<256x256xf32>, vector<256x256xf32> -> vector<256x256xf32>
    %dot_general3A_41 = arith.constant dense<0.000000e+00> : vector<256x32xf32>
    %dot_general3A_42 = tpu.matmul %reshape3A, %div3A_38, %dot_general3A_41 {dimension_numbers = #tpu.dot_dimension_numbers<[1], [1], [0], [0], [0, 0, 1, 0], [], []>, transpose_lhs_hint = false} : vector<256x256xf32>, vector<32x256xf32>, vector<256x32xf32> -> vector<256x32xf32>
    %mul3A_43 = arith.constant 14.2857141 : f32
    %mul3A_44 = vector.broadcast %mul3A_43 : f32 to vector<256x256xf32>
    %mul3A_45 = arith.mulf %dot_general3A_40, %mul3A_44 : vector<256x256xf32>
    %exp3A = math.exp %mul3A_45 : vector<256x256xf32>
    %reshape3A_46 = vector.shape_cast %exp3A : vector<256x256xf32> to vector<8x32x256xf32>
    %mul3A_47 = arith.constant 14.2857141 : f32
    %mul3A_48 = vector.broadcast %mul3A_47 : f32 to vector<256x32xf32>
    %mul3A_49 = arith.mulf %dot_general3A_42, %mul3A_48 : vector<256x32xf32>
    %exp3A_50 = math.exp %mul3A_49 : vector<256x32xf32>
    %reshape3A_51 = vector.shape_cast %exp3A_50 : vector<256x32xf32> to vector<8x32x32xf32>
    %add3A = arith.constant 1.000000e+00 : f32
    %add3A_52 = vector.broadcast %add3A : f32 to vector<32xf32>
    %add3A_53 = arith.addf %reduce_sum3A_20, %add3A_52 : vector<32xf32>
    %div3A_54 = arith.constant 1.000000e+00 : f32
    %div3A_55 = vector.broadcast %div3A_54 : f32 to vector<32xf32>
    %div3A_56 = arith.divf %div3A_55, %add3A_53 : vector<32xf32>
    %broadcast_in_dim3A_57 = vector.shape_cast %div3A_56 : vector<32xf32> to vector<1x32xf32>
    %mul3A_58 = vector.broadcast %broadcast_in_dim3A_57 : vector<1x32xf32> to vector<8x32xf32>
    %mul3A_59 = arith.mulf %convert_element_type3A_18, %mul3A_58 : vector<8x32xf32>
    %slice3A = vector.extract_strided_slice %mul3A_59 {offsets = [0, 0], sizes = [1, 32], strides = [1, 1]} : vector<8x32xf32> to vector<1x32xf32>
    %slice3A_60 = vector.extract_strided_slice %mul3A_59 {offsets = [1, 0], sizes = [1, 32], strides = [1, 1]} : vector<8x32xf32> to vector<1x32xf32>
    %slice3A_61 = vector.extract_strided_slice %mul3A_59 {offsets = [2, 0], sizes = [1, 32], strides = [1, 1]} : vector<8x32xf32> to vector<1x32xf32>
    %slice3A_62 = vector.extract_strided_slice %mul3A_59 {offsets = [3, 0], sizes = [1, 32], strides = [1, 1]} : vector<8x32xf32> to vector<1x32xf32>
    %slice3A_63 = vector.extract_strided_slice %mul3A_59 {offsets = [4, 0], sizes = [1, 32], strides = [1, 1]} : vector<8x32xf32> to vector<1x32xf32>
    %slice3A_64 = vector.extract_strided_slice %mul3A_59 {offsets = [5, 0], sizes = [1, 32], strides = [1, 1]} : vector<8x32xf32> to vector<1x32xf32>
    %slice3A_65 = vector.extract_strided_slice %mul3A_59 {offsets = [6, 0], sizes = [1, 32], strides = [1, 1]} : vector<8x32xf32> to vector<1x32xf32>
    %slice3A_66 = vector.extract_strided_slice %mul3A_59 {offsets = [7, 0], sizes = [1, 32], strides = [1, 1]} : vector<8x32xf32> to vector<1x32xf32>
    %concatenate3A = tpu.concatenate %slice3A, %slice3A_60, %slice3A_61, %slice3A_62, %slice3A_63, %slice3A_64, %slice3A_65, %slice3A_66 in 1 : vector<1x32xf32>, vector<1x32xf32>, vector<1x32xf32>, vector<1x32xf32>, vector<1x32xf32>, vector<1x32xf32>, vector<1x32xf32>, vector<1x32xf32> -> vector<1x256xf32>
    %squeeze3A = vector.shape_cast %and3A : vector<1x32xi1> to vector<32xi1>
    %convert_element_type3A_67 = arith.extui %squeeze3A : vector<32xi1> to vector<32xi32>
    %convert_element_type3A_68 = arith.sitofp %convert_element_type3A_67 : vector<32xi32> to vector<32xf32>
    %mul3A_69 = arith.mulf %convert_element_type3A_68, %div3A_56 : vector<32xf32>
    %broadcast_in_dim3A_70 = vector.shape_cast %concatenate3A : vector<1x256xf32> to vector<1x1x256xf32>
    %mul3A_71 = vector.broadcast %broadcast_in_dim3A_70 : vector<1x1x256xf32> to vector<8x32x256xf32>
    %mul3A_72 = arith.mulf %reshape3A_46, %mul3A_71 : vector<8x32x256xf32>
    %reduce_sum3A_73 = arith.constant dense<0.000000e+00> : vector<8x32xf32>
    %reduce_sum3A_74 = vector.multi_reduction <add>, %mul3A_72, %reduce_sum3A_73 [2] : vector<8x32x256xf32> to vector<8x32xf32>
    %broadcast_in_dim3A_75 = vector.shape_cast %mul3A_69 : vector<32xf32> to vector<1x1x32xf32>
    %mul3A_76 = vector.broadcast %broadcast_in_dim3A_75 : vector<1x1x32xf32> to vector<8x32x32xf32>
    %mul3A_77 = arith.mulf %reshape3A_51, %mul3A_76 : vector<8x32x32xf32>
    %reduce_sum3A_78 = arith.constant dense<0.000000e+00> : vector<8x32xf32>
    %reduce_sum3A_79 = vector.multi_reduction <add>, %mul3A_77, %reduce_sum3A_78 [2] : vector<8x32x32xf32> to vector<8x32xf32>
    %add3A_80 = arith.addf %reduce_sum3A_74, %reduce_sum3A_79 : vector<8x32xf32>
    %reduce_sum3A_81 = arith.constant dense<0.000000e+00> : vector<32x256xf32>
    %reduce_sum3A_82 = vector.multi_reduction <add>, %div3A_25, %reduce_sum3A_81 [0] : vector<8x32x256xf32> to vector<32x256xf32>
    %broadcast_in_dim3A_83 = vector.shape_cast %reduce_sum3A_82 : vector<32x256xf32> to vector<1x32x256xf32>
    %mul3A_84 = vector.broadcast %broadcast_in_dim3A_83 : vector<1x32x256xf32> to vector<8x32x256xf32>
    %mul3A_85 = arith.mulf %div3A_25, %mul3A_84 : vector<8x32x256xf32>
    %reduce_sum3A_86 = arith.constant dense<0.000000e+00> : vector<8x32xf32>
    %reduce_sum3A_87 = vector.multi_reduction <add>, %mul3A_85, %reduce_sum3A_86 [2] : vector<8x32x256xf32> to vector<8x32xf32>
    %broadcast_in_dim3A_88 = vector.shape_cast %div3A_38 : vector<32x256xf32> to vector<1x32x256xf32>
    %mul3A_89 = vector.broadcast %broadcast_in_dim3A_88 : vector<1x32x256xf32> to vector<8x32x256xf32>
    %mul3A_90 = arith.mulf %div3A_25, %mul3A_89 : vector<8x32x256xf32>
    %reduce_sum3A_91 = arith.constant dense<0.000000e+00> : vector<8x32xf32>
    %reduce_sum3A_92 = vector.multi_reduction <add>, %mul3A_90, %reduce_sum3A_91 [2] : vector<8x32x256xf32> to vector<8x32xf32>
    %broadcast_in_dim3A_93 = vector.shape_cast %reduce_sum3A_20 : vector<32xf32> to vector<1x32xf32>
    %log3A = math.log %add3A_80 : vector<8x32xf32>
    %mul3A_94 = vector.broadcast %broadcast_in_dim3A_93 : vector<1x32xf32> to vector<8x32xf32>
    %mul3A_95 = arith.mulf %mul3A_94, %log3A : vector<8x32xf32>
    %add3A_96 = arith.addf %reduce_sum3A_87, %reduce_sum3A_92 : vector<8x32xf32>
    %sub3A = arith.constant 1.000000e+00 : f32
    %sub3A_97 = vector.broadcast %sub3A : f32 to vector<8x32xf32>
    %sub3A_98 = arith.subf %add3A_96, %sub3A_97 : vector<8x32xf32>
    %mul3A_99 = arith.constant 14.2857141 : f32
    %mul3A_100 = vector.broadcast %mul3A_99 : f32 to vector<8x32xf32>
    %mul3A_101 = arith.mulf %sub3A_98, %mul3A_100 : vector<8x32xf32>
    %sub3A_102 = arith.subf %mul3A_95, %mul3A_101 : vector<8x32xf32>
    %mul3A_103 = arith.mulf %sub3A_102, %convert_element_type3A_18 : vector<8x32xf32>
    %reduce_sum3A_104 = arith.constant dense<0.000000e+00> : vector<32xf32>
    %reduce_sum3A_105 = vector.multi_reduction <add>, %mul3A_103, %reduce_sum3A_104 [0] : vector<8x32xf32> to vector<32xf32>
    %mul3A_106 = arith.mulf %reduce_sum3A_20, %reduce_sum3A_20 : vector<32xf32>
    %max3A_107 = arith.constant 1.000000e+00 : f32
    %max3A_108 = vector.broadcast %max3A_107 : f32 to vector<32xf32>
    %max3A_109 = arith.maximumf %mul3A_106, %max3A_108 : vector<32xf32>
    %div3A_110 = arith.divf %reduce_sum3A_105, %max3A_109 : vector<32xf32>
    %ge3A_111 = arith.constant 5.000000e-01 : f32
    %ge3A_112 = vector.broadcast %ge3A_111 : f32 to vector<32xf32>
    %ge3A_113 = arith.cmpf oge, %reduce_sum3A_20, %ge3A_112 : vector<32xf32>
    %convert_element_type3A_114 = arith.extui %ge3A_113 : vector<32xi1> to vector<32xi32>
    %convert_element_type3A_115 = arith.sitofp %convert_element_type3A_114 : vector<32xi32> to vector<32xf32>
    %mul3A_116 = arith.mulf %div3A_110, %convert_element_type3A_115 : vector<32xf32>
    %reduce_sum3A_117 = vector.shape_cast %mul3A_116 : vector<32xf32> to vector<1x32xf32>
    %reduce_sum3A_118 = arith.constant dense<0.000000e+00> : vector<1xf32>
    %reduce_sum3A_119 = vector.multi_reduction <add>, %reduce_sum3A_117, %reduce_sum3A_118 [1] : vector<1x32xf32> to vector<1xf32>
    %reduce_sum3A_120 = vector.shape_cast %reduce_sum3A_119 : vector<1xf32> to vector<1x1xf32>
    %reduce_sum3A_121 = vector.extract %reduce_sum3A_120[0, 0] : f32 from vector<1x1xf32>
    %mul3A_122 = arith.constant 1.000000e-01 : f32
    %mul3A_123 = arith.mulf %mul3A_122, %reduce_sum3A_121 : f32
    %reduce_sum3A_124 = vector.shape_cast %convert_element_type3A_115 : vector<32xf32> to vector<1x32xf32>
    %reduce_sum3A_125 = arith.constant dense<0.000000e+00> : vector<1xf32>
    %reduce_sum3A_126 = vector.multi_reduction <add>, %reduce_sum3A_124, %reduce_sum3A_125 [1] : vector<1x32xf32> to vector<1xf32>
    %reduce_sum3A_127 = vector.shape_cast %reduce_sum3A_126 : vector<1xf32> to vector<1x1xf32>
    %reduce_sum3A_128 = vector.extract %reduce_sum3A_127[0, 0] : f32 from vector<1x1xf32>
    %div3A_129 = arith.divf %mul3A_123, %reduce_sum3A_128 : f32
    %swap3A = arith.constant 0 : index
    %swap3A_130 = arith.constant 0 : index
    %swap3A_131 = memref.load %arg4[%swap3A, %swap3A_130] : memref<1x1xf32, #tpu.memory_space<smem>>
    memref.store %div3A_129, %arg4[%swap3A, %swap3A_130] : memref<1x1xf32, #tpu.memory_space<smem>>
    return
  }
}

</mosaic_0001>

<sc_bundles>
// kernel: _run.4.cloned.1.call-start
scs
__scs_entry_jumppad:
0x0: {  	(pc) =	sbr.rel $0x88, $3  }
0x1: {  	(tag) =	ssettag $0x0;
	lr =	simm.s32 $0x1  }
0x2: {  	[smem:$0x3F9D] =	sst lr;
	_ =	strace $0xD0000000  }
0x3: {  	_ = 	snop  }
0x4: {  	_ = 	snop  }
0x5: {  	_ = 	snop  }
0x6: {  	_ = 	snop  }
0x7: {  	_ = 	snop  }
__scs_overlays_trampoline_lowered:
0x8: {  	[smem:$0x3FAC] =	sst s0  }
0x9: {  	[smem:$0x3FAD] =	sst s1  }
0xa: {  	[smem:$0x3FAE] =	sst s2  }
0xb: {  	[smem:$0x3FAF] =	sst s3  }
0xc: {  	[smem:$0x3FB0] =	sst s4  }
0xd: {  	[smem:$0x3FB1] =	sst s5  }
0xe: {  	[smem:$0x3FB2] =	sst s6  }
0xf: {  	[smem:$0x3FB3] =	sst s7  }
0x10: {  	[smem:$0x3FB4] =	sst s8  }
0x11: {  	[smem:$0x3FB5] =	sst s9;
	s0 =	simm.s32 @!p0 $0x0  }
0x12: {  	s1 =	sld [smem:$0x3F9B];
	s0 =	simm.s32 @p0 $0x1  }
0x13: {  	[smem:$0x3FB6] =	sst s0;
	s0 =	simm.s32 @!p1 $0x0  }
0x14: {  	s2 =	sld [smem:$0x3F9A];
	s0 =	simm.s32 @p1 $0x1  }
0x15: {  	[smem:$0x3FB7] =	sst s0;
	s0 =	simm.s32 @!p2 $0x0  }
0x16: {  	s3 =	sld [smem:$0x3FDB];
	s0 =	simm.s32 @p2 $0x1  }
0x17: {  	s4 =	simm.s32 $0x1BF5;
	[smem:$0x3FB9] =	sst s0  }
0x18: {  	s0 =	sld [smem:$0x3F9C];
	_ =	swait.ge [sflag:s4], $0x0  }
0x19: {  	s7 =	sld [smem:$0x3F9D]  }
0x1a: {  	s8 =	sadd.s32 $0xFFFFE003, lr  }
0x1b: {  	s9 =	sadd.s32 $0xFFFFFEF7, lr;
	s5 =	simm.s32 $0xFFFFFFFF;
	p2 =	slt.u32 s8, $0xFFFFF086  }
0x1c: {  	p1 =	slt.u32 s9, $0xF7A;
	s5 =	simm.s32 @!p2 $0x0  }
0x1d: {  	s5 =	simm.s32 @p1 $0x1;
	p0 =	seq.s32 s7, s2  }
0x1e: {  	s7 =	smul.u32 @!p0 $0xF7A, s2;
	p2 =	seq.s32 @!p0 s5, $0x0  }
0x1f: {  	s9 =	smul.u32 $0xF7A, s1;
	s8 =	simm.s32 @!p0 $0x1BF5;
	p2 =	por !p2, p0  }
0x20: {  	[sflag:s8] =	ssyncset.s32 @!p0 $0xFFFFF086;
	s6 =	sadd.s32 @!p0 s3, s7;
	s7 =	simm.s32 @!p0 $0x108  }
0x21: {  	s3 =	sadd.s32 s3, s9;
	s6 =	sadd.s32 @!p0 $0x88, s6;
	s7 =	simm.s32 @p2 $0x1082  }
0x22: {  	[simem:s7], [sflag:s8] =	dma.local @!p0 [hbm:s6], $0xF7A  }
0x23: {  	s9 =	sor.u32 $0xD0000000, s2;
	s6 =	simm.s32 $0x108;
	_ =	swait.ge @!p0 [sflag:s8], $0x0  }
0x24: {  	s3 =	sadd.s32 $0x88, s3;
	s6 =	simm.s32 @!p1 $0x1082;
	[sflag:s4] =	ssyncset.s32 $0xFFFFF086  }
0x25: {  	[simem:s6], [sflag:s4] =	dma.local [hbm:s3], $0xF7A  }
0x26: {  	[smem:$0x3F9D] =	sst s1;
	(tag) =	ssettag s2;
	_ =	strace s9  }
0x27: {  	s1 =	sld [smem:$0x3FAD]  }
0x28: {  	s2 =	sld [smem:$0x3FAE]  }
0x29: {  	s4 =	sld [smem:$0x3FB0]  }
0x2a: {  	p0 =	seq.s32 s5, $0x0;
	s5 =	sld [smem:$0x3FB1]  }
0x2b: {  	s6 =	sld [smem:$0x3FB2]  }
0x2c: {  	s7 =	sld [smem:$0x3FB3]  }
0x2d: {  	s3 =	simm.s32 $0x108;
	s8 =	sld [smem:$0x3FB4]  }
0x2e: {  	s3 =	simm.s32 @!p0 $0x1082;
	s9 =	sld [smem:$0x3FB5]  }
0x2f: {  	lr =	sadd.s32 s0, s3;
	s0 =	sld [smem:$0x3FAC]  }
0x30: {  	s3 =	sld [smem:$0x3FAF]  }
0x31: {  	[smem:$0x3FB8] =	sst s10  }
0x32: {  	s10 =	sld [smem:$0x3FB6];
	_ =	sdelay $0x3  }
0x33: {  	p0 =	seq.s32 s10, $0x1;
	s10 =	sld [smem:$0x3FB8];
	_ =	sdelay $0x3  }
0x34: {  	[smem:$0x3FB8] =	sst s10  }
0x35: {  	s10 =	sld [smem:$0x3FB7];
	_ =	sdelay $0x3  }
0x36: {  	p1 =	seq.s32 s10, $0x1;
	s10 =	sld [smem:$0x3FB8];
	_ =	sdelay $0x3  }
0x37: {  	[smem:$0x3FB8] =	sst s10  }
0x38: {  	s10 =	sld [smem:$0x3FB9]  }
0x39: {  	_ = 	snop;
	(pc) =	sbr.ind lr, $3  }
0x3a: {  	_ = 	snop  }
0x3b: {  	_ = 	snop  }
0x3c: {  	p2 =	seq.s32 s10, $0x1;
	s10 =	sld [smem:$0x3FB8]  }
0x3d: {  	_ =	shalt  }
0x3e: {  	_ =	shalt  }
0x3f: {  	_ =	shalt  }
0x40: {  	_ =	shalt  }
0x41: {  	_ =	shalt  }
0x42: {  	_ =	shalt  }
0x43: {  	_ =	shalt  }
0x44: {  	_ =	shalt  }
0x45: {  	_ =	shalt  }
0x46: {  	_ =	shalt  }
0x47: {  	_ =	shalt  }
0x48: {  	_ =	shalt  }
0x49: {  	_ =	shalt  }
0x4a: {  	_ =	shalt  }
0x4b: {  	_ =	shalt  }
0x4c: {  	_ =	shalt  }
0x4d: {  	_ =	shalt  }
0x4e: {  	_ =	shalt  }
0x4f: {  	_ =	shalt  }
0x50: {  	_ =	shalt  }
0x51: {  	_ =	shalt  }
0x52: {  	_ =	shalt  }
0x53: {  	_ =	shalt  }
0x54: {  	_ =	shalt  }
0x55: {  	_ =	shalt  }
0x56: {  	_ =	shalt  }
0x57: {  	_ =	shalt  }
0x58: {  	_ =	shalt  }
0x59: {  	_ =	shalt  }
0x5a: {  	_ =	shalt  }
0x5b: {  	_ =	shalt  }
0x5c: {  	_ =	shalt  }
0x5d: {  	_ =	shalt  }
0x5e: {  	_ =	shalt  }
0x5f: {  	_ =	shalt  }
0x60: {  	_ =	shalt  }
0x61: {  	_ =	shalt  }
0x62: {  	_ =	shalt  }
0x63: {  	_ =	shalt  }
0x64: {  	_ =	shalt  }
0x65: {  	_ =	shalt  }
0x66: {  	_ =	shalt  }
0x67: {  	_ =	shalt  }
0x68: {  	_ =	shalt  }
0x69: {  	_ =	shalt  }
0x6a: {  	_ =	shalt  }
0x6b: {  	_ =	shalt  }
0x6c: {  	_ =	shalt  }
0x6d: {  	_ =	shalt  }
0x6e: {  	_ =	shalt  }
0x6f: {  	_ =	shalt  }
0x70: {  	_ =	shalt  }
0x71: {  	_ =	shalt  }
0x72: {  	_ =	shalt  }
0x73: {  	_ =	shalt  }
0x74: {  	_ =	shalt  }
0x75: {  	_ =	shalt  }
0x76: {  	_ =	shalt  }
0x77: {  	_ =	shalt  }
0x78: {  	_ =	shalt  }
0x79: {  	_ =	shalt  }
0x7a: {  	_ =	shalt  }
0x7b: {  	_ =	shalt  }
0x7c: {  	_ =	shalt  }
0x7d: {  	_ =	shalt  }
0x7e: {  	_ =	shalt  }
0x7f: {  	_ =	shalt  }
0x80: {  	_ =	shalt  }
0x81: {  	_ =	shalt  }
0x82: {  	_ =	shalt  }
0x83: {  	_ =	shalt  }
0x84: {  	_ =	shalt  }
0x85: {  	_ =	shalt  }
0x86: {  	_ =	shalt  }
0x87: {  	_ =	shalt  }
.Lfunc_end0:
.L_simem_size_0:
called_computation_lowered:
.L_overlay_start_0:
0x88: {  	s2 =	sld [smem:$0x3FD9]  }
0x89: {  	s3 =	sld [smem:$0x3FFE];
	_ =	sdelay $0x1  }
0x8a: {  	s1 =	srdreg.scid  }
0x8b: {  	s0 =	sand.u32 $0x1, s1  }
0x8c: {  	s17 =	sshll.u32 s0, $0xA;
	s2 =	sadd.s32 s3, s2  }
0x8d: {  	s2 =	sadd.s32 s2, s17  }
0x8e: {  	[smem:$0x3FC4] =	sst s2  }
0x8f: {  	_ = 	snop  }
0x90: {  	s2 =	sld [smem:$0x3FC9];
	(tm) =	ssettm $0x1  }
0x91: {  	s18 =	sld [smem:$0x3FFB];
	_ =	sdelay $0x3  }
0x92: {  	_ =	strace s18  }
0x93: {  	s3 =	sld [smem:$0x3FFC];
	_ =	sdelay $0x3  }
0x94: {  	_ =	strace s3  }
0x95: {  	s3 =	sld [smem:$0x3FFD];
	_ =	sdelay $0x3  }
0x96: {  	_ =	strace s3  }
0x97: {  	_ =	strace $0x8FFFFFFF  }
0x98: {  	s19 =	sld [smem:$0x3FDB];
	_ =	sdelay $0x1  }
0x99: {  	s4 =	simm.s32 $_scs_section_size  }
0x9a: {  	s5 =	simm.s32 $_size__tile_overlayer_lowered;
	s6 =	simm.s32 $_tile_overlayer_lowered  }
0x9b: {  	s22 =	simm.s32 $0x1BFF;
	s21 =	sshll.u32 s6, $0x1;
	s3 =	sadd.s32 s4, s19  }
0x9c: {  	s7 =	simm.s32 $0x0;
	s20 =	sshll.u32 s5, $0x1;
	s5 =	sadd.s32 s21, s3  }
0x9d: {  	[timem:s7], [sflag:s22] =	dma.local [hbm:s5], s20  }
0x9e: {  	_ =	swait.ge [sflag:s22], s20  }
0x9f: {  	s4 =	ssub.s32 $0x0, s20;
	[sflag:s22] =	ssyncset.done $0x0  }
0xa0: {  	[sflag:s22] =	ssyncadd.s32 s4;
	_ =	sdelay $0x1  }
0xa1: {  	s23 =	simm.s32 $0x1B8B  }
0xa2: {  	_ =	swait.ge [sflag:s23], $0x1  }
0xa3: {  	[sflag:s23] =	ssyncset.done $0x0  }
0xa4: {  	s25 =	simm.s32 $0x1B8E;
	s24 =	sld [smem:$0x3FFE];
	[sflag:s23] =	ssyncadd.s32 $0xFFFFFFFF  }
0xa5: {  	s26 =	simm.s32 $execute0_lowered;
	[smem:$0x3FD2] =	sst s25  }
0xa6: {  	s5 =	sshll.u32 s26, $0x1;
	_ =	strace $0x80000046;
	[dreg:$0x1] =	wrdreg $0xFFFFFFFF  }
0xa7: {  	s28 =	simm.s32 $_size_execute0_lowered;
	s3 =	sadd.s32 s3, s5;
	[dreg:$0x0] =	wrdreg $0x0  }
0xa8: {  	s5 =	sshll.u32 s28, $0x1;
	[dreg:$0x2] =	wrdreg s3  }
0xa9: {  	[dreg:$0x3] =	wrdreg s5  }
0xaa: {  	[dreg:$0x4] =	wrdreg $0xC0  }
0xab: {  	_ =	task [dreg:s7], $0x5FFFF  }
0xac: {  	[dreg:$0x1] =	wrdreg $0xFFFFFFFF  }
0xad: {  	[dreg:$0x0] =	wrdreg $0x60  }
0xae: {  	[dreg:$0x2] =	wrdreg s2  }
0xaf: {  	[dreg:$0x3] =	wrdreg s24  }
0xb0: {  	[dreg:$0x4] =	wrdreg $0x9  }
0xb1: {  	_ =	task.clear_ibuf [dreg:s7], $0x5FFFF;
	_ =	strace $0x90000046  }
0xb2: {  	s29 =	simm.s32 $0x9;
	_ =	strace $0x80000048  }
0xb3: {  	_ =	swait.ge [sflag:s29], $0x1  }
0xb4: {  	[sflag:s29] =	ssyncadd.s32 $0xFFFFFFFF  }
0xb5: {  	_ =	strace $0x90000048  }
0xb6: {  	_ =	sfence  }
0xb7: {  	s30 =	sld [smem:$0x0];
	_ =	sdelay $0x2  }
0xb8: {  	s31 =	sshll.u32 s1, $0xD;
	s1 =	sshrl.u32 s1, $0x2  }
0xb9: {  	s3 =	sand.u32 $0x4000, s31;
	s1 =	sadd.s32 s1, s30  }
0xba: {  	s0 =	sor.u32 s3, s0;
	s1 =	sshll.u32 s1, $0x11  }
0xbb: {  	s0 =	sor.u32 s1, s0  }
0xbc: {  	s0 =	sadd.s32 $0x8F2B, s0  }
0xbd: {  	[sflag:s0] =	ssyncadd.remote.s32 $0x1  }
0xbe: {  	_ =	sfence.sel $0xFFFF  }
0xbf: {  	[dreg:$0x0] =	wrdreg $0xFFFFFFFF;
	(pc) =	sbr.abs _section_cstart, $3  }
0xc0: {  	[dreg:$0x1] =	wrdreg $0xFFFFFFFF  }
0xc1: {  	_ =	task.clear_ibuf [dreg:s7], $0x2FFFF;
	_ =	strace $0x9FFFFFFF  }
0xc2: {  	(tm) =	ssettm $0x7FFFFFFF  }
0xc3: {  	_ =	shalt  }
tec
execute0_lowered:
.L_overlay_start_1:
0x0: {  	(tag) =	ssettag $0x1  }
0x1: {  	s1 =	rddreg [dreg:$0x0]  }
0x2: {  	s4 =	rddreg [dreg:$0x1]  }
0x3: {  	s0 =	rddreg [dreg:$0x2]  }
0x4: {  	s3 =	simm.s32 $0x0;
	s2 =	stileid.u32;
	s6 =	srdreg.scid  }
0x5: {  	s9 =	simm.s32 $0x880;
	s10 =	simm.s32 $0x1080;
	s11 =	simm.s32 $0x1880  }
0x6: {  	s12 =	simm.s32 $0x2080;
	s13 =	simm.s32 $0x2880;
	s14 =	simm.s32 $0x3080  }
0x7: {  	s15 =	simm.s32 $0x3880;
	s17 =	simm.s32 $0x4080;
	s18 =	simm.s32 $0x800  }
0x8: {  	v2 =	vlaneseq.u32;
	s19 =	simm.s32 $0x2000;
	s20 =	simm.s32 $0x2;
	s21 =	simm.s32 $0x0  }
0x9: {  	[smem:$0x7FF] =	sst s3;
	s5 =	sshrl.u32 s2, $0x1;
	s7 =	sshll.u32 s2, $0x1;
	v4 =	vmul.u32 $0x10, v2  }
0xa: {  	s6 =	sand.u32 $0x1, s6;
	s8 =	sshll.u32 s5, $0xC;
	s16 =	sshll.u32 s5, $0x9  }
0xb: {  	v1 =	vand.u32 $0x7, v2;
	v3 =	vshrl.u32 v2, $0x3;
	s7 =	sand.u32 $0x2, s7;
	s28 =	ssub.s32 $0x2, s6;
	_ =	strace $0x80000047;
	v0 =	vor.u32 s16, v4  }
0xc: {  	v2 =	vor.u32 $0x8, v2;
	v3 =	vmul.u32 $0x8, v3;
	s4 =	sadd.s32 s8, s4;
	s6 =	sor.u32 s6, s7;
	s29 =	sshrl.u32 s28, $0x1;
	v5 =	vshll.u32 v0, $0x2  }
0xd: {  	s8 =	simm.s32 $0x80;
	v4 =	vor.u32 $0x100, v4;
	s30 =	sshll.u32 s6, $0x8;
	s7 =	ssub.s32 s28, s29;
	v6 =	vperm.xlane v5, v1;
	v7 =	vperm.xlane v5, v2  }
0xe: {  	vm0 =	vmmov $0xffff;
	v8 =	vimm.f32 $1.000000000e+00;
	s5 =	sshll.u32 s6, $0xC;
	v4 =	vor.u32 s16, v4;
	s16 =	simm.s32 $0x1;
	s31 =	sadd.s32 s30, s4  }
0xf: {  	s4 =	sadd.s32 $0x100, s1;
	s7 =	smax.u32 s7, $0x1;
	s6 =	sadd.s32 $0xA00, s31;
	v5 =	vadd.s32 v3, v6;
	v6 =	vadd.s32 v3, v7;
	v7 =	vimm.f32 $0.0e+00  }
.LBB2_1:
0x10: {  	_ =	sdelay $0x1  }
0x11: {  	[tilespmem:$0x0] =	vst v0  }
0x12: {  	[tilespmem:$0x10] =	vst v4  }
0x13: {  	[tilespmem:s8], [sflag:$0x1] =	stream.indirect_vreg.gather [hbm4b:s1+s3], $0x80, v5, vm0, $0xb8;
	[tilespmem:$0x6080] =	vst v63  }
0x14: {  	_ = 	snop  }
0x15: {  	[tilespmem:s9], [sflag:$0x1] =	stream.indirect_vreg.gather [hbm4b:s4+s3], $0x80, v5, vm0, $0xb8;
	[tilespmem:$0x6080] =	vst v63  }
0x16: {  	_ = 	snop  }
0x17: {  	[tilespmem:s10], [sflag:$0x1] =	stream.indirect_vreg.gather [hbm4b:s1+s3], $0x80, v6, vm0, $0xb8;
	[tilespmem:$0x6080] =	vst v63  }
0x18: {  	_ = 	snop  }
0x19: {  	[tilespmem:s11], [sflag:$0x1] =	stream.indirect_vreg.gather [hbm4b:s4+s3], $0x80, v6, vm0, $0xb8;
	[tilespmem:$0x6080] =	vst v63  }
0x1a: {  	v9 =	vld [tilespmem:$0x10];
	_ =	sdelay $0x4  }
0x1b: {  	v10 =	vshll.u32 v9, $0x2  }
0x1c: {  	v9 =	vand.u32 $0x7, v9;
	v10 =	vand.u32 $0xFFFFFFE0, v10  }
0x1d: {  	v9 =	vor.u32 v9, v10  }
0x1e: {  	v10 =	vperm.xlane v9, v1;
	_ =	sdelay $0x1  }
0x1f: {  	v10 =	vadd.s32 v3, v10;
	_ =	sdelay $0x1  }
0x20: {  	v9 =	vperm.xlane v9, v2;
	_ =	sdelay $0x1  }
0x21: {  	v9 =	vadd.s32 v3, v9  }
0x22: {  	[tilespmem:s12], [sflag:$0x1] =	stream.indirect_vreg.gather [hbm4b:s1+s3], $0x80, v10, vm0, $0xb8;
	[tilespmem:$0x6080] =	vst v63  }
0x23: {  	_ = 	snop  }
0x24: {  	[tilespmem:s13], [sflag:$0x1] =	stream.indirect_vreg.gather [hbm4b:s4+s3], $0x80, v10, vm0, $0xb8;
	[tilespmem:$0x6080] =	vst v63  }
0x25: {  	s22 =	sand.u32 $0x1800, s3;
	s23 =	sand.u32 $0x380, s3  }
0x26: {  	[tilespmem:s14], [sflag:$0x1] =	stream.indirect_vreg.gather [hbm4b:s1+s3], $0x80, v9, vm0, $0xb8;
	[tilespmem:$0x6080] =	vst v63  }
0x27: {  	s22 =	sor.u32 s23, s22  }
0x28: {  	[tilespmem:s15], [sflag:$0x1] =	stream.indirect_vreg.gather [hbm4b:s4+s3], $0x80, v9, vm0, $0xb8;
	[tilespmem:$0x6080] =	vst v63  }
0x29: {  	[tilespmem:s22+$0x44F0] =	vst v7  }
0x2a: {  	[tilespmem:s22+$0x4080] =	vst v7  }
0x2b: {  	[tilespmem:s22+$0x4090] =	vst v7  }
0x2c: {  	[tilespmem:s22+$0x40A0] =	vst v7  }
0x2d: {  	[tilespmem:s22+$0x40B0] =	vst v7  }
0x2e: {  	[tilespmem:s22+$0x40C0] =	vst v7  }
0x2f: {  	[tilespmem:s22+$0x40D0] =	vst v7  }
0x30: {  	[tilespmem:s22+$0x40E0] =	vst v7  }
0x31: {  	[tilespmem:s22+$0x40F0] =	vst v7  }
0x32: {  	[tilespmem:s22+$0x4480] =	vst v7  }
0x33: {  	[tilespmem:s22+$0x4490] =	vst v7  }
0x34: {  	[tilespmem:s22+$0x44A0] =	vst v7  }
0x35: {  	[tilespmem:s22+$0x44B0] =	vst v7  }
0x36: {  	s24 =	simm.s32 $0x100;
	s23 =	simm.s32 $0x80;
	[tilespmem:s22+$0x44C0] =	vst v7  }
0x37: {  	s25 =	sand.u32 $0x1800, s24;
	s24 =	simm.s32 $0x200;
	s26 =	sand.u32 $0x380, s23;
	[tilespmem:s22+$0x44D0] =	vst v7  }
.LBB2_2:
0x38: {  	p0 =	sne.s32 s24, $0x1F00;
	[tilespmem:s22+$0x44E0] =	vst v7;
	s22 =	sor.u32 s26, s25  }
0x39: {  	[tilespmem:s22+$0x44F0] =	vst v7  }
0x3a: {  	[tilespmem:s22+$0x4080] =	vst v7  }
0x3b: {  	[tilespmem:s22+$0x4090] =	vst v7  }
0x3c: {  	[tilespmem:s22+$0x40A0] =	vst v7  }
0x3d: {  	[tilespmem:s22+$0x40B0] =	vst v7  }
0x3e: {  	[tilespmem:s22+$0x40C0] =	vst v7  }
0x3f: {  	[tilespmem:s22+$0x40D0] =	vst v7  }
0x40: {  	[tilespmem:s22+$0x40E0] =	vst v7  }
0x41: {  	[tilespmem:s22+$0x40F0] =	vst v7  }
0x42: {  	[tilespmem:s22+$0x4480] =	vst v7  }
.Ltmp0:
0x43: {  	[tilespmem:s22+$0x4490] =	vst v7;
	(pc) =	sbr.rel @p0 .LBB2_2-.Ltmp0, $4  }
0x44: {  	[tilespmem:s22+$0x44A0] =	vst v7  }
0x45: {  	[tilespmem:s22+$0x44B0] =	vst v7  }
0x46: {  	s23 =	sadd.s32 $0x80, s23;
	[tilespmem:s22+$0x44C0] =	vst v7  }
0x47: {  	s25 =	sand.u32 $0x1800, s24;
	s24 =	sadd.s32 $0x100, s24;
	s26 =	sand.u32 $0x380, s23;
	[tilespmem:s22+$0x44D0] =	vst v7  }
0x48: {  	s23 =	sor.u32 s26, s25;
	[tilespmem:s22+$0x44E0] =	vst v7  }
0x49: {  	[tilespmem:s23+$0x44F0] =	vst v7  }
0x4a: {  	[tilespmem:s23+$0x4080] =	vst v7  }
0x4b: {  	[tilespmem:s23+$0x4090] =	vst v7  }
0x4c: {  	[tilespmem:s23+$0x40A0] =	vst v7  }
0x4d: {  	[tilespmem:s23+$0x40B0] =	vst v7  }
0x4e: {  	[tilespmem:s23+$0x40C0] =	vst v7  }
0x4f: {  	[tilespmem:s23+$0x40D0] =	vst v7  }
0x50: {  	[tilespmem:s23+$0x40E0] =	vst v7  }
0x51: {  	[tilespmem:s23+$0x40F0] =	vst v7  }
0x52: {  	[tilespmem:s23+$0x4480] =	vst v7  }
0x53: {  	[tilespmem:s23+$0x4490] =	vst v7  }
0x54: {  	[tilespmem:s23+$0x44A0] =	vst v7  }
0x55: {  	[tilespmem:s23+$0x44B0] =	vst v7  }
0x56: {  	[tilespmem:s23+$0x44C0] =	vst v7  }
0x57: {  	[tilespmem:s23+$0x44D0] =	vst v7  }
0x58: {  	[tilespmem:s23+$0x44E0] =	vst v7  }
0x59: {  	_ =	swait.ge [sflag:s16], $0x4000  }
0x5a: {  	[sflag:s16] =	ssyncset.done $0x0  }
0x5b: {  	[sflag:s16] =	ssyncadd.s32 $0xFFFFC000  }
0x5c: {  	v9 =	vld [tilespmem:s5+$0x80];
	_ =	sdelay $0x4  }
0x5d: {  	v10 =	vshll.u32 v9, $0x8;
	v9 =	vshll.u32 v9, $0x7  }
0x5e: {  	v10 =	vand.u32 $0xFFFFF800, v10;
	v9 =	vand.u32 $0x380, v9  }
0x5f: {  	v9 =	vor.u32 v9, v10;
	_ =	sdelay $0x4  }
0x60: {  	[tilespmem:v9+s17+$0x0] =	vst.idx.msk $0x1, v8  }
0x61: {  	v9 =	vld [tilespmem:s5+$0x90];
	_ =	sdelay $0x4  }
0x62: {  	v10 =	vshll.u32 v9, $0x8;
	v9 =	vshll.u32 v9, $0x7  }
0x63: {  	v10 =	vand.u32 $0xFFFFF800, v10;
	v9 =	vand.u32 $0x380, v9  }
0x64: {  	v9 =	vor.u32 v10, v9  }
0x65: {  	v9 =	vor.u32 $0x1, v9;
	_ =	sdelay $0x4  }
0x66: {  	[tilespmem:v9+s17+$0x0] =	vst.idx.msk $0x1, v8  }
0x67: {  	v9 =	vld [tilespmem:s5+$0xA0];
	_ =	sdelay $0x4  }
0x68: {  	v10 =	vshll.u32 v9, $0x8;
	v9 =	vshll.u32 v9, $0x7  }
0x69: {  	v10 =	vand.u32 $0xFFFFF800, v10;
	v9 =	vand.u32 $0x380, v9  }
0x6a: {  	v9 =	vor.u32 v10, v9  }
0x6b: {  	v9 =	vor.u32 $0x2, v9;
	_ =	sdelay $0x4  }
0x6c: {  	[tilespmem:v9+s17+$0x0] =	vst.idx.msk $0x1, v8  }
0x6d: {  	v9 =	vld [tilespmem:s5+$0xB0];
	_ =	sdelay $0x4  }
0x6e: {  	v10 =	vshll.u32 v9, $0x8;
	v9 =	vshll.u32 v9, $0x7  }
0x6f: {  	v10 =	vand.u32 $0xFFFFF800, v10;
	v9 =	vand.u32 $0x380, v9  }
0x70: {  	v9 =	vor.u32 v10, v9  }
0x71: {  	v9 =	vor.u32 $0x3, v9;
	_ =	sdelay $0x4  }
0x72: {  	[tilespmem:v9+s17+$0x0] =	vst.idx.msk $0x1, v8  }
0x73: {  	v9 =	vld [tilespmem:s5+$0xC0];
	_ =	sdelay $0x4  }
0x74: {  	v10 =	vshll.u32 v9, $0x8;
	v9 =	vshll.u32 v9, $0x7  }
0x75: {  	v10 =	vand.u32 $0xFFFFF800, v10;
	v9 =	vand.u32 $0x380, v9  }
0x76: {  	v9 =	vor.u32 v10, v9  }
0x77: {  	v9 =	vor.u32 $0x4, v9;
	_ =	sdelay $0x4  }
0x78: {  	[tilespmem:v9+s17+$0x0] =	vst.idx.msk $0x1, v8  }
0x79: {  	v9 =	vld [tilespmem:s5+$0xD0];
	_ =	sdelay $0x4  }
0x7a: {  	v10 =	vshll.u32 v9, $0x8;
	v9 =	vshll.u32 v9, $0x7  }
0x7b: {  	v10 =	vand.u32 $0xFFFFF800, v10;
	v9 =	vand.u32 $0x380, v9  }
0x7c: {  	v9 =	vor.u32 v10, v9  }
0x7d: {  	v9 =	vor.u32 $0x5, v9;
	_ =	sdelay $0x4  }
0x7e: {  	[tilespmem:v9+s17+$0x0] =	vst.idx.msk $0x1, v8  }
0x7f: {  	v9 =	vld [tilespmem:s5+$0xE0];
	_ =	sdelay $0x4  }
0x80: {  	v10 =	vshll.u32 v9, $0x8;
	v9 =	vshll.u32 v9, $0x7  }
0x81: {  	v10 =	vand.u32 $0xFFFFF800, v10;
	v9 =	vand.u32 $0x380, v9  }
0x82: {  	v9 =	vor.u32 v10, v9  }
0x83: {  	v9 =	vor.u32 $0x6, v9;
	_ =	sdelay $0x4  }
0x84: {  	[tilespmem:v9+s17+$0x0] =	vst.idx.msk $0x1, v8  }
0x85: {  	v9 =	vld [tilespmem:s5+$0xF0];
	_ =	sdelay $0x4  }
0x86: {  	v10 =	vshll.u32 v9, $0x8;
	v9 =	vshll.u32 v9, $0x7  }
0x87: {  	v10 =	vand.u32 $0xFFFFF800, v10;
	v9 =	vand.u32 $0x380, v9  }
0x88: {  	v9 =	vor.u32 v10, v9  }
0x89: {  	v9 =	vor.u32 $0x7, v9;
	_ =	sdelay $0x4  }
0x8a: {  	[tilespmem:v9+s17+$0x0] =	vst.idx.msk $0x1, v8  }
0x8b: {  	v9 =	vld [tilespmem:s5+$0x480];
	_ =	sdelay $0x4  }
0x8c: {  	v10 =	vshll.u32 v9, $0x8;
	v9 =	vshll.u32 v9, $0x7  }
0x8d: {  	v10 =	vand.u32 $0xFFFFF800, v10;
	v9 =	vand.u32 $0x380, v9  }
0x8e: {  	v9 =	vor.u32 v10, v9  }
0x8f: {  	v9 =	vor.u32 $0x8, v9;
	_ =	sdelay $0x4  }
0x90: {  	[tilespmem:v9+s17+$0x0] =	vst.idx.msk $0x1, v8  }
0x91: {  	v9 =	vld [tilespmem:s5+$0x490];
	_ =	sdelay $0x4  }
0x92: {  	v10 =	vshll.u32 v9, $0x8;
	v9 =	vshll.u32 v9, $0x7  }
0x93: {  	v10 =	vand.u32 $0xFFFFF800, v10;
	v9 =	vand.u32 $0x380, v9  }
0x94: {  	v9 =	vor.u32 v10, v9  }
0x95: {  	v9 =	vor.u32 $0x9, v9;
	_ =	sdelay $0x4  }
0x96: {  	[tilespmem:v9+s17+$0x0] =	vst.idx.msk $0x1, v8  }
0x97: {  	v9 =	vld [tilespmem:s5+$0x4A0];
	_ =	sdelay $0x4  }
0x98: {  	v10 =	vshll.u32 v9, $0x8;
	v9 =	vshll.u32 v9, $0x7  }
0x99: {  	v10 =	vand.u32 $0xFFFFF800, v10;
	v9 =	vand.u32 $0x380, v9  }
0x9a: {  	v9 =	vor.u32 v10, v9  }
0x9b: {  	v9 =	vor.u32 $0xA, v9;
	_ =	sdelay $0x4  }
0x9c: {  	[tilespmem:v9+s17+$0x0] =	vst.idx.msk $0x1, v8  }
0x9d: {  	v9 =	vld [tilespmem:s5+$0x4B0];
	_ =	sdelay $0x4  }
0x9e: {  	v10 =	vshll.u32 v9, $0x8;
	v9 =	vshll.u32 v9, $0x7  }
0x9f: {  	v10 =	vand.u32 $0xFFFFF800, v10;
	v9 =	vand.u32 $0x380, v9  }
0xa0: {  	v9 =	vor.u32 v10, v9  }
0xa1: {  	v9 =	vor.u32 $0xB, v9;
	_ =	sdelay $0x4  }
0xa2: {  	[tilespmem:v9+s17+$0x0] =	vst.idx.msk $0x1, v8  }
0xa3: {  	v9 =	vld [tilespmem:s5+$0x4C0];
	_ =	sdelay $0x4  }
0xa4: {  	v10 =	vshll.u32 v9, $0x8;
	v9 =	vshll.u32 v9, $0x7  }
0xa5: {  	v10 =	vand.u32 $0xFFFFF800, v10;
	v9 =	vand.u32 $0x380, v9  }
0xa6: {  	v9 =	vor.u32 v10, v9  }
0xa7: {  	v9 =	vor.u32 $0xC, v9;
	_ =	sdelay $0x4  }
0xa8: {  	[tilespmem:v9+s17+$0x0] =	vst.idx.msk $0x1, v8  }
0xa9: {  	v9 =	vld [tilespmem:s5+$0x4D0];
	_ =	sdelay $0x4  }
0xaa: {  	v10 =	vshll.u32 v9, $0x8;
	v9 =	vshll.u32 v9, $0x7  }
0xab: {  	v10 =	vand.u32 $0xFFFFF800, v10;
	v9 =	vand.u32 $0x380, v9  }
0xac: {  	v9 =	vor.u32 v10, v9  }
0xad: {  	v9 =	vor.u32 $0xD, v9;
	_ =	sdelay $0x4  }
0xae: {  	[tilespmem:v9+s17+$0x0] =	vst.idx.msk $0x1, v8  }
0xaf: {  	v9 =	vld [tilespmem:s5+$0x4E0];
	_ =	sdelay $0x4  }
0xb0: {  	v10 =	vshll.u32 v9, $0x8;
	v9 =	vshll.u32 v9, $0x7  }
0xb1: {  	v10 =	vand.u32 $0xFFFFF800, v10;
	v9 =	vand.u32 $0x380, v9  }
0xb2: {  	v9 =	vor.u32 v10, v9  }
0xb3: {  	v9 =	vor.u32 $0xE, v9;
	_ =	sdelay $0x4  }
0xb4: {  	[tilespmem:v9+s17+$0x0] =	vst.idx.msk $0x1, v8  }
0xb5: {  	v9 =	vld [tilespmem:s5+$0x4F0];
	_ =	sdelay $0x4  }
0xb6: {  	v10 =	vshll.u32 v9, $0x8;
	v9 =	vshll.u32 v9, $0x7  }
0xb7: {  	v10 =	vand.u32 $0xFFFFF800, v10;
	v9 =	vand.u32 $0x380, v9  }
0xb8: {  	v9 =	vor.u32 v10, v9  }
0xb9: {  	v9 =	vor.u32 $0xF, v9;
	_ =	sdelay $0x4  }
0xba: {  	[tilespmem:v9+s17+$0x0] =	vst.idx.msk $0x1, v8  }
0xbb: {  	v9 =	vld [tilespmem:s5+$0x880];
	_ =	sdelay $0x4  }
0xbc: {  	v10 =	vshll.u32 v9, $0x8;
	v9 =	vshll.u32 v9, $0x7  }
0xbd: {  	v10 =	vand.u32 $0xFFFFF800, v10;
	v9 =	vand.u32 $0x380, v9  }
0xbe: {  	v9 =	vor.u32 v10, v9  }
0xbf: {  	v9 =	vor.u32 $0x10, v9;
	_ =	sdelay $0x4  }
0xc0: {  	[tilespmem:v9+s17+$0x0] =	vst.idx.msk $0x1, v8  }
0xc1: {  	v9 =	vld [tilespmem:s5+$0x890];
	_ =	sdelay $0x4  }
0xc2: {  	v10 =	vshll.u32 v9, $0x8;
	v9 =	vshll.u32 v9, $0x7  }
0xc3: {  	v10 =	vand.u32 $0xFFFFF800, v10;
	v9 =	vand.u32 $0x380, v9  }
0xc4: {  	v9 =	vor.u32 v10, v9  }
0xc5: {  	v9 =	vor.u32 $0x11, v9;
	_ =	sdelay $0x4  }
0xc6: {  	[tilespmem:v9+s17+$0x0] =	vst.idx.msk $0x1, v8  }
0xc7: {  	v9 =	vld [tilespmem:s5+$0x8A0];
	_ =	sdelay $0x4  }
0xc8: {  	v10 =	vshll.u32 v9, $0x8;
	v9 =	vshll.u32 v9, $0x7  }
0xc9: {  	v10 =	vand.u32 $0xFFFFF800, v10;
	v9 =	vand.u32 $0x380, v9  }
0xca: {  	v9 =	vor.u32 v10, v9  }
0xcb: {  	v9 =	vor.u32 $0x12, v9;
	_ =	sdelay $0x4  }
0xcc: {  	[tilespmem:v9+s17+$0x0] =	vst.idx.msk $0x1, v8  }
0xcd: {  	v9 =	vld [tilespmem:s5+$0x8B0];
	_ =	sdelay $0x4  }
0xce: {  	v10 =	vshll.u32 v9, $0x8;
	v9 =	vshll.u32 v9, $0x7  }
0xcf: {  	v10 =	vand.u32 $0xFFFFF800, v10;
	v9 =	vand.u32 $0x380, v9  }
0xd0: {  	v9 =	vor.u32 v10, v9  }
0xd1: {  	v9 =	vor.u32 $0x13, v9;
	_ =	sdelay $0x4  }
0xd2: {  	[tilespmem:v9+s17+$0x0] =	vst.idx.msk $0x1, v8  }
0xd3: {  	v9 =	vld [tilespmem:s5+$0x8C0];
	_ =	sdelay $0x4  }
0xd4: {  	v10 =	vshll.u32 v9, $0x8;
	v9 =	vshll.u32 v9, $0x7  }
0xd5: {  	v10 =	vand.u32 $0xFFFFF800, v10;
	v9 =	vand.u32 $0x380, v9  }
0xd6: {  	v9 =	vor.u32 v10, v9  }
0xd7: {  	v9 =	vor.u32 $0x14, v9;
	_ =	sdelay $0x4  }
0xd8: {  	[tilespmem:v9+s17+$0x0] =	vst.idx.msk $0x1, v8  }
0xd9: {  	v9 =	vld [tilespmem:s5+$0x8D0];
	_ =	sdelay $0x4  }
0xda: {  	v10 =	vshll.u32 v9, $0x8;
	v9 =	vshll.u32 v9, $0x7  }
0xdb: {  	v10 =	vand.u32 $0xFFFFF800, v10;
	v9 =	vand.u32 $0x380, v9  }
0xdc: {  	v9 =	vor.u32 v10, v9  }
0xdd: {  	v9 =	vor.u32 $0x15, v9;
	_ =	sdelay $0x4  }
0xde: {  	[tilespmem:v9+s17+$0x0] =	vst.idx.msk $0x1, v8  }
0xdf: {  	v9 =	vld [tilespmem:s5+$0x8E0];
	_ =	sdelay $0x4  }
0xe0: {  	v10 =	vshll.u32 v9, $0x8;
	v9 =	vshll.u32 v9, $0x7  }
0xe1: {  	v10 =	vand.u32 $0xFFFFF800, v10;
	v9 =	vand.u32 $0x380, v9  }
0xe2: {  	v9 =	vor.u32 v10, v9  }
0xe3: {  	v9 =	vor.u32 $0x16, v9;
	_ =	sdelay $0x4  }
0xe4: {  	[tilespmem:v9+s17+$0x0] =	vst.idx.msk $0x1, v8  }
0xe5: {  	v9 =	vld [tilespmem:s5+$0x8F0];
	_ =	sdelay $0x4  }
0xe6: {  	v10 =	vshll.u32 v9, $0x8;
	v9 =	vshll.u32 v9, $0x7  }
0xe7: {  	v10 =	vand.u32 $0xFFFFF800, v10;
	v9 =	vand.u32 $0x380, v9  }
0xe8: {  	v9 =	vor.u32 v10, v9  }
0xe9: {  	v9 =	vor.u32 $0x17, v9;
	_ =	sdelay $0x4  }
0xea: {  	[tilespmem:v9+s17+$0x0] =	vst.idx.msk $0x1, v8  }
0xeb: {  	v9 =	vld [tilespmem:s5+$0xC80];
	_ =	sdelay $0x4  }
0xec: {  	v10 =	vshll.u32 v9, $0x8;
	v9 =	vshll.u32 v9, $0x7  }
0xed: {  	v10 =	vand.u32 $0xFFFFF800, v10;
	v9 =	vand.u32 $0x380, v9  }
0xee: {  	v9 =	vor.u32 v10, v9  }
0xef: {  	v9 =	vor.u32 $0x18, v9;
	_ =	sdelay $0x4  }
0xf0: {  	[tilespmem:v9+s17+$0x0] =	vst.idx.msk $0x1, v8  }
0xf1: {  	v9 =	vld [tilespmem:s5+$0xC90];
	_ =	sdelay $0x4  }
0xf2: {  	v10 =	vshll.u32 v9, $0x8;
	v9 =	vshll.u32 v9, $0x7  }
0xf3: {  	v10 =	vand.u32 $0xFFFFF800, v10;
	v9 =	vand.u32 $0x380, v9  }
0xf4: {  	v9 =	vor.u32 v10, v9  }
0xf5: {  	v9 =	vor.u32 $0x19, v9;
	_ =	sdelay $0x4  }
0xf6: {  	[tilespmem:v9+s17+$0x0] =	vst.idx.msk $0x1, v8  }
0xf7: {  	v9 =	vld [tilespmem:s5+$0xCA0];
	_ =	sdelay $0x4  }
0xf8: {  	v10 =	vshll.u32 v9, $0x8;
	v9 =	vshll.u32 v9, $0x7  }
0xf9: {  	v10 =	vand.u32 $0xFFFFF800, v10;
	v9 =	vand.u32 $0x380, v9  }
0xfa: {  	v9 =	vor.u32 v10, v9  }
0xfb: {  	v9 =	vor.u32 $0x1A, v9;
	_ =	sdelay $0x4  }
0xfc: {  	[tilespmem:v9+s17+$0x0] =	vst.idx.msk $0x1, v8  }
0xfd: {  	v9 =	vld [tilespmem:s5+$0xCB0];
	_ =	sdelay $0x4  }
0xfe: {  	v10 =	vshll.u32 v9, $0x8;
	v9 =	vshll.u32 v9, $0x7  }
0xff: {  	v10 =	vand.u32 $0xFFFFF800, v10;
	v9 =	vand.u32 $0x380, v9  }
0x100: {  	v9 =	vor.u32 v10, v9  }
0x101: {  	v9 =	vor.u32 $0x1B, v9;
	_ =	sdelay $0x4  }
0x102: {  	[tilespmem:v9+s17+$0x0] =	vst.idx.msk $0x1, v8  }
0x103: {  	v9 =	vld [tilespmem:s5+$0xCC0];
	_ =	sdelay $0x4  }
0x104: {  	v10 =	vshll.u32 v9, $0x8;
	v9 =	vshll.u32 v9, $0x7  }
0x105: {  	v10 =	vand.u32 $0xFFFFF800, v10;
	v9 =	vand.u32 $0x380, v9  }
0x106: {  	v9 =	vor.u32 v10, v9  }
0x107: {  	v9 =	vor.u32 $0x1C, v9;
	_ =	sdelay $0x4  }
0x108: {  	[tilespmem:v9+s17+$0x0] =	vst.idx.msk $0x1, v8  }
0x109: {  	v9 =	vld [tilespmem:s5+$0xCD0];
	_ =	sdelay $0x4  }
0x10a: {  	v10 =	vshll.u32 v9, $0x8;
	v9 =	vshll.u32 v9, $0x7  }
0x10b: {  	v10 =	vand.u32 $0xFFFFF800, v10;
	v9 =	vand.u32 $0x380, v9  }
0x10c: {  	v9 =	vor.u32 v10, v9  }
0x10d: {  	v9 =	vor.u32 $0x1D, v9;
	_ =	sdelay $0x4  }
0x10e: {  	[tilespmem:v9+s17+$0x0] =	vst.idx.msk $0x1, v8  }
0x10f: {  	v9 =	vld [tilespmem:s5+$0xCE0];
	_ =	sdelay $0x4  }
0x110: {  	v10 =	vshll.u32 v9, $0x8;
	v9 =	vshll.u32 v9, $0x7  }
0x111: {  	v10 =	vand.u32 $0xFFFFF800, v10;
	v9 =	vand.u32 $0x380, v9  }
0x112: {  	v9 =	vor.u32 v10, v9  }
0x113: {  	v9 =	vor.u32 $0x1E, v9;
	_ =	sdelay $0x4  }
0x114: {  	[tilespmem:v9+s17+$0x0] =	vst.idx.msk $0x1, v8  }
0x115: {  	v9 =	vld [tilespmem:s5+$0xCF0];
	_ =	sdelay $0x4  }
0x116: {  	v10 =	vshll.u32 v9, $0x8;
	v9 =	vshll.u32 v9, $0x7  }
0x117: {  	v10 =	vand.u32 $0xFFFFF800, v10;
	v9 =	vand.u32 $0x380, v9  }
0x118: {  	v9 =	vor.u32 v10, v9  }
0x119: {  	v9 =	vor.u32 $0x1F, v9;
	_ =	sdelay $0x4  }
0x11a: {  	[tilespmem:v9+s17+$0x0] =	vst.idx.msk $0x1, v8  }
0x11b: {  	v9 =	vld [tilespmem:s5+$0x100];
	_ =	sdelay $0x4  }
0x11c: {  	v10 =	vshll.u32 v9, $0x8;
	v9 =	vshll.u32 v9, $0x7  }
0x11d: {  	v10 =	vand.u32 $0xFFFFF800, v10;
	v9 =	vand.u32 $0x380, v9  }
0x11e: {  	v9 =	vor.u32 v10, v9  }
0x11f: {  	v9 =	vor.u32 $0x20, v9;
	_ =	sdelay $0x4  }
0x120: {  	[tilespmem:v9+s17+$0x0] =	vst.idx.msk $0x1, v8  }
0x121: {  	v9 =	vld [tilespmem:s5+$0x110];
	_ =	sdelay $0x4  }
0x122: {  	v10 =	vshll.u32 v9, $0x8;
	v9 =	vshll.u32 v9, $0x7  }
0x123: {  	v10 =	vand.u32 $0xFFFFF800, v10;
	v9 =	vand.u32 $0x380, v9  }
0x124: {  	v9 =	vor.u32 v10, v9  }
0x125: {  	v9 =	vor.u32 $0x21, v9;
	_ =	sdelay $0x4  }
0x126: {  	[tilespmem:v9+s17+$0x0] =	vst.idx.msk $0x1, v8  }
0x127: {  	v9 =	vld [tilespmem:s5+$0x120];
	_ =	sdelay $0x4  }
0x128: {  	v10 =	vshll.u32 v9, $0x8;
	v9 =	vshll.u32 v9, $0x7  }
0x129: {  	v10 =	vand.u32 $0xFFFFF800, v10;
	v9 =	vand.u32 $0x380, v9  }
0x12a: {  	v9 =	vor.u32 v10, v9  }
0x12b: {  	v9 =	vor.u32 $0x22, v9;
	_ =	sdelay $0x4  }
0x12c: {  	[tilespmem:v9+s17+$0x0] =	vst.idx.msk $0x1, v8  }
0x12d: {  	v9 =	vld [tilespmem:s5+$0x130];
	_ =	sdelay $0x4  }
0x12e: {  	v10 =	vshll.u32 v9, $0x8;
	v9 =	vshll.u32 v9, $0x7  }
0x12f: {  	v10 =	vand.u32 $0xFFFFF800, v10;
	v9 =	vand.u32 $0x380, v9  }
0x130: {  	v9 =	vor.u32 v10, v9  }
0x131: {  	v9 =	vor.u32 $0x23, v9;
	_ =	sdelay $0x4  }
0x132: {  	[tilespmem:v9+s17+$0x0] =	vst.idx.msk $0x1, v8  }
0x133: {  	v9 =	vld [tilespmem:s5+$0x140];
	_ =	sdelay $0x4  }
0x134: {  	v10 =	vshll.u32 v9, $0x8;
	v9 =	vshll.u32 v9, $0x7  }
0x135: {  	v10 =	vand.u32 $0xFFFFF800, v10;
	v9 =	vand.u32 $0x380, v9  }
0x136: {  	v9 =	vor.u32 v10, v9  }
0x137: {  	v9 =	vor.u32 $0x24, v9;
	_ =	sdelay $0x4  }
0x138: {  	[tilespmem:v9+s17+$0x0] =	vst.idx.msk $0x1, v8  }
0x139: {  	v9 =	vld [tilespmem:s5+$0x150];
	_ =	sdelay $0x4  }
0x13a: {  	v10 =	vshll.u32 v9, $0x8;
	v9 =	vshll.u32 v9, $0x7  }
0x13b: {  	v10 =	vand.u32 $0xFFFFF800, v10;
	v9 =	vand.u32 $0x380, v9  }
0x13c: {  	v9 =	vor.u32 v10, v9  }
0x13d: {  	v9 =	vor.u32 $0x25, v9;
	_ =	sdelay $0x4  }
0x13e: {  	[tilespmem:v9+s17+$0x0] =	vst.idx.msk $0x1, v8  }
0x13f: {  	v9 =	vld [tilespmem:s5+$0x160];
	_ =	sdelay $0x4  }
0x140: {  	v10 =	vshll.u32 v9, $0x8;
	v9 =	vshll.u32 v9, $0x7  }
0x141: {  	v10 =	vand.u32 $0xFFFFF800, v10;
	v9 =	vand.u32 $0x380, v9  }
0x142: {  	v9 =	vor.u32 v10, v9  }
0x143: {  	v9 =	vor.u32 $0x26, v9;
	_ =	sdelay $0x4  }
0x144: {  	[tilespmem:v9+s17+$0x0] =	vst.idx.msk $0x1, v8  }
0x145: {  	v9 =	vld [tilespmem:s5+$0x170];
	_ =	sdelay $0x4  }
0x146: {  	v10 =	vshll.u32 v9, $0x8;
	v9 =	vshll.u32 v9, $0x7  }
0x147: {  	v10 =	vand.u32 $0xFFFFF800, v10;
	v9 =	vand.u32 $0x380, v9  }
0x148: {  	v9 =	vor.u32 v10, v9  }
0x149: {  	v9 =	vor.u32 $0x27, v9;
	_ =	sdelay $0x4  }
0x14a: {  	[tilespmem:v9+s17+$0x0] =	vst.idx.msk $0x1, v8  }
0x14b: {  	v9 =	vld [tilespmem:s5+$0x500];
	_ =	sdelay $0x4  }
0x14c: {  	v10 =	vshll.u32 v9, $0x8;
	v9 =	vshll.u32 v9, $0x7  }
0x14d: {  	v10 =	vand.u32 $0xFFFFF800, v10;
	v9 =	vand.u32 $0x380, v9  }
0x14e: {  	v9 =	vor.u32 v10, v9  }
0x14f: {  	v9 =	vor.u32 $0x28, v9;
	_ =	sdelay $0x4  }
0x150: {  	[tilespmem:v9+s17+$0x0] =	vst.idx.msk $0x1, v8  }
0x151: {  	v9 =	vld [tilespmem:s5+$0x510];
	_ =	sdelay $0x4  }
0x152: {  	v10 =	vshll.u32 v9, $0x8;
	v9 =	vshll.u32 v9, $0x7  }
0x153: {  	v10 =	vand.u32 $0xFFFFF800, v10;
	v9 =	vand.u32 $0x380, v9  }
0x154: {  	v9 =	vor.u32 v10, v9  }
0x155: {  	v9 =	vor.u32 $0x29, v9;
	_ =	sdelay $0x4  }
0x156: {  	[tilespmem:v9+s17+$0x0] =	vst.idx.msk $0x1, v8  }
0x157: {  	v9 =	vld [tilespmem:s5+$0x520];
	_ =	sdelay $0x4  }
0x158: {  	v10 =	vshll.u32 v9, $0x8;
	v9 =	vshll.u32 v9, $0x7  }
0x159: {  	v10 =	vand.u32 $0xFFFFF800, v10;
	v9 =	vand.u32 $0x380, v9  }
0x15a: {  	v9 =	vor.u32 v10, v9  }
0x15b: {  	v9 =	vor.u32 $0x2A, v9;
	_ =	sdelay $0x4  }
0x15c: {  	[tilespmem:v9+s17+$0x0] =	vst.idx.msk $0x1, v8  }
0x15d: {  	v9 =	vld [tilespmem:s5+$0x530];
	_ =	sdelay $0x4  }
0x15e: {  	v10 =	vshll.u32 v9, $0x8;
	v9 =	vshll.u32 v9, $0x7  }
0x15f: {  	v10 =	vand.u32 $0xFFFFF800, v10;
	v9 =	vand.u32 $0x380, v9  }
0x160: {  	v9 =	vor.u32 v10, v9  }
0x161: {  	v9 =	vor.u32 $0x2B, v9;
	_ =	sdelay $0x4  }
0x162: {  	[tilespmem:v9+s17+$0x0] =	vst.idx.msk $0x1, v8  }
0x163: {  	v9 =	vld [tilespmem:s5+$0x540];
	_ =	sdelay $0x4  }
0x164: {  	v10 =	vshll.u32 v9, $0x8;
	v9 =	vshll.u32 v9, $0x7  }
0x165: {  	v10 =	vand.u32 $0xFFFFF800, v10;
	v9 =	vand.u32 $0x380, v9  }
0x166: {  	v9 =	vor.u32 v10, v9  }
0x167: {  	v9 =	vor.u32 $0x2C, v9;
	_ =	sdelay $0x4  }
0x168: {  	[tilespmem:v9+s17+$0x0] =	vst.idx.msk $0x1, v8  }
0x169: {  	v9 =	vld [tilespmem:s5+$0x550];
	_ =	sdelay $0x4  }
0x16a: {  	v10 =	vshll.u32 v9, $0x8;
	v9 =	vshll.u32 v9, $0x7  }
0x16b: {  	v10 =	vand.u32 $0xFFFFF800, v10;
	v9 =	vand.u32 $0x380, v9  }
0x16c: {  	v9 =	vor.u32 v10, v9  }
0x16d: {  	v9 =	vor.u32 $0x2D, v9;
	_ =	sdelay $0x4  }
0x16e: {  	[tilespmem:v9+s17+$0x0] =	vst.idx.msk $0x1, v8  }
0x16f: {  	v9 =	vld [tilespmem:s5+$0x560];
	_ =	sdelay $0x4  }
0x170: {  	v10 =	vshll.u32 v9, $0x8;
	v9 =	vshll.u32 v9, $0x7  }
0x171: {  	v10 =	vand.u32 $0xFFFFF800, v10;
	v9 =	vand.u32 $0x380, v9  }
0x172: {  	v9 =	vor.u32 v10, v9  }
0x173: {  	v9 =	vor.u32 $0x2E, v9;
	_ =	sdelay $0x4  }
0x174: {  	[tilespmem:v9+s17+$0x0] =	vst.idx.msk $0x1, v8  }
0x175: {  	v9 =	vld [tilespmem:s5+$0x570];
	_ =	sdelay $0x4  }
0x176: {  	v10 =	vshll.u32 v9, $0x8;
	v9 =	vshll.u32 v9, $0x7  }
0x177: {  	v10 =	vand.u32 $0xFFFFF800, v10;
	v9 =	vand.u32 $0x380, v9  }
0x178: {  	v9 =	vor.u32 v10, v9  }
0x179: {  	v9 =	vor.u32 $0x2F, v9;
	_ =	sdelay $0x4  }
0x17a: {  	[tilespmem:v9+s17+$0x0] =	vst.idx.msk $0x1, v8  }
0x17b: {  	v9 =	vld [tilespmem:s5+$0x900];
	_ =	sdelay $0x4  }
0x17c: {  	v10 =	vshll.u32 v9, $0x8;
	v9 =	vshll.u32 v9, $0x7  }
0x17d: {  	v10 =	vand.u32 $0xFFFFF800, v10;
	v9 =	vand.u32 $0x380, v9  }
0x17e: {  	v9 =	vor.u32 v10, v9  }
0x17f: {  	v9 =	vor.u32 $0x30, v9;
	_ =	sdelay $0x4  }
0x180: {  	[tilespmem:v9+s17+$0x0] =	vst.idx.msk $0x1, v8  }
0x181: {  	v9 =	vld [tilespmem:s5+$0x910];
	_ =	sdelay $0x4  }
0x182: {  	v10 =	vshll.u32 v9, $0x8;
	v9 =	vshll.u32 v9, $0x7  }
0x183: {  	v10 =	vand.u32 $0xFFFFF800, v10;
	v9 =	vand.u32 $0x380, v9  }
0x184: {  	v9 =	vor.u32 v10, v9  }
0x185: {  	v9 =	vor.u32 $0x31, v9;
	_ =	sdelay $0x4  }
0x186: {  	[tilespmem:v9+s17+$0x0] =	vst.idx.msk $0x1, v8  }
0x187: {  	v9 =	vld [tilespmem:s5+$0x920];
	_ =	sdelay $0x4  }
0x188: {  	v10 =	vshll.u32 v9, $0x8;
	v9 =	vshll.u32 v9, $0x7  }
0x189: {  	v10 =	vand.u32 $0xFFFFF800, v10;
	v9 =	vand.u32 $0x380, v9  }
0x18a: {  	v9 =	vor.u32 v10, v9  }
0x18b: {  	v9 =	vor.u32 $0x32, v9;
	_ =	sdelay $0x4  }
0x18c: {  	[tilespmem:v9+s17+$0x0] =	vst.idx.msk $0x1, v8  }
0x18d: {  	v9 =	vld [tilespmem:s5+$0x930];
	_ =	sdelay $0x4  }
0x18e: {  	v10 =	vshll.u32 v9, $0x8;
	v9 =	vshll.u32 v9, $0x7  }
0x18f: {  	v10 =	vand.u32 $0xFFFFF800, v10;
	v9 =	vand.u32 $0x380, v9  }
0x190: {  	v9 =	vor.u32 v10, v9  }
0x191: {  	v9 =	vor.u32 $0x33, v9;
	_ =	sdelay $0x4  }
0x192: {  	[tilespmem:v9+s17+$0x0] =	vst.idx.msk $0x1, v8  }
0x193: {  	v9 =	vld [tilespmem:s5+$0x940];
	_ =	sdelay $0x4  }
0x194: {  	v10 =	vshll.u32 v9, $0x8;
	v9 =	vshll.u32 v9, $0x7  }
0x195: {  	v10 =	vand.u32 $0xFFFFF800, v10;
	v9 =	vand.u32 $0x380, v9  }
0x196: {  	v9 =	vor.u32 v10, v9  }
0x197: {  	v9 =	vor.u32 $0x34, v9;
	_ =	sdelay $0x4  }
0x198: {  	[tilespmem:v9+s17+$0x0] =	vst.idx.msk $0x1, v8  }
0x199: {  	v9 =	vld [tilespmem:s5+$0x950];
	_ =	sdelay $0x4  }
0x19a: {  	v10 =	vshll.u32 v9, $0x8;
	v9 =	vshll.u32 v9, $0x7  }
0x19b: {  	v10 =	vand.u32 $0xFFFFF800, v10;
	v9 =	vand.u32 $0x380, v9  }
0x19c: {  	v9 =	vor.u32 v10, v9  }
0x19d: {  	v9 =	vor.u32 $0x35, v9;
	_ =	sdelay $0x4  }
0x19e: {  	[tilespmem:v9+s17+$0x0] =	vst.idx.msk $0x1, v8  }
0x19f: {  	v9 =	vld [tilespmem:s5+$0x960];
	_ =	sdelay $0x4  }
0x1a0: {  	v10 =	vshll.u32 v9, $0x8;
	v9 =	vshll.u32 v9, $0x7  }
0x1a1: {  	v10 =	vand.u32 $0xFFFFF800, v10;
	v9 =	vand.u32 $0x380, v9  }
0x1a2: {  	v9 =	vor.u32 v10, v9  }
0x1a3: {  	v9 =	vor.u32 $0x36, v9;
	_ =	sdelay $0x4  }
0x1a4: {  	[tilespmem:v9+s17+$0x0] =	vst.idx.msk $0x1, v8  }
0x1a5: {  	v9 =	vld [tilespmem:s5+$0x970];
	_ =	sdelay $0x4  }
0x1a6: {  	v10 =	vshll.u32 v9, $0x8;
	v9 =	vshll.u32 v9, $0x7  }
0x1a7: {  	v10 =	vand.u32 $0xFFFFF800, v10;
	v9 =	vand.u32 $0x380, v9  }
0x1a8: {  	v9 =	vor.u32 v10, v9  }
0x1a9: {  	v9 =	vor.u32 $0x37, v9;
	_ =	sdelay $0x4  }
0x1aa: {  	[tilespmem:v9+s17+$0x0] =	vst.idx.msk $0x1, v8  }
0x1ab: {  	v9 =	vld [tilespmem:s5+$0xD00];
	_ =	sdelay $0x4  }
0x1ac: {  	v10 =	vshll.u32 v9, $0x8;
	v9 =	vshll.u32 v9, $0x7  }
0x1ad: {  	v10 =	vand.u32 $0xFFFFF800, v10;
	v9 =	vand.u32 $0x380, v9  }
0x1ae: {  	v9 =	vor.u32 v10, v9  }
0x1af: {  	v9 =	vor.u32 $0x38, v9;
	_ =	sdelay $0x4  }
0x1b0: {  	[tilespmem:v9+s17+$0x0] =	vst.idx.msk $0x1, v8  }
0x1b1: {  	v9 =	vld [tilespmem:s5+$0xD10];
	_ =	sdelay $0x4  }
0x1b2: {  	v10 =	vshll.u32 v9, $0x8;
	v9 =	vshll.u32 v9, $0x7  }
0x1b3: {  	v10 =	vand.u32 $0xFFFFF800, v10;
	v9 =	vand.u32 $0x380, v9  }
0x1b4: {  	v9 =	vor.u32 v10, v9  }
0x1b5: {  	v9 =	vor.u32 $0x39, v9;
	_ =	sdelay $0x4  }
0x1b6: {  	[tilespmem:v9+s17+$0x0] =	vst.idx.msk $0x1, v8  }
0x1b7: {  	v9 =	vld [tilespmem:s5+$0xD20];
	_ =	sdelay $0x4  }
0x1b8: {  	v10 =	vshll.u32 v9, $0x8;
	v9 =	vshll.u32 v9, $0x7  }
0x1b9: {  	v10 =	vand.u32 $0xFFFFF800, v10;
	v9 =	vand.u32 $0x380, v9  }
0x1ba: {  	v9 =	vor.u32 v10, v9  }
0x1bb: {  	v9 =	vor.u32 $0x3A, v9;
	_ =	sdelay $0x4  }
0x1bc: {  	[tilespmem:v9+s17+$0x0] =	vst.idx.msk $0x1, v8  }
0x1bd: {  	v9 =	vld [tilespmem:s5+$0xD30];
	_ =	sdelay $0x4  }
0x1be: {  	v10 =	vshll.u32 v9, $0x8;
	v9 =	vshll.u32 v9, $0x7  }
0x1bf: {  	v10 =	vand.u32 $0xFFFFF800, v10;
	v9 =	vand.u32 $0x380, v9  }
0x1c0: {  	v9 =	vor.u32 v10, v9  }
0x1c1: {  	v9 =	vor.u32 $0x3B, v9;
	_ =	sdelay $0x4  }
0x1c2: {  	[tilespmem:v9+s17+$0x0] =	vst.idx.msk $0x1, v8  }
0x1c3: {  	v9 =	vld [tilespmem:s5+$0xD40];
	_ =	sdelay $0x4  }
0x1c4: {  	v10 =	vshll.u32 v9, $0x8;
	v9 =	vshll.u32 v9, $0x7  }
0x1c5: {  	v10 =	vand.u32 $0xFFFFF800, v10;
	v9 =	vand.u32 $0x380, v9  }
0x1c6: {  	v9 =	vor.u32 v10, v9  }
0x1c7: {  	v9 =	vor.u32 $0x3C, v9;
	_ =	sdelay $0x4  }
0x1c8: {  	[tilespmem:v9+s17+$0x0] =	vst.idx.msk $0x1, v8  }
0x1c9: {  	v9 =	vld [tilespmem:s5+$0xD50];
	_ =	sdelay $0x4  }
0x1ca: {  	v10 =	vshll.u32 v9, $0x8;
	v9 =	vshll.u32 v9, $0x7  }
0x1cb: {  	v10 =	vand.u32 $0xFFFFF800, v10;
	v9 =	vand.u32 $0x380, v9  }
0x1cc: {  	v9 =	vor.u32 v10, v9  }
0x1cd: {  	v9 =	vor.u32 $0x3D, v9;
	_ =	sdelay $0x4  }
0x1ce: {  	[tilespmem:v9+s17+$0x0] =	vst.idx.msk $0x1, v8  }
0x1cf: {  	v9 =	vld [tilespmem:s5+$0xD60];
	_ =	sdelay $0x4  }
0x1d0: {  	v10 =	vshll.u32 v9, $0x8;
	v9 =	vshll.u32 v9, $0x7  }
0x1d1: {  	v10 =	vand.u32 $0xFFFFF800, v10;
	v9 =	vand.u32 $0x380, v9  }
0x1d2: {  	v9 =	vor.u32 v10, v9  }
0x1d3: {  	v9 =	vor.u32 $0x3E, v9;
	_ =	sdelay $0x4  }
0x1d4: {  	[tilespmem:v9+s17+$0x0] =	vst.idx.msk $0x1, v8  }
0x1d5: {  	v9 =	vld [tilespmem:s5+$0xD70];
	_ =	sdelay $0x4  }
0x1d6: {  	v10 =	vshll.u32 v9, $0x8;
	v9 =	vshll.u32 v9, $0x7  }
0x1d7: {  	v10 =	vand.u32 $0xFFFFF800, v10;
	v9 =	vand.u32 $0x380, v9  }
0x1d8: {  	v9 =	vor.u32 v10, v9  }
0x1d9: {  	v9 =	vor.u32 $0x3F, v9;
	_ =	sdelay $0x4  }
0x1da: {  	[tilespmem:v9+s17+$0x0] =	vst.idx.msk $0x1, v8  }
0x1db: {  	v9 =	vld [tilespmem:s5+$0x180];
	_ =	sdelay $0x4  }
0x1dc: {  	v10 =	vshll.u32 v9, $0x8;
	v9 =	vshll.u32 v9, $0x7  }
0x1dd: {  	v10 =	vand.u32 $0xFFFFF800, v10;
	v9 =	vand.u32 $0x380, v9  }
0x1de: {  	v9 =	vor.u32 v10, v9  }
0x1df: {  	v9 =	vor.u32 $0x40, v9;
	_ =	sdelay $0x4  }
0x1e0: {  	[tilespmem:v9+s17+$0x0] =	vst.idx.msk $0x1, v8  }
0x1e1: {  	v9 =	vld [tilespmem:s5+$0x190];
	_ =	sdelay $0x4  }
0x1e2: {  	v10 =	vshll.u32 v9, $0x8;
	v9 =	vshll.u32 v9, $0x7  }
0x1e3: {  	v10 =	vand.u32 $0xFFFFF800, v10;
	v9 =	vand.u32 $0x380, v9  }
0x1e4: {  	v9 =	vor.u32 v10, v9  }
0x1e5: {  	v9 =	vor.u32 $0x41, v9;
	_ =	sdelay $0x4  }
0x1e6: {  	[tilespmem:v9+s17+$0x0] =	vst.idx.msk $0x1, v8  }
0x1e7: {  	v9 =	vld [tilespmem:s5+$0x1A0];
	_ =	sdelay $0x4  }
0x1e8: {  	v10 =	vshll.u32 v9, $0x8;
	v9 =	vshll.u32 v9, $0x7  }
0x1e9: {  	v10 =	vand.u32 $0xFFFFF800, v10;
	v9 =	vand.u32 $0x380, v9  }
0x1ea: {  	v9 =	vor.u32 v10, v9  }
0x1eb: {  	v9 =	vor.u32 $0x42, v9;
	_ =	sdelay $0x4  }
0x1ec: {  	[tilespmem:v9+s17+$0x0] =	vst.idx.msk $0x1, v8  }
0x1ed: {  	v9 =	vld [tilespmem:s5+$0x1B0];
	_ =	sdelay $0x4  }
0x1ee: {  	v10 =	vshll.u32 v9, $0x8;
	v9 =	vshll.u32 v9, $0x7  }
0x1ef: {  	v10 =	vand.u32 $0xFFFFF800, v10;
	v9 =	vand.u32 $0x380, v9  }
0x1f0: {  	v9 =	vor.u32 v10, v9  }
0x1f1: {  	v9 =	vor.u32 $0x43, v9;
	_ =	sdelay $0x4  }
0x1f2: {  	[tilespmem:v9+s17+$0x0] =	vst.idx.msk $0x1, v8  }
0x1f3: {  	v9 =	vld [tilespmem:s5+$0x1C0];
	_ =	sdelay $0x4  }
0x1f4: {  	v10 =	vshll.u32 v9, $0x8;
	v9 =	vshll.u32 v9, $0x7  }
0x1f5: {  	v10 =	vand.u32 $0xFFFFF800, v10;
	v9 =	vand.u32 $0x380, v9  }
0x1f6: {  	v9 =	vor.u32 v10, v9  }
0x1f7: {  	v9 =	vor.u32 $0x44, v9;
	_ =	sdelay $0x4  }
0x1f8: {  	[tilespmem:v9+s17+$0x0] =	vst.idx.msk $0x1, v8  }
0x1f9: {  	v9 =	vld [tilespmem:s5+$0x1D0];
	_ =	sdelay $0x4  }
0x1fa: {  	v10 =	vshll.u32 v9, $0x8;
	v9 =	vshll.u32 v9, $0x7  }
0x1fb: {  	v10 =	vand.u32 $0xFFFFF800, v10;
	v9 =	vand.u32 $0x380, v9  }
0x1fc: {  	v9 =	vor.u32 v10, v9  }
0x1fd: {  	v9 =	vor.u32 $0x45, v9;
	_ =	sdelay $0x4  }
0x1fe: {  	[tilespmem:v9+s17+$0x0] =	vst.idx.msk $0x1, v8  }
0x1ff: {  	v9 =	vld [tilespmem:s5+$0x1E0];
	_ =	sdelay $0x4  }
0x200: {  	v10 =	vshll.u32 v9, $0x8;
	v9 =	vshll.u32 v9, $0x7  }
0x201: {  	v10 =	vand.u32 $0xFFFFF800, v10;
	v9 =	vand.u32 $0x380, v9  }
0x202: {  	v9 =	vor.u32 v10, v9  }
0x203: {  	v9 =	vor.u32 $0x46, v9;
	_ =	sdelay $0x4  }
0x204: {  	[tilespmem:v9+s17+$0x0] =	vst.idx.msk $0x1, v8  }
0x205: {  	v9 =	vld [tilespmem:s5+$0x1F0];
	_ =	sdelay $0x4  }
0x206: {  	v10 =	vshll.u32 v9, $0x8;
	v9 =	vshll.u32 v9, $0x7  }
0x207: {  	v10 =	vand.u32 $0xFFFFF800, v10;
	v9 =	vand.u32 $0x380, v9  }
0x208: {  	v9 =	vor.u32 v10, v9  }
0x209: {  	v9 =	vor.u32 $0x47, v9;
	_ =	sdelay $0x4  }
0x20a: {  	[tilespmem:v9+s17+$0x0] =	vst.idx.msk $0x1, v8  }
0x20b: {  	v9 =	vld [tilespmem:s5+$0x580];
	_ =	sdelay $0x4  }
0x20c: {  	v10 =	vshll.u32 v9, $0x8;
	v9 =	vshll.u32 v9, $0x7  }
0x20d: {  	v10 =	vand.u32 $0xFFFFF800, v10;
	v9 =	vand.u32 $0x380, v9  }
0x20e: {  	v9 =	vor.u32 v10, v9  }
0x20f: {  	v9 =	vor.u32 $0x48, v9;
	_ =	sdelay $0x4  }
0x210: {  	[tilespmem:v9+s17+$0x0] =	vst.idx.msk $0x1, v8  }
0x211: {  	v9 =	vld [tilespmem:s5+$0x590];
	_ =	sdelay $0x4  }
0x212: {  	v10 =	vshll.u32 v9, $0x8;
	v9 =	vshll.u32 v9, $0x7  }
0x213: {  	v10 =	vand.u32 $0xFFFFF800, v10;
	v9 =	vand.u32 $0x380, v9  }
0x214: {  	v9 =	vor.u32 v10, v9  }
0x215: {  	v9 =	vor.u32 $0x49, v9;
	_ =	sdelay $0x4  }
0x216: {  	[tilespmem:v9+s17+$0x0] =	vst.idx.msk $0x1, v8  }
0x217: {  	v9 =	vld [tilespmem:s5+$0x5A0];
	_ =	sdelay $0x4  }
0x218: {  	v10 =	vshll.u32 v9, $0x8;
	v9 =	vshll.u32 v9, $0x7  }
0x219: {  	v10 =	vand.u32 $0xFFFFF800, v10;
	v9 =	vand.u32 $0x380, v9  }
0x21a: {  	v9 =	vor.u32 v10, v9  }
0x21b: {  	v9 =	vor.u32 $0x4A, v9;
	_ =	sdelay $0x4  }
0x21c: {  	[tilespmem:v9+s17+$0x0] =	vst.idx.msk $0x1, v8  }
0x21d: {  	v9 =	vld [tilespmem:s5+$0x5B0];
	_ =	sdelay $0x4  }
0x21e: {  	v10 =	vshll.u32 v9, $0x8;
	v9 =	vshll.u32 v9, $0x7  }
0x21f: {  	v10 =	vand.u32 $0xFFFFF800, v10;
	v9 =	vand.u32 $0x380, v9  }
0x220: {  	v9 =	vor.u32 v10, v9  }
0x221: {  	v9 =	vor.u32 $0x4B, v9;
	_ =	sdelay $0x4  }
0x222: {  	[tilespmem:v9+s17+$0x0] =	vst.idx.msk $0x1, v8  }
0x223: {  	v9 =	vld [tilespmem:s5+$0x5C0];
	_ =	sdelay $0x4  }
0x224: {  	v10 =	vshll.u32 v9, $0x8;
	v9 =	vshll.u32 v9, $0x7  }
0x225: {  	v10 =	vand.u32 $0xFFFFF800, v10;
	v9 =	vand.u32 $0x380, v9  }
0x226: {  	v9 =	vor.u32 v10, v9  }
0x227: {  	v9 =	vor.u32 $0x4C, v9;
	_ =	sdelay $0x4  }
0x228: {  	[tilespmem:v9+s17+$0x0] =	vst.idx.msk $0x1, v8  }
0x229: {  	v9 =	vld [tilespmem:s5+$0x5D0];
	_ =	sdelay $0x4  }
0x22a: {  	v10 =	vshll.u32 v9, $0x8;
	v9 =	vshll.u32 v9, $0x7  }
0x22b: {  	v10 =	vand.u32 $0xFFFFF800, v10;
	v9 =	vand.u32 $0x380, v9  }
0x22c: {  	v9 =	vor.u32 v10, v9  }
0x22d: {  	v9 =	vor.u32 $0x4D, v9;
	_ =	sdelay $0x4  }
0x22e: {  	[tilespmem:v9+s17+$0x0] =	vst.idx.msk $0x1, v8  }
0x22f: {  	v9 =	vld [tilespmem:s5+$0x5E0];
	_ =	sdelay $0x4  }
0x230: {  	v10 =	vshll.u32 v9, $0x8;
	v9 =	vshll.u32 v9, $0x7  }
0x231: {  	v10 =	vand.u32 $0xFFFFF800, v10;
	v9 =	vand.u32 $0x380, v9  }
0x232: {  	v9 =	vor.u32 v10, v9  }
0x233: {  	v9 =	vor.u32 $0x4E, v9;
	_ =	sdelay $0x4  }
0x234: {  	[tilespmem:v9+s17+$0x0] =	vst.idx.msk $0x1, v8  }
0x235: {  	v9 =	vld [tilespmem:s5+$0x5F0];
	_ =	sdelay $0x4  }
0x236: {  	v10 =	vshll.u32 v9, $0x8;
	v9 =	vshll.u32 v9, $0x7  }
0x237: {  	v10 =	vand.u32 $0xFFFFF800, v10;
	v9 =	vand.u32 $0x380, v9  }
0x238: {  	v9 =	vor.u32 v10, v9  }
0x239: {  	v9 =	vor.u32 $0x4F, v9;
	_ =	sdelay $0x4  }
0x23a: {  	[tilespmem:v9+s17+$0x0] =	vst.idx.msk $0x1, v8  }
0x23b: {  	v9 =	vld [tilespmem:s5+$0x980];
	_ =	sdelay $0x4  }
0x23c: {  	v10 =	vshll.u32 v9, $0x8;
	v9 =	vshll.u32 v9, $0x7  }
0x23d: {  	v10 =	vand.u32 $0xFFFFF800, v10;
	v9 =	vand.u32 $0x380, v9  }
0x23e: {  	v9 =	vor.u32 v10, v9  }
0x23f: {  	v9 =	vor.u32 $0x50, v9;
	_ =	sdelay $0x4  }
0x240: {  	[tilespmem:v9+s17+$0x0] =	vst.idx.msk $0x1, v8  }
0x241: {  	v9 =	vld [tilespmem:s5+$0x990];
	_ =	sdelay $0x4  }
0x242: {  	v10 =	vshll.u32 v9, $0x8;
	v9 =	vshll.u32 v9, $0x7  }
0x243: {  	v10 =	vand.u32 $0xFFFFF800, v10;
	v9 =	vand.u32 $0x380, v9  }
0x244: {  	v9 =	vor.u32 v10, v9  }
0x245: {  	v9 =	vor.u32 $0x51, v9;
	_ =	sdelay $0x4  }
0x246: {  	[tilespmem:v9+s17+$0x0] =	vst.idx.msk $0x1, v8  }
0x247: {  	v9 =	vld [tilespmem:s5+$0x9A0];
	_ =	sdelay $0x4  }
0x248: {  	v10 =	vshll.u32 v9, $0x8;
	v9 =	vshll.u32 v9, $0x7  }
0x249: {  	v10 =	vand.u32 $0xFFFFF800, v10;
	v9 =	vand.u32 $0x380, v9  }
0x24a: {  	v9 =	vor.u32 v10, v9  }
0x24b: {  	v9 =	vor.u32 $0x52, v9;
	_ =	sdelay $0x4  }
0x24c: {  	[tilespmem:v9+s17+$0x0] =	vst.idx.msk $0x1, v8  }
0x24d: {  	v9 =	vld [tilespmem:s5+$0x9B0];
	_ =	sdelay $0x4  }
0x24e: {  	v10 =	vshll.u32 v9, $0x8;
	v9 =	vshll.u32 v9, $0x7  }
0x24f: {  	v10 =	vand.u32 $0xFFFFF800, v10;
	v9 =	vand.u32 $0x380, v9  }
0x250: {  	v9 =	vor.u32 v10, v9  }
0x251: {  	v9 =	vor.u32 $0x53, v9;
	_ =	sdelay $0x4  }
0x252: {  	[tilespmem:v9+s17+$0x0] =	vst.idx.msk $0x1, v8  }
0x253: {  	v9 =	vld [tilespmem:s5+$0x9C0];
	_ =	sdelay $0x4  }
0x254: {  	v10 =	vshll.u32 v9, $0x8;
	v9 =	vshll.u32 v9, $0x7  }
0x255: {  	v10 =	vand.u32 $0xFFFFF800, v10;
	v9 =	vand.u32 $0x380, v9  }
0x256: {  	v9 =	vor.u32 v10, v9  }
0x257: {  	v9 =	vor.u32 $0x54, v9;
	_ =	sdelay $0x4  }
0x258: {  	[tilespmem:v9+s17+$0x0] =	vst.idx.msk $0x1, v8  }
0x259: {  	v9 =	vld [tilespmem:s5+$0x9D0];
	_ =	sdelay $0x4  }
0x25a: {  	v10 =	vshll.u32 v9, $0x8;
	v9 =	vshll.u32 v9, $0x7  }
0x25b: {  	v10 =	vand.u32 $0xFFFFF800, v10;
	v9 =	vand.u32 $0x380, v9  }
0x25c: {  	v9 =	vor.u32 v10, v9  }
0x25d: {  	v9 =	vor.u32 $0x55, v9;
	_ =	sdelay $0x4  }
0x25e: {  	[tilespmem:v9+s17+$0x0] =	vst.idx.msk $0x1, v8  }
0x25f: {  	v9 =	vld [tilespmem:s5+$0x9E0];
	_ =	sdelay $0x4  }
0x260: {  	v10 =	vshll.u32 v9, $0x8;
	v9 =	vshll.u32 v9, $0x7  }
0x261: {  	v10 =	vand.u32 $0xFFFFF800, v10;
	v9 =	vand.u32 $0x380, v9  }
0x262: {  	v9 =	vor.u32 v10, v9  }
0x263: {  	v9 =	vor.u32 $0x56, v9;
	_ =	sdelay $0x4  }
0x264: {  	[tilespmem:v9+s17+$0x0] =	vst.idx.msk $0x1, v8  }
0x265: {  	v9 =	vld [tilespmem:s5+$0x9F0];
	_ =	sdelay $0x4  }
0x266: {  	v10 =	vshll.u32 v9, $0x8;
	v9 =	vshll.u32 v9, $0x7  }
0x267: {  	v10 =	vand.u32 $0xFFFFF800, v10;
	v9 =	vand.u32 $0x380, v9  }
0x268: {  	v9 =	vor.u32 v10, v9  }
0x269: {  	v9 =	vor.u32 $0x57, v9;
	_ =	sdelay $0x4  }
0x26a: {  	[tilespmem:v9+s17+$0x0] =	vst.idx.msk $0x1, v8  }
0x26b: {  	v9 =	vld [tilespmem:s5+$0xD80];
	_ =	sdelay $0x4  }
0x26c: {  	v10 =	vshll.u32 v9, $0x8;
	v9 =	vshll.u32 v9, $0x7  }
0x26d: {  	v10 =	vand.u32 $0xFFFFF800, v10;
	v9 =	vand.u32 $0x380, v9  }
0x26e: {  	v9 =	vor.u32 v10, v9  }
0x26f: {  	v9 =	vor.u32 $0x58, v9;
	_ =	sdelay $0x4  }
0x270: {  	[tilespmem:v9+s17+$0x0] =	vst.idx.msk $0x1, v8  }
0x271: {  	v9 =	vld [tilespmem:s5+$0xD90];
	_ =	sdelay $0x4  }
0x272: {  	v10 =	vshll.u32 v9, $0x8;
	v9 =	vshll.u32 v9, $0x7  }
0x273: {  	v10 =	vand.u32 $0xFFFFF800, v10;
	v9 =	vand.u32 $0x380, v9  }
0x274: {  	v9 =	vor.u32 v10, v9  }
0x275: {  	v9 =	vor.u32 $0x59, v9;
	_ =	sdelay $0x4  }
0x276: {  	[tilespmem:v9+s17+$0x0] =	vst.idx.msk $0x1, v8  }
0x277: {  	v9 =	vld [tilespmem:s5+$0xDA0];
	_ =	sdelay $0x4  }
0x278: {  	v10 =	vshll.u32 v9, $0x8;
	v9 =	vshll.u32 v9, $0x7  }
0x279: {  	v10 =	vand.u32 $0xFFFFF800, v10;
	v9 =	vand.u32 $0x380, v9  }
0x27a: {  	v9 =	vor.u32 v10, v9  }
0x27b: {  	v9 =	vor.u32 $0x5A, v9;
	_ =	sdelay $0x4  }
0x27c: {  	[tilespmem:v9+s17+$0x0] =	vst.idx.msk $0x1, v8  }
0x27d: {  	v9 =	vld [tilespmem:s5+$0xDB0];
	_ =	sdelay $0x4  }
0x27e: {  	v10 =	vshll.u32 v9, $0x8;
	v9 =	vshll.u32 v9, $0x7  }
0x27f: {  	v10 =	vand.u32 $0xFFFFF800, v10;
	v9 =	vand.u32 $0x380, v9  }
0x280: {  	v9 =	vor.u32 v10, v9  }
0x281: {  	v9 =	vor.u32 $0x5B, v9;
	_ =	sdelay $0x4  }
0x282: {  	[tilespmem:v9+s17+$0x0] =	vst.idx.msk $0x1, v8  }
0x283: {  	v9 =	vld [tilespmem:s5+$0xDC0];
	_ =	sdelay $0x4  }
0x284: {  	v10 =	vshll.u32 v9, $0x8;
	v9 =	vshll.u32 v9, $0x7  }
0x285: {  	v10 =	vand.u32 $0xFFFFF800, v10;
	v9 =	vand.u32 $0x380, v9  }
0x286: {  	v9 =	vor.u32 v10, v9  }
0x287: {  	v9 =	vor.u32 $0x5C, v9;
	_ =	sdelay $0x4  }
0x288: {  	[tilespmem:v9+s17+$0x0] =	vst.idx.msk $0x1, v8  }
0x289: {  	v9 =	vld [tilespmem:s5+$0xDD0];
	_ =	sdelay $0x4  }
0x28a: {  	v10 =	vshll.u32 v9, $0x8;
	v9 =	vshll.u32 v9, $0x7  }
0x28b: {  	v10 =	vand.u32 $0xFFFFF800, v10;
	v9 =	vand.u32 $0x380, v9  }
0x28c: {  	v9 =	vor.u32 v10, v9  }
0x28d: {  	v9 =	vor.u32 $0x5D, v9;
	_ =	sdelay $0x4  }
0x28e: {  	[tilespmem:v9+s17+$0x0] =	vst.idx.msk $0x1, v8  }
0x28f: {  	v9 =	vld [tilespmem:s5+$0xDE0];
	_ =	sdelay $0x4  }
0x290: {  	v10 =	vshll.u32 v9, $0x8;
	v9 =	vshll.u32 v9, $0x7  }
0x291: {  	v10 =	vand.u32 $0xFFFFF800, v10;
	v9 =	vand.u32 $0x380, v9  }
0x292: {  	v9 =	vor.u32 v10, v9  }
0x293: {  	v9 =	vor.u32 $0x5E, v9;
	_ =	sdelay $0x4  }
0x294: {  	[tilespmem:v9+s17+$0x0] =	vst.idx.msk $0x1, v8  }
0x295: {  	v9 =	vld [tilespmem:s5+$0xDF0];
	_ =	sdelay $0x4  }
0x296: {  	v10 =	vshll.u32 v9, $0x8;
	v9 =	vshll.u32 v9, $0x7  }
0x297: {  	v10 =	vand.u32 $0xFFFFF800, v10;
	v9 =	vand.u32 $0x380, v9  }
0x298: {  	v9 =	vor.u32 v10, v9  }
0x299: {  	v9 =	vor.u32 $0x5F, v9;
	_ =	sdelay $0x4  }
0x29a: {  	[tilespmem:v9+s17+$0x0] =	vst.idx.msk $0x1, v8  }
0x29b: {  	v9 =	vld [tilespmem:s5+$0x200];
	_ =	sdelay $0x4  }
0x29c: {  	v10 =	vshll.u32 v9, $0x8;
	v9 =	vshll.u32 v9, $0x7  }
0x29d: {  	v10 =	vand.u32 $0xFFFFF800, v10;
	v9 =	vand.u32 $0x380, v9  }
0x29e: {  	v9 =	vor.u32 v10, v9  }
0x29f: {  	v9 =	vor.u32 $0x60, v9;
	_ =	sdelay $0x4  }
0x2a0: {  	[tilespmem:v9+s17+$0x0] =	vst.idx.msk $0x1, v8  }
0x2a1: {  	v9 =	vld [tilespmem:s5+$0x210];
	_ =	sdelay $0x4  }
0x2a2: {  	v10 =	vshll.u32 v9, $0x8;
	v9 =	vshll.u32 v9, $0x7  }
0x2a3: {  	v10 =	vand.u32 $0xFFFFF800, v10;
	v9 =	vand.u32 $0x380, v9  }
0x2a4: {  	v9 =	vor.u32 v10, v9  }
0x2a5: {  	v9 =	vor.u32 $0x61, v9;
	_ =	sdelay $0x4  }
0x2a6: {  	[tilespmem:v9+s17+$0x0] =	vst.idx.msk $0x1, v8  }
0x2a7: {  	v9 =	vld [tilespmem:s5+$0x220];
	_ =	sdelay $0x4  }
0x2a8: {  	v10 =	vshll.u32 v9, $0x8;
	v9 =	vshll.u32 v9, $0x7  }
0x2a9: {  	v10 =	vand.u32 $0xFFFFF800, v10;
	v9 =	vand.u32 $0x380, v9  }
0x2aa: {  	v9 =	vor.u32 v10, v9  }
0x2ab: {  	v9 =	vor.u32 $0x62, v9;
	_ =	sdelay $0x4  }
0x2ac: {  	[tilespmem:v9+s17+$0x0] =	vst.idx.msk $0x1, v8  }
0x2ad: {  	v9 =	vld [tilespmem:s5+$0x230];
	_ =	sdelay $0x4  }
0x2ae: {  	v10 =	vshll.u32 v9, $0x8;
	v9 =	vshll.u32 v9, $0x7  }
0x2af: {  	v10 =	vand.u32 $0xFFFFF800, v10;
	v9 =	vand.u32 $0x380, v9  }
0x2b0: {  	v9 =	vor.u32 v10, v9  }
0x2b1: {  	v9 =	vor.u32 $0x63, v9;
	_ =	sdelay $0x4  }
0x2b2: {  	[tilespmem:v9+s17+$0x0] =	vst.idx.msk $0x1, v8  }
0x2b3: {  	v9 =	vld [tilespmem:s5+$0x240];
	_ =	sdelay $0x4  }
0x2b4: {  	v10 =	vshll.u32 v9, $0x8;
	v9 =	vshll.u32 v9, $0x7  }
0x2b5: {  	v10 =	vand.u32 $0xFFFFF800, v10;
	v9 =	vand.u32 $0x380, v9  }
0x2b6: {  	v9 =	vor.u32 v10, v9  }
0x2b7: {  	v9 =	vor.u32 $0x64, v9;
	_ =	sdelay $0x4  }
0x2b8: {  	[tilespmem:v9+s17+$0x0] =	vst.idx.msk $0x1, v8  }
0x2b9: {  	v9 =	vld [tilespmem:s5+$0x250];
	_ =	sdelay $0x4  }
0x2ba: {  	v10 =	vshll.u32 v9, $0x8;
	v9 =	vshll.u32 v9, $0x7  }
0x2bb: {  	v10 =	vand.u32 $0xFFFFF800, v10;
	v9 =	vand.u32 $0x380, v9  }
0x2bc: {  	v9 =	vor.u32 v10, v9  }
0x2bd: {  	v9 =	vor.u32 $0x65, v9;
	_ =	sdelay $0x4  }
0x2be: {  	[tilespmem:v9+s17+$0x0] =	vst.idx.msk $0x1, v8  }
0x2bf: {  	v9 =	vld [tilespmem:s5+$0x260];
	_ =	sdelay $0x4  }
0x2c0: {  	v10 =	vshll.u32 v9, $0x8;
	v9 =	vshll.u32 v9, $0x7  }
0x2c1: {  	v10 =	vand.u32 $0xFFFFF800, v10;
	v9 =	vand.u32 $0x380, v9  }
0x2c2: {  	v9 =	vor.u32 v10, v9  }
0x2c3: {  	v9 =	vor.u32 $0x66, v9;
	_ =	sdelay $0x4  }
0x2c4: {  	[tilespmem:v9+s17+$0x0] =	vst.idx.msk $0x1, v8  }
0x2c5: {  	v9 =	vld [tilespmem:s5+$0x270];
	_ =	sdelay $0x4  }
0x2c6: {  	v10 =	vshll.u32 v9, $0x8;
	v9 =	vshll.u32 v9, $0x7  }
0x2c7: {  	v10 =	vand.u32 $0xFFFFF800, v10;
	v9 =	vand.u32 $0x380, v9  }
0x2c8: {  	v9 =	vor.u32 v10, v9  }
0x2c9: {  	v9 =	vor.u32 $0x67, v9;
	_ =	sdelay $0x4  }
0x2ca: {  	[tilespmem:v9+s17+$0x0] =	vst.idx.msk $0x1, v8  }
0x2cb: {  	v9 =	vld [tilespmem:s5+$0x600];
	_ =	sdelay $0x4  }
0x2cc: {  	v10 =	vshll.u32 v9, $0x8;
	v9 =	vshll.u32 v9, $0x7  }
0x2cd: {  	v10 =	vand.u32 $0xFFFFF800, v10;
	v9 =	vand.u32 $0x380, v9  }
0x2ce: {  	v9 =	vor.u32 v10, v9  }
0x2cf: {  	v9 =	vor.u32 $0x68, v9;
	_ =	sdelay $0x4  }
0x2d0: {  	[tilespmem:v9+s17+$0x0] =	vst.idx.msk $0x1, v8  }
0x2d1: {  	v9 =	vld [tilespmem:s5+$0x610];
	_ =	sdelay $0x4  }
0x2d2: {  	v10 =	vshll.u32 v9, $0x8;
	v9 =	vshll.u32 v9, $0x7  }
0x2d3: {  	v10 =	vand.u32 $0xFFFFF800, v10;
	v9 =	vand.u32 $0x380, v9  }
0x2d4: {  	v9 =	vor.u32 v10, v9  }
0x2d5: {  	v9 =	vor.u32 $0x69, v9;
	_ =	sdelay $0x4  }
0x2d6: {  	[tilespmem:v9+s17+$0x0] =	vst.idx.msk $0x1, v8  }
0x2d7: {  	v9 =	vld [tilespmem:s5+$0x620];
	_ =	sdelay $0x4  }
0x2d8: {  	v10 =	vshll.u32 v9, $0x8;
	v9 =	vshll.u32 v9, $0x7  }
0x2d9: {  	v10 =	vand.u32 $0xFFFFF800, v10;
	v9 =	vand.u32 $0x380, v9  }
0x2da: {  	v9 =	vor.u32 v10, v9  }
0x2db: {  	v9 =	vor.u32 $0x6A, v9;
	_ =	sdelay $0x4  }
0x2dc: {  	[tilespmem:v9+s17+$0x0] =	vst.idx.msk $0x1, v8  }
0x2dd: {  	v9 =	vld [tilespmem:s5+$0x630];
	_ =	sdelay $0x4  }
0x2de: {  	v10 =	vshll.u32 v9, $0x8;
	v9 =	vshll.u32 v9, $0x7  }
0x2df: {  	v10 =	vand.u32 $0xFFFFF800, v10;
	v9 =	vand.u32 $0x380, v9  }
0x2e0: {  	v9 =	vor.u32 v10, v9  }
0x2e1: {  	v9 =	vor.u32 $0x6B, v9;
	_ =	sdelay $0x4  }
0x2e2: {  	[tilespmem:v9+s17+$0x0] =	vst.idx.msk $0x1, v8  }
0x2e3: {  	v9 =	vld [tilespmem:s5+$0x640];
	_ =	sdelay $0x4  }
0x2e4: {  	v10 =	vshll.u32 v9, $0x8;
	v9 =	vshll.u32 v9, $0x7  }
0x2e5: {  	v10 =	vand.u32 $0xFFFFF800, v10;
	v9 =	vand.u32 $0x380, v9  }
0x2e6: {  	v9 =	vor.u32 v10, v9  }
0x2e7: {  	v9 =	vor.u32 $0x6C, v9;
	_ =	sdelay $0x4  }
0x2e8: {  	[tilespmem:v9+s17+$0x0] =	vst.idx.msk $0x1, v8  }
0x2e9: {  	v9 =	vld [tilespmem:s5+$0x650];
	_ =	sdelay $0x4  }
0x2ea: {  	v10 =	vshll.u32 v9, $0x8;
	v9 =	vshll.u32 v9, $0x7  }
0x2eb: {  	v10 =	vand.u32 $0xFFFFF800, v10;
	v9 =	vand.u32 $0x380, v9  }
0x2ec: {  	v9 =	vor.u32 v10, v9  }
0x2ed: {  	v9 =	vor.u32 $0x6D, v9;
	_ =	sdelay $0x4  }
0x2ee: {  	[tilespmem:v9+s17+$0x0] =	vst.idx.msk $0x1, v8  }
0x2ef: {  	v9 =	vld [tilespmem:s5+$0x660];
	_ =	sdelay $0x4  }
0x2f0: {  	v10 =	vshll.u32 v9, $0x8;
	v9 =	vshll.u32 v9, $0x7  }
0x2f1: {  	v10 =	vand.u32 $0xFFFFF800, v10;
	v9 =	vand.u32 $0x380, v9  }
0x2f2: {  	v9 =	vor.u32 v10, v9  }
0x2f3: {  	v9 =	vor.u32 $0x6E, v9;
	_ =	sdelay $0x4  }
0x2f4: {  	[tilespmem:v9+s17+$0x0] =	vst.idx.msk $0x1, v8  }
0x2f5: {  	v9 =	vld [tilespmem:s5+$0x670];
	_ =	sdelay $0x4  }
0x2f6: {  	v10 =	vshll.u32 v9, $0x8;
	v9 =	vshll.u32 v9, $0x7  }
0x2f7: {  	v10 =	vand.u32 $0xFFFFF800, v10;
	v9 =	vand.u32 $0x380, v9  }
0x2f8: {  	v9 =	vor.u32 v10, v9  }
0x2f9: {  	v9 =	vor.u32 $0x6F, v9;
	_ =	sdelay $0x4  }
0x2fa: {  	[tilespmem:v9+s17+$0x0] =	vst.idx.msk $0x1, v8  }
0x2fb: {  	v9 =	vld [tilespmem:s5+$0xA00];
	_ =	sdelay $0x4  }
0x2fc: {  	v10 =	vshll.u32 v9, $0x8;
	v9 =	vshll.u32 v9, $0x7  }
0x2fd: {  	v10 =	vand.u32 $0xFFFFF800, v10;
	v9 =	vand.u32 $0x380, v9  }
0x2fe: {  	v9 =	vor.u32 v10, v9  }
0x2ff: {  	v9 =	vor.u32 $0x70, v9;
	_ =	sdelay $0x4  }
0x300: {  	[tilespmem:v9+s17+$0x0] =	vst.idx.msk $0x1, v8  }
0x301: {  	v9 =	vld [tilespmem:s5+$0xA10];
	_ =	sdelay $0x4  }
0x302: {  	v10 =	vshll.u32 v9, $0x8;
	v9 =	vshll.u32 v9, $0x7  }
0x303: {  	v10 =	vand.u32 $0xFFFFF800, v10;
	v9 =	vand.u32 $0x380, v9  }
0x304: {  	v9 =	vor.u32 v10, v9  }
0x305: {  	v9 =	vor.u32 $0x71, v9;
	_ =	sdelay $0x4  }
0x306: {  	[tilespmem:v9+s17+$0x0] =	vst.idx.msk $0x1, v8  }
0x307: {  	v9 =	vld [tilespmem:s5+$0xA20];
	_ =	sdelay $0x4  }
0x308: {  	v10 =	vshll.u32 v9, $0x8;
	v9 =	vshll.u32 v9, $0x7  }
0x309: {  	v10 =	vand.u32 $0xFFFFF800, v10;
	v9 =	vand.u32 $0x380, v9  }
0x30a: {  	v9 =	vor.u32 v10, v9  }
0x30b: {  	v9 =	vor.u32 $0x72, v9;
	_ =	sdelay $0x4  }
0x30c: {  	[tilespmem:v9+s17+$0x0] =	vst.idx.msk $0x1, v8  }
0x30d: {  	v9 =	vld [tilespmem:s5+$0xA30];
	_ =	sdelay $0x4  }
0x30e: {  	v10 =	vshll.u32 v9, $0x8;
	v9 =	vshll.u32 v9, $0x7  }
0x30f: {  	v10 =	vand.u32 $0xFFFFF800, v10;
	v9 =	vand.u32 $0x380, v9  }
0x310: {  	v9 =	vor.u32 v10, v9  }
0x311: {  	v9 =	vor.u32 $0x73, v9;
	_ =	sdelay $0x4  }
0x312: {  	[tilespmem:v9+s17+$0x0] =	vst.idx.msk $0x1, v8  }
0x313: {  	v9 =	vld [tilespmem:s5+$0xA40];
	_ =	sdelay $0x4  }
0x314: {  	v10 =	vshll.u32 v9, $0x8;
	v9 =	vshll.u32 v9, $0x7  }
0x315: {  	v10 =	vand.u32 $0xFFFFF800, v10;
	v9 =	vand.u32 $0x380, v9  }
0x316: {  	v9 =	vor.u32 v10, v9  }
0x317: {  	v9 =	vor.u32 $0x74, v9;
	_ =	sdelay $0x4  }
0x318: {  	[tilespmem:v9+s17+$0x0] =	vst.idx.msk $0x1, v8  }
0x319: {  	v9 =	vld [tilespmem:s5+$0xA50];
	_ =	sdelay $0x4  }
0x31a: {  	v10 =	vshll.u32 v9, $0x8;
	v9 =	vshll.u32 v9, $0x7  }
0x31b: {  	v10 =	vand.u32 $0xFFFFF800, v10;
	v9 =	vand.u32 $0x380, v9  }
0x31c: {  	v9 =	vor.u32 v10, v9  }
0x31d: {  	v9 =	vor.u32 $0x75, v9;
	_ =	sdelay $0x4  }
0x31e: {  	[tilespmem:v9+s17+$0x0] =	vst.idx.msk $0x1, v8  }
0x31f: {  	v9 =	vld [tilespmem:s5+$0xA60];
	_ =	sdelay $0x4  }
0x320: {  	v10 =	vshll.u32 v9, $0x8;
	v9 =	vshll.u32 v9, $0x7  }
0x321: {  	v10 =	vand.u32 $0xFFFFF800, v10;
	v9 =	vand.u32 $0x380, v9  }
0x322: {  	v9 =	vor.u32 v10, v9  }
0x323: {  	v9 =	vor.u32 $0x76, v9;
	_ =	sdelay $0x4  }
0x324: {  	[tilespmem:v9+s17+$0x0] =	vst.idx.msk $0x1, v8  }
0x325: {  	v9 =	vld [tilespmem:s5+$0xA70];
	_ =	sdelay $0x4  }
0x326: {  	v10 =	vshll.u32 v9, $0x8;
	v9 =	vshll.u32 v9, $0x7  }
0x327: {  	v10 =	vand.u32 $0xFFFFF800, v10;
	v9 =	vand.u32 $0x380, v9  }
0x328: {  	v9 =	vor.u32 v10, v9  }
0x329: {  	v9 =	vor.u32 $0x77, v9;
	_ =	sdelay $0x4  }
0x32a: {  	[tilespmem:v9+s17+$0x0] =	vst.idx.msk $0x1, v8  }
0x32b: {  	v9 =	vld [tilespmem:s5+$0xE00];
	_ =	sdelay $0x4  }
0x32c: {  	v10 =	vshll.u32 v9, $0x8;
	v9 =	vshll.u32 v9, $0x7  }
0x32d: {  	v10 =	vand.u32 $0xFFFFF800, v10;
	v9 =	vand.u32 $0x380, v9  }
0x32e: {  	v9 =	vor.u32 v10, v9  }
0x32f: {  	v9 =	vor.u32 $0x78, v9;
	_ =	sdelay $0x4  }
0x330: {  	[tilespmem:v9+s17+$0x0] =	vst.idx.msk $0x1, v8  }
0x331: {  	v9 =	vld [tilespmem:s5+$0xE10];
	_ =	sdelay $0x4  }
0x332: {  	v10 =	vshll.u32 v9, $0x8;
	v9 =	vshll.u32 v9, $0x7  }
0x333: {  	v10 =	vand.u32 $0xFFFFF800, v10;
	v9 =	vand.u32 $0x380, v9  }
0x334: {  	v9 =	vor.u32 v10, v9  }
0x335: {  	v9 =	vor.u32 $0x79, v9;
	_ =	sdelay $0x4  }
0x336: {  	[tilespmem:v9+s17+$0x0] =	vst.idx.msk $0x1, v8  }
0x337: {  	v9 =	vld [tilespmem:s5+$0xE20];
	_ =	sdelay $0x4  }
0x338: {  	v10 =	vshll.u32 v9, $0x8;
	v9 =	vshll.u32 v9, $0x7  }
0x339: {  	v10 =	vand.u32 $0xFFFFF800, v10;
	v9 =	vand.u32 $0x380, v9  }
0x33a: {  	v9 =	vor.u32 v10, v9  }
0x33b: {  	v9 =	vor.u32 $0x7A, v9;
	_ =	sdelay $0x4  }
0x33c: {  	[tilespmem:v9+s17+$0x0] =	vst.idx.msk $0x1, v8  }
0x33d: {  	v9 =	vld [tilespmem:s5+$0xE30];
	_ =	sdelay $0x4  }
0x33e: {  	v10 =	vshll.u32 v9, $0x8;
	v9 =	vshll.u32 v9, $0x7  }
0x33f: {  	v10 =	vand.u32 $0xFFFFF800, v10;
	v9 =	vand.u32 $0x380, v9  }
0x340: {  	v9 =	vor.u32 v10, v9  }
0x341: {  	v9 =	vor.u32 $0x7B, v9;
	_ =	sdelay $0x4  }
0x342: {  	[tilespmem:v9+s17+$0x0] =	vst.idx.msk $0x1, v8  }
0x343: {  	v9 =	vld [tilespmem:s5+$0xE40];
	_ =	sdelay $0x4  }
0x344: {  	v10 =	vshll.u32 v9, $0x8;
	v9 =	vshll.u32 v9, $0x7  }
0x345: {  	v10 =	vand.u32 $0xFFFFF800, v10;
	v9 =	vand.u32 $0x380, v9  }
0x346: {  	v9 =	vor.u32 v10, v9  }
0x347: {  	v9 =	vor.u32 $0x7C, v9;
	_ =	sdelay $0x4  }
0x348: {  	[tilespmem:v9+s17+$0x0] =	vst.idx.msk $0x1, v8  }
0x349: {  	v9 =	vld [tilespmem:s5+$0xE50];
	_ =	sdelay $0x4  }
0x34a: {  	v10 =	vshll.u32 v9, $0x8;
	v9 =	vshll.u32 v9, $0x7  }
0x34b: {  	v10 =	vand.u32 $0xFFFFF800, v10;
	v9 =	vand.u32 $0x380, v9  }
0x34c: {  	v9 =	vor.u32 v10, v9  }
0x34d: {  	v9 =	vor.u32 $0x7D, v9;
	_ =	sdelay $0x4  }
0x34e: {  	[tilespmem:v9+s17+$0x0] =	vst.idx.msk $0x1, v8  }
0x34f: {  	v9 =	vld [tilespmem:s5+$0xE60];
	_ =	sdelay $0x4  }
0x350: {  	v10 =	vshll.u32 v9, $0x8;
	v9 =	vshll.u32 v9, $0x7  }
0x351: {  	v10 =	vand.u32 $0xFFFFF800, v10;
	v9 =	vand.u32 $0x380, v9  }
0x352: {  	v9 =	vor.u32 v10, v9  }
0x353: {  	v9 =	vor.u32 $0x7E, v9;
	_ =	sdelay $0x4  }
0x354: {  	[tilespmem:v9+s17+$0x0] =	vst.idx.msk $0x1, v8  }
0x355: {  	v9 =	vld [tilespmem:s5+$0xE70];
	_ =	sdelay $0x4  }
0x356: {  	v10 =	vshll.u32 v9, $0x8;
	v9 =	vshll.u32 v9, $0x7  }
0x357: {  	v10 =	vand.u32 $0xFFFFF800, v10;
	v9 =	vand.u32 $0x380, v9  }
0x358: {  	v9 =	vor.u32 v10, v9  }
0x359: {  	v9 =	vor.u32 $0x7F, v9;
	_ =	sdelay $0x4  }
0x35a: {  	[tilespmem:v9+s17+$0x0] =	vst.idx.msk $0x1, v8  }
0x35b: {  	v9 =	vld [tilespmem:s5+$0x280];
	_ =	sdelay $0x4  }
0x35c: {  	v10 =	vshll.u32 v9, $0x8;
	v9 =	vshll.u32 v9, $0x7  }
0x35d: {  	v10 =	vand.u32 $0xFFFFF800, v10;
	v9 =	vand.u32 $0x380, v9  }
0x35e: {  	v9 =	vor.u32 v9, v10  }
0x35f: {  	v9 =	vor.u32 $0x400, v9;
	_ =	sdelay $0x4  }
0x360: {  	[tilespmem:v9+s17+$0x0] =	vst.idx.msk $0x1, v8  }
0x361: {  	v9 =	vld [tilespmem:s5+$0x290];
	_ =	sdelay $0x4  }
0x362: {  	v10 =	vshll.u32 v9, $0x8;
	v9 =	vshll.u32 v9, $0x7  }
0x363: {  	v10 =	vand.u32 $0xFFFFF800, v10;
	v9 =	vand.u32 $0x380, v9  }
0x364: {  	v9 =	vor.u32 v9, v10  }
0x365: {  	v9 =	vor.u32 $0x401, v9;
	_ =	sdelay $0x4  }
0x366: {  	[tilespmem:v9+s17+$0x0] =	vst.idx.msk $0x1, v8  }
0x367: {  	v9 =	vld [tilespmem:s5+$0x2A0];
	_ =	sdelay $0x4  }
0x368: {  	v10 =	vshll.u32 v9, $0x8;
	v9 =	vshll.u32 v9, $0x7  }
0x369: {  	v10 =	vand.u32 $0xFFFFF800, v10;
	v9 =	vand.u32 $0x380, v9  }
0x36a: {  	v9 =	vor.u32 v9, v10  }
0x36b: {  	v9 =	vor.u32 $0x402, v9;
	_ =	sdelay $0x4  }
0x36c: {  	[tilespmem:v9+s17+$0x0] =	vst.idx.msk $0x1, v8  }
0x36d: {  	v9 =	vld [tilespmem:s5+$0x2B0];
	_ =	sdelay $0x4  }
0x36e: {  	v10 =	vshll.u32 v9, $0x8;
	v9 =	vshll.u32 v9, $0x7  }
0x36f: {  	v10 =	vand.u32 $0xFFFFF800, v10;
	v9 =	vand.u32 $0x380, v9  }
0x370: {  	v9 =	vor.u32 v9, v10  }
0x371: {  	v9 =	vor.u32 $0x403, v9;
	_ =	sdelay $0x4  }
0x372: {  	[tilespmem:v9+s17+$0x0] =	vst.idx.msk $0x1, v8  }
0x373: {  	v9 =	vld [tilespmem:s5+$0x2C0];
	_ =	sdelay $0x4  }
0x374: {  	v10 =	vshll.u32 v9, $0x8;
	v9 =	vshll.u32 v9, $0x7  }
0x375: {  	v10 =	vand.u32 $0xFFFFF800, v10;
	v9 =	vand.u32 $0x380, v9  }
0x376: {  	v9 =	vor.u32 v9, v10  }
0x377: {  	v9 =	vor.u32 $0x404, v9;
	_ =	sdelay $0x4  }
0x378: {  	[tilespmem:v9+s17+$0x0] =	vst.idx.msk $0x1, v8  }
0x379: {  	v9 =	vld [tilespmem:s5+$0x2D0];
	_ =	sdelay $0x4  }
0x37a: {  	v10 =	vshll.u32 v9, $0x8;
	v9 =	vshll.u32 v9, $0x7  }
0x37b: {  	v10 =	vand.u32 $0xFFFFF800, v10;
	v9 =	vand.u32 $0x380, v9  }
0x37c: {  	v9 =	vor.u32 v9, v10  }
0x37d: {  	v9 =	vor.u32 $0x405, v9;
	_ =	sdelay $0x4  }
0x37e: {  	[tilespmem:v9+s17+$0x0] =	vst.idx.msk $0x1, v8  }
0x37f: {  	v9 =	vld [tilespmem:s5+$0x2E0];
	_ =	sdelay $0x4  }
0x380: {  	v10 =	vshll.u32 v9, $0x8;
	v9 =	vshll.u32 v9, $0x7  }
0x381: {  	v10 =	vand.u32 $0xFFFFF800, v10;
	v9 =	vand.u32 $0x380, v9  }
0x382: {  	v9 =	vor.u32 v9, v10  }
0x383: {  	v9 =	vor.u32 $0x406, v9;
	_ =	sdelay $0x4  }
0x384: {  	[tilespmem:v9+s17+$0x0] =	vst.idx.msk $0x1, v8  }
0x385: {  	v9 =	vld [tilespmem:s5+$0x2F0];
	_ =	sdelay $0x4  }
0x386: {  	v10 =	vshll.u32 v9, $0x8;
	v9 =	vshll.u32 v9, $0x7  }
0x387: {  	v10 =	vand.u32 $0xFFFFF800, v10;
	v9 =	vand.u32 $0x380, v9  }
0x388: {  	v9 =	vor.u32 v9, v10  }
0x389: {  	v9 =	vor.u32 $0x407, v9;
	_ =	sdelay $0x4  }
0x38a: {  	[tilespmem:v9+s17+$0x0] =	vst.idx.msk $0x1, v8  }
0x38b: {  	v9 =	vld [tilespmem:s5+$0x680];
	_ =	sdelay $0x4  }
0x38c: {  	v10 =	vshll.u32 v9, $0x8;
	v9 =	vshll.u32 v9, $0x7  }
0x38d: {  	v10 =	vand.u32 $0xFFFFF800, v10;
	v9 =	vand.u32 $0x380, v9  }
0x38e: {  	v9 =	vor.u32 v9, v10  }
0x38f: {  	v9 =	vor.u32 $0x408, v9;
	_ =	sdelay $0x4  }
0x390: {  	[tilespmem:v9+s17+$0x0] =	vst.idx.msk $0x1, v8  }
0x391: {  	v9 =	vld [tilespmem:s5+$0x690];
	_ =	sdelay $0x4  }
0x392: {  	v10 =	vshll.u32 v9, $0x8;
	v9 =	vshll.u32 v9, $0x7  }
0x393: {  	v10 =	vand.u32 $0xFFFFF800, v10;
	v9 =	vand.u32 $0x380, v9  }
0x394: {  	v9 =	vor.u32 v9, v10  }
0x395: {  	v9 =	vor.u32 $0x409, v9;
	_ =	sdelay $0x4  }
0x396: {  	[tilespmem:v9+s17+$0x0] =	vst.idx.msk $0x1, v8  }
0x397: {  	v9 =	vld [tilespmem:s5+$0x6A0];
	_ =	sdelay $0x4  }
0x398: {  	v10 =	vshll.u32 v9, $0x8;
	v9 =	vshll.u32 v9, $0x7  }
0x399: {  	v10 =	vand.u32 $0xFFFFF800, v10;
	v9 =	vand.u32 $0x380, v9  }
0x39a: {  	v9 =	vor.u32 v9, v10  }
0x39b: {  	v9 =	vor.u32 $0x40A, v9;
	_ =	sdelay $0x4  }
0x39c: {  	[tilespmem:v9+s17+$0x0] =	vst.idx.msk $0x1, v8  }
0x39d: {  	v9 =	vld [tilespmem:s5+$0x6B0];
	_ =	sdelay $0x4  }
0x39e: {  	v10 =	vshll.u32 v9, $0x8;
	v9 =	vshll.u32 v9, $0x7  }
0x39f: {  	v10 =	vand.u32 $0xFFFFF800, v10;
	v9 =	vand.u32 $0x380, v9  }
0x3a0: {  	v9 =	vor.u32 v9, v10  }
0x3a1: {  	v9 =	vor.u32 $0x40B, v9;
	_ =	sdelay $0x4  }
0x3a2: {  	[tilespmem:v9+s17+$0x0] =	vst.idx.msk $0x1, v8  }
0x3a3: {  	v9 =	vld [tilespmem:s5+$0x6C0];
	_ =	sdelay $0x4  }
0x3a4: {  	v10 =	vshll.u32 v9, $0x8;
	v9 =	vshll.u32 v9, $0x7  }
0x3a5: {  	v10 =	vand.u32 $0xFFFFF800, v10;
	v9 =	vand.u32 $0x380, v9  }
0x3a6: {  	v9 =	vor.u32 v9, v10  }
0x3a7: {  	v9 =	vor.u32 $0x40C, v9;
	_ =	sdelay $0x4  }
0x3a8: {  	[tilespmem:v9+s17+$0x0] =	vst.idx.msk $0x1, v8  }
0x3a9: {  	v9 =	vld [tilespmem:s5+$0x6D0];
	_ =	sdelay $0x4  }
0x3aa: {  	v10 =	vshll.u32 v9, $0x8;
	v9 =	vshll.u32 v9, $0x7  }
0x3ab: {  	v10 =	vand.u32 $0xFFFFF800, v10;
	v9 =	vand.u32 $0x380, v9  }
0x3ac: {  	v9 =	vor.u32 v9, v10  }
0x3ad: {  	v9 =	vor.u32 $0x40D, v9;
	_ =	sdelay $0x4  }
0x3ae: {  	[tilespmem:v9+s17+$0x0] =	vst.idx.msk $0x1, v8  }
0x3af: {  	v9 =	vld [tilespmem:s5+$0x6E0];
	_ =	sdelay $0x4  }
0x3b0: {  	v10 =	vshll.u32 v9, $0x8;
	v9 =	vshll.u32 v9, $0x7  }
0x3b1: {  	v10 =	vand.u32 $0xFFFFF800, v10;
	v9 =	vand.u32 $0x380, v9  }
0x3b2: {  	v9 =	vor.u32 v9, v10  }
0x3b3: {  	v9 =	vor.u32 $0x40E, v9;
	_ =	sdelay $0x4  }
0x3b4: {  	[tilespmem:v9+s17+$0x0] =	vst.idx.msk $0x1, v8  }
0x3b5: {  	v9 =	vld [tilespmem:s5+$0x6F0];
	_ =	sdelay $0x4  }
0x3b6: {  	v10 =	vshll.u32 v9, $0x8;
	v9 =	vshll.u32 v9, $0x7  }
0x3b7: {  	v10 =	vand.u32 $0xFFFFF800, v10;
	v9 =	vand.u32 $0x380, v9  }
0x3b8: {  	v9 =	vor.u32 v9, v10  }
0x3b9: {  	v9 =	vor.u32 $0x40F, v9;
	_ =	sdelay $0x4  }
0x3ba: {  	[tilespmem:v9+s17+$0x0] =	vst.idx.msk $0x1, v8  }
0x3bb: {  	v9 =	vld [tilespmem:s5+$0xA80];
	_ =	sdelay $0x4  }
0x3bc: {  	v10 =	vshll.u32 v9, $0x8;
	v9 =	vshll.u32 v9, $0x7  }
0x3bd: {  	v10 =	vand.u32 $0xFFFFF800, v10;
	v9 =	vand.u32 $0x380, v9  }
0x3be: {  	v9 =	vor.u32 v9, v10  }
0x3bf: {  	v9 =	vor.u32 $0x410, v9;
	_ =	sdelay $0x4  }
0x3c0: {  	[tilespmem:v9+s17+$0x0] =	vst.idx.msk $0x1, v8  }
0x3c1: {  	v9 =	vld [tilespmem:s5+$0xA90];
	_ =	sdelay $0x4  }
0x3c2: {  	v10 =	vshll.u32 v9, $0x8;
	v9 =	vshll.u32 v9, $0x7  }
0x3c3: {  	v10 =	vand.u32 $0xFFFFF800, v10;
	v9 =	vand.u32 $0x380, v9  }
0x3c4: {  	v9 =	vor.u32 v9, v10  }
0x3c5: {  	v9 =	vor.u32 $0x411, v9;
	_ =	sdelay $0x4  }
0x3c6: {  	[tilespmem:v9+s17+$0x0] =	vst.idx.msk $0x1, v8  }
0x3c7: {  	v9 =	vld [tilespmem:s5+$0xAA0];
	_ =	sdelay $0x4  }
0x3c8: {  	v10 =	vshll.u32 v9, $0x8;
	v9 =	vshll.u32 v9, $0x7  }
0x3c9: {  	v10 =	vand.u32 $0xFFFFF800, v10;
	v9 =	vand.u32 $0x380, v9  }
0x3ca: {  	v9 =	vor.u32 v9, v10  }
0x3cb: {  	v9 =	vor.u32 $0x412, v9;
	_ =	sdelay $0x4  }
0x3cc: {  	[tilespmem:v9+s17+$0x0] =	vst.idx.msk $0x1, v8  }
0x3cd: {  	v9 =	vld [tilespmem:s5+$0xAB0];
	_ =	sdelay $0x4  }
0x3ce: {  	v10 =	vshll.u32 v9, $0x8;
	v9 =	vshll.u32 v9, $0x7  }
0x3cf: {  	v10 =	vand.u32 $0xFFFFF800, v10;
	v9 =	vand.u32 $0x380, v9  }
0x3d0: {  	v9 =	vor.u32 v9, v10  }
0x3d1: {  	v9 =	vor.u32 $0x413, v9;
	_ =	sdelay $0x4  }
0x3d2: {  	[tilespmem:v9+s17+$0x0] =	vst.idx.msk $0x1, v8  }
0x3d3: {  	v9 =	vld [tilespmem:s5+$0xAC0];
	_ =	sdelay $0x4  }
0x3d4: {  	v10 =	vshll.u32 v9, $0x8;
	v9 =	vshll.u32 v9, $0x7  }
0x3d5: {  	v10 =	vand.u32 $0xFFFFF800, v10;
	v9 =	vand.u32 $0x380, v9  }
0x3d6: {  	v9 =	vor.u32 v9, v10  }
0x3d7: {  	v9 =	vor.u32 $0x414, v9;
	_ =	sdelay $0x4  }
0x3d8: {  	[tilespmem:v9+s17+$0x0] =	vst.idx.msk $0x1, v8  }
0x3d9: {  	v9 =	vld [tilespmem:s5+$0xAD0];
	_ =	sdelay $0x4  }
0x3da: {  	v10 =	vshll.u32 v9, $0x8;
	v9 =	vshll.u32 v9, $0x7  }
0x3db: {  	v10 =	vand.u32 $0xFFFFF800, v10;
	v9 =	vand.u32 $0x380, v9  }
0x3dc: {  	v9 =	vor.u32 v9, v10  }
0x3dd: {  	v9 =	vor.u32 $0x415, v9;
	_ =	sdelay $0x4  }
0x3de: {  	[tilespmem:v9+s17+$0x0] =	vst.idx.msk $0x1, v8  }
0x3df: {  	v9 =	vld [tilespmem:s5+$0xAE0];
	_ =	sdelay $0x4  }
0x3e0: {  	v10 =	vshll.u32 v9, $0x8;
	v9 =	vshll.u32 v9, $0x7  }
0x3e1: {  	v10 =	vand.u32 $0xFFFFF800, v10;
	v9 =	vand.u32 $0x380, v9  }
0x3e2: {  	v9 =	vor.u32 v9, v10  }
0x3e3: {  	v9 =	vor.u32 $0x416, v9;
	_ =	sdelay $0x4  }
0x3e4: {  	[tilespmem:v9+s17+$0x0] =	vst.idx.msk $0x1, v8  }
0x3e5: {  	v9 =	vld [tilespmem:s5+$0xAF0];
	_ =	sdelay $0x4  }
0x3e6: {  	v10 =	vshll.u32 v9, $0x8;
	v9 =	vshll.u32 v9, $0x7  }
0x3e7: {  	v10 =	vand.u32 $0xFFFFF800, v10;
	v9 =	vand.u32 $0x380, v9  }
0x3e8: {  	v9 =	vor.u32 v9, v10  }
0x3e9: {  	v9 =	vor.u32 $0x417, v9;
	_ =	sdelay $0x4  }
0x3ea: {  	[tilespmem:v9+s17+$0x0] =	vst.idx.msk $0x1, v8  }
0x3eb: {  	v9 =	vld [tilespmem:s5+$0xE80];
	_ =	sdelay $0x4  }
0x3ec: {  	v10 =	vshll.u32 v9, $0x8;
	v9 =	vshll.u32 v9, $0x7  }
0x3ed: {  	v10 =	vand.u32 $0xFFFFF800, v10;
	v9 =	vand.u32 $0x380, v9  }
0x3ee: {  	v9 =	vor.u32 v9, v10  }
0x3ef: {  	v9 =	vor.u32 $0x418, v9;
	_ =	sdelay $0x4  }
0x3f0: {  	[tilespmem:v9+s17+$0x0] =	vst.idx.msk $0x1, v8  }
0x3f1: {  	v9 =	vld [tilespmem:s5+$0xE90];
	_ =	sdelay $0x4  }
0x3f2: {  	v10 =	vshll.u32 v9, $0x8;
	v9 =	vshll.u32 v9, $0x7  }
0x3f3: {  	v10 =	vand.u32 $0xFFFFF800, v10;
	v9 =	vand.u32 $0x380, v9  }
0x3f4: {  	v9 =	vor.u32 v9, v10  }
0x3f5: {  	v9 =	vor.u32 $0x419, v9;
	_ =	sdelay $0x4  }
0x3f6: {  	[tilespmem:v9+s17+$0x0] =	vst.idx.msk $0x1, v8  }
0x3f7: {  	v9 =	vld [tilespmem:s5+$0xEA0];
	_ =	sdelay $0x4  }
0x3f8: {  	v10 =	vshll.u32 v9, $0x8;
	v9 =	vshll.u32 v9, $0x7  }
0x3f9: {  	v10 =	vand.u32 $0xFFFFF800, v10;
	v9 =	vand.u32 $0x380, v9  }
0x3fa: {  	v9 =	vor.u32 v9, v10  }
0x3fb: {  	v9 =	vor.u32 $0x41A, v9;
	_ =	sdelay $0x4  }
0x3fc: {  	[tilespmem:v9+s17+$0x0] =	vst.idx.msk $0x1, v8  }
0x3fd: {  	v9 =	vld [tilespmem:s5+$0xEB0];
	_ =	sdelay $0x4  }
0x3fe: {  	v10 =	vshll.u32 v9, $0x8;
	v9 =	vshll.u32 v9, $0x7  }
0x3ff: {  	v10 =	vand.u32 $0xFFFFF800, v10;
	v9 =	vand.u32 $0x380, v9  }
0x400: {  	v9 =	vor.u32 v9, v10  }
0x401: {  	v9 =	vor.u32 $0x41B, v9;
	_ =	sdelay $0x4  }
0x402: {  	[tilespmem:v9+s17+$0x0] =	vst.idx.msk $0x1, v8  }
0x403: {  	v9 =	vld [tilespmem:s5+$0xEC0];
	_ =	sdelay $0x4  }
0x404: {  	v10 =	vshll.u32 v9, $0x8;
	v9 =	vshll.u32 v9, $0x7  }
0x405: {  	v10 =	vand.u32 $0xFFFFF800, v10;
	v9 =	vand.u32 $0x380, v9  }
0x406: {  	v9 =	vor.u32 v9, v10  }
0x407: {  	v9 =	vor.u32 $0x41C, v9;
	_ =	sdelay $0x4  }
0x408: {  	[tilespmem:v9+s17+$0x0] =	vst.idx.msk $0x1, v8  }
0x409: {  	v9 =	vld [tilespmem:s5+$0xED0];
	_ =	sdelay $0x4  }
0x40a: {  	v10 =	vshll.u32 v9, $0x8;
	v9 =	vshll.u32 v9, $0x7  }
0x40b: {  	v10 =	vand.u32 $0xFFFFF800, v10;
	v9 =	vand.u32 $0x380, v9  }
0x40c: {  	v9 =	vor.u32 v9, v10  }
0x40d: {  	v9 =	vor.u32 $0x41D, v9;
	_ =	sdelay $0x4  }
0x40e: {  	[tilespmem:v9+s17+$0x0] =	vst.idx.msk $0x1, v8  }
0x40f: {  	v9 =	vld [tilespmem:s5+$0xEE0];
	_ =	sdelay $0x4  }
0x410: {  	v10 =	vshll.u32 v9, $0x8;
	v9 =	vshll.u32 v9, $0x7  }
0x411: {  	v10 =	vand.u32 $0xFFFFF800, v10;
	v9 =	vand.u32 $0x380, v9  }
0x412: {  	v9 =	vor.u32 v9, v10  }
0x413: {  	v9 =	vor.u32 $0x41E, v9;
	_ =	sdelay $0x4  }
0x414: {  	[tilespmem:v9+s17+$0x0] =	vst.idx.msk $0x1, v8  }
0x415: {  	v9 =	vld [tilespmem:s5+$0xEF0];
	_ =	sdelay $0x4  }
0x416: {  	v10 =	vshll.u32 v9, $0x8;
	v9 =	vshll.u32 v9, $0x7  }
0x417: {  	v10 =	vand.u32 $0xFFFFF800, v10;
	v9 =	vand.u32 $0x380, v9  }
0x418: {  	v9 =	vor.u32 v9, v10  }
0x419: {  	v9 =	vor.u32 $0x41F, v9;
	_ =	sdelay $0x4  }
0x41a: {  	[tilespmem:v9+s17+$0x0] =	vst.idx.msk $0x1, v8  }
0x41b: {  	v9 =	vld [tilespmem:s5+$0x300];
	_ =	sdelay $0x4  }
0x41c: {  	v10 =	vshll.u32 v9, $0x8;
	v9 =	vshll.u32 v9, $0x7  }
0x41d: {  	v10 =	vand.u32 $0xFFFFF800, v10;
	v9 =	vand.u32 $0x380, v9  }
0x41e: {  	v9 =	vor.u32 v9, v10  }
0x41f: {  	v9 =	vor.u32 $0x420, v9;
	_ =	sdelay $0x4  }
0x420: {  	[tilespmem:v9+s17+$0x0] =	vst.idx.msk $0x1, v8  }
0x421: {  	v9 =	vld [tilespmem:s5+$0x310];
	_ =	sdelay $0x4  }
0x422: {  	v10 =	vshll.u32 v9, $0x8;
	v9 =	vshll.u32 v9, $0x7  }
0x423: {  	v10 =	vand.u32 $0xFFFFF800, v10;
	v9 =	vand.u32 $0x380, v9  }
0x424: {  	v9 =	vor.u32 v9, v10  }
0x425: {  	v9 =	vor.u32 $0x421, v9;
	_ =	sdelay $0x4  }
0x426: {  	[tilespmem:v9+s17+$0x0] =	vst.idx.msk $0x1, v8  }
0x427: {  	v9 =	vld [tilespmem:s5+$0x320];
	_ =	sdelay $0x4  }
0x428: {  	v10 =	vshll.u32 v9, $0x8;
	v9 =	vshll.u32 v9, $0x7  }
0x429: {  	v10 =	vand.u32 $0xFFFFF800, v10;
	v9 =	vand.u32 $0x380, v9  }
0x42a: {  	v9 =	vor.u32 v9, v10  }
0x42b: {  	v9 =	vor.u32 $0x422, v9;
	_ =	sdelay $0x4  }
0x42c: {  	[tilespmem:v9+s17+$0x0] =	vst.idx.msk $0x1, v8  }
0x42d: {  	v9 =	vld [tilespmem:s5+$0x330];
	_ =	sdelay $0x4  }
0x42e: {  	v10 =	vshll.u32 v9, $0x8;
	v9 =	vshll.u32 v9, $0x7  }
0x42f: {  	v10 =	vand.u32 $0xFFFFF800, v10;
	v9 =	vand.u32 $0x380, v9  }
0x430: {  	v9 =	vor.u32 v9, v10  }
0x431: {  	v9 =	vor.u32 $0x423, v9;
	_ =	sdelay $0x4  }
0x432: {  	[tilespmem:v9+s17+$0x0] =	vst.idx.msk $0x1, v8  }
0x433: {  	v9 =	vld [tilespmem:s5+$0x340];
	_ =	sdelay $0x4  }
0x434: {  	v10 =	vshll.u32 v9, $0x8;
	v9 =	vshll.u32 v9, $0x7  }
0x435: {  	v10 =	vand.u32 $0xFFFFF800, v10;
	v9 =	vand.u32 $0x380, v9  }
0x436: {  	v9 =	vor.u32 v9, v10  }
0x437: {  	v9 =	vor.u32 $0x424, v9;
	_ =	sdelay $0x4  }
0x438: {  	[tilespmem:v9+s17+$0x0] =	vst.idx.msk $0x1, v8  }
0x439: {  	v9 =	vld [tilespmem:s5+$0x350];
	_ =	sdelay $0x4  }
0x43a: {  	v10 =	vshll.u32 v9, $0x8;
	v9 =	vshll.u32 v9, $0x7  }
0x43b: {  	v10 =	vand.u32 $0xFFFFF800, v10;
	v9 =	vand.u32 $0x380, v9  }
0x43c: {  	v9 =	vor.u32 v9, v10  }
0x43d: {  	v9 =	vor.u32 $0x425, v9;
	_ =	sdelay $0x4  }
0x43e: {  	[tilespmem:v9+s17+$0x0] =	vst.idx.msk $0x1, v8  }
0x43f: {  	v9 =	vld [tilespmem:s5+$0x360];
	_ =	sdelay $0x4  }
0x440: {  	v10 =	vshll.u32 v9, $0x8;
	v9 =	vshll.u32 v9, $0x7  }
0x441: {  	v10 =	vand.u32 $0xFFFFF800, v10;
	v9 =	vand.u32 $0x380, v9  }
0x442: {  	v9 =	vor.u32 v9, v10  }
0x443: {  	v9 =	vor.u32 $0x426, v9;
	_ =	sdelay $0x4  }
0x444: {  	[tilespmem:v9+s17+$0x0] =	vst.idx.msk $0x1, v8  }
0x445: {  	v9 =	vld [tilespmem:s5+$0x370];
	_ =	sdelay $0x4  }
0x446: {  	v10 =	vshll.u32 v9, $0x8;
	v9 =	vshll.u32 v9, $0x7  }
0x447: {  	v10 =	vand.u32 $0xFFFFF800, v10;
	v9 =	vand.u32 $0x380, v9  }
0x448: {  	v9 =	vor.u32 v9, v10  }
0x449: {  	v9 =	vor.u32 $0x427, v9;
	_ =	sdelay $0x4  }
0x44a: {  	[tilespmem:v9+s17+$0x0] =	vst.idx.msk $0x1, v8  }
0x44b: {  	v9 =	vld [tilespmem:s5+$0x700];
	_ =	sdelay $0x4  }
0x44c: {  	v10 =	vshll.u32 v9, $0x8;
	v9 =	vshll.u32 v9, $0x7  }
0x44d: {  	v10 =	vand.u32 $0xFFFFF800, v10;
	v9 =	vand.u32 $0x380, v9  }
0x44e: {  	v9 =	vor.u32 v9, v10  }
0x44f: {  	v9 =	vor.u32 $0x428, v9;
	_ =	sdelay $0x4  }
0x450: {  	[tilespmem:v9+s17+$0x0] =	vst.idx.msk $0x1, v8  }
0x451: {  	v9 =	vld [tilespmem:s5+$0x710];
	_ =	sdelay $0x4  }
0x452: {  	v10 =	vshll.u32 v9, $0x8;
	v9 =	vshll.u32 v9, $0x7  }
0x453: {  	v10 =	vand.u32 $0xFFFFF800, v10;
	v9 =	vand.u32 $0x380, v9  }
0x454: {  	v9 =	vor.u32 v9, v10  }
0x455: {  	v9 =	vor.u32 $0x429, v9;
	_ =	sdelay $0x4  }
0x456: {  	[tilespmem:v9+s17+$0x0] =	vst.idx.msk $0x1, v8  }
0x457: {  	v9 =	vld [tilespmem:s5+$0x720];
	_ =	sdelay $0x4  }
0x458: {  	v10 =	vshll.u32 v9, $0x8;
	v9 =	vshll.u32 v9, $0x7  }
0x459: {  	v10 =	vand.u32 $0xFFFFF800, v10;
	v9 =	vand.u32 $0x380, v9  }
0x45a: {  	v9 =	vor.u32 v9, v10  }
0x45b: {  	v9 =	vor.u32 $0x42A, v9;
	_ =	sdelay $0x4  }
0x45c: {  	[tilespmem:v9+s17+$0x0] =	vst.idx.msk $0x1, v8  }
0x45d: {  	v9 =	vld [tilespmem:s5+$0x730];
	_ =	sdelay $0x4  }
0x45e: {  	v10 =	vshll.u32 v9, $0x8;
	v9 =	vshll.u32 v9, $0x7  }
0x45f: {  	v10 =	vand.u32 $0xFFFFF800, v10;
	v9 =	vand.u32 $0x380, v9  }
0x460: {  	v9 =	vor.u32 v9, v10  }
0x461: {  	v9 =	vor.u32 $0x42B, v9;
	_ =	sdelay $0x4  }
0x462: {  	[tilespmem:v9+s17+$0x0] =	vst.idx.msk $0x1, v8  }
0x463: {  	v9 =	vld [tilespmem:s5+$0x740];
	_ =	sdelay $0x4  }
0x464: {  	v10 =	vshll.u32 v9, $0x8;
	v9 =	vshll.u32 v9, $0x7  }
0x465: {  	v10 =	vand.u32 $0xFFFFF800, v10;
	v9 =	vand.u32 $0x380, v9  }
0x466: {  	v9 =	vor.u32 v9, v10  }
0x467: {  	v9 =	vor.u32 $0x42C, v9;
	_ =	sdelay $0x4  }
0x468: {  	[tilespmem:v9+s17+$0x0] =	vst.idx.msk $0x1, v8  }
0x469: {  	v9 =	vld [tilespmem:s5+$0x750];
	_ =	sdelay $0x4  }
0x46a: {  	v10 =	vshll.u32 v9, $0x8;
	v9 =	vshll.u32 v9, $0x7  }
0x46b: {  	v10 =	vand.u32 $0xFFFFF800, v10;
	v9 =	vand.u32 $0x380, v9  }
0x46c: {  	v9 =	vor.u32 v9, v10  }
0x46d: {  	v9 =	vor.u32 $0x42D, v9;
	_ =	sdelay $0x4  }
0x46e: {  	[tilespmem:v9+s17+$0x0] =	vst.idx.msk $0x1, v8  }
0x46f: {  	v9 =	vld [tilespmem:s5+$0x760];
	_ =	sdelay $0x4  }
0x470: {  	v10 =	vshll.u32 v9, $0x8;
	v9 =	vshll.u32 v9, $0x7  }
0x471: {  	v10 =	vand.u32 $0xFFFFF800, v10;
	v9 =	vand.u32 $0x380, v9  }
0x472: {  	v9 =	vor.u32 v9, v10  }
0x473: {  	v9 =	vor.u32 $0x42E, v9;
	_ =	sdelay $0x4  }
0x474: {  	[tilespmem:v9+s17+$0x0] =	vst.idx.msk $0x1, v8  }
0x475: {  	v9 =	vld [tilespmem:s5+$0x770];
	_ =	sdelay $0x4  }
0x476: {  	v10 =	vshll.u32 v9, $0x8;
	v9 =	vshll.u32 v9, $0x7  }
0x477: {  	v10 =	vand.u32 $0xFFFFF800, v10;
	v9 =	vand.u32 $0x380, v9  }
0x478: {  	v9 =	vor.u32 v9, v10  }
0x479: {  	v9 =	vor.u32 $0x42F, v9;
	_ =	sdelay $0x4  }
0x47a: {  	[tilespmem:v9+s17+$0x0] =	vst.idx.msk $0x1, v8  }
0x47b: {  	v9 =	vld [tilespmem:s5+$0xB00];
	_ =	sdelay $0x4  }
0x47c: {  	v10 =	vshll.u32 v9, $0x8;
	v9 =	vshll.u32 v9, $0x7  }
0x47d: {  	v10 =	vand.u32 $0xFFFFF800, v10;
	v9 =	vand.u32 $0x380, v9  }
0x47e: {  	v9 =	vor.u32 v9, v10  }
0x47f: {  	v9 =	vor.u32 $0x430, v9;
	_ =	sdelay $0x4  }
0x480: {  	[tilespmem:v9+s17+$0x0] =	vst.idx.msk $0x1, v8  }
0x481: {  	v9 =	vld [tilespmem:s5+$0xB10];
	_ =	sdelay $0x4  }
0x482: {  	v10 =	vshll.u32 v9, $0x8;
	v9 =	vshll.u32 v9, $0x7  }
0x483: {  	v10 =	vand.u32 $0xFFFFF800, v10;
	v9 =	vand.u32 $0x380, v9  }
0x484: {  	v9 =	vor.u32 v9, v10  }
0x485: {  	v9 =	vor.u32 $0x431, v9;
	_ =	sdelay $0x4  }
0x486: {  	[tilespmem:v9+s17+$0x0] =	vst.idx.msk $0x1, v8  }
0x487: {  	v9 =	vld [tilespmem:s5+$0xB20];
	_ =	sdelay $0x4  }
0x488: {  	v10 =	vshll.u32 v9, $0x8;
	v9 =	vshll.u32 v9, $0x7  }
0x489: {  	v10 =	vand.u32 $0xFFFFF800, v10;
	v9 =	vand.u32 $0x380, v9  }
0x48a: {  	v9 =	vor.u32 v9, v10  }
0x48b: {  	v9 =	vor.u32 $0x432, v9;
	_ =	sdelay $0x4  }
0x48c: {  	[tilespmem:v9+s17+$0x0] =	vst.idx.msk $0x1, v8  }
0x48d: {  	v9 =	vld [tilespmem:s5+$0xB30];
	_ =	sdelay $0x4  }
0x48e: {  	v10 =	vshll.u32 v9, $0x8;
	v9 =	vshll.u32 v9, $0x7  }
0x48f: {  	v10 =	vand.u32 $0xFFFFF800, v10;
	v9 =	vand.u32 $0x380, v9  }
0x490: {  	v9 =	vor.u32 v9, v10  }
0x491: {  	v9 =	vor.u32 $0x433, v9;
	_ =	sdelay $0x4  }
0x492: {  	[tilespmem:v9+s17+$0x0] =	vst.idx.msk $0x1, v8  }
0x493: {  	v9 =	vld [tilespmem:s5+$0xB40];
	_ =	sdelay $0x4  }
0x494: {  	v10 =	vshll.u32 v9, $0x8;
	v9 =	vshll.u32 v9, $0x7  }
0x495: {  	v10 =	vand.u32 $0xFFFFF800, v10;
	v9 =	vand.u32 $0x380, v9  }
0x496: {  	v9 =	vor.u32 v9, v10  }
0x497: {  	v9 =	vor.u32 $0x434, v9;
	_ =	sdelay $0x4  }
0x498: {  	[tilespmem:v9+s17+$0x0] =	vst.idx.msk $0x1, v8  }
0x499: {  	v9 =	vld [tilespmem:s5+$0xB50];
	_ =	sdelay $0x4  }
0x49a: {  	v10 =	vshll.u32 v9, $0x8;
	v9 =	vshll.u32 v9, $0x7  }
0x49b: {  	v10 =	vand.u32 $0xFFFFF800, v10;
	v9 =	vand.u32 $0x380, v9  }
0x49c: {  	v9 =	vor.u32 v9, v10  }
0x49d: {  	v9 =	vor.u32 $0x435, v9;
	_ =	sdelay $0x4  }
0x49e: {  	[tilespmem:v9+s17+$0x0] =	vst.idx.msk $0x1, v8  }
0x49f: {  	v9 =	vld [tilespmem:s5+$0xB60];
	_ =	sdelay $0x4  }
0x4a0: {  	v10 =	vshll.u32 v9, $0x8;
	v9 =	vshll.u32 v9, $0x7  }
0x4a1: {  	v10 =	vand.u32 $0xFFFFF800, v10;
	v9 =	vand.u32 $0x380, v9  }
0x4a2: {  	v9 =	vor.u32 v9, v10  }
0x4a3: {  	v9 =	vor.u32 $0x436, v9;
	_ =	sdelay $0x4  }
0x4a4: {  	[tilespmem:v9+s17+$0x0] =	vst.idx.msk $0x1, v8  }
0x4a5: {  	v9 =	vld [tilespmem:s5+$0xB70];
	_ =	sdelay $0x4  }
0x4a6: {  	v10 =	vshll.u32 v9, $0x8;
	v9 =	vshll.u32 v9, $0x7  }
0x4a7: {  	v10 =	vand.u32 $0xFFFFF800, v10;
	v9 =	vand.u32 $0x380, v9  }
0x4a8: {  	v9 =	vor.u32 v9, v10  }
0x4a9: {  	v9 =	vor.u32 $0x437, v9;
	_ =	sdelay $0x4  }
0x4aa: {  	[tilespmem:v9+s17+$0x0] =	vst.idx.msk $0x1, v8  }
0x4ab: {  	v9 =	vld [tilespmem:s5+$0xF00];
	_ =	sdelay $0x4  }
0x4ac: {  	v10 =	vshll.u32 v9, $0x8;
	v9 =	vshll.u32 v9, $0x7  }
0x4ad: {  	v10 =	vand.u32 $0xFFFFF800, v10;
	v9 =	vand.u32 $0x380, v9  }
0x4ae: {  	v9 =	vor.u32 v9, v10  }
0x4af: {  	v9 =	vor.u32 $0x438, v9;
	_ =	sdelay $0x4  }
0x4b0: {  	[tilespmem:v9+s17+$0x0] =	vst.idx.msk $0x1, v8  }
0x4b1: {  	v9 =	vld [tilespmem:s5+$0xF10];
	_ =	sdelay $0x4  }
0x4b2: {  	v10 =	vshll.u32 v9, $0x8;
	v9 =	vshll.u32 v9, $0x7  }
0x4b3: {  	v10 =	vand.u32 $0xFFFFF800, v10;
	v9 =	vand.u32 $0x380, v9  }
0x4b4: {  	v9 =	vor.u32 v9, v10  }
0x4b5: {  	v9 =	vor.u32 $0x439, v9;
	_ =	sdelay $0x4  }
0x4b6: {  	[tilespmem:v9+s17+$0x0] =	vst.idx.msk $0x1, v8  }
0x4b7: {  	v9 =	vld [tilespmem:s5+$0xF20];
	_ =	sdelay $0x4  }
0x4b8: {  	v10 =	vshll.u32 v9, $0x8;
	v9 =	vshll.u32 v9, $0x7  }
0x4b9: {  	v10 =	vand.u32 $0xFFFFF800, v10;
	v9 =	vand.u32 $0x380, v9  }
0x4ba: {  	v9 =	vor.u32 v9, v10  }
0x4bb: {  	v9 =	vor.u32 $0x43A, v9;
	_ =	sdelay $0x4  }
0x4bc: {  	[tilespmem:v9+s17+$0x0] =	vst.idx.msk $0x1, v8  }
0x4bd: {  	v9 =	vld [tilespmem:s5+$0xF30];
	_ =	sdelay $0x4  }
0x4be: {  	v10 =	vshll.u32 v9, $0x8;
	v9 =	vshll.u32 v9, $0x7  }
0x4bf: {  	v10 =	vand.u32 $0xFFFFF800, v10;
	v9 =	vand.u32 $0x380, v9  }
0x4c0: {  	v9 =	vor.u32 v9, v10  }
0x4c1: {  	v9 =	vor.u32 $0x43B, v9;
	_ =	sdelay $0x4  }
0x4c2: {  	[tilespmem:v9+s17+$0x0] =	vst.idx.msk $0x1, v8  }
0x4c3: {  	v9 =	vld [tilespmem:s5+$0xF40];
	_ =	sdelay $0x4  }
0x4c4: {  	v10 =	vshll.u32 v9, $0x8;
	v9 =	vshll.u32 v9, $0x7  }
0x4c5: {  	v10 =	vand.u32 $0xFFFFF800, v10;
	v9 =	vand.u32 $0x380, v9  }
0x4c6: {  	v9 =	vor.u32 v9, v10  }
0x4c7: {  	v9 =	vor.u32 $0x43C, v9;
	_ =	sdelay $0x4  }
0x4c8: {  	[tilespmem:v9+s17+$0x0] =	vst.idx.msk $0x1, v8  }
0x4c9: {  	v9 =	vld [tilespmem:s5+$0xF50];
	_ =	sdelay $0x4  }
0x4ca: {  	v10 =	vshll.u32 v9, $0x8;
	v9 =	vshll.u32 v9, $0x7  }
0x4cb: {  	v10 =	vand.u32 $0xFFFFF800, v10;
	v9 =	vand.u32 $0x380, v9  }
0x4cc: {  	v9 =	vor.u32 v9, v10  }
0x4cd: {  	v9 =	vor.u32 $0x43D, v9;
	_ =	sdelay $0x4  }
0x4ce: {  	[tilespmem:v9+s17+$0x0] =	vst.idx.msk $0x1, v8  }
0x4cf: {  	v9 =	vld [tilespmem:s5+$0xF60];
	_ =	sdelay $0x4  }
0x4d0: {  	v10 =	vshll.u32 v9, $0x8;
	v9 =	vshll.u32 v9, $0x7  }
0x4d1: {  	v10 =	vand.u32 $0xFFFFF800, v10;
	v9 =	vand.u32 $0x380, v9  }
0x4d2: {  	v9 =	vor.u32 v9, v10  }
0x4d3: {  	v9 =	vor.u32 $0x43E, v9;
	_ =	sdelay $0x4  }
0x4d4: {  	[tilespmem:v9+s17+$0x0] =	vst.idx.msk $0x1, v8  }
0x4d5: {  	v9 =	vld [tilespmem:s5+$0xF70];
	_ =	sdelay $0x4  }
0x4d6: {  	v10 =	vshll.u32 v9, $0x8;
	v9 =	vshll.u32 v9, $0x7  }
0x4d7: {  	v10 =	vand.u32 $0xFFFFF800, v10;
	v9 =	vand.u32 $0x380, v9  }
0x4d8: {  	v9 =	vor.u32 v9, v10  }
0x4d9: {  	v9 =	vor.u32 $0x43F, v9;
	_ =	sdelay $0x4  }
0x4da: {  	[tilespmem:v9+s17+$0x0] =	vst.idx.msk $0x1, v8  }
0x4db: {  	v9 =	vld [tilespmem:s5+$0x380];
	_ =	sdelay $0x4  }
0x4dc: {  	v10 =	vshll.u32 v9, $0x8;
	v9 =	vshll.u32 v9, $0x7  }
0x4dd: {  	v10 =	vand.u32 $0xFFFFF800, v10;
	v9 =	vand.u32 $0x380, v9  }
0x4de: {  	v9 =	vor.u32 v9, v10  }
0x4df: {  	v9 =	vor.u32 $0x440, v9;
	_ =	sdelay $0x4  }
0x4e0: {  	[tilespmem:v9+s17+$0x0] =	vst.idx.msk $0x1, v8  }
0x4e1: {  	v9 =	vld [tilespmem:s5+$0x390];
	_ =	sdelay $0x4  }
0x4e2: {  	v10 =	vshll.u32 v9, $0x8;
	v9 =	vshll.u32 v9, $0x7  }
0x4e3: {  	v10 =	vand.u32 $0xFFFFF800, v10;
	v9 =	vand.u32 $0x380, v9  }
0x4e4: {  	v9 =	vor.u32 v9, v10  }
0x4e5: {  	v9 =	vor.u32 $0x441, v9;
	_ =	sdelay $0x4  }
0x4e6: {  	[tilespmem:v9+s17+$0x0] =	vst.idx.msk $0x1, v8  }
0x4e7: {  	v9 =	vld [tilespmem:s5+$0x3A0];
	_ =	sdelay $0x4  }
0x4e8: {  	v10 =	vshll.u32 v9, $0x8;
	v9 =	vshll.u32 v9, $0x7  }
0x4e9: {  	v10 =	vand.u32 $0xFFFFF800, v10;
	v9 =	vand.u32 $0x380, v9  }
0x4ea: {  	v9 =	vor.u32 v9, v10  }
0x4eb: {  	v9 =	vor.u32 $0x442, v9;
	_ =	sdelay $0x4  }
0x4ec: {  	[tilespmem:v9+s17+$0x0] =	vst.idx.msk $0x1, v8  }
0x4ed: {  	v9 =	vld [tilespmem:s5+$0x3B0];
	_ =	sdelay $0x4  }
0x4ee: {  	v10 =	vshll.u32 v9, $0x8;
	v9 =	vshll.u32 v9, $0x7  }
0x4ef: {  	v10 =	vand.u32 $0xFFFFF800, v10;
	v9 =	vand.u32 $0x380, v9  }
0x4f0: {  	v9 =	vor.u32 v9, v10  }
0x4f1: {  	v9 =	vor.u32 $0x443, v9;
	_ =	sdelay $0x4  }
0x4f2: {  	[tilespmem:v9+s17+$0x0] =	vst.idx.msk $0x1, v8  }
0x4f3: {  	v9 =	vld [tilespmem:s5+$0x3C0];
	_ =	sdelay $0x4  }
0x4f4: {  	v10 =	vshll.u32 v9, $0x8;
	v9 =	vshll.u32 v9, $0x7  }
0x4f5: {  	v10 =	vand.u32 $0xFFFFF800, v10;
	v9 =	vand.u32 $0x380, v9  }
0x4f6: {  	v9 =	vor.u32 v9, v10  }
0x4f7: {  	v9 =	vor.u32 $0x444, v9;
	_ =	sdelay $0x4  }
0x4f8: {  	[tilespmem:v9+s17+$0x0] =	vst.idx.msk $0x1, v8  }
0x4f9: {  	v9 =	vld [tilespmem:s5+$0x3D0];
	_ =	sdelay $0x4  }
0x4fa: {  	v10 =	vshll.u32 v9, $0x8;
	v9 =	vshll.u32 v9, $0x7  }
0x4fb: {  	v10 =	vand.u32 $0xFFFFF800, v10;
	v9 =	vand.u32 $0x380, v9  }
0x4fc: {  	v9 =	vor.u32 v9, v10  }
0x4fd: {  	v9 =	vor.u32 $0x445, v9;
	_ =	sdelay $0x4  }
0x4fe: {  	[tilespmem:v9+s17+$0x0] =	vst.idx.msk $0x1, v8  }
0x4ff: {  	v9 =	vld [tilespmem:s5+$0x3E0];
	_ =	sdelay $0x4  }
0x500: {  	v10 =	vshll.u32 v9, $0x8;
	v9 =	vshll.u32 v9, $0x7  }
0x501: {  	v10 =	vand.u32 $0xFFFFF800, v10;
	v9 =	vand.u32 $0x380, v9  }
0x502: {  	v9 =	vor.u32 v9, v10  }
0x503: {  	v9 =	vor.u32 $0x446, v9;
	_ =	sdelay $0x4  }
0x504: {  	[tilespmem:v9+s17+$0x0] =	vst.idx.msk $0x1, v8  }
0x505: {  	v9 =	vld [tilespmem:s5+$0x3F0];
	_ =	sdelay $0x4  }
0x506: {  	v10 =	vshll.u32 v9, $0x8;
	v9 =	vshll.u32 v9, $0x7  }
0x507: {  	v10 =	vand.u32 $0xFFFFF800, v10;
	v9 =	vand.u32 $0x380, v9  }
0x508: {  	v9 =	vor.u32 v9, v10  }
0x509: {  	v9 =	vor.u32 $0x447, v9;
	_ =	sdelay $0x4  }
0x50a: {  	[tilespmem:v9+s17+$0x0] =	vst.idx.msk $0x1, v8  }
0x50b: {  	v9 =	vld [tilespmem:s5+$0x780];
	_ =	sdelay $0x4  }
0x50c: {  	v10 =	vshll.u32 v9, $0x8;
	v9 =	vshll.u32 v9, $0x7  }
0x50d: {  	v10 =	vand.u32 $0xFFFFF800, v10;
	v9 =	vand.u32 $0x380, v9  }
0x50e: {  	v9 =	vor.u32 v9, v10  }
0x50f: {  	v9 =	vor.u32 $0x448, v9;
	_ =	sdelay $0x4  }
0x510: {  	[tilespmem:v9+s17+$0x0] =	vst.idx.msk $0x1, v8  }
0x511: {  	v9 =	vld [tilespmem:s5+$0x790];
	_ =	sdelay $0x4  }
0x512: {  	v10 =	vshll.u32 v9, $0x8;
	v9 =	vshll.u32 v9, $0x7  }
0x513: {  	v10 =	vand.u32 $0xFFFFF800, v10;
	v9 =	vand.u32 $0x380, v9  }
0x514: {  	v9 =	vor.u32 v9, v10  }
0x515: {  	v9 =	vor.u32 $0x449, v9;
	_ =	sdelay $0x4  }
0x516: {  	[tilespmem:v9+s17+$0x0] =	vst.idx.msk $0x1, v8  }
0x517: {  	v9 =	vld [tilespmem:s5+$0x7A0];
	_ =	sdelay $0x4  }
0x518: {  	v10 =	vshll.u32 v9, $0x8;
	v9 =	vshll.u32 v9, $0x7  }
0x519: {  	v10 =	vand.u32 $0xFFFFF800, v10;
	v9 =	vand.u32 $0x380, v9  }
0x51a: {  	v9 =	vor.u32 v9, v10  }
0x51b: {  	v9 =	vor.u32 $0x44A, v9;
	_ =	sdelay $0x4  }
0x51c: {  	[tilespmem:v9+s17+$0x0] =	vst.idx.msk $0x1, v8  }
0x51d: {  	v9 =	vld [tilespmem:s5+$0x7B0];
	_ =	sdelay $0x4  }
0x51e: {  	v10 =	vshll.u32 v9, $0x8;
	v9 =	vshll.u32 v9, $0x7  }
0x51f: {  	v10 =	vand.u32 $0xFFFFF800, v10;
	v9 =	vand.u32 $0x380, v9  }
0x520: {  	v9 =	vor.u32 v9, v10  }
0x521: {  	v9 =	vor.u32 $0x44B, v9;
	_ =	sdelay $0x4  }
0x522: {  	[tilespmem:v9+s17+$0x0] =	vst.idx.msk $0x1, v8  }
0x523: {  	v9 =	vld [tilespmem:s5+$0x7C0];
	_ =	sdelay $0x4  }
0x524: {  	v10 =	vshll.u32 v9, $0x8;
	v9 =	vshll.u32 v9, $0x7  }
0x525: {  	v10 =	vand.u32 $0xFFFFF800, v10;
	v9 =	vand.u32 $0x380, v9  }
0x526: {  	v9 =	vor.u32 v9, v10  }
0x527: {  	v9 =	vor.u32 $0x44C, v9;
	_ =	sdelay $0x4  }
0x528: {  	[tilespmem:v9+s17+$0x0] =	vst.idx.msk $0x1, v8  }
0x529: {  	v9 =	vld [tilespmem:s5+$0x7D0];
	_ =	sdelay $0x4  }
0x52a: {  	v10 =	vshll.u32 v9, $0x8;
	v9 =	vshll.u32 v9, $0x7  }
0x52b: {  	v10 =	vand.u32 $0xFFFFF800, v10;
	v9 =	vand.u32 $0x380, v9  }
0x52c: {  	v9 =	vor.u32 v9, v10  }
0x52d: {  	v9 =	vor.u32 $0x44D, v9;
	_ =	sdelay $0x4  }
0x52e: {  	[tilespmem:v9+s17+$0x0] =	vst.idx.msk $0x1, v8  }
0x52f: {  	v9 =	vld [tilespmem:s5+$0x7E0];
	_ =	sdelay $0x4  }
0x530: {  	v10 =	vshll.u32 v9, $0x8;
	v9 =	vshll.u32 v9, $0x7  }
0x531: {  	v10 =	vand.u32 $0xFFFFF800, v10;
	v9 =	vand.u32 $0x380, v9  }
0x532: {  	v9 =	vor.u32 v9, v10  }
0x533: {  	v9 =	vor.u32 $0x44E, v9;
	_ =	sdelay $0x4  }
0x534: {  	[tilespmem:v9+s17+$0x0] =	vst.idx.msk $0x1, v8  }
0x535: {  	v9 =	vld [tilespmem:s5+$0x7F0];
	_ =	sdelay $0x4  }
0x536: {  	v10 =	vshll.u32 v9, $0x8;
	v9 =	vshll.u32 v9, $0x7  }
0x537: {  	v10 =	vand.u32 $0xFFFFF800, v10;
	v9 =	vand.u32 $0x380, v9  }
0x538: {  	v9 =	vor.u32 v9, v10  }
0x539: {  	v9 =	vor.u32 $0x44F, v9;
	_ =	sdelay $0x4  }
0x53a: {  	[tilespmem:v9+s17+$0x0] =	vst.idx.msk $0x1, v8  }
0x53b: {  	v9 =	vld [tilespmem:s5+$0xB80];
	_ =	sdelay $0x4  }
0x53c: {  	v10 =	vshll.u32 v9, $0x8;
	v9 =	vshll.u32 v9, $0x7  }
0x53d: {  	v10 =	vand.u32 $0xFFFFF800, v10;
	v9 =	vand.u32 $0x380, v9  }
0x53e: {  	v9 =	vor.u32 v9, v10  }
0x53f: {  	v9 =	vor.u32 $0x450, v9;
	_ =	sdelay $0x4  }
0x540: {  	[tilespmem:v9+s17+$0x0] =	vst.idx.msk $0x1, v8  }
0x541: {  	v9 =	vld [tilespmem:s5+$0xB90];
	_ =	sdelay $0x4  }
0x542: {  	v10 =	vshll.u32 v9, $0x8;
	v9 =	vshll.u32 v9, $0x7  }
0x543: {  	v10 =	vand.u32 $0xFFFFF800, v10;
	v9 =	vand.u32 $0x380, v9  }
0x544: {  	v9 =	vor.u32 v9, v10  }
0x545: {  	v9 =	vor.u32 $0x451, v9;
	_ =	sdelay $0x4  }
0x546: {  	[tilespmem:v9+s17+$0x0] =	vst.idx.msk $0x1, v8  }
0x547: {  	v9 =	vld [tilespmem:s5+$0xBA0];
	_ =	sdelay $0x4  }
0x548: {  	v10 =	vshll.u32 v9, $0x8;
	v9 =	vshll.u32 v9, $0x7  }
0x549: {  	v10 =	vand.u32 $0xFFFFF800, v10;
	v9 =	vand.u32 $0x380, v9  }
0x54a: {  	v9 =	vor.u32 v9, v10  }
0x54b: {  	v9 =	vor.u32 $0x452, v9;
	_ =	sdelay $0x4  }
0x54c: {  	[tilespmem:v9+s17+$0x0] =	vst.idx.msk $0x1, v8  }
0x54d: {  	v9 =	vld [tilespmem:s5+$0xBB0];
	_ =	sdelay $0x4  }
0x54e: {  	v10 =	vshll.u32 v9, $0x8;
	v9 =	vshll.u32 v9, $0x7  }
0x54f: {  	v10 =	vand.u32 $0xFFFFF800, v10;
	v9 =	vand.u32 $0x380, v9  }
0x550: {  	v9 =	vor.u32 v9, v10  }
0x551: {  	v9 =	vor.u32 $0x453, v9;
	_ =	sdelay $0x4  }
0x552: {  	[tilespmem:v9+s17+$0x0] =	vst.idx.msk $0x1, v8  }
0x553: {  	v9 =	vld [tilespmem:s5+$0xBC0];
	_ =	sdelay $0x4  }
0x554: {  	v10 =	vshll.u32 v9, $0x8;
	v9 =	vshll.u32 v9, $0x7  }
0x555: {  	v10 =	vand.u32 $0xFFFFF800, v10;
	v9 =	vand.u32 $0x380, v9  }
0x556: {  	v9 =	vor.u32 v9, v10  }
0x557: {  	v9 =	vor.u32 $0x454, v9;
	_ =	sdelay $0x4  }
0x558: {  	[tilespmem:v9+s17+$0x0] =	vst.idx.msk $0x1, v8  }
0x559: {  	v9 =	vld [tilespmem:s5+$0xBD0];
	_ =	sdelay $0x4  }
0x55a: {  	v10 =	vshll.u32 v9, $0x8;
	v9 =	vshll.u32 v9, $0x7  }
0x55b: {  	v10 =	vand.u32 $0xFFFFF800, v10;
	v9 =	vand.u32 $0x380, v9  }
0x55c: {  	v9 =	vor.u32 v9, v10  }
0x55d: {  	v9 =	vor.u32 $0x455, v9;
	_ =	sdelay $0x4  }
0x55e: {  	[tilespmem:v9+s17+$0x0] =	vst.idx.msk $0x1, v8  }
0x55f: {  	v9 =	vld [tilespmem:s5+$0xBE0];
	_ =	sdelay $0x4  }
0x560: {  	v10 =	vshll.u32 v9, $0x8;
	v9 =	vshll.u32 v9, $0x7  }
0x561: {  	v10 =	vand.u32 $0xFFFFF800, v10;
	v9 =	vand.u32 $0x380, v9  }
0x562: {  	v9 =	vor.u32 v9, v10  }
0x563: {  	v9 =	vor.u32 $0x456, v9;
	_ =	sdelay $0x4  }
0x564: {  	[tilespmem:v9+s17+$0x0] =	vst.idx.msk $0x1, v8  }
0x565: {  	v9 =	vld [tilespmem:s5+$0xBF0];
	_ =	sdelay $0x4  }
0x566: {  	v10 =	vshll.u32 v9, $0x8;
	v9 =	vshll.u32 v9, $0x7  }
0x567: {  	v10 =	vand.u32 $0xFFFFF800, v10;
	v9 =	vand.u32 $0x380, v9  }
0x568: {  	v9 =	vor.u32 v9, v10  }
0x569: {  	v9 =	vor.u32 $0x457, v9;
	_ =	sdelay $0x4  }
0x56a: {  	[tilespmem:v9+s17+$0x0] =	vst.idx.msk $0x1, v8  }
0x56b: {  	v9 =	vld [tilespmem:s5+$0xF80];
	_ =	sdelay $0x4  }
0x56c: {  	v10 =	vshll.u32 v9, $0x8;
	v9 =	vshll.u32 v9, $0x7  }
0x56d: {  	v10 =	vand.u32 $0xFFFFF800, v10;
	v9 =	vand.u32 $0x380, v9  }
0x56e: {  	v9 =	vor.u32 v9, v10  }
0x56f: {  	v9 =	vor.u32 $0x458, v9;
	_ =	sdelay $0x4  }
0x570: {  	[tilespmem:v9+s17+$0x0] =	vst.idx.msk $0x1, v8  }
0x571: {  	v9 =	vld [tilespmem:s5+$0xF90];
	_ =	sdelay $0x4  }
0x572: {  	v10 =	vshll.u32 v9, $0x8;
	v9 =	vshll.u32 v9, $0x7  }
0x573: {  	v10 =	vand.u32 $0xFFFFF800, v10;
	v9 =	vand.u32 $0x380, v9  }
0x574: {  	v9 =	vor.u32 v9, v10  }
0x575: {  	v9 =	vor.u32 $0x459, v9;
	_ =	sdelay $0x4  }
0x576: {  	[tilespmem:v9+s17+$0x0] =	vst.idx.msk $0x1, v8  }
0x577: {  	v9 =	vld [tilespmem:s5+$0xFA0];
	_ =	sdelay $0x4  }
0x578: {  	v10 =	vshll.u32 v9, $0x8;
	v9 =	vshll.u32 v9, $0x7  }
0x579: {  	v10 =	vand.u32 $0xFFFFF800, v10;
	v9 =	vand.u32 $0x380, v9  }
0x57a: {  	v9 =	vor.u32 v9, v10  }
0x57b: {  	v9 =	vor.u32 $0x45A, v9;
	_ =	sdelay $0x4  }
0x57c: {  	[tilespmem:v9+s17+$0x0] =	vst.idx.msk $0x1, v8  }
0x57d: {  	v9 =	vld [tilespmem:s5+$0xFB0];
	_ =	sdelay $0x4  }
0x57e: {  	v10 =	vshll.u32 v9, $0x8;
	v9 =	vshll.u32 v9, $0x7  }
0x57f: {  	v10 =	vand.u32 $0xFFFFF800, v10;
	v9 =	vand.u32 $0x380, v9  }
0x580: {  	v9 =	vor.u32 v9, v10  }
0x581: {  	v9 =	vor.u32 $0x45B, v9;
	_ =	sdelay $0x4  }
0x582: {  	[tilespmem:v9+s17+$0x0] =	vst.idx.msk $0x1, v8  }
0x583: {  	v9 =	vld [tilespmem:s5+$0xFC0];
	_ =	sdelay $0x4  }
0x584: {  	v10 =	vshll.u32 v9, $0x8;
	v9 =	vshll.u32 v9, $0x7  }
0x585: {  	v10 =	vand.u32 $0xFFFFF800, v10;
	v9 =	vand.u32 $0x380, v9  }
0x586: {  	v9 =	vor.u32 v9, v10  }
0x587: {  	v9 =	vor.u32 $0x45C, v9;
	_ =	sdelay $0x4  }
0x588: {  	[tilespmem:v9+s17+$0x0] =	vst.idx.msk $0x1, v8  }
0x589: {  	v9 =	vld [tilespmem:s5+$0xFD0];
	_ =	sdelay $0x4  }
0x58a: {  	v10 =	vshll.u32 v9, $0x8;
	v9 =	vshll.u32 v9, $0x7  }
0x58b: {  	v10 =	vand.u32 $0xFFFFF800, v10;
	v9 =	vand.u32 $0x380, v9  }
0x58c: {  	v9 =	vor.u32 v9, v10  }
0x58d: {  	v9 =	vor.u32 $0x45D, v9;
	_ =	sdelay $0x4  }
0x58e: {  	[tilespmem:v9+s17+$0x0] =	vst.idx.msk $0x1, v8  }
0x58f: {  	v9 =	vld [tilespmem:s5+$0xFE0];
	_ =	sdelay $0x4  }
0x590: {  	v10 =	vshll.u32 v9, $0x8;
	v9 =	vshll.u32 v9, $0x7  }
0x591: {  	v10 =	vand.u32 $0xFFFFF800, v10;
	v9 =	vand.u32 $0x380, v9  }
0x592: {  	v9 =	vor.u32 v9, v10  }
0x593: {  	v9 =	vor.u32 $0x45E, v9;
	_ =	sdelay $0x4  }
0x594: {  	[tilespmem:v9+s17+$0x0] =	vst.idx.msk $0x1, v8  }
0x595: {  	v9 =	vld [tilespmem:s5+$0xFF0];
	_ =	sdelay $0x4  }
0x596: {  	v10 =	vshll.u32 v9, $0x8;
	v9 =	vshll.u32 v9, $0x7  }
0x597: {  	v10 =	vand.u32 $0xFFFFF800, v10;
	v9 =	vand.u32 $0x380, v9  }
0x598: {  	v9 =	vor.u32 v9, v10  }
0x599: {  	v9 =	vor.u32 $0x45F, v9;
	_ =	sdelay $0x4  }
0x59a: {  	[tilespmem:v9+s17+$0x0] =	vst.idx.msk $0x1, v8  }
0x59b: {  	v9 =	vld [tilespmem:s5+$0x400];
	_ =	sdelay $0x4  }
0x59c: {  	v10 =	vshll.u32 v9, $0x8;
	v9 =	vshll.u32 v9, $0x7  }
0x59d: {  	v10 =	vand.u32 $0xFFFFF800, v10;
	v9 =	vand.u32 $0x380, v9  }
0x59e: {  	v9 =	vor.u32 v9, v10  }
0x59f: {  	v9 =	vor.u32 $0x460, v9;
	_ =	sdelay $0x4  }
0x5a0: {  	[tilespmem:v9+s17+$0x0] =	vst.idx.msk $0x1, v8  }
0x5a1: {  	v9 =	vld [tilespmem:s5+$0x410];
	_ =	sdelay $0x4  }
0x5a2: {  	v10 =	vshll.u32 v9, $0x8;
	v9 =	vshll.u32 v9, $0x7  }
0x5a3: {  	v10 =	vand.u32 $0xFFFFF800, v10;
	v9 =	vand.u32 $0x380, v9  }
0x5a4: {  	v9 =	vor.u32 v9, v10  }
0x5a5: {  	v9 =	vor.u32 $0x461, v9;
	_ =	sdelay $0x4  }
0x5a6: {  	[tilespmem:v9+s17+$0x0] =	vst.idx.msk $0x1, v8  }
0x5a7: {  	v9 =	vld [tilespmem:s5+$0x420];
	_ =	sdelay $0x4  }
0x5a8: {  	v10 =	vshll.u32 v9, $0x8;
	v9 =	vshll.u32 v9, $0x7  }
0x5a9: {  	v10 =	vand.u32 $0xFFFFF800, v10;
	v9 =	vand.u32 $0x380, v9  }
0x5aa: {  	v9 =	vor.u32 v9, v10  }
0x5ab: {  	v9 =	vor.u32 $0x462, v9;
	_ =	sdelay $0x4  }
0x5ac: {  	[tilespmem:v9+s17+$0x0] =	vst.idx.msk $0x1, v8  }
0x5ad: {  	v9 =	vld [tilespmem:s5+$0x430];
	_ =	sdelay $0x4  }
0x5ae: {  	v10 =	vshll.u32 v9, $0x8;
	v9 =	vshll.u32 v9, $0x7  }
0x5af: {  	v10 =	vand.u32 $0xFFFFF800, v10;
	v9 =	vand.u32 $0x380, v9  }
0x5b0: {  	v9 =	vor.u32 v9, v10  }
0x5b1: {  	v9 =	vor.u32 $0x463, v9;
	_ =	sdelay $0x4  }
0x5b2: {  	[tilespmem:v9+s17+$0x0] =	vst.idx.msk $0x1, v8  }
0x5b3: {  	v9 =	vld [tilespmem:s5+$0x440];
	_ =	sdelay $0x4  }
0x5b4: {  	v10 =	vshll.u32 v9, $0x8;
	v9 =	vshll.u32 v9, $0x7  }
0x5b5: {  	v10 =	vand.u32 $0xFFFFF800, v10;
	v9 =	vand.u32 $0x380, v9  }
0x5b6: {  	v9 =	vor.u32 v9, v10  }
0x5b7: {  	v9 =	vor.u32 $0x464, v9;
	_ =	sdelay $0x4  }
0x5b8: {  	[tilespmem:v9+s17+$0x0] =	vst.idx.msk $0x1, v8  }
0x5b9: {  	v9 =	vld [tilespmem:s5+$0x450];
	_ =	sdelay $0x4  }
0x5ba: {  	v10 =	vshll.u32 v9, $0x8;
	v9 =	vshll.u32 v9, $0x7  }
0x5bb: {  	v10 =	vand.u32 $0xFFFFF800, v10;
	v9 =	vand.u32 $0x380, v9  }
0x5bc: {  	v9 =	vor.u32 v9, v10  }
0x5bd: {  	v9 =	vor.u32 $0x465, v9;
	_ =	sdelay $0x4  }
0x5be: {  	[tilespmem:v9+s17+$0x0] =	vst.idx.msk $0x1, v8  }
0x5bf: {  	v9 =	vld [tilespmem:s5+$0x460];
	_ =	sdelay $0x4  }
0x5c0: {  	v10 =	vshll.u32 v9, $0x8;
	v9 =	vshll.u32 v9, $0x7  }
0x5c1: {  	v10 =	vand.u32 $0xFFFFF800, v10;
	v9 =	vand.u32 $0x380, v9  }
0x5c2: {  	v9 =	vor.u32 v9, v10  }
0x5c3: {  	v9 =	vor.u32 $0x466, v9;
	_ =	sdelay $0x4  }
0x5c4: {  	[tilespmem:v9+s17+$0x0] =	vst.idx.msk $0x1, v8  }
0x5c5: {  	v9 =	vld [tilespmem:s5+$0x470];
	_ =	sdelay $0x4  }
0x5c6: {  	v10 =	vshll.u32 v9, $0x8;
	v9 =	vshll.u32 v9, $0x7  }
0x5c7: {  	v10 =	vand.u32 $0xFFFFF800, v10;
	v9 =	vand.u32 $0x380, v9  }
0x5c8: {  	v9 =	vor.u32 v9, v10  }
0x5c9: {  	v9 =	vor.u32 $0x467, v9;
	_ =	sdelay $0x4  }
0x5ca: {  	[tilespmem:v9+s17+$0x0] =	vst.idx.msk $0x1, v8  }
0x5cb: {  	v9 =	vld [tilespmem:s5+$0x800];
	_ =	sdelay $0x4  }
0x5cc: {  	v10 =	vshll.u32 v9, $0x8;
	v9 =	vshll.u32 v9, $0x7  }
0x5cd: {  	v10 =	vand.u32 $0xFFFFF800, v10;
	v9 =	vand.u32 $0x380, v9  }
0x5ce: {  	v9 =	vor.u32 v9, v10  }
0x5cf: {  	v9 =	vor.u32 $0x468, v9;
	_ =	sdelay $0x4  }
0x5d0: {  	[tilespmem:v9+s17+$0x0] =	vst.idx.msk $0x1, v8  }
0x5d1: {  	v9 =	vld [tilespmem:s5+$0x810];
	_ =	sdelay $0x4  }
0x5d2: {  	v10 =	vshll.u32 v9, $0x8;
	v9 =	vshll.u32 v9, $0x7  }
0x5d3: {  	v10 =	vand.u32 $0xFFFFF800, v10;
	v9 =	vand.u32 $0x380, v9  }
0x5d4: {  	v9 =	vor.u32 v9, v10  }
0x5d5: {  	v9 =	vor.u32 $0x469, v9;
	_ =	sdelay $0x4  }
0x5d6: {  	[tilespmem:v9+s17+$0x0] =	vst.idx.msk $0x1, v8  }
0x5d7: {  	v9 =	vld [tilespmem:s5+$0x820];
	_ =	sdelay $0x4  }
0x5d8: {  	v10 =	vshll.u32 v9, $0x8;
	v9 =	vshll.u32 v9, $0x7  }
0x5d9: {  	v10 =	vand.u32 $0xFFFFF800, v10;
	v9 =	vand.u32 $0x380, v9  }
0x5da: {  	v9 =	vor.u32 v9, v10  }
0x5db: {  	v9 =	vor.u32 $0x46A, v9;
	_ =	sdelay $0x4  }
0x5dc: {  	[tilespmem:v9+s17+$0x0] =	vst.idx.msk $0x1, v8  }
0x5dd: {  	v9 =	vld [tilespmem:s5+$0x830];
	_ =	sdelay $0x4  }
0x5de: {  	v10 =	vshll.u32 v9, $0x8;
	v9 =	vshll.u32 v9, $0x7  }
0x5df: {  	v10 =	vand.u32 $0xFFFFF800, v10;
	v9 =	vand.u32 $0x380, v9  }
0x5e0: {  	v9 =	vor.u32 v9, v10  }
0x5e1: {  	v9 =	vor.u32 $0x46B, v9;
	_ =	sdelay $0x4  }
0x5e2: {  	[tilespmem:v9+s17+$0x0] =	vst.idx.msk $0x1, v8  }
0x5e3: {  	v9 =	vld [tilespmem:s5+$0x840];
	_ =	sdelay $0x4  }
0x5e4: {  	v10 =	vshll.u32 v9, $0x8;
	v9 =	vshll.u32 v9, $0x7  }
0x5e5: {  	v10 =	vand.u32 $0xFFFFF800, v10;
	v9 =	vand.u32 $0x380, v9  }
0x5e6: {  	v9 =	vor.u32 v9, v10  }
0x5e7: {  	v9 =	vor.u32 $0x46C, v9;
	_ =	sdelay $0x4  }
0x5e8: {  	[tilespmem:v9+s17+$0x0] =	vst.idx.msk $0x1, v8  }
0x5e9: {  	v9 =	vld [tilespmem:s5+$0x850];
	_ =	sdelay $0x4  }
0x5ea: {  	v10 =	vshll.u32 v9, $0x8;
	v9 =	vshll.u32 v9, $0x7  }
0x5eb: {  	v10 =	vand.u32 $0xFFFFF800, v10;
	v9 =	vand.u32 $0x380, v9  }
0x5ec: {  	v9 =	vor.u32 v9, v10  }
0x5ed: {  	v9 =	vor.u32 $0x46D, v9;
	_ =	sdelay $0x4  }
0x5ee: {  	[tilespmem:v9+s17+$0x0] =	vst.idx.msk $0x1, v8  }
0x5ef: {  	v9 =	vld [tilespmem:s5+$0x860];
	_ =	sdelay $0x4  }
0x5f0: {  	v10 =	vshll.u32 v9, $0x8;
	v9 =	vshll.u32 v9, $0x7  }
0x5f1: {  	v10 =	vand.u32 $0xFFFFF800, v10;
	v9 =	vand.u32 $0x380, v9  }
0x5f2: {  	v9 =	vor.u32 v9, v10  }
0x5f3: {  	v9 =	vor.u32 $0x46E, v9;
	_ =	sdelay $0x4  }
0x5f4: {  	[tilespmem:v9+s17+$0x0] =	vst.idx.msk $0x1, v8  }
0x5f5: {  	v9 =	vld [tilespmem:s5+$0x870];
	_ =	sdelay $0x4  }
0x5f6: {  	v10 =	vshll.u32 v9, $0x8;
	v9 =	vshll.u32 v9, $0x7  }
0x5f7: {  	v10 =	vand.u32 $0xFFFFF800, v10;
	v9 =	vand.u32 $0x380, v9  }
0x5f8: {  	v9 =	vor.u32 v9, v10  }
0x5f9: {  	v9 =	vor.u32 $0x46F, v9;
	_ =	sdelay $0x4  }
0x5fa: {  	[tilespmem:v9+s17+$0x0] =	vst.idx.msk $0x1, v8  }
0x5fb: {  	v9 =	vld [tilespmem:s5+$0xC00];
	_ =	sdelay $0x4  }
0x5fc: {  	v10 =	vshll.u32 v9, $0x8;
	v9 =	vshll.u32 v9, $0x7  }
0x5fd: {  	v10 =	vand.u32 $0xFFFFF800, v10;
	v9 =	vand.u32 $0x380, v9  }
0x5fe: {  	v9 =	vor.u32 v9, v10  }
0x5ff: {  	v9 =	vor.u32 $0x470, v9;
	_ =	sdelay $0x4  }
0x600: {  	[tilespmem:v9+s17+$0x0] =	vst.idx.msk $0x1, v8  }
0x601: {  	v9 =	vld [tilespmem:s5+$0xC10];
	_ =	sdelay $0x4  }
0x602: {  	v10 =	vshll.u32 v9, $0x8;
	v9 =	vshll.u32 v9, $0x7  }
0x603: {  	v10 =	vand.u32 $0xFFFFF800, v10;
	v9 =	vand.u32 $0x380, v9  }
0x604: {  	v9 =	vor.u32 v9, v10  }
0x605: {  	v9 =	vor.u32 $0x471, v9;
	_ =	sdelay $0x4  }
0x606: {  	[tilespmem:v9+s17+$0x0] =	vst.idx.msk $0x1, v8  }
0x607: {  	v9 =	vld [tilespmem:s5+$0xC20];
	_ =	sdelay $0x4  }
0x608: {  	v10 =	vshll.u32 v9, $0x8;
	v9 =	vshll.u32 v9, $0x7  }
0x609: {  	v10 =	vand.u32 $0xFFFFF800, v10;
	v9 =	vand.u32 $0x380, v9  }
0x60a: {  	v9 =	vor.u32 v9, v10  }
0x60b: {  	v9 =	vor.u32 $0x472, v9;
	_ =	sdelay $0x4  }
0x60c: {  	[tilespmem:v9+s17+$0x0] =	vst.idx.msk $0x1, v8  }
0x60d: {  	v9 =	vld [tilespmem:s5+$0xC30];
	_ =	sdelay $0x4  }
0x60e: {  	v10 =	vshll.u32 v9, $0x8;
	v9 =	vshll.u32 v9, $0x7  }
0x60f: {  	v10 =	vand.u32 $0xFFFFF800, v10;
	v9 =	vand.u32 $0x380, v9  }
0x610: {  	v9 =	vor.u32 v9, v10  }
0x611: {  	v9 =	vor.u32 $0x473, v9;
	_ =	sdelay $0x4  }
0x612: {  	[tilespmem:v9+s17+$0x0] =	vst.idx.msk $0x1, v8  }
0x613: {  	v9 =	vld [tilespmem:s5+$0xC40];
	_ =	sdelay $0x4  }
0x614: {  	v10 =	vshll.u32 v9, $0x8;
	v9 =	vshll.u32 v9, $0x7  }
0x615: {  	v10 =	vand.u32 $0xFFFFF800, v10;
	v9 =	vand.u32 $0x380, v9  }
0x616: {  	v9 =	vor.u32 v9, v10  }
0x617: {  	v9 =	vor.u32 $0x474, v9;
	_ =	sdelay $0x4  }
0x618: {  	[tilespmem:v9+s17+$0x0] =	vst.idx.msk $0x1, v8  }
0x619: {  	v9 =	vld [tilespmem:s5+$0xC50];
	_ =	sdelay $0x4  }
0x61a: {  	v10 =	vshll.u32 v9, $0x8;
	v9 =	vshll.u32 v9, $0x7  }
0x61b: {  	v10 =	vand.u32 $0xFFFFF800, v10;
	v9 =	vand.u32 $0x380, v9  }
0x61c: {  	v9 =	vor.u32 v9, v10  }
0x61d: {  	v9 =	vor.u32 $0x475, v9;
	_ =	sdelay $0x4  }
0x61e: {  	[tilespmem:v9+s17+$0x0] =	vst.idx.msk $0x1, v8  }
0x61f: {  	v9 =	vld [tilespmem:s5+$0xC60];
	_ =	sdelay $0x4  }
0x620: {  	v10 =	vshll.u32 v9, $0x8;
	v9 =	vshll.u32 v9, $0x7  }
0x621: {  	v10 =	vand.u32 $0xFFFFF800, v10;
	v9 =	vand.u32 $0x380, v9  }
0x622: {  	v9 =	vor.u32 v9, v10  }
0x623: {  	v9 =	vor.u32 $0x476, v9;
	_ =	sdelay $0x4  }
0x624: {  	[tilespmem:v9+s17+$0x0] =	vst.idx.msk $0x1, v8  }
0x625: {  	v9 =	vld [tilespmem:s5+$0xC70];
	_ =	sdelay $0x4  }
0x626: {  	v10 =	vshll.u32 v9, $0x8;
	v9 =	vshll.u32 v9, $0x7  }
0x627: {  	v10 =	vand.u32 $0xFFFFF800, v10;
	v9 =	vand.u32 $0x380, v9  }
0x628: {  	v9 =	vor.u32 v9, v10  }
0x629: {  	v9 =	vor.u32 $0x477, v9;
	_ =	sdelay $0x4  }
0x62a: {  	[tilespmem:v9+s17+$0x0] =	vst.idx.msk $0x1, v8  }
0x62b: {  	v9 =	vld [tilespmem:s5+$0x1000];
	_ =	sdelay $0x4  }
0x62c: {  	v10 =	vshll.u32 v9, $0x8;
	v9 =	vshll.u32 v9, $0x7  }
0x62d: {  	v10 =	vand.u32 $0xFFFFF800, v10;
	v9 =	vand.u32 $0x380, v9  }
0x62e: {  	v9 =	vor.u32 v9, v10  }
0x62f: {  	v9 =	vor.u32 $0x478, v9;
	_ =	sdelay $0x4  }
0x630: {  	[tilespmem:v9+s17+$0x0] =	vst.idx.msk $0x1, v8  }
0x631: {  	v9 =	vld [tilespmem:s5+$0x1010];
	_ =	sdelay $0x4  }
0x632: {  	v10 =	vshll.u32 v9, $0x8;
	v9 =	vshll.u32 v9, $0x7  }
0x633: {  	v10 =	vand.u32 $0xFFFFF800, v10;
	v9 =	vand.u32 $0x380, v9  }
0x634: {  	v9 =	vor.u32 v9, v10  }
0x635: {  	v9 =	vor.u32 $0x479, v9;
	_ =	sdelay $0x4  }
0x636: {  	[tilespmem:v9+s17+$0x0] =	vst.idx.msk $0x1, v8  }
0x637: {  	v9 =	vld [tilespmem:s5+$0x1020];
	_ =	sdelay $0x4  }
0x638: {  	v10 =	vshll.u32 v9, $0x8;
	v9 =	vshll.u32 v9, $0x7  }
0x639: {  	v10 =	vand.u32 $0xFFFFF800, v10;
	v9 =	vand.u32 $0x380, v9  }
0x63a: {  	v9 =	vor.u32 v9, v10  }
0x63b: {  	v9 =	vor.u32 $0x47A, v9;
	_ =	sdelay $0x4  }
0x63c: {  	[tilespmem:v9+s17+$0x0] =	vst.idx.msk $0x1, v8  }
0x63d: {  	v9 =	vld [tilespmem:s5+$0x1030];
	_ =	sdelay $0x4  }
0x63e: {  	v10 =	vshll.u32 v9, $0x8;
	v9 =	vshll.u32 v9, $0x7  }
0x63f: {  	v10 =	vand.u32 $0xFFFFF800, v10;
	v9 =	vand.u32 $0x380, v9  }
0x640: {  	v9 =	vor.u32 v9, v10  }
0x641: {  	v9 =	vor.u32 $0x47B, v9;
	_ =	sdelay $0x4  }
0x642: {  	[tilespmem:v9+s17+$0x0] =	vst.idx.msk $0x1, v8  }
0x643: {  	v9 =	vld [tilespmem:s5+$0x1040];
	_ =	sdelay $0x4  }
0x644: {  	v10 =	vshll.u32 v9, $0x8;
	v9 =	vshll.u32 v9, $0x7  }
0x645: {  	v10 =	vand.u32 $0xFFFFF800, v10;
	v9 =	vand.u32 $0x380, v9  }
0x646: {  	v9 =	vor.u32 v9, v10  }
0x647: {  	v9 =	vor.u32 $0x47C, v9;
	_ =	sdelay $0x4  }
0x648: {  	[tilespmem:v9+s17+$0x0] =	vst.idx.msk $0x1, v8  }
0x649: {  	v9 =	vld [tilespmem:s5+$0x1050];
	_ =	sdelay $0x4  }
0x64a: {  	v10 =	vshll.u32 v9, $0x8;
	v9 =	vshll.u32 v9, $0x7  }
0x64b: {  	v10 =	vand.u32 $0xFFFFF800, v10;
	v9 =	vand.u32 $0x380, v9  }
0x64c: {  	v9 =	vor.u32 v9, v10  }
0x64d: {  	v9 =	vor.u32 $0x47D, v9;
	_ =	sdelay $0x4  }
0x64e: {  	[tilespmem:v9+s17+$0x0] =	vst.idx.msk $0x1, v8  }
0x64f: {  	v9 =	vld [tilespmem:s5+$0x1060];
	_ =	sdelay $0x4  }
0x650: {  	v10 =	vshll.u32 v9, $0x8;
	v9 =	vshll.u32 v9, $0x7  }
0x651: {  	v10 =	vand.u32 $0xFFFFF800, v10;
	v9 =	vand.u32 $0x380, v9  }
0x652: {  	v9 =	vor.u32 v9, v10  }
0x653: {  	v9 =	vor.u32 $0x47E, v9;
	_ =	sdelay $0x4  }
0x654: {  	[tilespmem:v9+s17+$0x0] =	vst.idx.msk $0x1, v8  }
0x655: {  	v9 =	vld [tilespmem:s5+$0x1070];
	_ =	sdelay $0x4  }
0x656: {  	v10 =	vshll.u32 v9, $0x8;
	v9 =	vshll.u32 v9, $0x7  }
0x657: {  	v10 =	vand.u32 $0xFFFFF800, v10;
	v9 =	vand.u32 $0x380, v9  }
0x658: {  	v9 =	vor.u32 v9, v10  }
0x659: {  	v9 =	vor.u32 $0x47F, v9;
	_ =	sdelay $0x2  }
0x65a: {  	s21 =	sadd.s32 $0x1, s21  }
0x65b: {  	p0 =	sne.s32 s21, s7  }
.Ltmp1:
0x65c: {  	[tilespmem:v9+s17+$0x0] =	vst.idx.msk $0x1, v8;
	(pc) =	sbr.rel @p0 .LBB2_1-.Ltmp1, $4  }
0x65d: {  	[hbm4b:s6+s18] =	stream.strided.scatter [tilespmem:s17], [sflag:$0x2], $0x2000, s19, s18, $0x38;
	[tilespmem:$0x6080] =	vst v63  }
0x65e: {  	_ =	swait.ge [sflag:s20], $0x2000  }
0x65f: {  	[sflag:s20] =	ssyncset.done $0x0  }
0x660: {  	[sflag:s20] =	ssyncadd.s32 $0xFFFFE000  }
0x661: {  	_ =	sfence.sel $0x180000  }
0x662: {  	[bflag:$0x0] =	sbarrier.arrive $0xFFFF  }
0x663: {  	p0 =	sne.s32 s2, $0x0;
	_ =	strace $0x90000047  }
0x664: {  	s0 =	sadd.s32 @!p0 $0x100000, s0;
	[bflag:$0x2] =	sbarrier.arrive $0xFFFF  }
0x665: {  	[sflag:s0] =	ssyncadd.tile.s32 @!p0 $0x1;
	_ =	shalt  }
.Lfunc_end2:
_tile_overlayer_lowered:
.L_overlay_start_2:
0x666: {  	(tag) =	ssettag $0x2  }
0x667: {  	s0 =	rddreg [dreg:$0x0];
	s2 =	stileid.u32  }
0x668: {  	s1 =	rddreg [dreg:$0x1];
	p0 =	sne.s32 s2, $0x0  }
0x669: {  	s3 =	rddreg [dreg:$0x2];
	[bflag:$0x3] =	sbarrier.arrive $0xFFFF;
	s2 =	simm.s32 @!p0 $0x1C02  }
0x66a: {  	[timem:s3], [sflag:s2] =	dma.local @!p0 [hbm:s0], s1  }
0x66b: {  	s0 =	simm.s32 @!p0 $0x2  }
0x66c: {  	_ =	swait.ge @!p0 [sflag:s0], s1  }
0x66d: {  	s1 =	ssub.s32 @!p0 $0x0, s1;
	[sflag:s0] =	ssyncset.done @!p0 $0x0  }
0x66e: {  	[sflag:s0] =	ssyncadd.s32 @!p0 s1  }
0x66f: {  	[bflag:$0x3] =	sbarrier.arrive $0xFFFF  }
0x670: {  	_ =	shalt  }

</sc_bundles>
